<compile_context>
chip_gen: v7x
topology: tpu7x:2x2x1
jax: 0.10.2.dev20260603
libtpu: 0.0.44.dev20260713+nightly
codegen_flags: <defaults>
</compile_context>

<pallas_src>
import functools

import jax
import jax.numpy as jnp
from jax import lax
from jax.experimental import pallas as pl
from jax.experimental.pallas import tpu as pltpu
from jax.experimental.pallas import tpu_sc as plsc

_N = 50000
_E = 800000
_HID = 64
_NW = 32
_SC_HALF = _N // 2
_SROWS = 25024
_ROWS_PER_TILE = _SROWS // 16
_EPT = _E // 16
_KS = 112
_KG = 224
_NCH_S = 223
_KT = 48
_MSG_W = 72

_mesh = plsc.VectorSubcoreMesh(core_axis_name="c", subcore_axis_name="s")


def _make_gather(n_rows, k_sub, n_sub, n_groups, tail):
    bpw = n_rows // _NW
    grp = k_sub * n_sub
    assert n_groups * grp + tail == bpw

    @functools.partial(
        pl.kernel, mesh=_mesh,
        compiler_params=pltpu.CompilerParams(use_tc_tiling_on_sc=False),
        out_type=jax.ShapeDtypeStruct((n_rows, _HID), jnp.float32),
        scratch_types=[
            pltpu.VMEM((grp,), jnp.int32),
            pltpu.VMEM((grp, _HID), jnp.float32),
            pltpu.SemaphoreType.DMA,
        ],
    )
    def gather_k(table_hbm, idx_hbm, out_hbm, idx_v, rows_v, sem):
        wid = lax.axis_index("s") * 2 + lax.axis_index("c")
        base = wid * bpw

        def body(c, carry):
            off = base + c * grp
            pltpu.sync_copy(idx_hbm.at[pl.ds(off, grp)], idx_v)
            cps = [
                pltpu.async_copy(
                    table_hbm.at[idx_v.at[pl.ds(j * k_sub, k_sub)]],
                    rows_v.at[pl.ds(j * k_sub, k_sub)], sem)
                for j in range(n_sub)
            ]
            for cp in cps:
                cp.wait()
            pltpu.sync_copy(rows_v, out_hbm.at[pl.ds(off, grp)])
            return carry

        lax.fori_loop(0, n_groups, body, 0)

        if tail:
            off = base + n_groups * grp
            pltpu.sync_copy(idx_hbm.at[pl.ds(off, tail)],
                            idx_v.at[pl.ds(0, tail)])
            pltpu.async_copy(table_hbm.at[idx_v.at[pl.ds(0, tail)]],
                             rows_v.at[pl.ds(0, tail)], sem).wait()
            pltpu.sync_copy(rows_v.at[pl.ds(0, tail)],
                            out_hbm.at[pl.ds(off, tail)])

    return gather_k


@functools.partial(
    pl.kernel, mesh=_mesh,
    compiler_params=pltpu.CompilerParams(use_tc_tiling_on_sc=False),
    out_type=jax.ShapeDtypeStruct((2 * _SROWS, _MSG_W), jnp.float32),
    scratch_types=[
        pltpu.VMEM_SHARED((_SROWS, _MSG_W), jnp.float32),
        pltpu.VMEM((2, _KS), jnp.int32),
        pltpu.VMEM((_KG,), jnp.int32),
        pltpu.VMEM((_KG, _MSG_W), jnp.float32),
        pltpu.VMEM((1, _KT), jnp.int32),
        pltpu.SemaphoreType.DMA,
    ],
)
def _scatter_k(msg_hbm, dst_hbm, zeros_hbm, out_hbm, s_sh, ibuf, dbuf, rbuf,
               tbuf, sem):
    c = lax.axis_index("c")
    s = lax.axis_index("s")
    base = c * _SC_HALF

    pltpu.sync_copy(zeros_hbm, rbuf)
    row0 = s * _ROWS_PER_TILE

    def zb(i, carry):
        pltpu.sync_copy(rbuf, s_sh.at[pl.ds(row0 + i * _KG, _KG)])
        return carry

    lax.fori_loop(0, 6, zb, 0)
    pltpu.sync_copy(rbuf.at[pl.ds(0, 220)], s_sh.at[pl.ds(row0 + 1344, 220)])
    plsc.subcore_barrier()

    def _mk_idx(i):
        v = dbuf[pl.ds(i * 16, 16)]
        loc = v - base
        ok = (loc >= 0) & (loc < _SC_HALF)
        return jnp.where(ok, loc, _SC_HALF)

    def body(g, carry):
        eoff = s * _EPT + g * _KG
        pltpu.sync_copy(dst_hbm.at[pl.ds(eoff, _KG)], dbuf)
        mc = pltpu.async_copy(msg_hbm.at[pl.ds(eoff, _KG)], rbuf, sem)
        for j in range(2):
            for i in range(_KS // 16):
                ibuf[j, pl.ds(i * 16, 16)] = _mk_idx(j * (_KS // 16) + i)
        mc.wait()
        for j in range(2):
            pltpu.sync_copy(rbuf.at[pl.ds(j * _KS, _KS)],
                            s_sh.at[ibuf.at[j]], add=True)
        return carry

    lax.fori_loop(0, _NCH_S, body, 0)

    eoff = s * _EPT + _NCH_S * _KG
    pltpu.sync_copy(dst_hbm.at[pl.ds(eoff, _KT)], dbuf.at[pl.ds(0, _KT)])
    for i in range(_KT // 16):
        tbuf[0, pl.ds(i * 16, 16)] = _mk_idx(i)
    pltpu.sync_copy(msg_hbm.at[pl.ds(eoff, _KT)], rbuf.at[pl.ds(0, _KT)])
    pltpu.sync_copy(rbuf.at[pl.ds(0, _KT)], s_sh.at[tbuf.at[0]], add=True)

    plsc.subcore_barrier()

    out0 = c * _SROWS + row0

    def wb(i, carry):
        pltpu.sync_copy(s_sh.at[pl.ds(row0 + i * _KG, _KG)],
                        out_hbm.at[pl.ds(out0 + i * _KG, _KG)])
        return carry

    lax.fori_loop(0, 6, wb, 0)
    pltpu.sync_copy(s_sh.at[pl.ds(row0 + 1344, 220)],
                    out_hbm.at[pl.ds(out0 + 1344, 220)])


_BE = 3200


def _msg_body(xj_ref, posf_ref, typef_ref, we_ref, be_ref, pt_ref, wp_ref,
              bp_ref, out_ref):
    xj = xj_ref[...]
    posf = posf_ref[...]
    typef = typef_ref[...]
    pt = pt_ref[...]
    gt = 2.0 * jax.nn.sigmoid(
        jnp.dot(pt, wp_ref[...], preferred_element_type=jnp.float32)
        + bp_ref[...])
    ids = lax.broadcasted_iota(jnp.int32, (1, 72), 1).astype(jnp.float32)
    onehot = (posf == ids).astype(jnp.float32)
    gate = jnp.dot(onehot, gt, preferred_element_type=jnp.float32)
    g = xj * gate
    be = be_ref[...]
    acc = jnp.zeros_like(g)
    for t in range(3):
        mt = (typef == float(t)).astype(jnp.float32)
        acc = acc + mt * (
            jnp.dot(g, we_ref[t], preferred_element_type=jnp.float32) + be[t])
    out_ref[:, :_HID] = acc
    out_ref[:, _HID:_HID + 1] = jnp.ones((_BE, 1), jnp.float32)
    out_ref[:, _HID + 1:] = jnp.zeros((_BE, _MSG_W - _HID - 1), jnp.float32)


def _tc_messages(xj, posf, typef, we, be, pt_pad, wp, bp):
    nb = _E // _BE
    return pl.pallas_call(
        _msg_body,
        grid=(nb,),
        in_specs=[
            pl.BlockSpec((_BE, _HID), lambda i: (i, 0)),
            pl.BlockSpec((_BE, 1), lambda i: (i, 0)),
            pl.BlockSpec((_BE, 1), lambda i: (i, 0)),
            pl.BlockSpec((3, _HID, _HID), lambda i: (0, 0, 0)),
            pl.BlockSpec((3, _HID), lambda i: (0, 0)),
            pl.BlockSpec((72, 32), lambda i: (0, 0)),
            pl.BlockSpec((32, _HID), lambda i: (0, 0)),
            pl.BlockSpec((1, _HID), lambda i: (0, 0)),
        ],
        out_specs=pl.BlockSpec((_BE, _MSG_W), lambda i: (i, 0)),
        out_shape=jax.ShapeDtypeStruct((_E, _MSG_W), jnp.float32),
    )(xj, posf, typef, we, be, pt_pad, wp, bp)


_BN = 2000


def _gru_body(sums_ref, cnt_ref, h_ref, wiht_ref, whht_ref, bih_ref, bhh_ref,
              out_ref):
    cnt = jnp.maximum(cnt_ref[...], 1.0)
    agg = sums_ref[...] / cnt
    h = h_ref[...]
    gi = jnp.dot(agg, wiht_ref[...], preferred_element_type=jnp.float32) \
        + bih_ref[...]
    gh = jnp.dot(h, whht_ref[...], preferred_element_type=jnp.float32) \
        + bhh_ref[...]
    r = jax.nn.sigmoid(gi[:, :64] + gh[:, :64])
    z = jax.nn.sigmoid(gi[:, 64:128] + gh[:, 64:128])
    n = jnp.tanh(gi[:, 128:] + r * gh[:, 128:])
    out_ref[...] = (1.0 - z) * n + z * h


def _tc_gru(sums, cnt, h, wiht, whht, bih, bhh):
    nb = _N // _BN
    return pl.pallas_call(
        _gru_body,
        grid=(nb,),
        in_specs=[
            pl.BlockSpec((_BN, _HID), lambda i: (i, 0)),
            pl.BlockSpec((_BN, 1), lambda i: (i, 0)),
            pl.BlockSpec((_BN, _HID), lambda i: (i, 0)),
            pl.BlockSpec((_HID, 3 * _HID), lambda i: (0, 0)),
            pl.BlockSpec((_HID, 3 * _HID), lambda i: (0, 0)),
            pl.BlockSpec((1, 3 * _HID), lambda i: (0, 0)),
            pl.BlockSpec((1, 3 * _HID), lambda i: (0, 0)),
        ],
        out_specs=pl.BlockSpec((_BN, _HID), lambda i: (i, 0)),
        out_shape=jax.ShapeDtypeStruct((_N, _HID), jnp.float32),
    )(sums, cnt, h, wiht, whht, bih, bhh)


def _readout_body(h_ref, h0_ref, w1_ref, b1_ref, w2_ref, b2_ref, out_ref):
    comb = jnp.concatenate([h_ref[...], h0_ref[...]], axis=1)
    a = jax.nn.relu(
        jnp.dot(comb, w1_ref[...], preferred_element_type=jnp.float32)
        + b1_ref[...])
    out_ref[...] = jnp.dot(a, w2_ref[...],
                           preferred_element_type=jnp.float32) + b2_ref[...]


def _tc_readout(h, h0, w1, b1, w2, b2):
    nb = _N // _BN
    return pl.pallas_call(
        _readout_body,
        grid=(nb,),
        in_specs=[
            pl.BlockSpec((_BN, _HID), lambda i: (i, 0)),
            pl.BlockSpec((_BN, _HID), lambda i: (i, 0)),
            pl.BlockSpec((2 * _HID, _HID), lambda i: (0, 0)),
            pl.BlockSpec((1, _HID), lambda i: (0, 0)),
            pl.BlockSpec((_HID, 1), lambda i: (0, 0)),
            pl.BlockSpec((1, 1), lambda i: (0, 0)),
        ],
        out_specs=pl.BlockSpec((_BN, 1), lambda i: (i, 0)),
        out_shape=jax.ShapeDtypeStruct((_N, 1), jnp.float32),
    )(h, h0, w1, b1, w2, b2)


_gather_emb = _make_gather(50176, 112, 2, 7, 0)
_gather_h = _make_gather(_E, 40, 16, 39, 40)


def kernel(x_text_indices, node_selectors, edge_index, edge_type,
           edge_positions, emb, pos_table, Wp, bp, We, be, W_ih, W_hh,
           b_ih, b_hh, W1, b1, W2, b2):
    f32 = jnp.float32
    src = edge_index[0].astype(jnp.int32)
    dst = edge_index[1].astype(jnp.int32)
    posf = edge_positions.astype(f32).reshape(_E, 1)
    typef = edge_type.astype(f32).reshape(_E, 1)

    emb_pad = jnp.concatenate([emb, jnp.zeros((emb.shape[0], 2), f32)], axis=1)
    xt_pad = jnp.concatenate(
        [x_text_indices.astype(jnp.int32), jnp.zeros((176,), jnp.int32)])
    text = _gather_emb(emb_pad, xt_pad)
    h0 = jnp.concatenate([text[:_N, :62], node_selectors], axis=1)

    pt_pad = jnp.concatenate([pos_table, jnp.zeros((7, 32), f32)], axis=0)
    bp2 = bp.reshape(1, _HID)
    wiht = W_ih.T
    whht = W_hh.T
    bih2 = b_ih.reshape(1, 3 * _HID)
    bhh2 = b_hh.reshape(1, 3 * _HID)
    zeros_tile = jnp.zeros((_KG, _MSG_W), f32)

    h = h0
    for _it in range(2):
        xj = _gather_h(h, src)
        msgs = _tc_messages(xj, posf, typef, We, be, pt_pad, Wp, bp2)
        seg = _scatter_k(msgs, dst, zeros_tile)
        sums = jnp.concatenate(
            [seg[:_SC_HALF, :_HID], seg[_SROWS:_SROWS + _SC_HALF, :_HID]])
        cnt = jnp.concatenate(
            [seg[:_SC_HALF, _HID:_HID + 1],
             seg[_SROWS:_SROWS + _SC_HALF, _HID:_HID + 1]])
        h = _tc_gru(sums, cnt, h, wiht, whht, bih2, bhh2)

    return _tc_readout(h, h0, W1, b1.reshape(1, _HID), W2, b2.reshape(1, 1))

# --- scband reference (transcript-rebuilt; emitter-appended) ---
"""Pipeline reference for scband-pro-gra-mlnet-py-g-1717986918493 (READ-ONLY COPY).

The authoritative reference and input builder live on the scoring server;
editing this copy changes nothing except your own understanding.
"""

import jax, jax.numpy as jnp
import numpy as np
import math

N_NODES = 50000
N_EDGES = 800000
VOCAB = 8192
EMB_DIM = 62
SEL_DIM = 2
HID = 64
POS_DIM = 32
NUM_EDGE_TYPES = 3
MAX_EDGE_POS = 64
GGNN_ITERS = 2


def sinusoidal_positional_embeddings(max_pos, dim):
    position = np.arange(max_pos).reshape(-1, 1).astype(np.float32)
    div_term = np.exp(np.arange(0, dim, 2).astype(np.float32) * (-math.log(10000.0) / dim))
    pe = np.zeros((max_pos, dim), dtype=np.float32)
    pe[:, 0::2] = np.sin(position * div_term)
    pe[:, 1::2] = np.cos(position * div_term)
    return jnp.asarray(pe)


def setup_inputs(seed: int = 0) -> dict:
    key = jax.random.key(seed)
    ks = jax.random.split(key, 20)
    inp = {}
    inp['x_text_indices'] = jax.random.randint(ks[0], (N_NODES,), 0, VOCAB, dtype=jnp.int64 if jax.config.jax_enable_x64 else jnp.int32)
    inp['node_selectors'] = jax.random.uniform(ks[1], (N_NODES, SEL_DIM), dtype=jnp.float32)
    inp['edge_index'] = jax.random.randint(ks[2], (2, N_EDGES), 0, N_NODES)
    inp['edge_type'] = jax.random.randint(ks[3], (N_EDGES,), 0, NUM_EDGE_TYPES)
    inp['edge_positions'] = jax.random.randint(ks[4], (N_EDGES,), 0, MAX_EDGE_POS)
    # parameters
    inp['emb'] = jax.random.normal(ks[5], (VOCAB, EMB_DIM), dtype=jnp.float32) * 0.05
    inp['pos_table'] = sinusoidal_positional_embeddings(MAX_EDGE_POS + 1, POS_DIM)
    inp['Wp'] = jax.random.normal(ks[6], (POS_DIM, HID), dtype=jnp.float32) * 0.05
    inp['bp'] = jnp.zeros((HID,), dtype=jnp.float32)
    inp['We'] = jax.random.normal(ks[7], (NUM_EDGE_TYPES, HID, HID), dtype=jnp.float32) * 0.05
    inp['be'] = jnp.zeros((NUM_EDGE_TYPES, HID), dtype=jnp.float32)
    inp['W_ih'] = jax.random.normal(ks[8], (3 * HID, HID), dtype=jnp.float32) * 0.05
    inp['W_hh'] = jax.random.normal(ks[9], (3 * HID, HID), dtype=jnp.float32) * 0.05
    inp['b_ih'] = jnp.zeros((3 * HID,), dtype=jnp.float32)
    inp['b_hh'] = jnp.zeros((3 * HID,), dtype=jnp.float32)
    inp['W1'] = jax.random.normal(ks[10], (2 * HID, HID), dtype=jnp.float32) * 0.05
    inp['b1'] = jnp.zeros((HID,), dtype=jnp.float32)
    inp['W2'] = jax.random.normal(ks[11], (HID, 1), dtype=jnp.float32) * 0.05
    inp['b2'] = jnp.zeros((1,), dtype=jnp.float32)
    return inp


def reference(x_text_indices, node_selectors, edge_index, edge_type, edge_positions,
              emb, pos_table, Wp, bp, We, be, W_ih, W_hh, b_ih, b_hh, W1, b1, W2, b2):
    text_embeds = jnp.take(emb, x_text_indices, axis=0)
    h0 = jnp.concatenate([text_embeds, node_selectors], axis=-1)  # [N, HID]
    edge_pos_emb = jnp.take(pos_table, edge_positions, axis=0)  # [E, POS_DIM]
    position_gate = 2.0 * jax.nn.sigmoid(edge_pos_emb @ Wp + bp)  # [E, HID]
    src = edge_index[0]
    dst = edge_index[1]
    n_nodes = h0.shape[0]
    h = h0
    for _ in range(GGNN_ITERS):
        x_j = jnp.take(h, src, axis=0)  # gather source node states
        gated_x_j = x_j * position_gate
        messages = jnp.zeros_like(gated_x_j)
        for t in range(We.shape[0]):
            mlp_out = gated_x_j @ We[t] + be[t]
            messages = jnp.where((edge_type == t)[:, None], mlp_out, messages)
        # mean aggregation by destination node
        sums = jax.ops.segment_sum(messages, dst, num_segments=n_nodes)
        counts = jax.ops.segment_sum(jnp.ones((messages.shape[0],), messages.dtype), dst, num_segments=n_nodes)
        agg = sums / jnp.clip(counts, 1.0)[:, None]
        # GRUCell (PyTorch gate order: r, z, n)
        gi = agg @ W_ih.T + b_ih
        gh = h @ W_hh.T + b_hh
        ir, iz, i_n = jnp.split(gi, 3, axis=-1)
        hr, hz, h_n = jnp.split(gh, 3, axis=-1)
        r = jax.nn.sigmoid(ir + hr)
        z = jax.nn.sigmoid(iz + hz)
        n = jnp.tanh(i_n + r * h_n)
        h = (1.0 - z) * n + z * h
    combined = jnp.concatenate([h, h0], axis=-1)
    logits = jax.nn.relu(combined @ W1 + b1) @ W2 + b2
    return logits

if __name__ == "__main__":
    import jax
    _d = setup_inputs()
    print(jax.jit(kernel)(*tuple(_d.values())))

</pallas_src>

<mosaic_0001>
#map = affine_map<(d0, d1) -> (0, 0)>
#map1 = affine_map<(d0, d1) -> (0)>
module attributes {stable_mosaic.version = 14 : i64} {
  func.func @gather_k(%arg0: i32, %arg1: i32, %arg2: memref<8192x64xf32, #tpu.memory_space<hbm>>, %arg3: memref<50176xi32, #tpu.memory_space<hbm>>, %arg4: memref<50176x64xf32, #tpu.memory_space<hbm>>, %arg5: memref<224xi32, #tpu.memory_space<vmem>>, %arg6: memref<224x64xf32, #tpu.memory_space<vmem>>, %arg7: memref<!tpu.dma_semaphore, #tpu.memory_space<semaphore_mem>>) attributes {dimension_semantics = [#tpu.dimension_semantics<core_parallel>, #tpu.dimension_semantics<subcore_parallel>], iteration_bounds = array<i64: 2, 16>, scalar_prefetch = 0 : i64, scratch_operands = 3 : i64, tpu.core_type = #tpu.core_type<sc_vector_subcore>, window_params = [{transform_indices = #map}, {transform_indices = #map1}, {transform_indices = #map}]} {
    %mul3A = arith.constant 2 : i32
    %mul3A_0 = arith.muli %arg1, %mul3A : i32
    %add3A = arith.addi %mul3A_0, %arg0 : i32
    %mul3A_1 = arith.constant 1568 : i32
    %mul3A_2 = arith.muli %add3A, %mul3A_1 : i32
    %scan3A = arith.constant 0 : i32
    %scan3A_3 = arith.constant 0 : i32
    %scan3A_4 = arith.constant 7 : i32
    %scan3A_5 = arith.addi %scan3A_3, %scan3A_4 : i32
    %scan3A_6 = arith.constant 1 : i32
    scf.for %scan3A_8 = %scan3A_3 to %scan3A_5 step %scan3A_6  : i32 {
      %mul3A_9 = arith.constant 224 : i32
      %mul3A_10 = arith.muli %scan3A_8, %mul3A_9 : i32
      %add3A_11 = arith.addi %mul3A_2, %mul3A_10 : i32
      "tpu.region"() ({
        %run_scoped3A = tpu.sem_alloc : memref<!tpu.dma_semaphore, #tpu.memory_space<semaphore_mem>>
        %dma_start3A_42 = tpu.memref_slice %arg3[%add3A_11] : memref<50176xi32, #tpu.memory_space<hbm>> -> memref<224xi32, #tpu.memory_space<hbm>>
        %dma_start3A_43 = tpu.memref_slice %arg3[%add3A_11] : memref<50176xi32, #tpu.memory_space<hbm>> -> memref<224xi32, #tpu.memory_space<hbm>>
        tpu.enqueue_dma source(%dma_start3A_43 : memref<224xi32, #tpu.memory_space<hbm>>) target(%arg5 : memref<224xi32, #tpu.memory_space<vmem>>) target_semaphore(%run_scoped3A : memref<!tpu.dma_semaphore, #tpu.memory_space<semaphore_mem>>)
        %dma_wait3A_44 = tpu.memref_slice %arg3[%add3A_11] : memref<50176xi32, #tpu.memory_space<hbm>> -> memref<224xi32, #tpu.memory_space<hbm>>
        %dma_wait3A_45 = tpu.memref_slice %arg3[%add3A_11] : memref<50176xi32, #tpu.memory_space<hbm>> -> memref<224xi32, #tpu.memory_space<hbm>>
        tpu.wait_dma2 semaphore(%run_scoped3A : memref<!tpu.dma_semaphore, #tpu.memory_space<semaphore_mem>>) src(%dma_wait3A_45 : memref<224xi32, #tpu.memory_space<hbm>>) dst(%arg5 : memref<224xi32, #tpu.memory_space<vmem>>)
        tpu.yield
      }) : () -> ()
      %dma_start3A = arith.constant 0 : i32
      %dma_start3A_12 = arith.constant 0 : i32
      %dma_start3A_13 = tpu.memref_slice %arg6[%dma_start3A, %dma_start3A_12] : memref<224x64xf32, #tpu.memory_space<vmem>> -> memref<112x64xf32, #tpu.memory_space<vmem>>
      %dma_start3A_14 = arith.constant 0 : i32
      %dma_start3A_15 = tpu.memref_slice %arg5[%dma_start3A_14] : memref<224xi32, #tpu.memory_space<vmem>> -> memref<112xi32, #tpu.memory_space<vmem>>
      %dma_start3A_16 = arith.constant 0 : i32
      %dma_start3A_17 = arith.constant 0 : i32
      %dma_start3A_18 = tpu.memref_slice %arg2[%dma_start3A_16, %dma_start3A_17] : memref<8192x64xf32, #tpu.memory_space<hbm>> -> memref<8192x64xf32, #tpu.memory_space<hbm>>
      tpu.enqueue_indirect_dma source(%dma_start3A_18 : memref<8192x64xf32, #tpu.memory_space<hbm>>) target(%dma_start3A_13 : memref<112x64xf32, #tpu.memory_space<vmem>>) offsets(%dma_start3A_15 : memref<112xi32, #tpu.memory_space<vmem>>) semaphore(%arg7 : memref<!tpu.dma_semaphore, #tpu.memory_space<semaphore_mem>>)
      %dma_start3A_19 = arith.constant 112 : i32
      %dma_start3A_20 = arith.constant 0 : i32
      %dma_start3A_21 = tpu.memref_slice %arg6[%dma_start3A_19, %dma_start3A_20] : memref<224x64xf32, #tpu.memory_space<vmem>> -> memref<112x64xf32, #tpu.memory_space<vmem>>
      %dma_start3A_22 = arith.constant 112 : i32
      %dma_start3A_23 = tpu.memref_slice %arg5[%dma_start3A_22] : memref<224xi32, #tpu.memory_space<vmem>> -> memref<112xi32, #tpu.memory_space<vmem>>
      %dma_start3A_24 = arith.constant 0 : i32
      %dma_start3A_25 = arith.constant 0 : i32
      %dma_start3A_26 = tpu.memref_slice %arg2[%dma_start3A_24, %dma_start3A_25] : memref<8192x64xf32, #tpu.memory_space<hbm>> -> memref<8192x64xf32, #tpu.memory_space<hbm>>
      tpu.enqueue_indirect_dma source(%dma_start3A_26 : memref<8192x64xf32, #tpu.memory_space<hbm>>) target(%dma_start3A_21 : memref<112x64xf32, #tpu.memory_space<vmem>>) offsets(%dma_start3A_23 : memref<112xi32, #tpu.memory_space<vmem>>) semaphore(%arg7 : memref<!tpu.dma_semaphore, #tpu.memory_space<semaphore_mem>>)
      %dma_wait3A = arith.constant 0 : i32
      %dma_wait3A_27 = arith.constant 0 : i32
      %dma_wait3A_28 = tpu.memref_slice %arg6[%dma_wait3A, %dma_wait3A_27] : memref<224x64xf32, #tpu.memory_space<vmem>> -> memref<112x64xf32, #tpu.memory_space<vmem>>
      %dma_wait3A_29 = arith.constant 0 : i32
      %dma_wait3A_30 = tpu.memref_slice %arg5[%dma_wait3A_29] : memref<224xi32, #tpu.memory_space<vmem>> -> memref<112xi32, #tpu.memory_space<vmem>>
      %dma_wait3A_31 = arith.constant 0 : i32
      %dma_wait3A_32 = arith.constant 0 : i32
      %dma_wait3A_33 = tpu.memref_slice %arg2[%dma_wait3A_31, %dma_wait3A_32] : memref<8192x64xf32, #tpu.memory_space<hbm>> -> memref<8192x64xf32, #tpu.memory_space<hbm>>
      tpu.wait_indirect_dma semaphore(%arg7 : memref<!tpu.dma_semaphore, #tpu.memory_space<semaphore_mem>>) src(%dma_wait3A_33 : memref<8192x64xf32, #tpu.memory_space<hbm>>) dst(%dma_wait3A_28 : memref<112x64xf32, #tpu.memory_space<vmem>>)
      %dma_wait3A_34 = arith.constant 112 : i32
      %dma_wait3A_35 = arith.constant 0 : i32
      %dma_wait3A_36 = tpu.memref_slice %arg6[%dma_wait3A_34, %dma_wait3A_35] : memref<224x64xf32, #tpu.memory_space<vmem>> -> memref<112x64xf32, #tpu.memory_space<vmem>>
      %dma_wait3A_37 = arith.constant 112 : i32
      %dma_wait3A_38 = tpu.memref_slice %arg5[%dma_wait3A_37] : memref<224xi32, #tpu.memory_space<vmem>> -> memref<112xi32, #tpu.memory_space<vmem>>
      %dma_wait3A_39 = arith.constant 0 : i32
      %dma_wait3A_40 = arith.constant 0 : i32
      %dma_wait3A_41 = tpu.memref_slice %arg2[%dma_wait3A_39, %dma_wait3A_40] : memref<8192x64xf32, #tpu.memory_space<hbm>> -> memref<8192x64xf32, #tpu.memory_space<hbm>>
      tpu.wait_indirect_dma semaphore(%arg7 : memref<!tpu.dma_semaphore, #tpu.memory_space<semaphore_mem>>) src(%dma_wait3A_41 : memref<8192x64xf32, #tpu.memory_space<hbm>>) dst(%dma_wait3A_36 : memref<112x64xf32, #tpu.memory_space<vmem>>)
      "tpu.region"() ({
        %run_scoped3A = tpu.sem_alloc : memref<!tpu.dma_semaphore, #tpu.memory_space<semaphore_mem>>
        %dma_start3A_42 = arith.constant 0 : i32
        %dma_start3A_43 = tpu.memref_slice %arg4[%add3A_11, %dma_start3A_42] : memref<50176x64xf32, #tpu.memory_space<hbm>> -> memref<224x64xf32, #tpu.memory_space<hbm>>
        %dma_start3A_44 = arith.constant 0 : i32
        %dma_start3A_45 = tpu.memref_slice %arg4[%add3A_11, %dma_start3A_44] : memref<50176x64xf32, #tpu.memory_space<hbm>> -> memref<224x64xf32, #tpu.memory_space<hbm>>
        tpu.enqueue_dma source(%arg6 : memref<224x64xf32, #tpu.memory_space<vmem>>) target(%dma_start3A_45 : memref<224x64xf32, #tpu.memory_space<hbm>>) target_semaphore(%run_scoped3A : memref<!tpu.dma_semaphore, #tpu.memory_space<semaphore_mem>>)
        %dma_wait3A_46 = arith.constant 0 : i32
        %dma_wait3A_47 = tpu.memref_slice %arg4[%add3A_11, %dma_wait3A_46] : memref<50176x64xf32, #tpu.memory_space<hbm>> -> memref<224x64xf32, #tpu.memory_space<hbm>>
        %dma_wait3A_48 = arith.constant 0 : i32
        %dma_wait3A_49 = tpu.memref_slice %arg4[%add3A_11, %dma_wait3A_48] : memref<50176x64xf32, #tpu.memory_space<hbm>> -> memref<224x64xf32, #tpu.memory_space<hbm>>
        tpu.wait_dma2 semaphore(%run_scoped3A : memref<!tpu.dma_semaphore, #tpu.memory_space<semaphore_mem>>) src(%arg6 : memref<224x64xf32, #tpu.memory_space<vmem>>) dst(%dma_wait3A_49 : memref<224x64xf32, #tpu.memory_space<hbm>>)
        tpu.yield
      }) : () -> ()
    }
    %scan3A_7 = arith.constant 7 : i32
    return
  }
}

#map = affine_map<(d0, d1) -> (0, 0)>
#map1 = affine_map<(d0, d1) -> (0)>
module attributes {stable_mosaic.version = 14 : i64} {
  func.func @_scatter_k(%arg0: i32, %arg1: i32, %arg2: memref<800000x72xf32, #tpu.memory_space<hbm>>, %arg3: memref<800000xi32, #tpu.memory_space<hbm>>, %arg4: memref<224x72xf32, #tpu.memory_space<hbm>>, %arg5: memref<50048x72xf32, #tpu.memory_space<hbm>>, %arg6: memref<25024x72xf32, #tpu.memory_space<vmem_shared>>, %arg7: memref<2x112xi32, #tpu.memory_space<vmem>>, %arg8: memref<224xi32, #tpu.memory_space<vmem>>, %arg9: memref<224x72xf32, #tpu.memory_space<vmem>>, %arg10: memref<1x48xi32, #tpu.memory_space<vmem>>, %arg11: memref<!tpu.dma_semaphore, #tpu.memory_space<semaphore_mem>>) attributes {dimension_semantics = [#tpu.dimension_semantics<core_parallel>, #tpu.dimension_semantics<subcore_parallel>], iteration_bounds = array<i64: 2, 16>, scalar_prefetch = 0 : i64, scratch_operands = 6 : i64, tpu.core_type = #tpu.core_type<sc_vector_subcore>, window_params = [{transform_indices = #map}, {transform_indices = #map1}, {transform_indices = #map}, {transform_indices = #map}]} {
    %mul3A = arith.constant 25000 : i32
    %mul3A_0 = arith.muli %arg0, %mul3A : i32
    "tpu.region"() ({
      %run_scoped3A_87 = tpu.sem_alloc : memref<!tpu.dma_semaphore, #tpu.memory_space<semaphore_mem>>
      tpu.enqueue_dma source(%arg4 : memref<224x72xf32, #tpu.memory_space<hbm>>) target(%arg9 : memref<224x72xf32, #tpu.memory_space<vmem>>) target_semaphore(%run_scoped3A_87 : memref<!tpu.dma_semaphore, #tpu.memory_space<semaphore_mem>>)
      tpu.wait_dma2 semaphore(%run_scoped3A_87 : memref<!tpu.dma_semaphore, #tpu.memory_space<semaphore_mem>>) src(%arg4 : memref<224x72xf32, #tpu.memory_space<hbm>>) dst(%arg9 : memref<224x72xf32, #tpu.memory_space<vmem>>)
      tpu.yield
    }) : () -> ()
    %mul3A_1 = arith.constant 1564 : i32
    %mul3A_2 = arith.muli %arg1, %mul3A_1 : i32
    %scan3A = arith.constant 0 : i32
    %scan3A_3 = arith.constant 0 : i32
    %scan3A_4 = arith.constant 6 : i32
    %scan3A_5 = arith.addi %scan3A_3, %scan3A_4 : i32
    %scan3A_6 = arith.constant 1 : i32
    scf.for %scan3A_87 = %scan3A_3 to %scan3A_5 step %scan3A_6  : i32 {
      %mul3A_88 = arith.constant 224 : i32
      %mul3A_89 = arith.muli %scan3A_87, %mul3A_88 : i32
      %add3A_90 = arith.addi %mul3A_2, %mul3A_89 : i32
      "tpu.region"() ({
        %run_scoped3A_91 = tpu.sem_alloc : memref<!tpu.dma_semaphore, #tpu.memory_space<semaphore_mem>>
        %dma_start3A = arith.constant 0 : i32
        %dma_start3A_92 = tpu.memref_slice %arg6[%add3A_90, %dma_start3A] : memref<25024x72xf32, #tpu.memory_space<vmem_shared>> -> memref<224x72xf32, #tpu.memory_space<vmem_shared>>
        %dma_start3A_93 = arith.constant 0 : i32
        %dma_start3A_94 = tpu.memref_slice %arg6[%add3A_90, %dma_start3A_93] : memref<25024x72xf32, #tpu.memory_space<vmem_shared>> -> memref<224x72xf32, #tpu.memory_space<vmem_shared>>
        tpu.enqueue_dma source(%arg9 : memref<224x72xf32, #tpu.memory_space<vmem>>) target(%dma_start3A_94 : memref<224x72xf32, #tpu.memory_space<vmem_shared>>) target_semaphore(%run_scoped3A_91 : memref<!tpu.dma_semaphore, #tpu.memory_space<semaphore_mem>>)
        %dma_wait3A = arith.constant 0 : i32
        %dma_wait3A_95 = tpu.memref_slice %arg6[%add3A_90, %dma_wait3A] : memref<25024x72xf32, #tpu.memory_space<vmem_shared>> -> memref<224x72xf32, #tpu.memory_space<vmem_shared>>
        %dma_wait3A_96 = arith.constant 0 : i32
        %dma_wait3A_97 = tpu.memref_slice %arg6[%add3A_90, %dma_wait3A_96] : memref<25024x72xf32, #tpu.memory_space<vmem_shared>> -> memref<224x72xf32, #tpu.memory_space<vmem_shared>>
        tpu.wait_dma2 semaphore(%run_scoped3A_91 : memref<!tpu.dma_semaphore, #tpu.memory_space<semaphore_mem>>) src(%arg9 : memref<224x72xf32, #tpu.memory_space<vmem>>) dst(%dma_wait3A_97 : memref<224x72xf32, #tpu.memory_space<vmem_shared>>)
        tpu.yield
      }) : () -> ()
    }
    %scan3A_7 = arith.constant 6 : i32
    %add3A = arith.constant 1344 : i32
    %add3A_8 = arith.addi %mul3A_2, %add3A : i32
    "tpu.region"() ({
      %run_scoped3A_87 = tpu.sem_alloc : memref<!tpu.dma_semaphore, #tpu.memory_space<semaphore_mem>>
      %dma_start3A = arith.constant 0 : i32
      %dma_start3A_88 = arith.constant 0 : i32
      %dma_start3A_89 = tpu.memref_slice %arg9[%dma_start3A, %dma_start3A_88] : memref<224x72xf32, #tpu.memory_space<vmem>> -> memref<220x72xf32, #tpu.memory_space<vmem>>
      %dma_start3A_90 = arith.constant 0 : i32
      %dma_start3A_91 = tpu.memref_slice %arg6[%add3A_8, %dma_start3A_90] : memref<25024x72xf32, #tpu.memory_space<vmem_shared>> -> memref<220x72xf32, #tpu.memory_space<vmem_shared>>
      %dma_start3A_92 = arith.constant 0 : i32
      %dma_start3A_93 = tpu.memref_slice %arg6[%add3A_8, %dma_start3A_92] : memref<25024x72xf32, #tpu.memory_space<vmem_shared>> -> memref<220x72xf32, #tpu.memory_space<vmem_shared>>
      %dma_start3A_94 = arith.constant 0 : i32
      %dma_start3A_95 = arith.constant 0 : i32
      %dma_start3A_96 = tpu.memref_slice %arg9[%dma_start3A_94, %dma_start3A_95] : memref<224x72xf32, #tpu.memory_space<vmem>> -> memref<220x72xf32, #tpu.memory_space<vmem>>
      tpu.enqueue_dma source(%dma_start3A_96 : memref<220x72xf32, #tpu.memory_space<vmem>>) target(%dma_start3A_93 : memref<220x72xf32, #tpu.memory_space<vmem_shared>>) target_semaphore(%run_scoped3A_87 : memref<!tpu.dma_semaphore, #tpu.memory_space<semaphore_mem>>)
      %dma_wait3A = arith.constant 0 : i32
      %dma_wait3A_97 = arith.constant 0 : i32
      %dma_wait3A_98 = tpu.memref_slice %arg9[%dma_wait3A, %dma_wait3A_97] : memref<224x72xf32, #tpu.memory_space<vmem>> -> memref<220x72xf32, #tpu.memory_space<vmem>>
      %dma_wait3A_99 = arith.constant 0 : i32
      %dma_wait3A_100 = tpu.memref_slice %arg6[%add3A_8, %dma_wait3A_99] : memref<25024x72xf32, #tpu.memory_space<vmem_shared>> -> memref<220x72xf32, #tpu.memory_space<vmem_shared>>
      %dma_wait3A_101 = arith.constant 0 : i32
      %dma_wait3A_102 = tpu.memref_slice %arg6[%add3A_8, %dma_wait3A_101] : memref<25024x72xf32, #tpu.memory_space<vmem_shared>> -> memref<220x72xf32, #tpu.memory_space<vmem_shared>>
      %dma_wait3A_103 = arith.constant 0 : i32
      %dma_wait3A_104 = arith.constant 0 : i32
      %dma_wait3A_105 = tpu.memref_slice %arg9[%dma_wait3A_103, %dma_wait3A_104] : memref<224x72xf32, #tpu.memory_space<vmem>> -> memref<220x72xf32, #tpu.memory_space<vmem>>
      tpu.wait_dma2 semaphore(%run_scoped3A_87 : memref<!tpu.dma_semaphore, #tpu.memory_space<semaphore_mem>>) src(%dma_wait3A_105 : memref<220x72xf32, #tpu.memory_space<vmem>>) dst(%dma_wait3A_102 : memref<220x72xf32, #tpu.memory_space<vmem_shared>>)
      tpu.yield
    }) : () -> ()
    %barrier3A = arith.constant 0 : index
    tpu.barrier barrier_id(%barrier3A)
    %scan3A_9 = arith.constant 0 : i32
    %scan3A_10 = arith.constant 0 : i32
    %scan3A_11 = arith.constant 223 : i32
    %scan3A_12 = arith.addi %scan3A_10, %scan3A_11 : i32
    %scan3A_13 = arith.constant 1 : i32
    scf.for %scan3A_87 = %scan3A_10 to %scan3A_12 step %scan3A_13  : i32 {
      %mul3A_88 = arith.constant 50000 : i32
      %mul3A_89 = arith.muli %arg1, %mul3A_88 : i32
      %mul3A_90 = arith.constant 224 : i32
      %mul3A_91 = arith.muli %scan3A_87, %mul3A_90 : i32
      %add3A_92 = arith.addi %mul3A_89, %mul3A_91 : i32
      "tpu.region"() ({
        %run_scoped3A_395 = tpu.sem_alloc : memref<!tpu.dma_semaphore, #tpu.memory_space<semaphore_mem>>
        %dma_start3A_396 = tpu.memref_slice %arg3[%add3A_92] : memref<800000xi32, #tpu.memory_space<hbm>> -> memref<224xi32, #tpu.memory_space<hbm>>
        %dma_start3A_397 = tpu.memref_slice %arg3[%add3A_92] : memref<800000xi32, #tpu.memory_space<hbm>> -> memref<224xi32, #tpu.memory_space<hbm>>
        tpu.enqueue_dma source(%dma_start3A_397 : memref<224xi32, #tpu.memory_space<hbm>>) target(%arg8 : memref<224xi32, #tpu.memory_space<vmem>>) target_semaphore(%run_scoped3A_395 : memref<!tpu.dma_semaphore, #tpu.memory_space<semaphore_mem>>)
        %dma_wait3A_398 = tpu.memref_slice %arg3[%add3A_92] : memref<800000xi32, #tpu.memory_space<hbm>> -> memref<224xi32, #tpu.memory_space<hbm>>
        %dma_wait3A_399 = tpu.memref_slice %arg3[%add3A_92] : memref<800000xi32, #tpu.memory_space<hbm>> -> memref<224xi32, #tpu.memory_space<hbm>>
        tpu.wait_dma2 semaphore(%run_scoped3A_395 : memref<!tpu.dma_semaphore, #tpu.memory_space<semaphore_mem>>) src(%dma_wait3A_399 : memref<224xi32, #tpu.memory_space<hbm>>) dst(%arg8 : memref<224xi32, #tpu.memory_space<vmem>>)
        tpu.yield
      }) : () -> ()
      %dma_start3A = arith.constant 0 : i32
      %dma_start3A_93 = tpu.memref_slice %arg2[%add3A_92, %dma_start3A] : memref<800000x72xf32, #tpu.memory_space<hbm>> -> memref<224x72xf32, #tpu.memory_space<hbm>>
      %dma_start3A_94 = arith.constant 0 : i32
      %dma_start3A_95 = tpu.memref_slice %arg2[%add3A_92, %dma_start3A_94] : memref<800000x72xf32, #tpu.memory_space<hbm>> -> memref<224x72xf32, #tpu.memory_space<hbm>>
      tpu.enqueue_dma source(%dma_start3A_95 : memref<224x72xf32, #tpu.memory_space<hbm>>) target(%arg9 : memref<224x72xf32, #tpu.memory_space<vmem>>) target_semaphore(%arg11 : memref<!tpu.dma_semaphore, #tpu.memory_space<semaphore_mem>>)
      %get3A_96 = arith.constant 0 : index
      %get3A_97 = tpu.vector_load %arg8[%get3A_96] {strides = array<i32>} : memref<224xi32, #tpu.memory_space<vmem>>, vector<16xi32>,
      %get3A_98 = vector.shape_cast %get3A_97 : vector<16xi32> to vector<16xi32>
      %sub3A_99 = vector.broadcast %mul3A_0 : i32 to vector<16xi32>
      %sub3A_100 = arith.subi %get3A_98, %sub3A_99 : vector<16xi32>
      %ge3A_101 = arith.constant 0 : i32
      %ge3A_102 = vector.broadcast %ge3A_101 : i32 to vector<16xi32>
      %ge3A_103 = arith.cmpi sge, %sub3A_100, %ge3A_102 : vector<16xi32>
      %lt3A_104 = arith.constant 25000 : i32
      %lt3A_105 = vector.broadcast %lt3A_104 : i32 to vector<16xi32>
      %lt3A_106 = arith.cmpi slt, %sub3A_100, %lt3A_105 : vector<16xi32>
      %and3A_107 = arith.andi %ge3A_103, %lt3A_106 : vector<16xi1>
      %jit3A_108 = arith.constant 25000 : i32
      %broadcast_in_dim3A_109 = vector.broadcast %jit3A_108 : i32 to vector<16xi32>
      %select_n3A_110 = arith.select %and3A_107, %sub3A_100, %broadcast_in_dim3A_109 : vector<16xi1>, vector<16xi32>
      %swap3A_111 = arith.constant 0 : i32
      %swap3A_112 = arith.index_cast %swap3A_111 : i32 to index
      %swap3A_113 = arith.constant 0 : index
      %swap3A_114 = tpu.vector_load %arg7[%swap3A_112, %swap3A_113] {strides = array<i32>} : memref<2x112xi32, #tpu.memory_space<vmem>>, vector<1x16xi32>,
      %swap3A_115 = vector.shape_cast %swap3A_114 : vector<1x16xi32> to vector<16xi32>
      %swap3A_116 = vector.shape_cast %select_n3A_110 : vector<16xi32> to vector<1x16xi32>
      tpu.vector_store %arg7[%swap3A_112, %swap3A_113], %swap3A_116 {strides = array<i32>} : memref<2x112xi32, #tpu.memory_space<vmem>>, vector<1x16xi32>,
      %get3A_117 = arith.constant 16 : index
      %get3A_118 = tpu.vector_load %arg8[%get3A_117] {strides = array<i32>} : memref<224xi32, #tpu.memory_space<vmem>>, vector<16xi32>,
      %get3A_119 = vector.shape_cast %get3A_118 : vector<16xi32> to vector<16xi32>
      %sub3A_120 = vector.broadcast %mul3A_0 : i32 to vector<16xi32>
      %sub3A_121 = arith.subi %get3A_119, %sub3A_120 : vector<16xi32>
      %ge3A_122 = arith.constant 0 : i32
      %ge3A_123 = vector.broadcast %ge3A_122 : i32 to vector<16xi32>
      %ge3A_124 = arith.cmpi sge, %sub3A_121, %ge3A_123 : vector<16xi32>
      %lt3A_125 = arith.constant 25000 : i32
      %lt3A_126 = vector.broadcast %lt3A_125 : i32 to vector<16xi32>
      %lt3A_127 = arith.cmpi slt, %sub3A_121, %lt3A_126 : vector<16xi32>
      %and3A_128 = arith.andi %ge3A_124, %lt3A_127 : vector<16xi1>
      %jit3A_129 = arith.constant 25000 : i32
      %broadcast_in_dim3A_130 = vector.broadcast %jit3A_129 : i32 to vector<16xi32>
      %select_n3A_131 = arith.select %and3A_128, %sub3A_121, %broadcast_in_dim3A_130 : vector<16xi1>, vector<16xi32>
      %swap3A_132 = arith.constant 0 : i32
      %swap3A_133 = arith.index_cast %swap3A_132 : i32 to index
      %swap3A_134 = arith.constant 16 : index
      %swap3A_135 = tpu.vector_load %arg7[%swap3A_133, %swap3A_134] {strides = array<i32>} : memref<2x112xi32, #tpu.memory_space<vmem>>, vector<1x16xi32>,
      %swap3A_136 = vector.shape_cast %swap3A_135 : vector<1x16xi32> to vector<16xi32>
      %swap3A_137 = vector.shape_cast %select_n3A_131 : vector<16xi32> to vector<1x16xi32>
      tpu.vector_store %arg7[%swap3A_133, %swap3A_134], %swap3A_137 {strides = array<i32>} : memref<2x112xi32, #tpu.memory_space<vmem>>, vector<1x16xi32>,
      %get3A_138 = arith.constant 32 : index
      %get3A_139 = tpu.vector_load %arg8[%get3A_138] {strides = array<i32>} : memref<224xi32, #tpu.memory_space<vmem>>, vector<16xi32>,
      %get3A_140 = vector.shape_cast %get3A_139 : vector<16xi32> to vector<16xi32>
      %sub3A_141 = vector.broadcast %mul3A_0 : i32 to vector<16xi32>
      %sub3A_142 = arith.subi %get3A_140, %sub3A_141 : vector<16xi32>
      %ge3A_143 = arith.constant 0 : i32
      %ge3A_144 = vector.broadcast %ge3A_143 : i32 to vector<16xi32>
      %ge3A_145 = arith.cmpi sge, %sub3A_142, %ge3A_144 : vector<16xi32>
      %lt3A_146 = arith.constant 25000 : i32
      %lt3A_147 = vector.broadcast %lt3A_146 : i32 to vector<16xi32>
      %lt3A_148 = arith.cmpi slt, %sub3A_142, %lt3A_147 : vector<16xi32>
      %and3A_149 = arith.andi %ge3A_145, %lt3A_148 : vector<16xi1>
      %jit3A_150 = arith.constant 25000 : i32
      %broadcast_in_dim3A_151 = vector.broadcast %jit3A_150 : i32 to vector<16xi32>
      %select_n3A_152 = arith.select %and3A_149, %sub3A_142, %broadcast_in_dim3A_151 : vector<16xi1>, vector<16xi32>
      %swap3A_153 = arith.constant 0 : i32
      %swap3A_154 = arith.index_cast %swap3A_153 : i32 to index
      %swap3A_155 = arith.constant 32 : index
      %swap3A_156 = tpu.vector_load %arg7[%swap3A_154, %swap3A_155] {strides = array<i32>} : memref<2x112xi32, #tpu.memory_space<vmem>>, vector<1x16xi32>,
      %swap3A_157 = vector.shape_cast %swap3A_156 : vector<1x16xi32> to vector<16xi32>
      %swap3A_158 = vector.shape_cast %select_n3A_152 : vector<16xi32> to vector<1x16xi32>
      tpu.vector_store %arg7[%swap3A_154, %swap3A_155], %swap3A_158 {strides = array<i32>} : memref<2x112xi32, #tpu.memory_space<vmem>>, vector<1x16xi32>,
      %get3A_159 = arith.constant 48 : index
      %get3A_160 = tpu.vector_load %arg8[%get3A_159] {strides = array<i32>} : memref<224xi32, #tpu.memory_space<vmem>>, vector<16xi32>,
      %get3A_161 = vector.shape_cast %get3A_160 : vector<16xi32> to vector<16xi32>
      %sub3A_162 = vector.broadcast %mul3A_0 : i32 to vector<16xi32>
      %sub3A_163 = arith.subi %get3A_161, %sub3A_162 : vector<16xi32>
      %ge3A_164 = arith.constant 0 : i32
      %ge3A_165 = vector.broadcast %ge3A_164 : i32 to vector<16xi32>
      %ge3A_166 = arith.cmpi sge, %sub3A_163, %ge3A_165 : vector<16xi32>
      %lt3A_167 = arith.constant 25000 : i32
      %lt3A_168 = vector.broadcast %lt3A_167 : i32 to vector<16xi32>
      %lt3A_169 = arith.cmpi slt, %sub3A_163, %lt3A_168 : vector<16xi32>
      %and3A_170 = arith.andi %ge3A_166, %lt3A_169 : vector<16xi1>
      %jit3A_171 = arith.constant 25000 : i32
      %broadcast_in_dim3A_172 = vector.broadcast %jit3A_171 : i32 to vector<16xi32>
      %select_n3A_173 = arith.select %and3A_170, %sub3A_163, %broadcast_in_dim3A_172 : vector<16xi1>, vector<16xi32>
      %swap3A_174 = arith.constant 0 : i32
      %swap3A_175 = arith.index_cast %swap3A_174 : i32 to index
      %swap3A_176 = arith.constant 48 : index
      %swap3A_177 = tpu.vector_load %arg7[%swap3A_175, %swap3A_176] {strides = array<i32>} : memref<2x112xi32, #tpu.memory_space<vmem>>, vector<1x16xi32>,
      %swap3A_178 = vector.shape_cast %swap3A_177 : vector<1x16xi32> to vector<16xi32>
      %swap3A_179 = vector.shape_cast %select_n3A_173 : vector<16xi32> to vector<1x16xi32>
      tpu.vector_store %arg7[%swap3A_175, %swap3A_176], %swap3A_179 {strides = array<i32>} : memref<2x112xi32, #tpu.memory_space<vmem>>, vector<1x16xi32>,
      %get3A_180 = arith.constant 64 : index
      %get3A_181 = tpu.vector_load %arg8[%get3A_180] {strides = array<i32>} : memref<224xi32, #tpu.memory_space<vmem>>, vector<16xi32>,
      %get3A_182 = vector.shape_cast %get3A_181 : vector<16xi32> to vector<16xi32>
      %sub3A_183 = vector.broadcast %mul3A_0 : i32 to vector<16xi32>
      %sub3A_184 = arith.subi %get3A_182, %sub3A_183 : vector<16xi32>
      %ge3A_185 = arith.constant 0 : i32
      %ge3A_186 = vector.broadcast %ge3A_185 : i32 to vector<16xi32>
      %ge3A_187 = arith.cmpi sge, %sub3A_184, %ge3A_186 : vector<16xi32>
      %lt3A_188 = arith.constant 25000 : i32
      %lt3A_189 = vector.broadcast %lt3A_188 : i32 to vector<16xi32>
      %lt3A_190 = arith.cmpi slt, %sub3A_184, %lt3A_189 : vector<16xi32>
      %and3A_191 = arith.andi %ge3A_187, %lt3A_190 : vector<16xi1>
      %jit3A_192 = arith.constant 25000 : i32
      %broadcast_in_dim3A_193 = vector.broadcast %jit3A_192 : i32 to vector<16xi32>
      %select_n3A_194 = arith.select %and3A_191, %sub3A_184, %broadcast_in_dim3A_193 : vector<16xi1>, vector<16xi32>
      %swap3A_195 = arith.constant 0 : i32
      %swap3A_196 = arith.index_cast %swap3A_195 : i32 to index
      %swap3A_197 = arith.constant 64 : index
      %swap3A_198 = tpu.vector_load %arg7[%swap3A_196, %swap3A_197] {strides = array<i32>} : memref<2x112xi32, #tpu.memory_space<vmem>>, vector<1x16xi32>,
      %swap3A_199 = vector.shape_cast %swap3A_198 : vector<1x16xi32> to vector<16xi32>
      %swap3A_200 = vector.shape_cast %select_n3A_194 : vector<16xi32> to vector<1x16xi32>
      tpu.vector_store %arg7[%swap3A_196, %swap3A_197], %swap3A_200 {strides = array<i32>} : memref<2x112xi32, #tpu.memory_space<vmem>>, vector<1x16xi32>,
      %get3A_201 = arith.constant 80 : index
      %get3A_202 = tpu.vector_load %arg8[%get3A_201] {strides = array<i32>} : memref<224xi32, #tpu.memory_space<vmem>>, vector<16xi32>,
      %get3A_203 = vector.shape_cast %get3A_202 : vector<16xi32> to vector<16xi32>
      %sub3A_204 = vector.broadcast %mul3A_0 : i32 to vector<16xi32>
      %sub3A_205 = arith.subi %get3A_203, %sub3A_204 : vector<16xi32>
      %ge3A_206 = arith.constant 0 : i32
      %ge3A_207 = vector.broadcast %ge3A_206 : i32 to vector<16xi32>
      %ge3A_208 = arith.cmpi sge, %sub3A_205, %ge3A_207 : vector<16xi32>
      %lt3A_209 = arith.constant 25000 : i32
      %lt3A_210 = vector.broadcast %lt3A_209 : i32 to vector<16xi32>
      %lt3A_211 = arith.cmpi slt, %sub3A_205, %lt3A_210 : vector<16xi32>
      %and3A_212 = arith.andi %ge3A_208, %lt3A_211 : vector<16xi1>
      %jit3A_213 = arith.constant 25000 : i32
      %broadcast_in_dim3A_214 = vector.broadcast %jit3A_213 : i32 to vector<16xi32>
      %select_n3A_215 = arith.select %and3A_212, %sub3A_205, %broadcast_in_dim3A_214 : vector<16xi1>, vector<16xi32>
      %swap3A_216 = arith.constant 0 : i32
      %swap3A_217 = arith.index_cast %swap3A_216 : i32 to index
      %swap3A_218 = arith.constant 80 : index
      %swap3A_219 = tpu.vector_load %arg7[%swap3A_217, %swap3A_218] {strides = array<i32>} : memref<2x112xi32, #tpu.memory_space<vmem>>, vector<1x16xi32>,
      %swap3A_220 = vector.shape_cast %swap3A_219 : vector<1x16xi32> to vector<16xi32>
      %swap3A_221 = vector.shape_cast %select_n3A_215 : vector<16xi32> to vector<1x16xi32>
      tpu.vector_store %arg7[%swap3A_217, %swap3A_218], %swap3A_221 {strides = array<i32>} : memref<2x112xi32, #tpu.memory_space<vmem>>, vector<1x16xi32>,
      %get3A_222 = arith.constant 96 : index
      %get3A_223 = tpu.vector_load %arg8[%get3A_222] {strides = array<i32>} : memref<224xi32, #tpu.memory_space<vmem>>, vector<16xi32>,
      %get3A_224 = vector.shape_cast %get3A_223 : vector<16xi32> to vector<16xi32>
      %sub3A_225 = vector.broadcast %mul3A_0 : i32 to vector<16xi32>
      %sub3A_226 = arith.subi %get3A_224, %sub3A_225 : vector<16xi32>
      %ge3A_227 = arith.constant 0 : i32
      %ge3A_228 = vector.broadcast %ge3A_227 : i32 to vector<16xi32>
      %ge3A_229 = arith.cmpi sge, %sub3A_226, %ge3A_228 : vector<16xi32>
      %lt3A_230 = arith.constant 25000 : i32
      %lt3A_231 = vector.broadcast %lt3A_230 : i32 to vector<16xi32>
      %lt3A_232 = arith.cmpi slt, %sub3A_226, %lt3A_231 : vector<16xi32>
      %and3A_233 = arith.andi %ge3A_229, %lt3A_232 : vector<16xi1>
      %jit3A_234 = arith.constant 25000 : i32
      %broadcast_in_dim3A_235 = vector.broadcast %jit3A_234 : i32 to vector<16xi32>
      %select_n3A_236 = arith.select %and3A_233, %sub3A_226, %broadcast_in_dim3A_235 : vector<16xi1>, vector<16xi32>
      %swap3A_237 = arith.constant 0 : i32
      %swap3A_238 = arith.index_cast %swap3A_237 : i32 to index
      %swap3A_239 = arith.constant 96 : index
      %swap3A_240 = tpu.vector_load %arg7[%swap3A_238, %swap3A_239] {strides = array<i32>} : memref<2x112xi32, #tpu.memory_space<vmem>>, vector<1x16xi32>,
      %swap3A_241 = vector.shape_cast %swap3A_240 : vector<1x16xi32> to vector<16xi32>
      %swap3A_242 = vector.shape_cast %select_n3A_236 : vector<16xi32> to vector<1x16xi32>
      tpu.vector_store %arg7[%swap3A_238, %swap3A_239], %swap3A_242 {strides = array<i32>} : memref<2x112xi32, #tpu.memory_space<vmem>>, vector<1x16xi32>,
      %get3A_243 = arith.constant 112 : index
      %get3A_244 = tpu.vector_load %arg8[%get3A_243] {strides = array<i32>} : memref<224xi32, #tpu.memory_space<vmem>>, vector<16xi32>,
      %get3A_245 = vector.shape_cast %get3A_244 : vector<16xi32> to vector<16xi32>
      %sub3A_246 = vector.broadcast %mul3A_0 : i32 to vector<16xi32>
      %sub3A_247 = arith.subi %get3A_245, %sub3A_246 : vector<16xi32>
      %ge3A_248 = arith.constant 0 : i32
      %ge3A_249 = vector.broadcast %ge3A_248 : i32 to vector<16xi32>
      %ge3A_250 = arith.cmpi sge, %sub3A_247, %ge3A_249 : vector<16xi32>
      %lt3A_251 = arith.constant 25000 : i32
      %lt3A_252 = vector.broadcast %lt3A_251 : i32 to vector<16xi32>
      %lt3A_253 = arith.cmpi slt, %sub3A_247, %lt3A_252 : vector<16xi32>
      %and3A_254 = arith.andi %ge3A_250, %lt3A_253 : vector<16xi1>
      %jit3A_255 = arith.constant 25000 : i32
      %broadcast_in_dim3A_256 = vector.broadcast %jit3A_255 : i32 to vector<16xi32>
      %select_n3A_257 = arith.select %and3A_254, %sub3A_247, %broadcast_in_dim3A_256 : vector<16xi1>, vector<16xi32>
      %swap3A_258 = arith.constant 1 : i32
      %swap3A_259 = arith.index_cast %swap3A_258 : i32 to index
      %swap3A_260 = arith.constant 0 : index
      %swap3A_261 = tpu.vector_load %arg7[%swap3A_259, %swap3A_260] {strides = array<i32>} : memref<2x112xi32, #tpu.memory_space<vmem>>, vector<1x16xi32>,
      %swap3A_262 = vector.shape_cast %swap3A_261 : vector<1x16xi32> to vector<16xi32>
      %swap3A_263 = vector.shape_cast %select_n3A_257 : vector<16xi32> to vector<1x16xi32>
      tpu.vector_store %arg7[%swap3A_259, %swap3A_260], %swap3A_263 {strides = array<i32>} : memref<2x112xi32, #tpu.memory_space<vmem>>, vector<1x16xi32>,
      %get3A_264 = arith.constant 128 : index
      %get3A_265 = tpu.vector_load %arg8[%get3A_264] {strides = array<i32>} : memref<224xi32, #tpu.memory_space<vmem>>, vector<16xi32>,
      %get3A_266 = vector.shape_cast %get3A_265 : vector<16xi32> to vector<16xi32>
      %sub3A_267 = vector.broadcast %mul3A_0 : i32 to vector<16xi32>
      %sub3A_268 = arith.subi %get3A_266, %sub3A_267 : vector<16xi32>
      %ge3A_269 = arith.constant 0 : i32
      %ge3A_270 = vector.broadcast %ge3A_269 : i32 to vector<16xi32>
      %ge3A_271 = arith.cmpi sge, %sub3A_268, %ge3A_270 : vector<16xi32>
      %lt3A_272 = arith.constant 25000 : i32
      %lt3A_273 = vector.broadcast %lt3A_272 : i32 to vector<16xi32>
      %lt3A_274 = arith.cmpi slt, %sub3A_268, %lt3A_273 : vector<16xi32>
      %and3A_275 = arith.andi %ge3A_271, %lt3A_274 : vector<16xi1>
      %jit3A_276 = arith.constant 25000 : i32
      %broadcast_in_dim3A_277 = vector.broadcast %jit3A_276 : i32 to vector<16xi32>
      %select_n3A_278 = arith.select %and3A_275, %sub3A_268, %broadcast_in_dim3A_277 : vector<16xi1>, vector<16xi32>
      %swap3A_279 = arith.constant 1 : i32
      %swap3A_280 = arith.index_cast %swap3A_279 : i32 to index
      %swap3A_281 = arith.constant 16 : index
      %swap3A_282 = tpu.vector_load %arg7[%swap3A_280, %swap3A_281] {strides = array<i32>} : memref<2x112xi32, #tpu.memory_space<vmem>>, vector<1x16xi32>,
      %swap3A_283 = vector.shape_cast %swap3A_282 : vector<1x16xi32> to vector<16xi32>
      %swap3A_284 = vector.shape_cast %select_n3A_278 : vector<16xi32> to vector<1x16xi32>
      tpu.vector_store %arg7[%swap3A_280, %swap3A_281], %swap3A_284 {strides = array<i32>} : memref<2x112xi32, #tpu.memory_space<vmem>>, vector<1x16xi32>,
      %get3A_285 = arith.constant 144 : index
      %get3A_286 = tpu.vector_load %arg8[%get3A_285] {strides = array<i32>} : memref<224xi32, #tpu.memory_space<vmem>>, vector<16xi32>,
      %get3A_287 = vector.shape_cast %get3A_286 : vector<16xi32> to vector<16xi32>
      %sub3A_288 = vector.broadcast %mul3A_0 : i32 to vector<16xi32>
      %sub3A_289 = arith.subi %get3A_287, %sub3A_288 : vector<16xi32>
      %ge3A_290 = arith.constant 0 : i32
      %ge3A_291 = vector.broadcast %ge3A_290 : i32 to vector<16xi32>
      %ge3A_292 = arith.cmpi sge, %sub3A_289, %ge3A_291 : vector<16xi32>
      %lt3A_293 = arith.constant 25000 : i32
      %lt3A_294 = vector.broadcast %lt3A_293 : i32 to vector<16xi32>
      %lt3A_295 = arith.cmpi slt, %sub3A_289, %lt3A_294 : vector<16xi32>
      %and3A_296 = arith.andi %ge3A_292, %lt3A_295 : vector<16xi1>
      %jit3A_297 = arith.constant 25000 : i32
      %broadcast_in_dim3A_298 = vector.broadcast %jit3A_297 : i32 to vector<16xi32>
      %select_n3A_299 = arith.select %and3A_296, %sub3A_289, %broadcast_in_dim3A_298 : vector<16xi1>, vector<16xi32>
      %swap3A_300 = arith.constant 1 : i32
      %swap3A_301 = arith.index_cast %swap3A_300 : i32 to index
      %swap3A_302 = arith.constant 32 : index
      %swap3A_303 = tpu.vector_load %arg7[%swap3A_301, %swap3A_302] {strides = array<i32>} : memref<2x112xi32, #tpu.memory_space<vmem>>, vector<1x16xi32>,
      %swap3A_304 = vector.shape_cast %swap3A_303 : vector<1x16xi32> to vector<16xi32>
      %swap3A_305 = vector.shape_cast %select_n3A_299 : vector<16xi32> to vector<1x16xi32>
      tpu.vector_store %arg7[%swap3A_301, %swap3A_302], %swap3A_305 {strides = array<i32>} : memref<2x112xi32, #tpu.memory_space<vmem>>, vector<1x16xi32>,
      %get3A_306 = arith.constant 160 : index
      %get3A_307 = tpu.vector_load %arg8[%get3A_306] {strides = array<i32>} : memref<224xi32, #tpu.memory_space<vmem>>, vector<16xi32>,
      %get3A_308 = vector.shape_cast %get3A_307 : vector<16xi32> to vector<16xi32>
      %sub3A_309 = vector.broadcast %mul3A_0 : i32 to vector<16xi32>
      %sub3A_310 = arith.subi %get3A_308, %sub3A_309 : vector<16xi32>
      %ge3A_311 = arith.constant 0 : i32
      %ge3A_312 = vector.broadcast %ge3A_311 : i32 to vector<16xi32>
      %ge3A_313 = arith.cmpi sge, %sub3A_310, %ge3A_312 : vector<16xi32>
      %lt3A_314 = arith.constant 25000 : i32
      %lt3A_315 = vector.broadcast %lt3A_314 : i32 to vector<16xi32>
      %lt3A_316 = arith.cmpi slt, %sub3A_310, %lt3A_315 : vector<16xi32>
      %and3A_317 = arith.andi %ge3A_313, %lt3A_316 : vector<16xi1>
      %jit3A_318 = arith.constant 25000 : i32
      %broadcast_in_dim3A_319 = vector.broadcast %jit3A_318 : i32 to vector<16xi32>
      %select_n3A_320 = arith.select %and3A_317, %sub3A_310, %broadcast_in_dim3A_319 : vector<16xi1>, vector<16xi32>
      %swap3A_321 = arith.constant 1 : i32
      %swap3A_322 = arith.index_cast %swap3A_321 : i32 to index
      %swap3A_323 = arith.constant 48 : index
      %swap3A_324 = tpu.vector_load %arg7[%swap3A_322, %swap3A_323] {strides = array<i32>} : memref<2x112xi32, #tpu.memory_space<vmem>>, vector<1x16xi32>,
      %swap3A_325 = vector.shape_cast %swap3A_324 : vector<1x16xi32> to vector<16xi32>
      %swap3A_326 = vector.shape_cast %select_n3A_320 : vector<16xi32> to vector<1x16xi32>
      tpu.vector_store %arg7[%swap3A_322, %swap3A_323], %swap3A_326 {strides = array<i32>} : memref<2x112xi32, #tpu.memory_space<vmem>>, vector<1x16xi32>,
      %get3A_327 = arith.constant 176 : index
      %get3A_328 = tpu.vector_load %arg8[%get3A_327] {strides = array<i32>} : memref<224xi32, #tpu.memory_space<vmem>>, vector<16xi32>,
      %get3A_329 = vector.shape_cast %get3A_328 : vector<16xi32> to vector<16xi32>
      %sub3A_330 = vector.broadcast %mul3A_0 : i32 to vector<16xi32>
      %sub3A_331 = arith.subi %get3A_329, %sub3A_330 : vector<16xi32>
      %ge3A_332 = arith.constant 0 : i32
      %ge3A_333 = vector.broadcast %ge3A_332 : i32 to vector<16xi32>
      %ge3A_334 = arith.cmpi sge, %sub3A_331, %ge3A_333 : vector<16xi32>
      %lt3A_335 = arith.constant 25000 : i32
      %lt3A_336 = vector.broadcast %lt3A_335 : i32 to vector<16xi32>
      %lt3A_337 = arith.cmpi slt, %sub3A_331, %lt3A_336 : vector<16xi32>
      %and3A_338 = arith.andi %ge3A_334, %lt3A_337 : vector<16xi1>
      %jit3A_339 = arith.constant 25000 : i32
      %broadcast_in_dim3A_340 = vector.broadcast %jit3A_339 : i32 to vector<16xi32>
      %select_n3A_341 = arith.select %and3A_338, %sub3A_331, %broadcast_in_dim3A_340 : vector<16xi1>, vector<16xi32>
      %swap3A_342 = arith.constant 1 : i32
      %swap3A_343 = arith.index_cast %swap3A_342 : i32 to index
      %swap3A_344 = arith.constant 64 : index
      %swap3A_345 = tpu.vector_load %arg7[%swap3A_343, %swap3A_344] {strides = array<i32>} : memref<2x112xi32, #tpu.memory_space<vmem>>, vector<1x16xi32>,
      %swap3A_346 = vector.shape_cast %swap3A_345 : vector<1x16xi32> to vector<16xi32>
      %swap3A_347 = vector.shape_cast %select_n3A_341 : vector<16xi32> to vector<1x16xi32>
      tpu.vector_store %arg7[%swap3A_343, %swap3A_344], %swap3A_347 {strides = array<i32>} : memref<2x112xi32, #tpu.memory_space<vmem>>, vector<1x16xi32>,
      %get3A_348 = arith.constant 192 : index
      %get3A_349 = tpu.vector_load %arg8[%get3A_348] {strides = array<i32>} : memref<224xi32, #tpu.memory_space<vmem>>, vector<16xi32>,
      %get3A_350 = vector.shape_cast %get3A_349 : vector<16xi32> to vector<16xi32>
      %sub3A_351 = vector.broadcast %mul3A_0 : i32 to vector<16xi32>
      %sub3A_352 = arith.subi %get3A_350, %sub3A_351 : vector<16xi32>
      %ge3A_353 = arith.constant 0 : i32
      %ge3A_354 = vector.broadcast %ge3A_353 : i32 to vector<16xi32>
      %ge3A_355 = arith.cmpi sge, %sub3A_352, %ge3A_354 : vector<16xi32>
      %lt3A_356 = arith.constant 25000 : i32
      %lt3A_357 = vector.broadcast %lt3A_356 : i32 to vector<16xi32>
      %lt3A_358 = arith.cmpi slt, %sub3A_352, %lt3A_357 : vector<16xi32>
      %and3A_359 = arith.andi %ge3A_355, %lt3A_358 : vector<16xi1>
      %jit3A_360 = arith.constant 25000 : i32
      %broadcast_in_dim3A_361 = vector.broadcast %jit3A_360 : i32 to vector<16xi32>
      %select_n3A_362 = arith.select %and3A_359, %sub3A_352, %broadcast_in_dim3A_361 : vector<16xi1>, vector<16xi32>
      %swap3A_363 = arith.constant 1 : i32
      %swap3A_364 = arith.index_cast %swap3A_363 : i32 to index
      %swap3A_365 = arith.constant 80 : index
      %swap3A_366 = tpu.vector_load %arg7[%swap3A_364, %swap3A_365] {strides = array<i32>} : memref<2x112xi32, #tpu.memory_space<vmem>>, vector<1x16xi32>,
      %swap3A_367 = vector.shape_cast %swap3A_366 : vector<1x16xi32> to vector<16xi32>
      %swap3A_368 = vector.shape_cast %select_n3A_362 : vector<16xi32> to vector<1x16xi32>
      tpu.vector_store %arg7[%swap3A_364, %swap3A_365], %swap3A_368 {strides = array<i32>} : memref<2x112xi32, #tpu.memory_space<vmem>>, vector<1x16xi32>,
      %get3A_369 = arith.constant 208 : index
      %get3A_370 = tpu.vector_load %arg8[%get3A_369] {strides = array<i32>} : memref<224xi32, #tpu.memory_space<vmem>>, vector<16xi32>,
      %get3A_371 = vector.shape_cast %get3A_370 : vector<16xi32> to vector<16xi32>
      %sub3A_372 = vector.broadcast %mul3A_0 : i32 to vector<16xi32>
      %sub3A_373 = arith.subi %get3A_371, %sub3A_372 : vector<16xi32>
      %ge3A_374 = arith.constant 0 : i32
      %ge3A_375 = vector.broadcast %ge3A_374 : i32 to vector<16xi32>
      %ge3A_376 = arith.cmpi sge, %sub3A_373, %ge3A_375 : vector<16xi32>
      %lt3A_377 = arith.constant 25000 : i32
      %lt3A_378 = vector.broadcast %lt3A_377 : i32 to vector<16xi32>
      %lt3A_379 = arith.cmpi slt, %sub3A_373, %lt3A_378 : vector<16xi32>
      %and3A_380 = arith.andi %ge3A_376, %lt3A_379 : vector<16xi1>
      %jit3A_381 = arith.constant 25000 : i32
      %broadcast_in_dim3A_382 = vector.broadcast %jit3A_381 : i32 to vector<16xi32>
      %select_n3A_383 = arith.select %and3A_380, %sub3A_373, %broadcast_in_dim3A_382 : vector<16xi1>, vector<16xi32>
      %swap3A_384 = arith.constant 1 : i32
      %swap3A_385 = arith.index_cast %swap3A_384 : i32 to index
      %swap3A_386 = arith.constant 96 : index
      %swap3A_387 = tpu.vector_load %arg7[%swap3A_385, %swap3A_386] {strides = array<i32>} : memref<2x112xi32, #tpu.memory_space<vmem>>, vector<1x16xi32>,
      %swap3A_388 = vector.shape_cast %swap3A_387 : vector<1x16xi32> to vector<16xi32>
      %swap3A_389 = vector.shape_cast %select_n3A_383 : vector<16xi32> to vector<1x16xi32>
      tpu.vector_store %arg7[%swap3A_385, %swap3A_386], %swap3A_389 {strides = array<i32>} : memref<2x112xi32, #tpu.memory_space<vmem>>, vector<1x16xi32>,
      %dma_wait3A = arith.constant 0 : i32
      %dma_wait3A_390 = tpu.memref_slice %arg2[%add3A_92, %dma_wait3A] : memref<800000x72xf32, #tpu.memory_space<hbm>> -> memref<224x72xf32, #tpu.memory_space<hbm>>
      %dma_wait3A_391 = arith.constant 0 : i32
      %dma_wait3A_392 = tpu.memref_slice %arg2[%add3A_92, %dma_wait3A_391] : memref<800000x72xf32, #tpu.memory_space<hbm>> -> memref<224x72xf32, #tpu.memory_space<hbm>>
      tpu.wait_dma2 semaphore(%arg11 : memref<!tpu.dma_semaphore, #tpu.memory_space<semaphore_mem>>) src(%dma_wait3A_392 : memref<224x72xf32, #tpu.memory_space<hbm>>) dst(%arg9 : memref<224x72xf32, #tpu.memory_space<vmem>>)
      %run_scoped3A_393 = arith.constant 0 : i32
      "tpu.region"() ({
        %run_scoped3A_395 = tpu.sem_alloc : memref<!tpu.dma_semaphore, #tpu.memory_space<semaphore_mem>>
        %dma_start3A_396 = arith.constant 0 : i32
        %dma_start3A_397 = arith.constant 0 : i32
        %dma_start3A_398 = tpu.memref_slice %arg9[%dma_start3A_396, %dma_start3A_397] : memref<224x72xf32, #tpu.memory_space<vmem>> -> memref<112x72xf32, #tpu.memory_space<vmem>>
        %dma_start3A_399 = arith.constant 0 : i32
        %dma_start3A_400 = tpu.memref_slice %arg7[%run_scoped3A_393, %dma_start3A_399] : memref<2x112xi32, #tpu.memory_space<vmem>> -> memref<1x112xi32, #tpu.memory_space<vmem>>
        %dma_start3A_401 = tpu.memref_squeeze %dma_start3A_400 : memref<1x112xi32, #tpu.memory_space<vmem>> -> memref<112xi32, #tpu.memory_space<vmem>>
        %dma_start3A_402 = arith.constant 0 : i32
        %dma_start3A_403 = arith.constant 0 : i32
        %dma_start3A_404 = tpu.memref_slice %arg6[%dma_start3A_402, %dma_start3A_403] : memref<25024x72xf32, #tpu.memory_space<vmem_shared>> -> memref<25024x72xf32, #tpu.memory_space<vmem_shared>>
        tpu.enqueue_indirect_dma source(%dma_start3A_398 : memref<112x72xf32, #tpu.memory_space<vmem>>) target(%dma_start3A_404 : memref<25024x72xf32, #tpu.memory_space<vmem_shared>>) offsets(%dma_start3A_401 : memref<112xi32, #tpu.memory_space<vmem>>) semaphore(%run_scoped3A_395 : memref<!tpu.dma_semaphore, #tpu.memory_space<semaphore_mem>>) {add = true}
        %dma_wait3A_405 = arith.constant 0 : i32
        %dma_wait3A_406 = arith.constant 0 : i32
        %dma_wait3A_407 = tpu.memref_slice %arg9[%dma_wait3A_405, %dma_wait3A_406] : memref<224x72xf32, #tpu.memory_space<vmem>> -> memref<112x72xf32, #tpu.memory_space<vmem>>
        %dma_wait3A_408 = arith.constant 0 : i32
        %dma_wait3A_409 = tpu.memref_slice %arg7[%run_scoped3A_393, %dma_wait3A_408] : memref<2x112xi32, #tpu.memory_space<vmem>> -> memref<1x112xi32, #tpu.memory_space<vmem>>
        %dma_wait3A_410 = tpu.memref_squeeze %dma_wait3A_409 : memref<1x112xi32, #tpu.memory_space<vmem>> -> memref<112xi32, #tpu.memory_space<vmem>>
        %dma_wait3A_411 = arith.constant 0 : i32
        %dma_wait3A_412 = arith.constant 0 : i32
        %dma_wait3A_413 = tpu.memref_slice %arg6[%dma_wait3A_411, %dma_wait3A_412] : memref<25024x72xf32, #tpu.memory_space<vmem_shared>> -> memref<25024x72xf32, #tpu.memory_space<vmem_shared>>
        tpu.wait_indirect_dma semaphore(%run_scoped3A_395 : memref<!tpu.dma_semaphore, #tpu.memory_space<semaphore_mem>>) src(%dma_wait3A_407 : memref<112x72xf32, #tpu.memory_space<vmem>>) dst(%dma_wait3A_413 : memref<25024x72xf32, #tpu.memory_space<vmem_shared>>)
        tpu.yield
      }) : () -> ()
      %run_scoped3A_394 = arith.constant 1 : i32
      "tpu.region"() ({
        %run_scoped3A_395 = tpu.sem_alloc : memref<!tpu.dma_semaphore, #tpu.memory_space<semaphore_mem>>
        %dma_start3A_396 = arith.constant 112 : i32
        %dma_start3A_397 = arith.constant 0 : i32
        %dma_start3A_398 = tpu.memref_slice %arg9[%dma_start3A_396, %dma_start3A_397] : memref<224x72xf32, #tpu.memory_space<vmem>> -> memref<112x72xf32, #tpu.memory_space<vmem>>
        %dma_start3A_399 = arith.constant 0 : i32
        %dma_start3A_400 = tpu.memref_slice %arg7[%run_scoped3A_394, %dma_start3A_399] : memref<2x112xi32, #tpu.memory_space<vmem>> -> memref<1x112xi32, #tpu.memory_space<vmem>>
        %dma_start3A_401 = tpu.memref_squeeze %dma_start3A_400 : memref<1x112xi32, #tpu.memory_space<vmem>> -> memref<112xi32, #tpu.memory_space<vmem>>
        %dma_start3A_402 = arith.constant 0 : i32
        %dma_start3A_403 = arith.constant 0 : i32
        %dma_start3A_404 = tpu.memref_slice %arg6[%dma_start3A_402, %dma_start3A_403] : memref<25024x72xf32, #tpu.memory_space<vmem_shared>> -> memref<25024x72xf32, #tpu.memory_space<vmem_shared>>
        tpu.enqueue_indirect_dma source(%dma_start3A_398 : memref<112x72xf32, #tpu.memory_space<vmem>>) target(%dma_start3A_404 : memref<25024x72xf32, #tpu.memory_space<vmem_shared>>) offsets(%dma_start3A_401 : memref<112xi32, #tpu.memory_space<vmem>>) semaphore(%run_scoped3A_395 : memref<!tpu.dma_semaphore, #tpu.memory_space<semaphore_mem>>) {add = true}
        %dma_wait3A_405 = arith.constant 112 : i32
        %dma_wait3A_406 = arith.constant 0 : i32
        %dma_wait3A_407 = tpu.memref_slice %arg9[%dma_wait3A_405, %dma_wait3A_406] : memref<224x72xf32, #tpu.memory_space<vmem>> -> memref<112x72xf32, #tpu.memory_space<vmem>>
        %dma_wait3A_408 = arith.constant 0 : i32
        %dma_wait3A_409 = tpu.memref_slice %arg7[%run_scoped3A_394, %dma_wait3A_408] : memref<2x112xi32, #tpu.memory_space<vmem>> -> memref<1x112xi32, #tpu.memory_space<vmem>>
        %dma_wait3A_410 = tpu.memref_squeeze %dma_wait3A_409 : memref<1x112xi32, #tpu.memory_space<vmem>> -> memref<112xi32, #tpu.memory_space<vmem>>
        %dma_wait3A_411 = arith.constant 0 : i32
        %dma_wait3A_412 = arith.constant 0 : i32
        %dma_wait3A_413 = tpu.memref_slice %arg6[%dma_wait3A_411, %dma_wait3A_412] : memref<25024x72xf32, #tpu.memory_space<vmem_shared>> -> memref<25024x72xf32, #tpu.memory_space<vmem_shared>>
        tpu.wait_indirect_dma semaphore(%run_scoped3A_395 : memref<!tpu.dma_semaphore, #tpu.memory_space<semaphore_mem>>) src(%dma_wait3A_407 : memref<112x72xf32, #tpu.memory_space<vmem>>) dst(%dma_wait3A_413 : memref<25024x72xf32, #tpu.memory_space<vmem_shared>>)
        tpu.yield
      }) : () -> ()
    }
    %scan3A_14 = arith.constant 223 : i32
    %mul3A_15 = arith.constant 50000 : i32
    %mul3A_16 = arith.muli %arg1, %mul3A_15 : i32
    %add3A_17 = arith.constant 49952 : i32
    %add3A_18 = arith.addi %mul3A_16, %add3A_17 : i32
    "tpu.region"() ({
      %run_scoped3A_87 = tpu.sem_alloc : memref<!tpu.dma_semaphore, #tpu.memory_space<semaphore_mem>>
      %dma_start3A = arith.constant 0 : i32
      %dma_start3A_88 = tpu.memref_slice %arg8[%dma_start3A] : memref<224xi32, #tpu.memory_space<vmem>> -> memref<48xi32, #tpu.memory_space<vmem>>
      %dma_start3A_89 = tpu.memref_slice %arg3[%add3A_18] : memref<800000xi32, #tpu.memory_space<hbm>> -> memref<48xi32, #tpu.memory_space<hbm>>
      %dma_start3A_90 = arith.constant 0 : i32
      %dma_start3A_91 = tpu.memref_slice %arg8[%dma_start3A_90] : memref<224xi32, #tpu.memory_space<vmem>> -> memref<48xi32, #tpu.memory_space<vmem>>
      %dma_start3A_92 = tpu.memref_slice %arg3[%add3A_18] : memref<800000xi32, #tpu.memory_space<hbm>> -> memref<48xi32, #tpu.memory_space<hbm>>
      tpu.enqueue_dma source(%dma_start3A_92 : memref<48xi32, #tpu.memory_space<hbm>>) target(%dma_start3A_91 : memref<48xi32, #tpu.memory_space<vmem>>) target_semaphore(%run_scoped3A_87 : memref<!tpu.dma_semaphore, #tpu.memory_space<semaphore_mem>>)
      %dma_wait3A = arith.constant 0 : i32
      %dma_wait3A_93 = tpu.memref_slice %arg8[%dma_wait3A] : memref<224xi32, #tpu.memory_space<vmem>> -> memref<48xi32, #tpu.memory_space<vmem>>
      %dma_wait3A_94 = tpu.memref_slice %arg3[%add3A_18] : memref<800000xi32, #tpu.memory_space<hbm>> -> memref<48xi32, #tpu.memory_space<hbm>>
      %dma_wait3A_95 = arith.constant 0 : i32
      %dma_wait3A_96 = tpu.memref_slice %arg8[%dma_wait3A_95] : memref<224xi32, #tpu.memory_space<vmem>> -> memref<48xi32, #tpu.memory_space<vmem>>
      %dma_wait3A_97 = tpu.memref_slice %arg3[%add3A_18] : memref<800000xi32, #tpu.memory_space<hbm>> -> memref<48xi32, #tpu.memory_space<hbm>>
      tpu.wait_dma2 semaphore(%run_scoped3A_87 : memref<!tpu.dma_semaphore, #tpu.memory_space<semaphore_mem>>) src(%dma_wait3A_97 : memref<48xi32, #tpu.memory_space<hbm>>) dst(%dma_wait3A_96 : memref<48xi32, #tpu.memory_space<vmem>>)
      tpu.yield
    }) : () -> ()
    %get3A = arith.constant 0 : index
    %get3A_19 = tpu.vector_load %arg8[%get3A] {strides = array<i32>} : memref<224xi32, #tpu.memory_space<vmem>>, vector<16xi32>,
    %get3A_20 = vector.shape_cast %get3A_19 : vector<16xi32> to vector<16xi32>
    %sub3A = vector.broadcast %mul3A_0 : i32 to vector<16xi32>
    %sub3A_21 = arith.subi %get3A_20, %sub3A : vector<16xi32>
    %ge3A = arith.constant 0 : i32
    %ge3A_22 = vector.broadcast %ge3A : i32 to vector<16xi32>
    %ge3A_23 = arith.cmpi sge, %sub3A_21, %ge3A_22 : vector<16xi32>
    %lt3A = arith.constant 25000 : i32
    %lt3A_24 = vector.broadcast %lt3A : i32 to vector<16xi32>
    %lt3A_25 = arith.cmpi slt, %sub3A_21, %lt3A_24 : vector<16xi32>
    %and3A = arith.andi %ge3A_23, %lt3A_25 : vector<16xi1>
    %jit3A = arith.constant 25000 : i32
    %broadcast_in_dim3A = vector.broadcast %jit3A : i32 to vector<16xi32>
    %select_n3A = arith.select %and3A, %sub3A_21, %broadcast_in_dim3A : vector<16xi1>, vector<16xi32>
    %swap3A = arith.constant 0 : i32
    %swap3A_26 = arith.index_cast %swap3A : i32 to index
    %swap3A_27 = arith.constant 0 : index
    %swap3A_28 = tpu.vector_load %arg10[%swap3A_26, %swap3A_27] {strides = array<i32>} : memref<1x48xi32, #tpu.memory_space<vmem>>, vector<1x16xi32>,
    %swap3A_29 = vector.shape_cast %swap3A_28 : vector<1x16xi32> to vector<16xi32>
    %swap3A_30 = vector.shape_cast %select_n3A : vector<16xi32> to vector<1x16xi32>
    tpu.vector_store %arg10[%swap3A_26, %swap3A_27], %swap3A_30 {strides = array<i32>} : memref<1x48xi32, #tpu.memory_space<vmem>>, vector<1x16xi32>,
    %get3A_31 = arith.constant 16 : index
    %get3A_32 = tpu.vector_load %arg8[%get3A_31] {strides = array<i32>} : memref<224xi32, #tpu.memory_space<vmem>>, vector<16xi32>,
    %get3A_33 = vector.shape_cast %get3A_32 : vector<16xi32> to vector<16xi32>
    %sub3A_34 = vector.broadcast %mul3A_0 : i32 to vector<16xi32>
    %sub3A_35 = arith.subi %get3A_33, %sub3A_34 : vector<16xi32>
    %ge3A_36 = arith.constant 0 : i32
    %ge3A_37 = vector.broadcast %ge3A_36 : i32 to vector<16xi32>
    %ge3A_38 = arith.cmpi sge, %sub3A_35, %ge3A_37 : vector<16xi32>
    %lt3A_39 = arith.constant 25000 : i32
    %lt3A_40 = vector.broadcast %lt3A_39 : i32 to vector<16xi32>
    %lt3A_41 = arith.cmpi slt, %sub3A_35, %lt3A_40 : vector<16xi32>
    %and3A_42 = arith.andi %ge3A_38, %lt3A_41 : vector<16xi1>
    %jit3A_43 = arith.constant 25000 : i32
    %broadcast_in_dim3A_44 = vector.broadcast %jit3A_43 : i32 to vector<16xi32>
    %select_n3A_45 = arith.select %and3A_42, %sub3A_35, %broadcast_in_dim3A_44 : vector<16xi1>, vector<16xi32>
    %swap3A_46 = arith.constant 0 : i32
    %swap3A_47 = arith.index_cast %swap3A_46 : i32 to index
    %swap3A_48 = arith.constant 16 : index
    %swap3A_49 = tpu.vector_load %arg10[%swap3A_47, %swap3A_48] {strides = array<i32>} : memref<1x48xi32, #tpu.memory_space<vmem>>, vector<1x16xi32>,
    %swap3A_50 = vector.shape_cast %swap3A_49 : vector<1x16xi32> to vector<16xi32>
    %swap3A_51 = vector.shape_cast %select_n3A_45 : vector<16xi32> to vector<1x16xi32>
    tpu.vector_store %arg10[%swap3A_47, %swap3A_48], %swap3A_51 {strides = array<i32>} : memref<1x48xi32, #tpu.memory_space<vmem>>, vector<1x16xi32>,
    %get3A_52 = arith.constant 32 : index
    %get3A_53 = tpu.vector_load %arg8[%get3A_52] {strides = array<i32>} : memref<224xi32, #tpu.memory_space<vmem>>, vector<16xi32>,
    %get3A_54 = vector.shape_cast %get3A_53 : vector<16xi32> to vector<16xi32>
    %sub3A_55 = vector.broadcast %mul3A_0 : i32 to vector<16xi32>
    %sub3A_56 = arith.subi %get3A_54, %sub3A_55 : vector<16xi32>
    %ge3A_57 = arith.constant 0 : i32
    %ge3A_58 = vector.broadcast %ge3A_57 : i32 to vector<16xi32>
    %ge3A_59 = arith.cmpi sge, %sub3A_56, %ge3A_58 : vector<16xi32>
    %lt3A_60 = arith.constant 25000 : i32
    %lt3A_61 = vector.broadcast %lt3A_60 : i32 to vector<16xi32>
    %lt3A_62 = arith.cmpi slt, %sub3A_56, %lt3A_61 : vector<16xi32>
    %and3A_63 = arith.andi %ge3A_59, %lt3A_62 : vector<16xi1>
    %jit3A_64 = arith.constant 25000 : i32
    %broadcast_in_dim3A_65 = vector.broadcast %jit3A_64 : i32 to vector<16xi32>
    %select_n3A_66 = arith.select %and3A_63, %sub3A_56, %broadcast_in_dim3A_65 : vector<16xi1>, vector<16xi32>
    %swap3A_67 = arith.constant 0 : i32
    %swap3A_68 = arith.index_cast %swap3A_67 : i32 to index
    %swap3A_69 = arith.constant 32 : index
    %swap3A_70 = tpu.vector_load %arg10[%swap3A_68, %swap3A_69] {strides = array<i32>} : memref<1x48xi32, #tpu.memory_space<vmem>>, vector<1x16xi32>,
    %swap3A_71 = vector.shape_cast %swap3A_70 : vector<1x16xi32> to vector<16xi32>
    %swap3A_72 = vector.shape_cast %select_n3A_66 : vector<16xi32> to vector<1x16xi32>
    tpu.vector_store %arg10[%swap3A_68, %swap3A_69], %swap3A_72 {strides = array<i32>} : memref<1x48xi32, #tpu.memory_space<vmem>>, vector<1x16xi32>,
    "tpu.region"() ({
      %run_scoped3A_87 = tpu.sem_alloc : memref<!tpu.dma_semaphore, #tpu.memory_space<semaphore_mem>>
      %dma_start3A = arith.constant 0 : i32
      %dma_start3A_88 = arith.constant 0 : i32
      %dma_start3A_89 = tpu.memref_slice %arg9[%dma_start3A, %dma_start3A_88] : memref<224x72xf32, #tpu.memory_space<vmem>> -> memref<48x72xf32, #tpu.memory_space<vmem>>
      %dma_start3A_90 = arith.constant 0 : i32
      %dma_start3A_91 = tpu.memref_slice %arg2[%add3A_18, %dma_start3A_90] : memref<800000x72xf32, #tpu.memory_space<hbm>> -> memref<48x72xf32, #tpu.memory_space<hbm>>
      %dma_start3A_92 = arith.constant 0 : i32
      %dma_start3A_93 = arith.constant 0 : i32
      %dma_start3A_94 = tpu.memref_slice %arg9[%dma_start3A_92, %dma_start3A_93] : memref<224x72xf32, #tpu.memory_space<vmem>> -> memref<48x72xf32, #tpu.memory_space<vmem>>
      %dma_start3A_95 = arith.constant 0 : i32
      %dma_start3A_96 = tpu.memref_slice %arg2[%add3A_18, %dma_start3A_95] : memref<800000x72xf32, #tpu.memory_space<hbm>> -> memref<48x72xf32, #tpu.memory_space<hbm>>
      tpu.enqueue_dma source(%dma_start3A_96 : memref<48x72xf32, #tpu.memory_space<hbm>>) target(%dma_start3A_94 : memref<48x72xf32, #tpu.memory_space<vmem>>) target_semaphore(%run_scoped3A_87 : memref<!tpu.dma_semaphore, #tpu.memory_space<semaphore_mem>>)
      %dma_wait3A = arith.constant 0 : i32
      %dma_wait3A_97 = arith.constant 0 : i32
      %dma_wait3A_98 = tpu.memref_slice %arg9[%dma_wait3A, %dma_wait3A_97] : memref<224x72xf32, #tpu.memory_space<vmem>> -> memref<48x72xf32, #tpu.memory_space<vmem>>
      %dma_wait3A_99 = arith.constant 0 : i32
      %dma_wait3A_100 = tpu.memref_slice %arg2[%add3A_18, %dma_wait3A_99] : memref<800000x72xf32, #tpu.memory_space<hbm>> -> memref<48x72xf32, #tpu.memory_space<hbm>>
      %dma_wait3A_101 = arith.constant 0 : i32
      %dma_wait3A_102 = arith.constant 0 : i32
      %dma_wait3A_103 = tpu.memref_slice %arg9[%dma_wait3A_101, %dma_wait3A_102] : memref<224x72xf32, #tpu.memory_space<vmem>> -> memref<48x72xf32, #tpu.memory_space<vmem>>
      %dma_wait3A_104 = arith.constant 0 : i32
      %dma_wait3A_105 = tpu.memref_slice %arg2[%add3A_18, %dma_wait3A_104] : memref<800000x72xf32, #tpu.memory_space<hbm>> -> memref<48x72xf32, #tpu.memory_space<hbm>>
      tpu.wait_dma2 semaphore(%run_scoped3A_87 : memref<!tpu.dma_semaphore, #tpu.memory_space<semaphore_mem>>) src(%dma_wait3A_105 : memref<48x72xf32, #tpu.memory_space<hbm>>) dst(%dma_wait3A_103 : memref<48x72xf32, #tpu.memory_space<vmem>>)
      tpu.yield
    }) : () -> ()
    %run_scoped3A = arith.constant 0 : i32
    "tpu.region"() ({
      %run_scoped3A_87 = tpu.sem_alloc : memref<!tpu.dma_semaphore, #tpu.memory_space<semaphore_mem>>
      %dma_start3A = arith.constant 0 : i32
      %dma_start3A_88 = arith.constant 0 : i32
      %dma_start3A_89 = tpu.memref_slice %arg9[%dma_start3A, %dma_start3A_88] : memref<224x72xf32, #tpu.memory_space<vmem>> -> memref<48x72xf32, #tpu.memory_space<vmem>>
      %dma_start3A_90 = arith.constant 0 : i32
      %dma_start3A_91 = tpu.memref_slice %arg10[%run_scoped3A, %dma_start3A_90] : memref<1x48xi32, #tpu.memory_space<vmem>> -> memref<1x48xi32, #tpu.memory_space<vmem>>
      %dma_start3A_92 = tpu.memref_squeeze %dma_start3A_91 : memref<1x48xi32, #tpu.memory_space<vmem>> -> memref<48xi32, #tpu.memory_space<vmem>>
      %dma_start3A_93 = arith.constant 0 : i32
      %dma_start3A_94 = arith.constant 0 : i32
      %dma_start3A_95 = tpu.memref_slice %arg6[%dma_start3A_93, %dma_start3A_94] : memref<25024x72xf32, #tpu.memory_space<vmem_shared>> -> memref<25024x72xf32, #tpu.memory_space<vmem_shared>>
      tpu.enqueue_indirect_dma source(%dma_start3A_89 : memref<48x72xf32, #tpu.memory_space<vmem>>) target(%dma_start3A_95 : memref<25024x72xf32, #tpu.memory_space<vmem_shared>>) offsets(%dma_start3A_92 : memref<48xi32, #tpu.memory_space<vmem>>) semaphore(%run_scoped3A_87 : memref<!tpu.dma_semaphore, #tpu.memory_space<semaphore_mem>>) {add = true}
      %dma_wait3A = arith.constant 0 : i32
      %dma_wait3A_96 = arith.constant 0 : i32
      %dma_wait3A_97 = tpu.memref_slice %arg9[%dma_wait3A, %dma_wait3A_96] : memref<224x72xf32, #tpu.memory_space<vmem>> -> memref<48x72xf32, #tpu.memory_space<vmem>>
      %dma_wait3A_98 = arith.constant 0 : i32
      %dma_wait3A_99 = tpu.memref_slice %arg10[%run_scoped3A, %dma_wait3A_98] : memref<1x48xi32, #tpu.memory_space<vmem>> -> memref<1x48xi32, #tpu.memory_space<vmem>>
      %dma_wait3A_100 = tpu.memref_squeeze %dma_wait3A_99 : memref<1x48xi32, #tpu.memory_space<vmem>> -> memref<48xi32, #tpu.memory_space<vmem>>
      %dma_wait3A_101 = arith.constant 0 : i32
      %dma_wait3A_102 = arith.constant 0 : i32
      %dma_wait3A_103 = tpu.memref_slice %arg6[%dma_wait3A_101, %dma_wait3A_102] : memref<25024x72xf32, #tpu.memory_space<vmem_shared>> -> memref<25024x72xf32, #tpu.memory_space<vmem_shared>>
      tpu.wait_indirect_dma semaphore(%run_scoped3A_87 : memref<!tpu.dma_semaphore, #tpu.memory_space<semaphore_mem>>) src(%dma_wait3A_97 : memref<48x72xf32, #tpu.memory_space<vmem>>) dst(%dma_wait3A_103 : memref<25024x72xf32, #tpu.memory_space<vmem_shared>>)
      tpu.yield
    }) : () -> ()
    %barrier3A_73 = arith.constant 0 : index
    tpu.barrier barrier_id(%barrier3A_73)
    %mul3A_74 = arith.constant 25024 : i32
    %mul3A_75 = arith.muli %arg0, %mul3A_74 : i32
    %add3A_76 = arith.addi %mul3A_75, %mul3A_2 : i32
    %scan3A_77 = arith.constant 0 : i32
    %scan3A_78 = arith.constant 0 : i32
    %scan3A_79 = arith.constant 6 : i32
    %scan3A_80 = arith.addi %scan3A_78, %scan3A_79 : i32
    %scan3A_81 = arith.constant 1 : i32
    scf.for %scan3A_87 = %scan3A_78 to %scan3A_80 step %scan3A_81  : i32 {
      %mul3A_88 = arith.constant 224 : i32
      %mul3A_89 = arith.muli %scan3A_87, %mul3A_88 : i32
      %add3A_90 = arith.addi %mul3A_2, %mul3A_89 : i32
      %mul3A_91 = arith.constant 224 : i32
      %mul3A_92 = arith.muli %scan3A_87, %mul3A_91 : i32
      %add3A_93 = arith.addi %add3A_76, %mul3A_92 : i32
      "tpu.region"() ({
        %run_scoped3A_94 = tpu.sem_alloc : memref<!tpu.dma_semaphore, #tpu.memory_space<semaphore_mem>>
        %dma_start3A = arith.constant 0 : i32
        %dma_start3A_95 = tpu.memref_slice %arg5[%add3A_93, %dma_start3A] : memref<50048x72xf32, #tpu.memory_space<hbm>> -> memref<224x72xf32, #tpu.memory_space<hbm>>
        %dma_start3A_96 = arith.constant 0 : i32
        %dma_start3A_97 = tpu.memref_slice %arg6[%add3A_90, %dma_start3A_96] : memref<25024x72xf32, #tpu.memory_space<vmem_shared>> -> memref<224x72xf32, #tpu.memory_space<vmem_shared>>
        tpu.enqueue_dma source(%dma_start3A_97 : memref<224x72xf32, #tpu.memory_space<vmem_shared>>) target(%dma_start3A_95 : memref<224x72xf32, #tpu.memory_space<hbm>>) target_semaphore(%run_scoped3A_94 : memref<!tpu.dma_semaphore, #tpu.memory_space<semaphore_mem>>)
        %dma_wait3A = arith.constant 0 : i32
        %dma_wait3A_98 = tpu.memref_slice %arg5[%add3A_93, %dma_wait3A] : memref<50048x72xf32, #tpu.memory_space<hbm>> -> memref<224x72xf32, #tpu.memory_space<hbm>>
        %dma_wait3A_99 = arith.constant 0 : i32
        %dma_wait3A_100 = tpu.memref_slice %arg6[%add3A_90, %dma_wait3A_99] : memref<25024x72xf32, #tpu.memory_space<vmem_shared>> -> memref<224x72xf32, #tpu.memory_space<vmem_shared>>
        tpu.wait_dma2 semaphore(%run_scoped3A_94 : memref<!tpu.dma_semaphore, #tpu.memory_space<semaphore_mem>>) src(%dma_wait3A_100 : memref<224x72xf32, #tpu.memory_space<vmem_shared>>) dst(%dma_wait3A_98 : memref<224x72xf32, #tpu.memory_space<hbm>>)
        tpu.yield
      }) : () -> ()
    }
    %scan3A_82 = arith.constant 6 : i32
    %add3A_83 = arith.constant 1344 : i32
    %add3A_84 = arith.addi %mul3A_2, %add3A_83 : i32
    %add3A_85 = arith.constant 1344 : i32
    %add3A_86 = arith.addi %add3A_76, %add3A_85 : i32
    "tpu.region"() ({
      %run_scoped3A_87 = tpu.sem_alloc : memref<!tpu.dma_semaphore, #tpu.memory_space<semaphore_mem>>
      %dma_start3A = arith.constant 0 : i32
      %dma_start3A_88 = tpu.memref_slice %arg5[%add3A_86, %dma_start3A] : memref<50048x72xf32, #tpu.memory_space<hbm>> -> memref<220x72xf32, #tpu.memory_space<hbm>>
      %dma_start3A_89 = arith.constant 0 : i32
      %dma_start3A_90 = tpu.memref_slice %arg6[%add3A_84, %dma_start3A_89] : memref<25024x72xf32, #tpu.memory_space<vmem_shared>> -> memref<220x72xf32, #tpu.memory_space<vmem_shared>>
      tpu.enqueue_dma source(%dma_start3A_90 : memref<220x72xf32, #tpu.memory_space<vmem_shared>>) target(%dma_start3A_88 : memref<220x72xf32, #tpu.memory_space<hbm>>) target_semaphore(%run_scoped3A_87 : memref<!tpu.dma_semaphore, #tpu.memory_space<semaphore_mem>>)
      %dma_wait3A = arith.constant 0 : i32
      %dma_wait3A_91 = tpu.memref_slice %arg5[%add3A_86, %dma_wait3A] : memref<50048x72xf32, #tpu.memory_space<hbm>> -> memref<220x72xf32, #tpu.memory_space<hbm>>
      %dma_wait3A_92 = arith.constant 0 : i32
      %dma_wait3A_93 = tpu.memref_slice %arg6[%add3A_84, %dma_wait3A_92] : memref<25024x72xf32, #tpu.memory_space<vmem_shared>> -> memref<220x72xf32, #tpu.memory_space<vmem_shared>>
      tpu.wait_dma2 semaphore(%run_scoped3A_87 : memref<!tpu.dma_semaphore, #tpu.memory_space<semaphore_mem>>) src(%dma_wait3A_93 : memref<220x72xf32, #tpu.memory_space<vmem_shared>>) dst(%dma_wait3A_91 : memref<220x72xf32, #tpu.memory_space<hbm>>)
      tpu.yield
    }) : () -> ()
    return
  }
}

#map = affine_map<(d0, d1) -> (0, 0)>
#map1 = affine_map<(d0, d1) -> (0)>
module attributes {stable_mosaic.version = 14 : i64} {
  func.func @gather_k(%arg0: i32, %arg1: i32, %arg2: memref<50000x64xf32, #tpu.memory_space<hbm>>, %arg3: memref<800000xi32, #tpu.memory_space<hbm>>, %arg4: memref<800000x64xf32, #tpu.memory_space<hbm>>, %arg5: memref<640xi32, #tpu.memory_space<vmem>>, %arg6: memref<640x64xf32, #tpu.memory_space<vmem>>, %arg7: memref<!tpu.dma_semaphore, #tpu.memory_space<semaphore_mem>>) attributes {dimension_semantics = [#tpu.dimension_semantics<core_parallel>, #tpu.dimension_semantics<subcore_parallel>], iteration_bounds = array<i64: 2, 16>, scalar_prefetch = 0 : i64, scratch_operands = 3 : i64, tpu.core_type = #tpu.core_type<sc_vector_subcore>, window_params = [{transform_indices = #map}, {transform_indices = #map1}, {transform_indices = #map}]} {
    %mul3A = arith.constant 2 : i32
    %mul3A_0 = arith.muli %arg1, %mul3A : i32
    %add3A = arith.addi %mul3A_0, %arg0 : i32
    %mul3A_1 = arith.constant 25000 : i32
    %mul3A_2 = arith.muli %add3A, %mul3A_1 : i32
    %scan3A = arith.constant 0 : i32
    %scan3A_3 = arith.constant 0 : i32
    %scan3A_4 = arith.constant 39 : i32
    %scan3A_5 = arith.addi %scan3A_3, %scan3A_4 : i32
    %scan3A_6 = arith.constant 1 : i32
    scf.for %scan3A_24 = %scan3A_3 to %scan3A_5 step %scan3A_6  : i32 {
      %mul3A_25 = arith.constant 640 : i32
      %mul3A_26 = arith.muli %scan3A_24, %mul3A_25 : i32
      %add3A_27 = arith.addi %mul3A_2, %mul3A_26 : i32
      "tpu.region"() ({
        %run_scoped3A = tpu.sem_alloc : memref<!tpu.dma_semaphore, #tpu.memory_space<semaphore_mem>>
        %dma_start3A_284 = tpu.memref_slice %arg3[%add3A_27] : memref<800000xi32, #tpu.memory_space<hbm>> -> memref<640xi32, #tpu.memory_space<hbm>>
        %dma_start3A_285 = tpu.memref_slice %arg3[%add3A_27] : memref<800000xi32, #tpu.memory_space<hbm>> -> memref<640xi32, #tpu.memory_space<hbm>>
        tpu.enqueue_dma source(%dma_start3A_285 : memref<640xi32, #tpu.memory_space<hbm>>) target(%arg5 : memref<640xi32, #tpu.memory_space<vmem>>) target_semaphore(%run_scoped3A : memref<!tpu.dma_semaphore, #tpu.memory_space<semaphore_mem>>)
        %dma_wait3A_286 = tpu.memref_slice %arg3[%add3A_27] : memref<800000xi32, #tpu.memory_space<hbm>> -> memref<640xi32, #tpu.memory_space<hbm>>
        %dma_wait3A_287 = tpu.memref_slice %arg3[%add3A_27] : memref<800000xi32, #tpu.memory_space<hbm>> -> memref<640xi32, #tpu.memory_space<hbm>>
        tpu.wait_dma2 semaphore(%run_scoped3A : memref<!tpu.dma_semaphore, #tpu.memory_space<semaphore_mem>>) src(%dma_wait3A_287 : memref<640xi32, #tpu.memory_space<hbm>>) dst(%arg5 : memref<640xi32, #tpu.memory_space<vmem>>)
        tpu.yield
      }) : () -> ()
      %dma_start3A_28 = arith.constant 0 : i32
      %dma_start3A_29 = arith.constant 0 : i32
      %dma_start3A_30 = tpu.memref_slice %arg6[%dma_start3A_28, %dma_start3A_29] : memref<640x64xf32, #tpu.memory_space<vmem>> -> memref<40x64xf32, #tpu.memory_space<vmem>>
      %dma_start3A_31 = arith.constant 0 : i32
      %dma_start3A_32 = tpu.memref_slice %arg5[%dma_start3A_31] : memref<640xi32, #tpu.memory_space<vmem>> -> memref<40xi32, #tpu.memory_space<vmem>>
      %dma_start3A_33 = arith.constant 0 : i32
      %dma_start3A_34 = arith.constant 0 : i32
      %dma_start3A_35 = tpu.memref_slice %arg2[%dma_start3A_33, %dma_start3A_34] : memref<50000x64xf32, #tpu.memory_space<hbm>> -> memref<50000x64xf32, #tpu.memory_space<hbm>>
      tpu.enqueue_indirect_dma source(%dma_start3A_35 : memref<50000x64xf32, #tpu.memory_space<hbm>>) target(%dma_start3A_30 : memref<40x64xf32, #tpu.memory_space<vmem>>) offsets(%dma_start3A_32 : memref<40xi32, #tpu.memory_space<vmem>>) semaphore(%arg7 : memref<!tpu.dma_semaphore, #tpu.memory_space<semaphore_mem>>)
      %dma_start3A_36 = arith.constant 40 : i32
      %dma_start3A_37 = arith.constant 0 : i32
      %dma_start3A_38 = tpu.memref_slice %arg6[%dma_start3A_36, %dma_start3A_37] : memref<640x64xf32, #tpu.memory_space<vmem>> -> memref<40x64xf32, #tpu.memory_space<vmem>>
      %dma_start3A_39 = arith.constant 40 : i32
      %dma_start3A_40 = tpu.memref_slice %arg5[%dma_start3A_39] : memref<640xi32, #tpu.memory_space<vmem>> -> memref<40xi32, #tpu.memory_space<vmem>>
      %dma_start3A_41 = arith.constant 0 : i32
      %dma_start3A_42 = arith.constant 0 : i32
      %dma_start3A_43 = tpu.memref_slice %arg2[%dma_start3A_41, %dma_start3A_42] : memref<50000x64xf32, #tpu.memory_space<hbm>> -> memref<50000x64xf32, #tpu.memory_space<hbm>>
      tpu.enqueue_indirect_dma source(%dma_start3A_43 : memref<50000x64xf32, #tpu.memory_space<hbm>>) target(%dma_start3A_38 : memref<40x64xf32, #tpu.memory_space<vmem>>) offsets(%dma_start3A_40 : memref<40xi32, #tpu.memory_space<vmem>>) semaphore(%arg7 : memref<!tpu.dma_semaphore, #tpu.memory_space<semaphore_mem>>)
      %dma_start3A_44 = arith.constant 80 : i32
      %dma_start3A_45 = arith.constant 0 : i32
      %dma_start3A_46 = tpu.memref_slice %arg6[%dma_start3A_44, %dma_start3A_45] : memref<640x64xf32, #tpu.memory_space<vmem>> -> memref<40x64xf32, #tpu.memory_space<vmem>>
      %dma_start3A_47 = arith.constant 80 : i32
      %dma_start3A_48 = tpu.memref_slice %arg5[%dma_start3A_47] : memref<640xi32, #tpu.memory_space<vmem>> -> memref<40xi32, #tpu.memory_space<vmem>>
      %dma_start3A_49 = arith.constant 0 : i32
      %dma_start3A_50 = arith.constant 0 : i32
      %dma_start3A_51 = tpu.memref_slice %arg2[%dma_start3A_49, %dma_start3A_50] : memref<50000x64xf32, #tpu.memory_space<hbm>> -> memref<50000x64xf32, #tpu.memory_space<hbm>>
      tpu.enqueue_indirect_dma source(%dma_start3A_51 : memref<50000x64xf32, #tpu.memory_space<hbm>>) target(%dma_start3A_46 : memref<40x64xf32, #tpu.memory_space<vmem>>) offsets(%dma_start3A_48 : memref<40xi32, #tpu.memory_space<vmem>>) semaphore(%arg7 : memref<!tpu.dma_semaphore, #tpu.memory_space<semaphore_mem>>)
      %dma_start3A_52 = arith.constant 120 : i32
      %dma_start3A_53 = arith.constant 0 : i32
      %dma_start3A_54 = tpu.memref_slice %arg6[%dma_start3A_52, %dma_start3A_53] : memref<640x64xf32, #tpu.memory_space<vmem>> -> memref<40x64xf32, #tpu.memory_space<vmem>>
      %dma_start3A_55 = arith.constant 120 : i32
      %dma_start3A_56 = tpu.memref_slice %arg5[%dma_start3A_55] : memref<640xi32, #tpu.memory_space<vmem>> -> memref<40xi32, #tpu.memory_space<vmem>>
      %dma_start3A_57 = arith.constant 0 : i32
      %dma_start3A_58 = arith.constant 0 : i32
      %dma_start3A_59 = tpu.memref_slice %arg2[%dma_start3A_57, %dma_start3A_58] : memref<50000x64xf32, #tpu.memory_space<hbm>> -> memref<50000x64xf32, #tpu.memory_space<hbm>>
      tpu.enqueue_indirect_dma source(%dma_start3A_59 : memref<50000x64xf32, #tpu.memory_space<hbm>>) target(%dma_start3A_54 : memref<40x64xf32, #tpu.memory_space<vmem>>) offsets(%dma_start3A_56 : memref<40xi32, #tpu.memory_space<vmem>>) semaphore(%arg7 : memref<!tpu.dma_semaphore, #tpu.memory_space<semaphore_mem>>)
      %dma_start3A_60 = arith.constant 160 : i32
      %dma_start3A_61 = arith.constant 0 : i32
      %dma_start3A_62 = tpu.memref_slice %arg6[%dma_start3A_60, %dma_start3A_61] : memref<640x64xf32, #tpu.memory_space<vmem>> -> memref<40x64xf32, #tpu.memory_space<vmem>>
      %dma_start3A_63 = arith.constant 160 : i32
      %dma_start3A_64 = tpu.memref_slice %arg5[%dma_start3A_63] : memref<640xi32, #tpu.memory_space<vmem>> -> memref<40xi32, #tpu.memory_space<vmem>>
      %dma_start3A_65 = arith.constant 0 : i32
      %dma_start3A_66 = arith.constant 0 : i32
      %dma_start3A_67 = tpu.memref_slice %arg2[%dma_start3A_65, %dma_start3A_66] : memref<50000x64xf32, #tpu.memory_space<hbm>> -> memref<50000x64xf32, #tpu.memory_space<hbm>>
      tpu.enqueue_indirect_dma source(%dma_start3A_67 : memref<50000x64xf32, #tpu.memory_space<hbm>>) target(%dma_start3A_62 : memref<40x64xf32, #tpu.memory_space<vmem>>) offsets(%dma_start3A_64 : memref<40xi32, #tpu.memory_space<vmem>>) semaphore(%arg7 : memref<!tpu.dma_semaphore, #tpu.memory_space<semaphore_mem>>)
      %dma_start3A_68 = arith.constant 200 : i32
      %dma_start3A_69 = arith.constant 0 : i32
      %dma_start3A_70 = tpu.memref_slice %arg6[%dma_start3A_68, %dma_start3A_69] : memref<640x64xf32, #tpu.memory_space<vmem>> -> memref<40x64xf32, #tpu.memory_space<vmem>>
      %dma_start3A_71 = arith.constant 200 : i32
      %dma_start3A_72 = tpu.memref_slice %arg5[%dma_start3A_71] : memref<640xi32, #tpu.memory_space<vmem>> -> memref<40xi32, #tpu.memory_space<vmem>>
      %dma_start3A_73 = arith.constant 0 : i32
      %dma_start3A_74 = arith.constant 0 : i32
      %dma_start3A_75 = tpu.memref_slice %arg2[%dma_start3A_73, %dma_start3A_74] : memref<50000x64xf32, #tpu.memory_space<hbm>> -> memref<50000x64xf32, #tpu.memory_space<hbm>>
      tpu.enqueue_indirect_dma source(%dma_start3A_75 : memref<50000x64xf32, #tpu.memory_space<hbm>>) target(%dma_start3A_70 : memref<40x64xf32, #tpu.memory_space<vmem>>) offsets(%dma_start3A_72 : memref<40xi32, #tpu.memory_space<vmem>>) semaphore(%arg7 : memref<!tpu.dma_semaphore, #tpu.memory_space<semaphore_mem>>)
      %dma_start3A_76 = arith.constant 240 : i32
      %dma_start3A_77 = arith.constant 0 : i32
      %dma_start3A_78 = tpu.memref_slice %arg6[%dma_start3A_76, %dma_start3A_77] : memref<640x64xf32, #tpu.memory_space<vmem>> -> memref<40x64xf32, #tpu.memory_space<vmem>>
      %dma_start3A_79 = arith.constant 240 : i32
      %dma_start3A_80 = tpu.memref_slice %arg5[%dma_start3A_79] : memref<640xi32, #tpu.memory_space<vmem>> -> memref<40xi32, #tpu.memory_space<vmem>>
      %dma_start3A_81 = arith.constant 0 : i32
      %dma_start3A_82 = arith.constant 0 : i32
      %dma_start3A_83 = tpu.memref_slice %arg2[%dma_start3A_81, %dma_start3A_82] : memref<50000x64xf32, #tpu.memory_space<hbm>> -> memref<50000x64xf32, #tpu.memory_space<hbm>>
      tpu.enqueue_indirect_dma source(%dma_start3A_83 : memref<50000x64xf32, #tpu.memory_space<hbm>>) target(%dma_start3A_78 : memref<40x64xf32, #tpu.memory_space<vmem>>) offsets(%dma_start3A_80 : memref<40xi32, #tpu.memory_space<vmem>>) semaphore(%arg7 : memref<!tpu.dma_semaphore, #tpu.memory_space<semaphore_mem>>)
      %dma_start3A_84 = arith.constant 280 : i32
      %dma_start3A_85 = arith.constant 0 : i32
      %dma_start3A_86 = tpu.memref_slice %arg6[%dma_start3A_84, %dma_start3A_85] : memref<640x64xf32, #tpu.memory_space<vmem>> -> memref<40x64xf32, #tpu.memory_space<vmem>>
      %dma_start3A_87 = arith.constant 280 : i32
      %dma_start3A_88 = tpu.memref_slice %arg5[%dma_start3A_87] : memref<640xi32, #tpu.memory_space<vmem>> -> memref<40xi32, #tpu.memory_space<vmem>>
      %dma_start3A_89 = arith.constant 0 : i32
      %dma_start3A_90 = arith.constant 0 : i32
      %dma_start3A_91 = tpu.memref_slice %arg2[%dma_start3A_89, %dma_start3A_90] : memref<50000x64xf32, #tpu.memory_space<hbm>> -> memref<50000x64xf32, #tpu.memory_space<hbm>>
      tpu.enqueue_indirect_dma source(%dma_start3A_91 : memref<50000x64xf32, #tpu.memory_space<hbm>>) target(%dma_start3A_86 : memref<40x64xf32, #tpu.memory_space<vmem>>) offsets(%dma_start3A_88 : memref<40xi32, #tpu.memory_space<vmem>>) semaphore(%arg7 : memref<!tpu.dma_semaphore, #tpu.memory_space<semaphore_mem>>)
      %dma_start3A_92 = arith.constant 320 : i32
      %dma_start3A_93 = arith.constant 0 : i32
      %dma_start3A_94 = tpu.memref_slice %arg6[%dma_start3A_92, %dma_start3A_93] : memref<640x64xf32, #tpu.memory_space<vmem>> -> memref<40x64xf32, #tpu.memory_space<vmem>>
      %dma_start3A_95 = arith.constant 320 : i32
      %dma_start3A_96 = tpu.memref_slice %arg5[%dma_start3A_95] : memref<640xi32, #tpu.memory_space<vmem>> -> memref<40xi32, #tpu.memory_space<vmem>>
      %dma_start3A_97 = arith.constant 0 : i32
      %dma_start3A_98 = arith.constant 0 : i32
      %dma_start3A_99 = tpu.memref_slice %arg2[%dma_start3A_97, %dma_start3A_98] : memref<50000x64xf32, #tpu.memory_space<hbm>> -> memref<50000x64xf32, #tpu.memory_space<hbm>>
      tpu.enqueue_indirect_dma source(%dma_start3A_99 : memref<50000x64xf32, #tpu.memory_space<hbm>>) target(%dma_start3A_94 : memref<40x64xf32, #tpu.memory_space<vmem>>) offsets(%dma_start3A_96 : memref<40xi32, #tpu.memory_space<vmem>>) semaphore(%arg7 : memref<!tpu.dma_semaphore, #tpu.memory_space<semaphore_mem>>)
      %dma_start3A_100 = arith.constant 360 : i32
      %dma_start3A_101 = arith.constant 0 : i32
      %dma_start3A_102 = tpu.memref_slice %arg6[%dma_start3A_100, %dma_start3A_101] : memref<640x64xf32, #tpu.memory_space<vmem>> -> memref<40x64xf32, #tpu.memory_space<vmem>>
      %dma_start3A_103 = arith.constant 360 : i32
      %dma_start3A_104 = tpu.memref_slice %arg5[%dma_start3A_103] : memref<640xi32, #tpu.memory_space<vmem>> -> memref<40xi32, #tpu.memory_space<vmem>>
      %dma_start3A_105 = arith.constant 0 : i32
      %dma_start3A_106 = arith.constant 0 : i32
      %dma_start3A_107 = tpu.memref_slice %arg2[%dma_start3A_105, %dma_start3A_106] : memref<50000x64xf32, #tpu.memory_space<hbm>> -> memref<50000x64xf32, #tpu.memory_space<hbm>>
      tpu.enqueue_indirect_dma source(%dma_start3A_107 : memref<50000x64xf32, #tpu.memory_space<hbm>>) target(%dma_start3A_102 : memref<40x64xf32, #tpu.memory_space<vmem>>) offsets(%dma_start3A_104 : memref<40xi32, #tpu.memory_space<vmem>>) semaphore(%arg7 : memref<!tpu.dma_semaphore, #tpu.memory_space<semaphore_mem>>)
      %dma_start3A_108 = arith.constant 400 : i32
      %dma_start3A_109 = arith.constant 0 : i32
      %dma_start3A_110 = tpu.memref_slice %arg6[%dma_start3A_108, %dma_start3A_109] : memref<640x64xf32, #tpu.memory_space<vmem>> -> memref<40x64xf32, #tpu.memory_space<vmem>>
      %dma_start3A_111 = arith.constant 400 : i32
      %dma_start3A_112 = tpu.memref_slice %arg5[%dma_start3A_111] : memref<640xi32, #tpu.memory_space<vmem>> -> memref<40xi32, #tpu.memory_space<vmem>>
      %dma_start3A_113 = arith.constant 0 : i32
      %dma_start3A_114 = arith.constant 0 : i32
      %dma_start3A_115 = tpu.memref_slice %arg2[%dma_start3A_113, %dma_start3A_114] : memref<50000x64xf32, #tpu.memory_space<hbm>> -> memref<50000x64xf32, #tpu.memory_space<hbm>>
      tpu.enqueue_indirect_dma source(%dma_start3A_115 : memref<50000x64xf32, #tpu.memory_space<hbm>>) target(%dma_start3A_110 : memref<40x64xf32, #tpu.memory_space<vmem>>) offsets(%dma_start3A_112 : memref<40xi32, #tpu.memory_space<vmem>>) semaphore(%arg7 : memref<!tpu.dma_semaphore, #tpu.memory_space<semaphore_mem>>)
      %dma_start3A_116 = arith.constant 440 : i32
      %dma_start3A_117 = arith.constant 0 : i32
      %dma_start3A_118 = tpu.memref_slice %arg6[%dma_start3A_116, %dma_start3A_117] : memref<640x64xf32, #tpu.memory_space<vmem>> -> memref<40x64xf32, #tpu.memory_space<vmem>>
      %dma_start3A_119 = arith.constant 440 : i32
      %dma_start3A_120 = tpu.memref_slice %arg5[%dma_start3A_119] : memref<640xi32, #tpu.memory_space<vmem>> -> memref<40xi32, #tpu.memory_space<vmem>>
      %dma_start3A_121 = arith.constant 0 : i32
      %dma_start3A_122 = arith.constant 0 : i32
      %dma_start3A_123 = tpu.memref_slice %arg2[%dma_start3A_121, %dma_start3A_122] : memref<50000x64xf32, #tpu.memory_space<hbm>> -> memref<50000x64xf32, #tpu.memory_space<hbm>>
      tpu.enqueue_indirect_dma source(%dma_start3A_123 : memref<50000x64xf32, #tpu.memory_space<hbm>>) target(%dma_start3A_118 : memref<40x64xf32, #tpu.memory_space<vmem>>) offsets(%dma_start3A_120 : memref<40xi32, #tpu.memory_space<vmem>>) semaphore(%arg7 : memref<!tpu.dma_semaphore, #tpu.memory_space<semaphore_mem>>)
      %dma_start3A_124 = arith.constant 480 : i32
      %dma_start3A_125 = arith.constant 0 : i32
      %dma_start3A_126 = tpu.memref_slice %arg6[%dma_start3A_124, %dma_start3A_125] : memref<640x64xf32, #tpu.memory_space<vmem>> -> memref<40x64xf32, #tpu.memory_space<vmem>>
      %dma_start3A_127 = arith.constant 480 : i32
      %dma_start3A_128 = tpu.memref_slice %arg5[%dma_start3A_127] : memref<640xi32, #tpu.memory_space<vmem>> -> memref<40xi32, #tpu.memory_space<vmem>>
      %dma_start3A_129 = arith.constant 0 : i32
      %dma_start3A_130 = arith.constant 0 : i32
      %dma_start3A_131 = tpu.memref_slice %arg2[%dma_start3A_129, %dma_start3A_130] : memref<50000x64xf32, #tpu.memory_space<hbm>> -> memref<50000x64xf32, #tpu.memory_space<hbm>>
      tpu.enqueue_indirect_dma source(%dma_start3A_131 : memref<50000x64xf32, #tpu.memory_space<hbm>>) target(%dma_start3A_126 : memref<40x64xf32, #tpu.memory_space<vmem>>) offsets(%dma_start3A_128 : memref<40xi32, #tpu.memory_space<vmem>>) semaphore(%arg7 : memref<!tpu.dma_semaphore, #tpu.memory_space<semaphore_mem>>)
      %dma_start3A_132 = arith.constant 520 : i32
      %dma_start3A_133 = arith.constant 0 : i32
      %dma_start3A_134 = tpu.memref_slice %arg6[%dma_start3A_132, %dma_start3A_133] : memref<640x64xf32, #tpu.memory_space<vmem>> -> memref<40x64xf32, #tpu.memory_space<vmem>>
      %dma_start3A_135 = arith.constant 520 : i32
      %dma_start3A_136 = tpu.memref_slice %arg5[%dma_start3A_135] : memref<640xi32, #tpu.memory_space<vmem>> -> memref<40xi32, #tpu.memory_space<vmem>>
      %dma_start3A_137 = arith.constant 0 : i32
      %dma_start3A_138 = arith.constant 0 : i32
      %dma_start3A_139 = tpu.memref_slice %arg2[%dma_start3A_137, %dma_start3A_138] : memref<50000x64xf32, #tpu.memory_space<hbm>> -> memref<50000x64xf32, #tpu.memory_space<hbm>>
      tpu.enqueue_indirect_dma source(%dma_start3A_139 : memref<50000x64xf32, #tpu.memory_space<hbm>>) target(%dma_start3A_134 : memref<40x64xf32, #tpu.memory_space<vmem>>) offsets(%dma_start3A_136 : memref<40xi32, #tpu.memory_space<vmem>>) semaphore(%arg7 : memref<!tpu.dma_semaphore, #tpu.memory_space<semaphore_mem>>)
      %dma_start3A_140 = arith.constant 560 : i32
      %dma_start3A_141 = arith.constant 0 : i32
      %dma_start3A_142 = tpu.memref_slice %arg6[%dma_start3A_140, %dma_start3A_141] : memref<640x64xf32, #tpu.memory_space<vmem>> -> memref<40x64xf32, #tpu.memory_space<vmem>>
      %dma_start3A_143 = arith.constant 560 : i32
      %dma_start3A_144 = tpu.memref_slice %arg5[%dma_start3A_143] : memref<640xi32, #tpu.memory_space<vmem>> -> memref<40xi32, #tpu.memory_space<vmem>>
      %dma_start3A_145 = arith.constant 0 : i32
      %dma_start3A_146 = arith.constant 0 : i32
      %dma_start3A_147 = tpu.memref_slice %arg2[%dma_start3A_145, %dma_start3A_146] : memref<50000x64xf32, #tpu.memory_space<hbm>> -> memref<50000x64xf32, #tpu.memory_space<hbm>>
      tpu.enqueue_indirect_dma source(%dma_start3A_147 : memref<50000x64xf32, #tpu.memory_space<hbm>>) target(%dma_start3A_142 : memref<40x64xf32, #tpu.memory_space<vmem>>) offsets(%dma_start3A_144 : memref<40xi32, #tpu.memory_space<vmem>>) semaphore(%arg7 : memref<!tpu.dma_semaphore, #tpu.memory_space<semaphore_mem>>)
      %dma_start3A_148 = arith.constant 600 : i32
      %dma_start3A_149 = arith.constant 0 : i32
      %dma_start3A_150 = tpu.memref_slice %arg6[%dma_start3A_148, %dma_start3A_149] : memref<640x64xf32, #tpu.memory_space<vmem>> -> memref<40x64xf32, #tpu.memory_space<vmem>>
      %dma_start3A_151 = arith.constant 600 : i32
      %dma_start3A_152 = tpu.memref_slice %arg5[%dma_start3A_151] : memref<640xi32, #tpu.memory_space<vmem>> -> memref<40xi32, #tpu.memory_space<vmem>>
      %dma_start3A_153 = arith.constant 0 : i32
      %dma_start3A_154 = arith.constant 0 : i32
      %dma_start3A_155 = tpu.memref_slice %arg2[%dma_start3A_153, %dma_start3A_154] : memref<50000x64xf32, #tpu.memory_space<hbm>> -> memref<50000x64xf32, #tpu.memory_space<hbm>>
      tpu.enqueue_indirect_dma source(%dma_start3A_155 : memref<50000x64xf32, #tpu.memory_space<hbm>>) target(%dma_start3A_150 : memref<40x64xf32, #tpu.memory_space<vmem>>) offsets(%dma_start3A_152 : memref<40xi32, #tpu.memory_space<vmem>>) semaphore(%arg7 : memref<!tpu.dma_semaphore, #tpu.memory_space<semaphore_mem>>)
      %dma_wait3A_156 = arith.constant 0 : i32
      %dma_wait3A_157 = arith.constant 0 : i32
      %dma_wait3A_158 = tpu.memref_slice %arg6[%dma_wait3A_156, %dma_wait3A_157] : memref<640x64xf32, #tpu.memory_space<vmem>> -> memref<40x64xf32, #tpu.memory_space<vmem>>
      %dma_wait3A_159 = arith.constant 0 : i32
      %dma_wait3A_160 = tpu.memref_slice %arg5[%dma_wait3A_159] : memref<640xi32, #tpu.memory_space<vmem>> -> memref<40xi32, #tpu.memory_space<vmem>>
      %dma_wait3A_161 = arith.constant 0 : i32
      %dma_wait3A_162 = arith.constant 0 : i32
      %dma_wait3A_163 = tpu.memref_slice %arg2[%dma_wait3A_161, %dma_wait3A_162] : memref<50000x64xf32, #tpu.memory_space<hbm>> -> memref<50000x64xf32, #tpu.memory_space<hbm>>
      tpu.wait_indirect_dma semaphore(%arg7 : memref<!tpu.dma_semaphore, #tpu.memory_space<semaphore_mem>>) src(%dma_wait3A_163 : memref<50000x64xf32, #tpu.memory_space<hbm>>) dst(%dma_wait3A_158 : memref<40x64xf32, #tpu.memory_space<vmem>>)
      %dma_wait3A_164 = arith.constant 40 : i32
      %dma_wait3A_165 = arith.constant 0 : i32
      %dma_wait3A_166 = tpu.memref_slice %arg6[%dma_wait3A_164, %dma_wait3A_165] : memref<640x64xf32, #tpu.memory_space<vmem>> -> memref<40x64xf32, #tpu.memory_space<vmem>>
      %dma_wait3A_167 = arith.constant 40 : i32
      %dma_wait3A_168 = tpu.memref_slice %arg5[%dma_wait3A_167] : memref<640xi32, #tpu.memory_space<vmem>> -> memref<40xi32, #tpu.memory_space<vmem>>
      %dma_wait3A_169 = arith.constant 0 : i32
      %dma_wait3A_170 = arith.constant 0 : i32
      %dma_wait3A_171 = tpu.memref_slice %arg2[%dma_wait3A_169, %dma_wait3A_170] : memref<50000x64xf32, #tpu.memory_space<hbm>> -> memref<50000x64xf32, #tpu.memory_space<hbm>>
      tpu.wait_indirect_dma semaphore(%arg7 : memref<!tpu.dma_semaphore, #tpu.memory_space<semaphore_mem>>) src(%dma_wait3A_171 : memref<50000x64xf32, #tpu.memory_space<hbm>>) dst(%dma_wait3A_166 : memref<40x64xf32, #tpu.memory_space<vmem>>)
      %dma_wait3A_172 = arith.constant 80 : i32
      %dma_wait3A_173 = arith.constant 0 : i32
      %dma_wait3A_174 = tpu.memref_slice %arg6[%dma_wait3A_172, %dma_wait3A_173] : memref<640x64xf32, #tpu.memory_space<vmem>> -> memref<40x64xf32, #tpu.memory_space<vmem>>
      %dma_wait3A_175 = arith.constant 80 : i32
      %dma_wait3A_176 = tpu.memref_slice %arg5[%dma_wait3A_175] : memref<640xi32, #tpu.memory_space<vmem>> -> memref<40xi32, #tpu.memory_space<vmem>>
      %dma_wait3A_177 = arith.constant 0 : i32
      %dma_wait3A_178 = arith.constant 0 : i32
      %dma_wait3A_179 = tpu.memref_slice %arg2[%dma_wait3A_177, %dma_wait3A_178] : memref<50000x64xf32, #tpu.memory_space<hbm>> -> memref<50000x64xf32, #tpu.memory_space<hbm>>
      tpu.wait_indirect_dma semaphore(%arg7 : memref<!tpu.dma_semaphore, #tpu.memory_space<semaphore_mem>>) src(%dma_wait3A_179 : memref<50000x64xf32, #tpu.memory_space<hbm>>) dst(%dma_wait3A_174 : memref<40x64xf32, #tpu.memory_space<vmem>>)
      %dma_wait3A_180 = arith.constant 120 : i32
      %dma_wait3A_181 = arith.constant 0 : i32
      %dma_wait3A_182 = tpu.memref_slice %arg6[%dma_wait3A_180, %dma_wait3A_181] : memref<640x64xf32, #tpu.memory_space<vmem>> -> memref<40x64xf32, #tpu.memory_space<vmem>>
      %dma_wait3A_183 = arith.constant 120 : i32
      %dma_wait3A_184 = tpu.memref_slice %arg5[%dma_wait3A_183] : memref<640xi32, #tpu.memory_space<vmem>> -> memref<40xi32, #tpu.memory_space<vmem>>
      %dma_wait3A_185 = arith.constant 0 : i32
      %dma_wait3A_186 = arith.constant 0 : i32
      %dma_wait3A_187 = tpu.memref_slice %arg2[%dma_wait3A_185, %dma_wait3A_186] : memref<50000x64xf32, #tpu.memory_space<hbm>> -> memref<50000x64xf32, #tpu.memory_space<hbm>>
      tpu.wait_indirect_dma semaphore(%arg7 : memref<!tpu.dma_semaphore, #tpu.memory_space<semaphore_mem>>) src(%dma_wait3A_187 : memref<50000x64xf32, #tpu.memory_space<hbm>>) dst(%dma_wait3A_182 : memref<40x64xf32, #tpu.memory_space<vmem>>)
      %dma_wait3A_188 = arith.constant 160 : i32
      %dma_wait3A_189 = arith.constant 0 : i32
      %dma_wait3A_190 = tpu.memref_slice %arg6[%dma_wait3A_188, %dma_wait3A_189] : memref<640x64xf32, #tpu.memory_space<vmem>> -> memref<40x64xf32, #tpu.memory_space<vmem>>
      %dma_wait3A_191 = arith.constant 160 : i32
      %dma_wait3A_192 = tpu.memref_slice %arg5[%dma_wait3A_191] : memref<640xi32, #tpu.memory_space<vmem>> -> memref<40xi32, #tpu.memory_space<vmem>>
      %dma_wait3A_193 = arith.constant 0 : i32
      %dma_wait3A_194 = arith.constant 0 : i32
      %dma_wait3A_195 = tpu.memref_slice %arg2[%dma_wait3A_193, %dma_wait3A_194] : memref<50000x64xf32, #tpu.memory_space<hbm>> -> memref<50000x64xf32, #tpu.memory_space<hbm>>
      tpu.wait_indirect_dma semaphore(%arg7 : memref<!tpu.dma_semaphore, #tpu.memory_space<semaphore_mem>>) src(%dma_wait3A_195 : memref<50000x64xf32, #tpu.memory_space<hbm>>) dst(%dma_wait3A_190 : memref<40x64xf32, #tpu.memory_space<vmem>>)
      %dma_wait3A_196 = arith.constant 200 : i32
      %dma_wait3A_197 = arith.constant 0 : i32
      %dma_wait3A_198 = tpu.memref_slice %arg6[%dma_wait3A_196, %dma_wait3A_197] : memref<640x64xf32, #tpu.memory_space<vmem>> -> memref<40x64xf32, #tpu.memory_space<vmem>>
      %dma_wait3A_199 = arith.constant 200 : i32
      %dma_wait3A_200 = tpu.memref_slice %arg5[%dma_wait3A_199] : memref<640xi32, #tpu.memory_space<vmem>> -> memref<40xi32, #tpu.memory_space<vmem>>
      %dma_wait3A_201 = arith.constant 0 : i32
      %dma_wait3A_202 = arith.constant 0 : i32
      %dma_wait3A_203 = tpu.memref_slice %arg2[%dma_wait3A_201, %dma_wait3A_202] : memref<50000x64xf32, #tpu.memory_space<hbm>> -> memref<50000x64xf32, #tpu.memory_space<hbm>>
      tpu.wait_indirect_dma semaphore(%arg7 : memref<!tpu.dma_semaphore, #tpu.memory_space<semaphore_mem>>) src(%dma_wait3A_203 : memref<50000x64xf32, #tpu.memory_space<hbm>>) dst(%dma_wait3A_198 : memref<40x64xf32, #tpu.memory_space<vmem>>)
      %dma_wait3A_204 = arith.constant 240 : i32
      %dma_wait3A_205 = arith.constant 0 : i32
      %dma_wait3A_206 = tpu.memref_slice %arg6[%dma_wait3A_204, %dma_wait3A_205] : memref<640x64xf32, #tpu.memory_space<vmem>> -> memref<40x64xf32, #tpu.memory_space<vmem>>
      %dma_wait3A_207 = arith.constant 240 : i32
      %dma_wait3A_208 = tpu.memref_slice %arg5[%dma_wait3A_207] : memref<640xi32, #tpu.memory_space<vmem>> -> memref<40xi32, #tpu.memory_space<vmem>>
      %dma_wait3A_209 = arith.constant 0 : i32
      %dma_wait3A_210 = arith.constant 0 : i32
      %dma_wait3A_211 = tpu.memref_slice %arg2[%dma_wait3A_209, %dma_wait3A_210] : memref<50000x64xf32, #tpu.memory_space<hbm>> -> memref<50000x64xf32, #tpu.memory_space<hbm>>
      tpu.wait_indirect_dma semaphore(%arg7 : memref<!tpu.dma_semaphore, #tpu.memory_space<semaphore_mem>>) src(%dma_wait3A_211 : memref<50000x64xf32, #tpu.memory_space<hbm>>) dst(%dma_wait3A_206 : memref<40x64xf32, #tpu.memory_space<vmem>>)
      %dma_wait3A_212 = arith.constant 280 : i32
      %dma_wait3A_213 = arith.constant 0 : i32
      %dma_wait3A_214 = tpu.memref_slice %arg6[%dma_wait3A_212, %dma_wait3A_213] : memref<640x64xf32, #tpu.memory_space<vmem>> -> memref<40x64xf32, #tpu.memory_space<vmem>>
      %dma_wait3A_215 = arith.constant 280 : i32
      %dma_wait3A_216 = tpu.memref_slice %arg5[%dma_wait3A_215] : memref<640xi32, #tpu.memory_space<vmem>> -> memref<40xi32, #tpu.memory_space<vmem>>
      %dma_wait3A_217 = arith.constant 0 : i32
      %dma_wait3A_218 = arith.constant 0 : i32
      %dma_wait3A_219 = tpu.memref_slice %arg2[%dma_wait3A_217, %dma_wait3A_218] : memref<50000x64xf32, #tpu.memory_space<hbm>> -> memref<50000x64xf32, #tpu.memory_space<hbm>>
      tpu.wait_indirect_dma semaphore(%arg7 : memref<!tpu.dma_semaphore, #tpu.memory_space<semaphore_mem>>) src(%dma_wait3A_219 : memref<50000x64xf32, #tpu.memory_space<hbm>>) dst(%dma_wait3A_214 : memref<40x64xf32, #tpu.memory_space<vmem>>)
      %dma_wait3A_220 = arith.constant 320 : i32
      %dma_wait3A_221 = arith.constant 0 : i32
      %dma_wait3A_222 = tpu.memref_slice %arg6[%dma_wait3A_220, %dma_wait3A_221] : memref<640x64xf32, #tpu.memory_space<vmem>> -> memref<40x64xf32, #tpu.memory_space<vmem>>
      %dma_wait3A_223 = arith.constant 320 : i32
      %dma_wait3A_224 = tpu.memref_slice %arg5[%dma_wait3A_223] : memref<640xi32, #tpu.memory_space<vmem>> -> memref<40xi32, #tpu.memory_space<vmem>>
      %dma_wait3A_225 = arith.constant 0 : i32
      %dma_wait3A_226 = arith.constant 0 : i32
      %dma_wait3A_227 = tpu.memref_slice %arg2[%dma_wait3A_225, %dma_wait3A_226] : memref<50000x64xf32, #tpu.memory_space<hbm>> -> memref<50000x64xf32, #tpu.memory_space<hbm>>
      tpu.wait_indirect_dma semaphore(%arg7 : memref<!tpu.dma_semaphore, #tpu.memory_space<semaphore_mem>>) src(%dma_wait3A_227 : memref<50000x64xf32, #tpu.memory_space<hbm>>) dst(%dma_wait3A_222 : memref<40x64xf32, #tpu.memory_space<vmem>>)
      %dma_wait3A_228 = arith.constant 360 : i32
      %dma_wait3A_229 = arith.constant 0 : i32
      %dma_wait3A_230 = tpu.memref_slice %arg6[%dma_wait3A_228, %dma_wait3A_229] : memref<640x64xf32, #tpu.memory_space<vmem>> -> memref<40x64xf32, #tpu.memory_space<vmem>>
      %dma_wait3A_231 = arith.constant 360 : i32
      %dma_wait3A_232 = tpu.memref_slice %arg5[%dma_wait3A_231] : memref<640xi32, #tpu.memory_space<vmem>> -> memref<40xi32, #tpu.memory_space<vmem>>
      %dma_wait3A_233 = arith.constant 0 : i32
      %dma_wait3A_234 = arith.constant 0 : i32
      %dma_wait3A_235 = tpu.memref_slice %arg2[%dma_wait3A_233, %dma_wait3A_234] : memref<50000x64xf32, #tpu.memory_space<hbm>> -> memref<50000x64xf32, #tpu.memory_space<hbm>>
      tpu.wait_indirect_dma semaphore(%arg7 : memref<!tpu.dma_semaphore, #tpu.memory_space<semaphore_mem>>) src(%dma_wait3A_235 : memref<50000x64xf32, #tpu.memory_space<hbm>>) dst(%dma_wait3A_230 : memref<40x64xf32, #tpu.memory_space<vmem>>)
      %dma_wait3A_236 = arith.constant 400 : i32
      %dma_wait3A_237 = arith.constant 0 : i32
      %dma_wait3A_238 = tpu.memref_slice %arg6[%dma_wait3A_236, %dma_wait3A_237] : memref<640x64xf32, #tpu.memory_space<vmem>> -> memref<40x64xf32, #tpu.memory_space<vmem>>
      %dma_wait3A_239 = arith.constant 400 : i32
      %dma_wait3A_240 = tpu.memref_slice %arg5[%dma_wait3A_239] : memref<640xi32, #tpu.memory_space<vmem>> -> memref<40xi32, #tpu.memory_space<vmem>>
      %dma_wait3A_241 = arith.constant 0 : i32
      %dma_wait3A_242 = arith.constant 0 : i32
      %dma_wait3A_243 = tpu.memref_slice %arg2[%dma_wait3A_241, %dma_wait3A_242] : memref<50000x64xf32, #tpu.memory_space<hbm>> -> memref<50000x64xf32, #tpu.memory_space<hbm>>
      tpu.wait_indirect_dma semaphore(%arg7 : memref<!tpu.dma_semaphore, #tpu.memory_space<semaphore_mem>>) src(%dma_wait3A_243 : memref<50000x64xf32, #tpu.memory_space<hbm>>) dst(%dma_wait3A_238 : memref<40x64xf32, #tpu.memory_space<vmem>>)
      %dma_wait3A_244 = arith.constant 440 : i32
      %dma_wait3A_245 = arith.constant 0 : i32
      %dma_wait3A_246 = tpu.memref_slice %arg6[%dma_wait3A_244, %dma_wait3A_245] : memref<640x64xf32, #tpu.memory_space<vmem>> -> memref<40x64xf32, #tpu.memory_space<vmem>>
      %dma_wait3A_247 = arith.constant 440 : i32
      %dma_wait3A_248 = tpu.memref_slice %arg5[%dma_wait3A_247] : memref<640xi32, #tpu.memory_space<vmem>> -> memref<40xi32, #tpu.memory_space<vmem>>
      %dma_wait3A_249 = arith.constant 0 : i32
      %dma_wait3A_250 = arith.constant 0 : i32
      %dma_wait3A_251 = tpu.memref_slice %arg2[%dma_wait3A_249, %dma_wait3A_250] : memref<50000x64xf32, #tpu.memory_space<hbm>> -> memref<50000x64xf32, #tpu.memory_space<hbm>>
      tpu.wait_indirect_dma semaphore(%arg7 : memref<!tpu.dma_semaphore, #tpu.memory_space<semaphore_mem>>) src(%dma_wait3A_251 : memref<50000x64xf32, #tpu.memory_space<hbm>>) dst(%dma_wait3A_246 : memref<40x64xf32, #tpu.memory_space<vmem>>)
      %dma_wait3A_252 = arith.constant 480 : i32
      %dma_wait3A_253 = arith.constant 0 : i32
      %dma_wait3A_254 = tpu.memref_slice %arg6[%dma_wait3A_252, %dma_wait3A_253] : memref<640x64xf32, #tpu.memory_space<vmem>> -> memref<40x64xf32, #tpu.memory_space<vmem>>
      %dma_wait3A_255 = arith.constant 480 : i32
      %dma_wait3A_256 = tpu.memref_slice %arg5[%dma_wait3A_255] : memref<640xi32, #tpu.memory_space<vmem>> -> memref<40xi32, #tpu.memory_space<vmem>>
      %dma_wait3A_257 = arith.constant 0 : i32
      %dma_wait3A_258 = arith.constant 0 : i32
      %dma_wait3A_259 = tpu.memref_slice %arg2[%dma_wait3A_257, %dma_wait3A_258] : memref<50000x64xf32, #tpu.memory_space<hbm>> -> memref<50000x64xf32, #tpu.memory_space<hbm>>
      tpu.wait_indirect_dma semaphore(%arg7 : memref<!tpu.dma_semaphore, #tpu.memory_space<semaphore_mem>>) src(%dma_wait3A_259 : memref<50000x64xf32, #tpu.memory_space<hbm>>) dst(%dma_wait3A_254 : memref<40x64xf32, #tpu.memory_space<vmem>>)
      %dma_wait3A_260 = arith.constant 520 : i32
      %dma_wait3A_261 = arith.constant 0 : i32
      %dma_wait3A_262 = tpu.memref_slice %arg6[%dma_wait3A_260, %dma_wait3A_261] : memref<640x64xf32, #tpu.memory_space<vmem>> -> memref<40x64xf32, #tpu.memory_space<vmem>>
      %dma_wait3A_263 = arith.constant 520 : i32
      %dma_wait3A_264 = tpu.memref_slice %arg5[%dma_wait3A_263] : memref<640xi32, #tpu.memory_space<vmem>> -> memref<40xi32, #tpu.memory_space<vmem>>
      %dma_wait3A_265 = arith.constant 0 : i32
      %dma_wait3A_266 = arith.constant 0 : i32
      %dma_wait3A_267 = tpu.memref_slice %arg2[%dma_wait3A_265, %dma_wait3A_266] : memref<50000x64xf32, #tpu.memory_space<hbm>> -> memref<50000x64xf32, #tpu.memory_space<hbm>>
      tpu.wait_indirect_dma semaphore(%arg7 : memref<!tpu.dma_semaphore, #tpu.memory_space<semaphore_mem>>) src(%dma_wait3A_267 : memref<50000x64xf32, #tpu.memory_space<hbm>>) dst(%dma_wait3A_262 : memref<40x64xf32, #tpu.memory_space<vmem>>)
      %dma_wait3A_268 = arith.constant 560 : i32
      %dma_wait3A_269 = arith.constant 0 : i32
      %dma_wait3A_270 = tpu.memref_slice %arg6[%dma_wait3A_268, %dma_wait3A_269] : memref<640x64xf32, #tpu.memory_space<vmem>> -> memref<40x64xf32, #tpu.memory_space<vmem>>
      %dma_wait3A_271 = arith.constant 560 : i32
      %dma_wait3A_272 = tpu.memref_slice %arg5[%dma_wait3A_271] : memref<640xi32, #tpu.memory_space<vmem>> -> memref<40xi32, #tpu.memory_space<vmem>>
      %dma_wait3A_273 = arith.constant 0 : i32
      %dma_wait3A_274 = arith.constant 0 : i32
      %dma_wait3A_275 = tpu.memref_slice %arg2[%dma_wait3A_273, %dma_wait3A_274] : memref<50000x64xf32, #tpu.memory_space<hbm>> -> memref<50000x64xf32, #tpu.memory_space<hbm>>
      tpu.wait_indirect_dma semaphore(%arg7 : memref<!tpu.dma_semaphore, #tpu.memory_space<semaphore_mem>>) src(%dma_wait3A_275 : memref<50000x64xf32, #tpu.memory_space<hbm>>) dst(%dma_wait3A_270 : memref<40x64xf32, #tpu.memory_space<vmem>>)
      %dma_wait3A_276 = arith.constant 600 : i32
      %dma_wait3A_277 = arith.constant 0 : i32
      %dma_wait3A_278 = tpu.memref_slice %arg6[%dma_wait3A_276, %dma_wait3A_277] : memref<640x64xf32, #tpu.memory_space<vmem>> -> memref<40x64xf32, #tpu.memory_space<vmem>>
      %dma_wait3A_279 = arith.constant 600 : i32
      %dma_wait3A_280 = tpu.memref_slice %arg5[%dma_wait3A_279] : memref<640xi32, #tpu.memory_space<vmem>> -> memref<40xi32, #tpu.memory_space<vmem>>
      %dma_wait3A_281 = arith.constant 0 : i32
      %dma_wait3A_282 = arith.constant 0 : i32
      %dma_wait3A_283 = tpu.memref_slice %arg2[%dma_wait3A_281, %dma_wait3A_282] : memref<50000x64xf32, #tpu.memory_space<hbm>> -> memref<50000x64xf32, #tpu.memory_space<hbm>>
      tpu.wait_indirect_dma semaphore(%arg7 : memref<!tpu.dma_semaphore, #tpu.memory_space<semaphore_mem>>) src(%dma_wait3A_283 : memref<50000x64xf32, #tpu.memory_space<hbm>>) dst(%dma_wait3A_278 : memref<40x64xf32, #tpu.memory_space<vmem>>)
      "tpu.region"() ({
        %run_scoped3A = tpu.sem_alloc : memref<!tpu.dma_semaphore, #tpu.memory_space<semaphore_mem>>
        %dma_start3A_284 = arith.constant 0 : i32
        %dma_start3A_285 = tpu.memref_slice %arg4[%add3A_27, %dma_start3A_284] : memref<800000x64xf32, #tpu.memory_space<hbm>> -> memref<640x64xf32, #tpu.memory_space<hbm>>
        %dma_start3A_286 = arith.constant 0 : i32
        %dma_start3A_287 = tpu.memref_slice %arg4[%add3A_27, %dma_start3A_286] : memref<800000x64xf32, #tpu.memory_space<hbm>> -> memref<640x64xf32, #tpu.memory_space<hbm>>
        tpu.enqueue_dma source(%arg6 : memref<640x64xf32, #tpu.memory_space<vmem>>) target(%dma_start3A_287 : memref<640x64xf32, #tpu.memory_space<hbm>>) target_semaphore(%run_scoped3A : memref<!tpu.dma_semaphore, #tpu.memory_space<semaphore_mem>>)
        %dma_wait3A_288 = arith.constant 0 : i32
        %dma_wait3A_289 = tpu.memref_slice %arg4[%add3A_27, %dma_wait3A_288] : memref<800000x64xf32, #tpu.memory_space<hbm>> -> memref<640x64xf32, #tpu.memory_space<hbm>>
        %dma_wait3A_290 = arith.constant 0 : i32
        %dma_wait3A_291 = tpu.memref_slice %arg4[%add3A_27, %dma_wait3A_290] : memref<800000x64xf32, #tpu.memory_space<hbm>> -> memref<640x64xf32, #tpu.memory_space<hbm>>
        tpu.wait_dma2 semaphore(%run_scoped3A : memref<!tpu.dma_semaphore, #tpu.memory_space<semaphore_mem>>) src(%arg6 : memref<640x64xf32, #tpu.memory_space<vmem>>) dst(%dma_wait3A_291 : memref<640x64xf32, #tpu.memory_space<hbm>>)
        tpu.yield
      }) : () -> ()
    }
    %scan3A_7 = arith.constant 39 : i32
    %add3A_8 = arith.constant 24960 : i32
    %add3A_9 = arith.addi %mul3A_2, %add3A_8 : i32
    "tpu.region"() ({
      %run_scoped3A = tpu.sem_alloc : memref<!tpu.dma_semaphore, #tpu.memory_space<semaphore_mem>>
      %dma_start3A_24 = arith.constant 0 : i32
      %dma_start3A_25 = tpu.memref_slice %arg5[%dma_start3A_24] : memref<640xi32, #tpu.memory_space<vmem>> -> memref<40xi32, #tpu.memory_space<vmem>>
      %dma_start3A_26 = tpu.memref_slice %arg3[%add3A_9] : memref<800000xi32, #tpu.memory_space<hbm>> -> memref<40xi32, #tpu.memory_space<hbm>>
      %dma_start3A_27 = arith.constant 0 : i32
      %dma_start3A_28 = tpu.memref_slice %arg5[%dma_start3A_27] : memref<640xi32, #tpu.memory_space<vmem>> -> memref<40xi32, #tpu.memory_space<vmem>>
      %dma_start3A_29 = tpu.memref_slice %arg3[%add3A_9] : memref<800000xi32, #tpu.memory_space<hbm>> -> memref<40xi32, #tpu.memory_space<hbm>>
      tpu.enqueue_dma source(%dma_start3A_29 : memref<40xi32, #tpu.memory_space<hbm>>) target(%dma_start3A_28 : memref<40xi32, #tpu.memory_space<vmem>>) target_semaphore(%run_scoped3A : memref<!tpu.dma_semaphore, #tpu.memory_space<semaphore_mem>>)
      %dma_wait3A_30 = arith.constant 0 : i32
      %dma_wait3A_31 = tpu.memref_slice %arg5[%dma_wait3A_30] : memref<640xi32, #tpu.memory_space<vmem>> -> memref<40xi32, #tpu.memory_space<vmem>>
      %dma_wait3A_32 = tpu.memref_slice %arg3[%add3A_9] : memref<800000xi32, #tpu.memory_space<hbm>> -> memref<40xi32, #tpu.memory_space<hbm>>
      %dma_wait3A_33 = arith.constant 0 : i32
      %dma_wait3A_34 = tpu.memref_slice %arg5[%dma_wait3A_33] : memref<640xi32, #tpu.memory_space<vmem>> -> memref<40xi32, #tpu.memory_space<vmem>>
      %dma_wait3A_35 = tpu.memref_slice %arg3[%add3A_9] : memref<800000xi32, #tpu.memory_space<hbm>> -> memref<40xi32, #tpu.memory_space<hbm>>
      tpu.wait_dma2 semaphore(%run_scoped3A : memref<!tpu.dma_semaphore, #tpu.memory_space<semaphore_mem>>) src(%dma_wait3A_35 : memref<40xi32, #tpu.memory_space<hbm>>) dst(%dma_wait3A_34 : memref<40xi32, #tpu.memory_space<vmem>>)
      tpu.yield
    }) : () -> ()
    %dma_start3A = arith.constant 0 : i32
    %dma_start3A_10 = arith.constant 0 : i32
    %dma_start3A_11 = tpu.memref_slice %arg6[%dma_start3A, %dma_start3A_10] : memref<640x64xf32, #tpu.memory_space<vmem>> -> memref<40x64xf32, #tpu.memory_space<vmem>>
    %dma_start3A_12 = arith.constant 0 : i32
    %dma_start3A_13 = tpu.memref_slice %arg5[%dma_start3A_12] : memref<640xi32, #tpu.memory_space<vmem>> -> memref<40xi32, #tpu.memory_space<vmem>>
    %dma_start3A_14 = arith.constant 0 : i32
    %dma_start3A_15 = arith.constant 0 : i32
    %dma_start3A_16 = tpu.memref_slice %arg2[%dma_start3A_14, %dma_start3A_15] : memref<50000x64xf32, #tpu.memory_space<hbm>> -> memref<50000x64xf32, #tpu.memory_space<hbm>>
    tpu.enqueue_indirect_dma source(%dma_start3A_16 : memref<50000x64xf32, #tpu.memory_space<hbm>>) target(%dma_start3A_11 : memref<40x64xf32, #tpu.memory_space<vmem>>) offsets(%dma_start3A_13 : memref<40xi32, #tpu.memory_space<vmem>>) semaphore(%arg7 : memref<!tpu.dma_semaphore, #tpu.memory_space<semaphore_mem>>)
    %dma_wait3A = arith.constant 0 : i32
    %dma_wait3A_17 = arith.constant 0 : i32
    %dma_wait3A_18 = tpu.memref_slice %arg6[%dma_wait3A, %dma_wait3A_17] : memref<640x64xf32, #tpu.memory_space<vmem>> -> memref<40x64xf32, #tpu.memory_space<vmem>>
    %dma_wait3A_19 = arith.constant 0 : i32
    %dma_wait3A_20 = tpu.memref_slice %arg5[%dma_wait3A_19] : memref<640xi32, #tpu.memory_space<vmem>> -> memref<40xi32, #tpu.memory_space<vmem>>
    %dma_wait3A_21 = arith.constant 0 : i32
    %dma_wait3A_22 = arith.constant 0 : i32
    %dma_wait3A_23 = tpu.memref_slice %arg2[%dma_wait3A_21, %dma_wait3A_22] : memref<50000x64xf32, #tpu.memory_space<hbm>> -> memref<50000x64xf32, #tpu.memory_space<hbm>>
    tpu.wait_indirect_dma semaphore(%arg7 : memref<!tpu.dma_semaphore, #tpu.memory_space<semaphore_mem>>) src(%dma_wait3A_23 : memref<50000x64xf32, #tpu.memory_space<hbm>>) dst(%dma_wait3A_18 : memref<40x64xf32, #tpu.memory_space<vmem>>)
    "tpu.region"() ({
      %run_scoped3A = tpu.sem_alloc : memref<!tpu.dma_semaphore, #tpu.memory_space<semaphore_mem>>
      %dma_start3A_24 = arith.constant 0 : i32
      %dma_start3A_25 = arith.constant 0 : i32
      %dma_start3A_26 = tpu.memref_slice %arg6[%dma_start3A_24, %dma_start3A_25] : memref<640x64xf32, #tpu.memory_space<vmem>> -> memref<40x64xf32, #tpu.memory_space<vmem>>
      %dma_start3A_27 = arith.constant 0 : i32
      %dma_start3A_28 = tpu.memref_slice %arg4[%add3A_9, %dma_start3A_27] : memref<800000x64xf32, #tpu.memory_space<hbm>> -> memref<40x64xf32, #tpu.memory_space<hbm>>
      %dma_start3A_29 = arith.constant 0 : i32
      %dma_start3A_30 = tpu.memref_slice %arg4[%add3A_9, %dma_start3A_29] : memref<800000x64xf32, #tpu.memory_space<hbm>> -> memref<40x64xf32, #tpu.memory_space<hbm>>
      %dma_start3A_31 = arith.constant 0 : i32
      %dma_start3A_32 = arith.constant 0 : i32
      %dma_start3A_33 = tpu.memref_slice %arg6[%dma_start3A_31, %dma_start3A_32] : memref<640x64xf32, #tpu.memory_space<vmem>> -> memref<40x64xf32, #tpu.memory_space<vmem>>
      tpu.enqueue_dma source(%dma_start3A_33 : memref<40x64xf32, #tpu.memory_space<vmem>>) target(%dma_start3A_30 : memref<40x64xf32, #tpu.memory_space<hbm>>) target_semaphore(%run_scoped3A : memref<!tpu.dma_semaphore, #tpu.memory_space<semaphore_mem>>)
      %dma_wait3A_34 = arith.constant 0 : i32
      %dma_wait3A_35 = arith.constant 0 : i32
      %dma_wait3A_36 = tpu.memref_slice %arg6[%dma_wait3A_34, %dma_wait3A_35] : memref<640x64xf32, #tpu.memory_space<vmem>> -> memref<40x64xf32, #tpu.memory_space<vmem>>
      %dma_wait3A_37 = arith.constant 0 : i32
      %dma_wait3A_38 = tpu.memref_slice %arg4[%add3A_9, %dma_wait3A_37] : memref<800000x64xf32, #tpu.memory_space<hbm>> -> memref<40x64xf32, #tpu.memory_space<hbm>>
      %dma_wait3A_39 = arith.constant 0 : i32
      %dma_wait3A_40 = tpu.memref_slice %arg4[%add3A_9, %dma_wait3A_39] : memref<800000x64xf32, #tpu.memory_space<hbm>> -> memref<40x64xf32, #tpu.memory_space<hbm>>
      %dma_wait3A_41 = arith.constant 0 : i32
      %dma_wait3A_42 = arith.constant 0 : i32
      %dma_wait3A_43 = tpu.memref_slice %arg6[%dma_wait3A_41, %dma_wait3A_42] : memref<640x64xf32, #tpu.memory_space<vmem>> -> memref<40x64xf32, #tpu.memory_space<vmem>>
      tpu.wait_dma2 semaphore(%run_scoped3A : memref<!tpu.dma_semaphore, #tpu.memory_space<semaphore_mem>>) src(%dma_wait3A_43 : memref<40x64xf32, #tpu.memory_space<vmem>>) dst(%dma_wait3A_40 : memref<40x64xf32, #tpu.memory_space<hbm>>)
      tpu.yield
    }) : () -> ()
    return
  }
}

#map = affine_map<(d0, d1) -> (0, 0)>
#map1 = affine_map<(d0, d1) -> (0)>
module attributes {stable_mosaic.version = 14 : i64} {
  func.func @gather_k(%arg0: i32, %arg1: i32, %arg2: memref<50000x64xf32, #tpu.memory_space<hbm>>, %arg3: memref<800000xi32, #tpu.memory_space<hbm>>, %arg4: memref<800000x64xf32, #tpu.memory_space<hbm>>, %arg5: memref<640xi32, #tpu.memory_space<vmem>>, %arg6: memref<640x64xf32, #tpu.memory_space<vmem>>, %arg7: memref<!tpu.dma_semaphore, #tpu.memory_space<semaphore_mem>>) attributes {dimension_semantics = [#tpu.dimension_semantics<core_parallel>, #tpu.dimension_semantics<subcore_parallel>], iteration_bounds = array<i64: 2, 16>, scalar_prefetch = 0 : i64, scratch_operands = 3 : i64, tpu.core_type = #tpu.core_type<sc_vector_subcore>, window_params = [{transform_indices = #map}, {transform_indices = #map1}, {transform_indices = #map}]} {
    %mul3A = arith.constant 2 : i32
    %mul3A_0 = arith.muli %arg1, %mul3A : i32
    %add3A = arith.addi %mul3A_0, %arg0 : i32
    %mul3A_1 = arith.constant 25000 : i32
    %mul3A_2 = arith.muli %add3A, %mul3A_1 : i32
    %scan3A = arith.constant 0 : i32
    %scan3A_3 = arith.constant 0 : i32
    %scan3A_4 = arith.constant 39 : i32
    %scan3A_5 = arith.addi %scan3A_3, %scan3A_4 : i32
    %scan3A_6 = arith.constant 1 : i32
    scf.for %scan3A_24 = %scan3A_3 to %scan3A_5 step %scan3A_6  : i32 {
      %mul3A_25 = arith.constant 640 : i32
      %mul3A_26 = arith.muli %scan3A_24, %mul3A_25 : i32
      %add3A_27 = arith.addi %mul3A_2, %mul3A_26 : i32
      "tpu.region"() ({
        %run_scoped3A = tpu.sem_alloc : memref<!tpu.dma_semaphore, #tpu.memory_space<semaphore_mem>>
        %dma_start3A_284 = tpu.memref_slice %arg3[%add3A_27] : memref<800000xi32, #tpu.memory_space<hbm>> -> memref<640xi32, #tpu.memory_space<hbm>>
        %dma_start3A_285 = tpu.memref_slice %arg3[%add3A_27] : memref<800000xi32, #tpu.memory_space<hbm>> -> memref<640xi32, #tpu.memory_space<hbm>>
        tpu.enqueue_dma source(%dma_start3A_285 : memref<640xi32, #tpu.memory_space<hbm>>) target(%arg5 : memref<640xi32, #tpu.memory_space<vmem>>) target_semaphore(%run_scoped3A : memref<!tpu.dma_semaphore, #tpu.memory_space<semaphore_mem>>)
        %dma_wait3A_286 = tpu.memref_slice %arg3[%add3A_27] : memref<800000xi32, #tpu.memory_space<hbm>> -> memref<640xi32, #tpu.memory_space<hbm>>
        %dma_wait3A_287 = tpu.memref_slice %arg3[%add3A_27] : memref<800000xi32, #tpu.memory_space<hbm>> -> memref<640xi32, #tpu.memory_space<hbm>>
        tpu.wait_dma2 semaphore(%run_scoped3A : memref<!tpu.dma_semaphore, #tpu.memory_space<semaphore_mem>>) src(%dma_wait3A_287 : memref<640xi32, #tpu.memory_space<hbm>>) dst(%arg5 : memref<640xi32, #tpu.memory_space<vmem>>)
        tpu.yield
      }) : () -> ()
      %dma_start3A_28 = arith.constant 0 : i32
      %dma_start3A_29 = arith.constant 0 : i32
      %dma_start3A_30 = tpu.memref_slice %arg6[%dma_start3A_28, %dma_start3A_29] : memref<640x64xf32, #tpu.memory_space<vmem>> -> memref<40x64xf32, #tpu.memory_space<vmem>>
      %dma_start3A_31 = arith.constant 0 : i32
      %dma_start3A_32 = tpu.memref_slice %arg5[%dma_start3A_31] : memref<640xi32, #tpu.memory_space<vmem>> -> memref<40xi32, #tpu.memory_space<vmem>>
      %dma_start3A_33 = arith.constant 0 : i32
      %dma_start3A_34 = arith.constant 0 : i32
      %dma_start3A_35 = tpu.memref_slice %arg2[%dma_start3A_33, %dma_start3A_34] : memref<50000x64xf32, #tpu.memory_space<hbm>> -> memref<50000x64xf32, #tpu.memory_space<hbm>>
      tpu.enqueue_indirect_dma source(%dma_start3A_35 : memref<50000x64xf32, #tpu.memory_space<hbm>>) target(%dma_start3A_30 : memref<40x64xf32, #tpu.memory_space<vmem>>) offsets(%dma_start3A_32 : memref<40xi32, #tpu.memory_space<vmem>>) semaphore(%arg7 : memref<!tpu.dma_semaphore, #tpu.memory_space<semaphore_mem>>)
      %dma_start3A_36 = arith.constant 40 : i32
      %dma_start3A_37 = arith.constant 0 : i32
      %dma_start3A_38 = tpu.memref_slice %arg6[%dma_start3A_36, %dma_start3A_37] : memref<640x64xf32, #tpu.memory_space<vmem>> -> memref<40x64xf32, #tpu.memory_space<vmem>>
      %dma_start3A_39 = arith.constant 40 : i32
      %dma_start3A_40 = tpu.memref_slice %arg5[%dma_start3A_39] : memref<640xi32, #tpu.memory_space<vmem>> -> memref<40xi32, #tpu.memory_space<vmem>>
      %dma_start3A_41 = arith.constant 0 : i32
      %dma_start3A_42 = arith.constant 0 : i32
      %dma_start3A_43 = tpu.memref_slice %arg2[%dma_start3A_41, %dma_start3A_42] : memref<50000x64xf32, #tpu.memory_space<hbm>> -> memref<50000x64xf32, #tpu.memory_space<hbm>>
      tpu.enqueue_indirect_dma source(%dma_start3A_43 : memref<50000x64xf32, #tpu.memory_space<hbm>>) target(%dma_start3A_38 : memref<40x64xf32, #tpu.memory_space<vmem>>) offsets(%dma_start3A_40 : memref<40xi32, #tpu.memory_space<vmem>>) semaphore(%arg7 : memref<!tpu.dma_semaphore, #tpu.memory_space<semaphore_mem>>)
      %dma_start3A_44 = arith.constant 80 : i32
      %dma_start3A_45 = arith.constant 0 : i32
      %dma_start3A_46 = tpu.memref_slice %arg6[%dma_start3A_44, %dma_start3A_45] : memref<640x64xf32, #tpu.memory_space<vmem>> -> memref<40x64xf32, #tpu.memory_space<vmem>>
      %dma_start3A_47 = arith.constant 80 : i32
      %dma_start3A_48 = tpu.memref_slice %arg5[%dma_start3A_47] : memref<640xi32, #tpu.memory_space<vmem>> -> memref<40xi32, #tpu.memory_space<vmem>>
      %dma_start3A_49 = arith.constant 0 : i32
      %dma_start3A_50 = arith.constant 0 : i32
      %dma_start3A_51 = tpu.memref_slice %arg2[%dma_start3A_49, %dma_start3A_50] : memref<50000x64xf32, #tpu.memory_space<hbm>> -> memref<50000x64xf32, #tpu.memory_space<hbm>>
      tpu.enqueue_indirect_dma source(%dma_start3A_51 : memref<50000x64xf32, #tpu.memory_space<hbm>>) target(%dma_start3A_46 : memref<40x64xf32, #tpu.memory_space<vmem>>) offsets(%dma_start3A_48 : memref<40xi32, #tpu.memory_space<vmem>>) semaphore(%arg7 : memref<!tpu.dma_semaphore, #tpu.memory_space<semaphore_mem>>)
      %dma_start3A_52 = arith.constant 120 : i32
      %dma_start3A_53 = arith.constant 0 : i32
      %dma_start3A_54 = tpu.memref_slice %arg6[%dma_start3A_52, %dma_start3A_53] : memref<640x64xf32, #tpu.memory_space<vmem>> -> memref<40x64xf32, #tpu.memory_space<vmem>>
      %dma_start3A_55 = arith.constant 120 : i32
      %dma_start3A_56 = tpu.memref_slice %arg5[%dma_start3A_55] : memref<640xi32, #tpu.memory_space<vmem>> -> memref<40xi32, #tpu.memory_space<vmem>>
      %dma_start3A_57 = arith.constant 0 : i32
      %dma_start3A_58 = arith.constant 0 : i32
      %dma_start3A_59 = tpu.memref_slice %arg2[%dma_start3A_57, %dma_start3A_58] : memref<50000x64xf32, #tpu.memory_space<hbm>> -> memref<50000x64xf32, #tpu.memory_space<hbm>>
      tpu.enqueue_indirect_dma source(%dma_start3A_59 : memref<50000x64xf32, #tpu.memory_space<hbm>>) target(%dma_start3A_54 : memref<40x64xf32, #tpu.memory_space<vmem>>) offsets(%dma_start3A_56 : memref<40xi32, #tpu.memory_space<vmem>>) semaphore(%arg7 : memref<!tpu.dma_semaphore, #tpu.memory_space<semaphore_mem>>)
      %dma_start3A_60 = arith.constant 160 : i32
      %dma_start3A_61 = arith.constant 0 : i32
      %dma_start3A_62 = tpu.memref_slice %arg6[%dma_start3A_60, %dma_start3A_61] : memref<640x64xf32, #tpu.memory_space<vmem>> -> memref<40x64xf32, #tpu.memory_space<vmem>>
      %dma_start3A_63 = arith.constant 160 : i32
      %dma_start3A_64 = tpu.memref_slice %arg5[%dma_start3A_63] : memref<640xi32, #tpu.memory_space<vmem>> -> memref<40xi32, #tpu.memory_space<vmem>>
      %dma_start3A_65 = arith.constant 0 : i32
      %dma_start3A_66 = arith.constant 0 : i32
      %dma_start3A_67 = tpu.memref_slice %arg2[%dma_start3A_65, %dma_start3A_66] : memref<50000x64xf32, #tpu.memory_space<hbm>> -> memref<50000x64xf32, #tpu.memory_space<hbm>>
      tpu.enqueue_indirect_dma source(%dma_start3A_67 : memref<50000x64xf32, #tpu.memory_space<hbm>>) target(%dma_start3A_62 : memref<40x64xf32, #tpu.memory_space<vmem>>) offsets(%dma_start3A_64 : memref<40xi32, #tpu.memory_space<vmem>>) semaphore(%arg7 : memref<!tpu.dma_semaphore, #tpu.memory_space<semaphore_mem>>)
      %dma_start3A_68 = arith.constant 200 : i32
      %dma_start3A_69 = arith.constant 0 : i32
      %dma_start3A_70 = tpu.memref_slice %arg6[%dma_start3A_68, %dma_start3A_69] : memref<640x64xf32, #tpu.memory_space<vmem>> -> memref<40x64xf32, #tpu.memory_space<vmem>>
      %dma_start3A_71 = arith.constant 200 : i32
      %dma_start3A_72 = tpu.memref_slice %arg5[%dma_start3A_71] : memref<640xi32, #tpu.memory_space<vmem>> -> memref<40xi32, #tpu.memory_space<vmem>>
      %dma_start3A_73 = arith.constant 0 : i32
      %dma_start3A_74 = arith.constant 0 : i32
      %dma_start3A_75 = tpu.memref_slice %arg2[%dma_start3A_73, %dma_start3A_74] : memref<50000x64xf32, #tpu.memory_space<hbm>> -> memref<50000x64xf32, #tpu.memory_space<hbm>>
      tpu.enqueue_indirect_dma source(%dma_start3A_75 : memref<50000x64xf32, #tpu.memory_space<hbm>>) target(%dma_start3A_70 : memref<40x64xf32, #tpu.memory_space<vmem>>) offsets(%dma_start3A_72 : memref<40xi32, #tpu.memory_space<vmem>>) semaphore(%arg7 : memref<!tpu.dma_semaphore, #tpu.memory_space<semaphore_mem>>)
      %dma_start3A_76 = arith.constant 240 : i32
      %dma_start3A_77 = arith.constant 0 : i32
      %dma_start3A_78 = tpu.memref_slice %arg6[%dma_start3A_76, %dma_start3A_77] : memref<640x64xf32, #tpu.memory_space<vmem>> -> memref<40x64xf32, #tpu.memory_space<vmem>>
      %dma_start3A_79 = arith.constant 240 : i32
      %dma_start3A_80 = tpu.memref_slice %arg5[%dma_start3A_79] : memref<640xi32, #tpu.memory_space<vmem>> -> memref<40xi32, #tpu.memory_space<vmem>>
      %dma_start3A_81 = arith.constant 0 : i32
      %dma_start3A_82 = arith.constant 0 : i32
      %dma_start3A_83 = tpu.memref_slice %arg2[%dma_start3A_81, %dma_start3A_82] : memref<50000x64xf32, #tpu.memory_space<hbm>> -> memref<50000x64xf32, #tpu.memory_space<hbm>>
      tpu.enqueue_indirect_dma source(%dma_start3A_83 : memref<50000x64xf32, #tpu.memory_space<hbm>>) target(%dma_start3A_78 : memref<40x64xf32, #tpu.memory_space<vmem>>) offsets(%dma_start3A_80 : memref<40xi32, #tpu.memory_space<vmem>>) semaphore(%arg7 : memref<!tpu.dma_semaphore, #tpu.memory_space<semaphore_mem>>)
      %dma_start3A_84 = arith.constant 280 : i32
      %dma_start3A_85 = arith.constant 0 : i32
      %dma_start3A_86 = tpu.memref_slice %arg6[%dma_start3A_84, %dma_start3A_85] : memref<640x64xf32, #tpu.memory_space<vmem>> -> memref<40x64xf32, #tpu.memory_space<vmem>>
      %dma_start3A_87 = arith.constant 280 : i32
      %dma_start3A_88 = tpu.memref_slice %arg5[%dma_start3A_87] : memref<640xi32, #tpu.memory_space<vmem>> -> memref<40xi32, #tpu.memory_space<vmem>>
      %dma_start3A_89 = arith.constant 0 : i32
      %dma_start3A_90 = arith.constant 0 : i32
      %dma_start3A_91 = tpu.memref_slice %arg2[%dma_start3A_89, %dma_start3A_90] : memref<50000x64xf32, #tpu.memory_space<hbm>> -> memref<50000x64xf32, #tpu.memory_space<hbm>>
      tpu.enqueue_indirect_dma source(%dma_start3A_91 : memref<50000x64xf32, #tpu.memory_space<hbm>>) target(%dma_start3A_86 : memref<40x64xf32, #tpu.memory_space<vmem>>) offsets(%dma_start3A_88 : memref<40xi32, #tpu.memory_space<vmem>>) semaphore(%arg7 : memref<!tpu.dma_semaphore, #tpu.memory_space<semaphore_mem>>)
      %dma_start3A_92 = arith.constant 320 : i32
      %dma_start3A_93 = arith.constant 0 : i32
      %dma_start3A_94 = tpu.memref_slice %arg6[%dma_start3A_92, %dma_start3A_93] : memref<640x64xf32, #tpu.memory_space<vmem>> -> memref<40x64xf32, #tpu.memory_space<vmem>>
      %dma_start3A_95 = arith.constant 320 : i32
      %dma_start3A_96 = tpu.memref_slice %arg5[%dma_start3A_95] : memref<640xi32, #tpu.memory_space<vmem>> -> memref<40xi32, #tpu.memory_space<vmem>>
      %dma_start3A_97 = arith.constant 0 : i32
      %dma_start3A_98 = arith.constant 0 : i32
      %dma_start3A_99 = tpu.memref_slice %arg2[%dma_start3A_97, %dma_start3A_98] : memref<50000x64xf32, #tpu.memory_space<hbm>> -> memref<50000x64xf32, #tpu.memory_space<hbm>>
      tpu.enqueue_indirect_dma source(%dma_start3A_99 : memref<50000x64xf32, #tpu.memory_space<hbm>>) target(%dma_start3A_94 : memref<40x64xf32, #tpu.memory_space<vmem>>) offsets(%dma_start3A_96 : memref<40xi32, #tpu.memory_space<vmem>>) semaphore(%arg7 : memref<!tpu.dma_semaphore, #tpu.memory_space<semaphore_mem>>)
      %dma_start3A_100 = arith.constant 360 : i32
      %dma_start3A_101 = arith.constant 0 : i32
      %dma_start3A_102 = tpu.memref_slice %arg6[%dma_start3A_100, %dma_start3A_101] : memref<640x64xf32, #tpu.memory_space<vmem>> -> memref<40x64xf32, #tpu.memory_space<vmem>>
      %dma_start3A_103 = arith.constant 360 : i32
      %dma_start3A_104 = tpu.memref_slice %arg5[%dma_start3A_103] : memref<640xi32, #tpu.memory_space<vmem>> -> memref<40xi32, #tpu.memory_space<vmem>>
      %dma_start3A_105 = arith.constant 0 : i32
      %dma_start3A_106 = arith.constant 0 : i32
      %dma_start3A_107 = tpu.memref_slice %arg2[%dma_start3A_105, %dma_start3A_106] : memref<50000x64xf32, #tpu.memory_space<hbm>> -> memref<50000x64xf32, #tpu.memory_space<hbm>>
      tpu.enqueue_indirect_dma source(%dma_start3A_107 : memref<50000x64xf32, #tpu.memory_space<hbm>>) target(%dma_start3A_102 : memref<40x64xf32, #tpu.memory_space<vmem>>) offsets(%dma_start3A_104 : memref<40xi32, #tpu.memory_space<vmem>>) semaphore(%arg7 : memref<!tpu.dma_semaphore, #tpu.memory_space<semaphore_mem>>)
      %dma_start3A_108 = arith.constant 400 : i32
      %dma_start3A_109 = arith.constant 0 : i32
      %dma_start3A_110 = tpu.memref_slice %arg6[%dma_start3A_108, %dma_start3A_109] : memref<640x64xf32, #tpu.memory_space<vmem>> -> memref<40x64xf32, #tpu.memory_space<vmem>>
      %dma_start3A_111 = arith.constant 400 : i32
      %dma_start3A_112 = tpu.memref_slice %arg5[%dma_start3A_111] : memref<640xi32, #tpu.memory_space<vmem>> -> memref<40xi32, #tpu.memory_space<vmem>>
      %dma_start3A_113 = arith.constant 0 : i32
      %dma_start3A_114 = arith.constant 0 : i32
      %dma_start3A_115 = tpu.memref_slice %arg2[%dma_start3A_113, %dma_start3A_114] : memref<50000x64xf32, #tpu.memory_space<hbm>> -> memref<50000x64xf32, #tpu.memory_space<hbm>>
      tpu.enqueue_indirect_dma source(%dma_start3A_115 : memref<50000x64xf32, #tpu.memory_space<hbm>>) target(%dma_start3A_110 : memref<40x64xf32, #tpu.memory_space<vmem>>) offsets(%dma_start3A_112 : memref<40xi32, #tpu.memory_space<vmem>>) semaphore(%arg7 : memref<!tpu.dma_semaphore, #tpu.memory_space<semaphore_mem>>)
      %dma_start3A_116 = arith.constant 440 : i32
      %dma_start3A_117 = arith.constant 0 : i32
      %dma_start3A_118 = tpu.memref_slice %arg6[%dma_start3A_116, %dma_start3A_117] : memref<640x64xf32, #tpu.memory_space<vmem>> -> memref<40x64xf32, #tpu.memory_space<vmem>>
      %dma_start3A_119 = arith.constant 440 : i32
      %dma_start3A_120 = tpu.memref_slice %arg5[%dma_start3A_119] : memref<640xi32, #tpu.memory_space<vmem>> -> memref<40xi32, #tpu.memory_space<vmem>>
      %dma_start3A_121 = arith.constant 0 : i32
      %dma_start3A_122 = arith.constant 0 : i32
      %dma_start3A_123 = tpu.memref_slice %arg2[%dma_start3A_121, %dma_start3A_122] : memref<50000x64xf32, #tpu.memory_space<hbm>> -> memref<50000x64xf32, #tpu.memory_space<hbm>>
      tpu.enqueue_indirect_dma source(%dma_start3A_123 : memref<50000x64xf32, #tpu.memory_space<hbm>>) target(%dma_start3A_118 : memref<40x64xf32, #tpu.memory_space<vmem>>) offsets(%dma_start3A_120 : memref<40xi32, #tpu.memory_space<vmem>>) semaphore(%arg7 : memref<!tpu.dma_semaphore, #tpu.memory_space<semaphore_mem>>)
      %dma_start3A_124 = arith.constant 480 : i32
      %dma_start3A_125 = arith.constant 0 : i32
      %dma_start3A_126 = tpu.memref_slice %arg6[%dma_start3A_124, %dma_start3A_125] : memref<640x64xf32, #tpu.memory_space<vmem>> -> memref<40x64xf32, #tpu.memory_space<vmem>>
      %dma_start3A_127 = arith.constant 480 : i32
      %dma_start3A_128 = tpu.memref_slice %arg5[%dma_start3A_127] : memref<640xi32, #tpu.memory_space<vmem>> -> memref<40xi32, #tpu.memory_space<vmem>>
      %dma_start3A_129 = arith.constant 0 : i32
      %dma_start3A_130 = arith.constant 0 : i32
      %dma_start3A_131 = tpu.memref_slice %arg2[%dma_start3A_129, %dma_start3A_130] : memref<50000x64xf32, #tpu.memory_space<hbm>> -> memref<50000x64xf32, #tpu.memory_space<hbm>>
      tpu.enqueue_indirect_dma source(%dma_start3A_131 : memref<50000x64xf32, #tpu.memory_space<hbm>>) target(%dma_start3A_126 : memref<40x64xf32, #tpu.memory_space<vmem>>) offsets(%dma_start3A_128 : memref<40xi32, #tpu.memory_space<vmem>>) semaphore(%arg7 : memref<!tpu.dma_semaphore, #tpu.memory_space<semaphore_mem>>)
      %dma_start3A_132 = arith.constant 520 : i32
      %dma_start3A_133 = arith.constant 0 : i32
      %dma_start3A_134 = tpu.memref_slice %arg6[%dma_start3A_132, %dma_start3A_133] : memref<640x64xf32, #tpu.memory_space<vmem>> -> memref<40x64xf32, #tpu.memory_space<vmem>>
      %dma_start3A_135 = arith.constant 520 : i32
      %dma_start3A_136 = tpu.memref_slice %arg5[%dma_start3A_135] : memref<640xi32, #tpu.memory_space<vmem>> -> memref<40xi32, #tpu.memory_space<vmem>>
      %dma_start3A_137 = arith.constant 0 : i32
      %dma_start3A_138 = arith.constant 0 : i32
      %dma_start3A_139 = tpu.memref_slice %arg2[%dma_start3A_137, %dma_start3A_138] : memref<50000x64xf32, #tpu.memory_space<hbm>> -> memref<50000x64xf32, #tpu.memory_space<hbm>>
      tpu.enqueue_indirect_dma source(%dma_start3A_139 : memref<50000x64xf32, #tpu.memory_space<hbm>>) target(%dma_start3A_134 : memref<40x64xf32, #tpu.memory_space<vmem>>) offsets(%dma_start3A_136 : memref<40xi32, #tpu.memory_space<vmem>>) semaphore(%arg7 : memref<!tpu.dma_semaphore, #tpu.memory_space<semaphore_mem>>)
      %dma_start3A_140 = arith.constant 560 : i32
      %dma_start3A_141 = arith.constant 0 : i32
      %dma_start3A_142 = tpu.memref_slice %arg6[%dma_start3A_140, %dma_start3A_141] : memref<640x64xf32, #tpu.memory_space<vmem>> -> memref<40x64xf32, #tpu.memory_space<vmem>>
      %dma_start3A_143 = arith.constant 560 : i32
      %dma_start3A_144 = tpu.memref_slice %arg5[%dma_start3A_143] : memref<640xi32, #tpu.memory_space<vmem>> -> memref<40xi32, #tpu.memory_space<vmem>>
      %dma_start3A_145 = arith.constant 0 : i32
      %dma_start3A_146 = arith.constant 0 : i32
      %dma_start3A_147 = tpu.memref_slice %arg2[%dma_start3A_145, %dma_start3A_146] : memref<50000x64xf32, #tpu.memory_space<hbm>> -> memref<50000x64xf32, #tpu.memory_space<hbm>>
      tpu.enqueue_indirect_dma source(%dma_start3A_147 : memref<50000x64xf32, #tpu.memory_space<hbm>>) target(%dma_start3A_142 : memref<40x64xf32, #tpu.memory_space<vmem>>) offsets(%dma_start3A_144 : memref<40xi32, #tpu.memory_space<vmem>>) semaphore(%arg7 : memref<!tpu.dma_semaphore, #tpu.memory_space<semaphore_mem>>)
      %dma_start3A_148 = arith.constant 600 : i32
      %dma_start3A_149 = arith.constant 0 : i32
      %dma_start3A_150 = tpu.memref_slice %arg6[%dma_start3A_148, %dma_start3A_149] : memref<640x64xf32, #tpu.memory_space<vmem>> -> memref<40x64xf32, #tpu.memory_space<vmem>>
      %dma_start3A_151 = arith.constant 600 : i32
      %dma_start3A_152 = tpu.memref_slice %arg5[%dma_start3A_151] : memref<640xi32, #tpu.memory_space<vmem>> -> memref<40xi32, #tpu.memory_space<vmem>>
      %dma_start3A_153 = arith.constant 0 : i32
      %dma_start3A_154 = arith.constant 0 : i32
      %dma_start3A_155 = tpu.memref_slice %arg2[%dma_start3A_153, %dma_start3A_154] : memref<50000x64xf32, #tpu.memory_space<hbm>> -> memref<50000x64xf32, #tpu.memory_space<hbm>>
      tpu.enqueue_indirect_dma source(%dma_start3A_155 : memref<50000x64xf32, #tpu.memory_space<hbm>>) target(%dma_start3A_150 : memref<40x64xf32, #tpu.memory_space<vmem>>) offsets(%dma_start3A_152 : memref<40xi32, #tpu.memory_space<vmem>>) semaphore(%arg7 : memref<!tpu.dma_semaphore, #tpu.memory_space<semaphore_mem>>)
      %dma_wait3A_156 = arith.constant 0 : i32
      %dma_wait3A_157 = arith.constant 0 : i32
      %dma_wait3A_158 = tpu.memref_slice %arg6[%dma_wait3A_156, %dma_wait3A_157] : memref<640x64xf32, #tpu.memory_space<vmem>> -> memref<40x64xf32, #tpu.memory_space<vmem>>
      %dma_wait3A_159 = arith.constant 0 : i32
      %dma_wait3A_160 = tpu.memref_slice %arg5[%dma_wait3A_159] : memref<640xi32, #tpu.memory_space<vmem>> -> memref<40xi32, #tpu.memory_space<vmem>>
      %dma_wait3A_161 = arith.constant 0 : i32
      %dma_wait3A_162 = arith.constant 0 : i32
      %dma_wait3A_163 = tpu.memref_slice %arg2[%dma_wait3A_161, %dma_wait3A_162] : memref<50000x64xf32, #tpu.memory_space<hbm>> -> memref<50000x64xf32, #tpu.memory_space<hbm>>
      tpu.wait_indirect_dma semaphore(%arg7 : memref<!tpu.dma_semaphore, #tpu.memory_space<semaphore_mem>>) src(%dma_wait3A_163 : memref<50000x64xf32, #tpu.memory_space<hbm>>) dst(%dma_wait3A_158 : memref<40x64xf32, #tpu.memory_space<vmem>>)
      %dma_wait3A_164 = arith.constant 40 : i32
      %dma_wait3A_165 = arith.constant 0 : i32
      %dma_wait3A_166 = tpu.memref_slice %arg6[%dma_wait3A_164, %dma_wait3A_165] : memref<640x64xf32, #tpu.memory_space<vmem>> -> memref<40x64xf32, #tpu.memory_space<vmem>>
      %dma_wait3A_167 = arith.constant 40 : i32
      %dma_wait3A_168 = tpu.memref_slice %arg5[%dma_wait3A_167] : memref<640xi32, #tpu.memory_space<vmem>> -> memref<40xi32, #tpu.memory_space<vmem>>
      %dma_wait3A_169 = arith.constant 0 : i32
      %dma_wait3A_170 = arith.constant 0 : i32
      %dma_wait3A_171 = tpu.memref_slice %arg2[%dma_wait3A_169, %dma_wait3A_170] : memref<50000x64xf32, #tpu.memory_space<hbm>> -> memref<50000x64xf32, #tpu.memory_space<hbm>>
      tpu.wait_indirect_dma semaphore(%arg7 : memref<!tpu.dma_semaphore, #tpu.memory_space<semaphore_mem>>) src(%dma_wait3A_171 : memref<50000x64xf32, #tpu.memory_space<hbm>>) dst(%dma_wait3A_166 : memref<40x64xf32, #tpu.memory_space<vmem>>)
      %dma_wait3A_172 = arith.constant 80 : i32
      %dma_wait3A_173 = arith.constant 0 : i32
      %dma_wait3A_174 = tpu.memref_slice %arg6[%dma_wait3A_172, %dma_wait3A_173] : memref<640x64xf32, #tpu.memory_space<vmem>> -> memref<40x64xf32, #tpu.memory_space<vmem>>
      %dma_wait3A_175 = arith.constant 80 : i32
      %dma_wait3A_176 = tpu.memref_slice %arg5[%dma_wait3A_175] : memref<640xi32, #tpu.memory_space<vmem>> -> memref<40xi32, #tpu.memory_space<vmem>>
      %dma_wait3A_177 = arith.constant 0 : i32
      %dma_wait3A_178 = arith.constant 0 : i32
      %dma_wait3A_179 = tpu.memref_slice %arg2[%dma_wait3A_177, %dma_wait3A_178] : memref<50000x64xf32, #tpu.memory_space<hbm>> -> memref<50000x64xf32, #tpu.memory_space<hbm>>
      tpu.wait_indirect_dma semaphore(%arg7 : memref<!tpu.dma_semaphore, #tpu.memory_space<semaphore_mem>>) src(%dma_wait3A_179 : memref<50000x64xf32, #tpu.memory_space<hbm>>) dst(%dma_wait3A_174 : memref<40x64xf32, #tpu.memory_space<vmem>>)
      %dma_wait3A_180 = arith.constant 120 : i32
      %dma_wait3A_181 = arith.constant 0 : i32
      %dma_wait3A_182 = tpu.memref_slice %arg6[%dma_wait3A_180, %dma_wait3A_181] : memref<640x64xf32, #tpu.memory_space<vmem>> -> memref<40x64xf32, #tpu.memory_space<vmem>>
      %dma_wait3A_183 = arith.constant 120 : i32
      %dma_wait3A_184 = tpu.memref_slice %arg5[%dma_wait3A_183] : memref<640xi32, #tpu.memory_space<vmem>> -> memref<40xi32, #tpu.memory_space<vmem>>
      %dma_wait3A_185 = arith.constant 0 : i32
      %dma_wait3A_186 = arith.constant 0 : i32
      %dma_wait3A_187 = tpu.memref_slice %arg2[%dma_wait3A_185, %dma_wait3A_186] : memref<50000x64xf32, #tpu.memory_space<hbm>> -> memref<50000x64xf32, #tpu.memory_space<hbm>>
      tpu.wait_indirect_dma semaphore(%arg7 : memref<!tpu.dma_semaphore, #tpu.memory_space<semaphore_mem>>) src(%dma_wait3A_187 : memref<50000x64xf32, #tpu.memory_space<hbm>>) dst(%dma_wait3A_182 : memref<40x64xf32, #tpu.memory_space<vmem>>)
      %dma_wait3A_188 = arith.constant 160 : i32
      %dma_wait3A_189 = arith.constant 0 : i32
      %dma_wait3A_190 = tpu.memref_slice %arg6[%dma_wait3A_188, %dma_wait3A_189] : memref<640x64xf32, #tpu.memory_space<vmem>> -> memref<40x64xf32, #tpu.memory_space<vmem>>
      %dma_wait3A_191 = arith.constant 160 : i32
      %dma_wait3A_192 = tpu.memref_slice %arg5[%dma_wait3A_191] : memref<640xi32, #tpu.memory_space<vmem>> -> memref<40xi32, #tpu.memory_space<vmem>>
      %dma_wait3A_193 = arith.constant 0 : i32
      %dma_wait3A_194 = arith.constant 0 : i32
      %dma_wait3A_195 = tpu.memref_slice %arg2[%dma_wait3A_193, %dma_wait3A_194] : memref<50000x64xf32, #tpu.memory_space<hbm>> -> memref<50000x64xf32, #tpu.memory_space<hbm>>
      tpu.wait_indirect_dma semaphore(%arg7 : memref<!tpu.dma_semaphore, #tpu.memory_space<semaphore_mem>>) src(%dma_wait3A_195 : memref<50000x64xf32, #tpu.memory_space<hbm>>) dst(%dma_wait3A_190 : memref<40x64xf32, #tpu.memory_space<vmem>>)
      %dma_wait3A_196 = arith.constant 200 : i32
      %dma_wait3A_197 = arith.constant 0 : i32
      %dma_wait3A_198 = tpu.memref_slice %arg6[%dma_wait3A_196, %dma_wait3A_197] : memref<640x64xf32, #tpu.memory_space<vmem>> -> memref<40x64xf32, #tpu.memory_space<vmem>>
      %dma_wait3A_199 = arith.constant 200 : i32
      %dma_wait3A_200 = tpu.memref_slice %arg5[%dma_wait3A_199] : memref<640xi32, #tpu.memory_space<vmem>> -> memref<40xi32, #tpu.memory_space<vmem>>
      %dma_wait3A_201 = arith.constant 0 : i32
      %dma_wait3A_202 = arith.constant 0 : i32
      %dma_wait3A_203 = tpu.memref_slice %arg2[%dma_wait3A_201, %dma_wait3A_202] : memref<50000x64xf32, #tpu.memory_space<hbm>> -> memref<50000x64xf32, #tpu.memory_space<hbm>>
      tpu.wait_indirect_dma semaphore(%arg7 : memref<!tpu.dma_semaphore, #tpu.memory_space<semaphore_mem>>) src(%dma_wait3A_203 : memref<50000x64xf32, #tpu.memory_space<hbm>>) dst(%dma_wait3A_198 : memref<40x64xf32, #tpu.memory_space<vmem>>)
      %dma_wait3A_204 = arith.constant 240 : i32
      %dma_wait3A_205 = arith.constant 0 : i32
      %dma_wait3A_206 = tpu.memref_slice %arg6[%dma_wait3A_204, %dma_wait3A_205] : memref<640x64xf32, #tpu.memory_space<vmem>> -> memref<40x64xf32, #tpu.memory_space<vmem>>
      %dma_wait3A_207 = arith.constant 240 : i32
      %dma_wait3A_208 = tpu.memref_slice %arg5[%dma_wait3A_207] : memref<640xi32, #tpu.memory_space<vmem>> -> memref<40xi32, #tpu.memory_space<vmem>>
      %dma_wait3A_209 = arith.constant 0 : i32
      %dma_wait3A_210 = arith.constant 0 : i32
      %dma_wait3A_211 = tpu.memref_slice %arg2[%dma_wait3A_209, %dma_wait3A_210] : memref<50000x64xf32, #tpu.memory_space<hbm>> -> memref<50000x64xf32, #tpu.memory_space<hbm>>
      tpu.wait_indirect_dma semaphore(%arg7 : memref<!tpu.dma_semaphore, #tpu.memory_space<semaphore_mem>>) src(%dma_wait3A_211 : memref<50000x64xf32, #tpu.memory_space<hbm>>) dst(%dma_wait3A_206 : memref<40x64xf32, #tpu.memory_space<vmem>>)
      %dma_wait3A_212 = arith.constant 280 : i32
      %dma_wait3A_213 = arith.constant 0 : i32
      %dma_wait3A_214 = tpu.memref_slice %arg6[%dma_wait3A_212, %dma_wait3A_213] : memref<640x64xf32, #tpu.memory_space<vmem>> -> memref<40x64xf32, #tpu.memory_space<vmem>>
      %dma_wait3A_215 = arith.constant 280 : i32
      %dma_wait3A_216 = tpu.memref_slice %arg5[%dma_wait3A_215] : memref<640xi32, #tpu.memory_space<vmem>> -> memref<40xi32, #tpu.memory_space<vmem>>
      %dma_wait3A_217 = arith.constant 0 : i32
      %dma_wait3A_218 = arith.constant 0 : i32
      %dma_wait3A_219 = tpu.memref_slice %arg2[%dma_wait3A_217, %dma_wait3A_218] : memref<50000x64xf32, #tpu.memory_space<hbm>> -> memref<50000x64xf32, #tpu.memory_space<hbm>>
      tpu.wait_indirect_dma semaphore(%arg7 : memref<!tpu.dma_semaphore, #tpu.memory_space<semaphore_mem>>) src(%dma_wait3A_219 : memref<50000x64xf32, #tpu.memory_space<hbm>>) dst(%dma_wait3A_214 : memref<40x64xf32, #tpu.memory_space<vmem>>)
      %dma_wait3A_220 = arith.constant 320 : i32
      %dma_wait3A_221 = arith.constant 0 : i32
      %dma_wait3A_222 = tpu.memref_slice %arg6[%dma_wait3A_220, %dma_wait3A_221] : memref<640x64xf32, #tpu.memory_space<vmem>> -> memref<40x64xf32, #tpu.memory_space<vmem>>
      %dma_wait3A_223 = arith.constant 320 : i32
      %dma_wait3A_224 = tpu.memref_slice %arg5[%dma_wait3A_223] : memref<640xi32, #tpu.memory_space<vmem>> -> memref<40xi32, #tpu.memory_space<vmem>>
      %dma_wait3A_225 = arith.constant 0 : i32
      %dma_wait3A_226 = arith.constant 0 : i32
      %dma_wait3A_227 = tpu.memref_slice %arg2[%dma_wait3A_225, %dma_wait3A_226] : memref<50000x64xf32, #tpu.memory_space<hbm>> -> memref<50000x64xf32, #tpu.memory_space<hbm>>
      tpu.wait_indirect_dma semaphore(%arg7 : memref<!tpu.dma_semaphore, #tpu.memory_space<semaphore_mem>>) src(%dma_wait3A_227 : memref<50000x64xf32, #tpu.memory_space<hbm>>) dst(%dma_wait3A_222 : memref<40x64xf32, #tpu.memory_space<vmem>>)
      %dma_wait3A_228 = arith.constant 360 : i32
      %dma_wait3A_229 = arith.constant 0 : i32
      %dma_wait3A_230 = tpu.memref_slice %arg6[%dma_wait3A_228, %dma_wait3A_229] : memref<640x64xf32, #tpu.memory_space<vmem>> -> memref<40x64xf32, #tpu.memory_space<vmem>>
      %dma_wait3A_231 = arith.constant 360 : i32
      %dma_wait3A_232 = tpu.memref_slice %arg5[%dma_wait3A_231] : memref<640xi32, #tpu.memory_space<vmem>> -> memref<40xi32, #tpu.memory_space<vmem>>
      %dma_wait3A_233 = arith.constant 0 : i32
      %dma_wait3A_234 = arith.constant 0 : i32
      %dma_wait3A_235 = tpu.memref_slice %arg2[%dma_wait3A_233, %dma_wait3A_234] : memref<50000x64xf32, #tpu.memory_space<hbm>> -> memref<50000x64xf32, #tpu.memory_space<hbm>>
      tpu.wait_indirect_dma semaphore(%arg7 : memref<!tpu.dma_semaphore, #tpu.memory_space<semaphore_mem>>) src(%dma_wait3A_235 : memref<50000x64xf32, #tpu.memory_space<hbm>>) dst(%dma_wait3A_230 : memref<40x64xf32, #tpu.memory_space<vmem>>)
      %dma_wait3A_236 = arith.constant 400 : i32
      %dma_wait3A_237 = arith.constant 0 : i32
      %dma_wait3A_238 = tpu.memref_slice %arg6[%dma_wait3A_236, %dma_wait3A_237] : memref<640x64xf32, #tpu.memory_space<vmem>> -> memref<40x64xf32, #tpu.memory_space<vmem>>
      %dma_wait3A_239 = arith.constant 400 : i32
      %dma_wait3A_240 = tpu.memref_slice %arg5[%dma_wait3A_239] : memref<640xi32, #tpu.memory_space<vmem>> -> memref<40xi32, #tpu.memory_space<vmem>>
      %dma_wait3A_241 = arith.constant 0 : i32
      %dma_wait3A_242 = arith.constant 0 : i32
      %dma_wait3A_243 = tpu.memref_slice %arg2[%dma_wait3A_241, %dma_wait3A_242] : memref<50000x64xf32, #tpu.memory_space<hbm>> -> memref<50000x64xf32, #tpu.memory_space<hbm>>
      tpu.wait_indirect_dma semaphore(%arg7 : memref<!tpu.dma_semaphore, #tpu.memory_space<semaphore_mem>>) src(%dma_wait3A_243 : memref<50000x64xf32, #tpu.memory_space<hbm>>) dst(%dma_wait3A_238 : memref<40x64xf32, #tpu.memory_space<vmem>>)
      %dma_wait3A_244 = arith.constant 440 : i32
      %dma_wait3A_245 = arith.constant 0 : i32
      %dma_wait3A_246 = tpu.memref_slice %arg6[%dma_wait3A_244, %dma_wait3A_245] : memref<640x64xf32, #tpu.memory_space<vmem>> -> memref<40x64xf32, #tpu.memory_space<vmem>>
      %dma_wait3A_247 = arith.constant 440 : i32
      %dma_wait3A_248 = tpu.memref_slice %arg5[%dma_wait3A_247] : memref<640xi32, #tpu.memory_space<vmem>> -> memref<40xi32, #tpu.memory_space<vmem>>
      %dma_wait3A_249 = arith.constant 0 : i32
      %dma_wait3A_250 = arith.constant 0 : i32
      %dma_wait3A_251 = tpu.memref_slice %arg2[%dma_wait3A_249, %dma_wait3A_250] : memref<50000x64xf32, #tpu.memory_space<hbm>> -> memref<50000x64xf32, #tpu.memory_space<hbm>>
      tpu.wait_indirect_dma semaphore(%arg7 : memref<!tpu.dma_semaphore, #tpu.memory_space<semaphore_mem>>) src(%dma_wait3A_251 : memref<50000x64xf32, #tpu.memory_space<hbm>>) dst(%dma_wait3A_246 : memref<40x64xf32, #tpu.memory_space<vmem>>)
      %dma_wait3A_252 = arith.constant 480 : i32
      %dma_wait3A_253 = arith.constant 0 : i32
      %dma_wait3A_254 = tpu.memref_slice %arg6[%dma_wait3A_252, %dma_wait3A_253] : memref<640x64xf32, #tpu.memory_space<vmem>> -> memref<40x64xf32, #tpu.memory_space<vmem>>
      %dma_wait3A_255 = arith.constant 480 : i32
      %dma_wait3A_256 = tpu.memref_slice %arg5[%dma_wait3A_255] : memref<640xi32, #tpu.memory_space<vmem>> -> memref<40xi32, #tpu.memory_space<vmem>>
      %dma_wait3A_257 = arith.constant 0 : i32
      %dma_wait3A_258 = arith.constant 0 : i32
      %dma_wait3A_259 = tpu.memref_slice %arg2[%dma_wait3A_257, %dma_wait3A_258] : memref<50000x64xf32, #tpu.memory_space<hbm>> -> memref<50000x64xf32, #tpu.memory_space<hbm>>
      tpu.wait_indirect_dma semaphore(%arg7 : memref<!tpu.dma_semaphore, #tpu.memory_space<semaphore_mem>>) src(%dma_wait3A_259 : memref<50000x64xf32, #tpu.memory_space<hbm>>) dst(%dma_wait3A_254 : memref<40x64xf32, #tpu.memory_space<vmem>>)
      %dma_wait3A_260 = arith.constant 520 : i32
      %dma_wait3A_261 = arith.constant 0 : i32
      %dma_wait3A_262 = tpu.memref_slice %arg6[%dma_wait3A_260, %dma_wait3A_261] : memref<640x64xf32, #tpu.memory_space<vmem>> -> memref<40x64xf32, #tpu.memory_space<vmem>>
      %dma_wait3A_263 = arith.constant 520 : i32
      %dma_wait3A_264 = tpu.memref_slice %arg5[%dma_wait3A_263] : memref<640xi32, #tpu.memory_space<vmem>> -> memref<40xi32, #tpu.memory_space<vmem>>
      %dma_wait3A_265 = arith.constant 0 : i32
      %dma_wait3A_266 = arith.constant 0 : i32
      %dma_wait3A_267 = tpu.memref_slice %arg2[%dma_wait3A_265, %dma_wait3A_266] : memref<50000x64xf32, #tpu.memory_space<hbm>> -> memref<50000x64xf32, #tpu.memory_space<hbm>>
      tpu.wait_indirect_dma semaphore(%arg7 : memref<!tpu.dma_semaphore, #tpu.memory_space<semaphore_mem>>) src(%dma_wait3A_267 : memref<50000x64xf32, #tpu.memory_space<hbm>>) dst(%dma_wait3A_262 : memref<40x64xf32, #tpu.memory_space<vmem>>)
      %dma_wait3A_268 = arith.constant 560 : i32
      %dma_wait3A_269 = arith.constant 0 : i32
      %dma_wait3A_270 = tpu.memref_slice %arg6[%dma_wait3A_268, %dma_wait3A_269] : memref<640x64xf32, #tpu.memory_space<vmem>> -> memref<40x64xf32, #tpu.memory_space<vmem>>
      %dma_wait3A_271 = arith.constant 560 : i32
      %dma_wait3A_272 = tpu.memref_slice %arg5[%dma_wait3A_271] : memref<640xi32, #tpu.memory_space<vmem>> -> memref<40xi32, #tpu.memory_space<vmem>>
      %dma_wait3A_273 = arith.constant 0 : i32
      %dma_wait3A_274 = arith.constant 0 : i32
      %dma_wait3A_275 = tpu.memref_slice %arg2[%dma_wait3A_273, %dma_wait3A_274] : memref<50000x64xf32, #tpu.memory_space<hbm>> -> memref<50000x64xf32, #tpu.memory_space<hbm>>
      tpu.wait_indirect_dma semaphore(%arg7 : memref<!tpu.dma_semaphore, #tpu.memory_space<semaphore_mem>>) src(%dma_wait3A_275 : memref<50000x64xf32, #tpu.memory_space<hbm>>) dst(%dma_wait3A_270 : memref<40x64xf32, #tpu.memory_space<vmem>>)
      %dma_wait3A_276 = arith.constant 600 : i32
      %dma_wait3A_277 = arith.constant 0 : i32
      %dma_wait3A_278 = tpu.memref_slice %arg6[%dma_wait3A_276, %dma_wait3A_277] : memref<640x64xf32, #tpu.memory_space<vmem>> -> memref<40x64xf32, #tpu.memory_space<vmem>>
      %dma_wait3A_279 = arith.constant 600 : i32
      %dma_wait3A_280 = tpu.memref_slice %arg5[%dma_wait3A_279] : memref<640xi32, #tpu.memory_space<vmem>> -> memref<40xi32, #tpu.memory_space<vmem>>
      %dma_wait3A_281 = arith.constant 0 : i32
      %dma_wait3A_282 = arith.constant 0 : i32
      %dma_wait3A_283 = tpu.memref_slice %arg2[%dma_wait3A_281, %dma_wait3A_282] : memref<50000x64xf32, #tpu.memory_space<hbm>> -> memref<50000x64xf32, #tpu.memory_space<hbm>>
      tpu.wait_indirect_dma semaphore(%arg7 : memref<!tpu.dma_semaphore, #tpu.memory_space<semaphore_mem>>) src(%dma_wait3A_283 : memref<50000x64xf32, #tpu.memory_space<hbm>>) dst(%dma_wait3A_278 : memref<40x64xf32, #tpu.memory_space<vmem>>)
      "tpu.region"() ({
        %run_scoped3A = tpu.sem_alloc : memref<!tpu.dma_semaphore, #tpu.memory_space<semaphore_mem>>
        %dma_start3A_284 = arith.constant 0 : i32
        %dma_start3A_285 = tpu.memref_slice %arg4[%add3A_27, %dma_start3A_284] : memref<800000x64xf32, #tpu.memory_space<hbm>> -> memref<640x64xf32, #tpu.memory_space<hbm>>
        %dma_start3A_286 = arith.constant 0 : i32
        %dma_start3A_287 = tpu.memref_slice %arg4[%add3A_27, %dma_start3A_286] : memref<800000x64xf32, #tpu.memory_space<hbm>> -> memref<640x64xf32, #tpu.memory_space<hbm>>
        tpu.enqueue_dma source(%arg6 : memref<640x64xf32, #tpu.memory_space<vmem>>) target(%dma_start3A_287 : memref<640x64xf32, #tpu.memory_space<hbm>>) target_semaphore(%run_scoped3A : memref<!tpu.dma_semaphore, #tpu.memory_space<semaphore_mem>>)
        %dma_wait3A_288 = arith.constant 0 : i32
        %dma_wait3A_289 = tpu.memref_slice %arg4[%add3A_27, %dma_wait3A_288] : memref<800000x64xf32, #tpu.memory_space<hbm>> -> memref<640x64xf32, #tpu.memory_space<hbm>>
        %dma_wait3A_290 = arith.constant 0 : i32
        %dma_wait3A_291 = tpu.memref_slice %arg4[%add3A_27, %dma_wait3A_290] : memref<800000x64xf32, #tpu.memory_space<hbm>> -> memref<640x64xf32, #tpu.memory_space<hbm>>
        tpu.wait_dma2 semaphore(%run_scoped3A : memref<!tpu.dma_semaphore, #tpu.memory_space<semaphore_mem>>) src(%arg6 : memref<640x64xf32, #tpu.memory_space<vmem>>) dst(%dma_wait3A_291 : memref<640x64xf32, #tpu.memory_space<hbm>>)
        tpu.yield
      }) : () -> ()
    }
    %scan3A_7 = arith.constant 39 : i32
    %add3A_8 = arith.constant 24960 : i32
    %add3A_9 = arith.addi %mul3A_2, %add3A_8 : i32
    "tpu.region"() ({
      %run_scoped3A = tpu.sem_alloc : memref<!tpu.dma_semaphore, #tpu.memory_space<semaphore_mem>>
      %dma_start3A_24 = arith.constant 0 : i32
      %dma_start3A_25 = tpu.memref_slice %arg5[%dma_start3A_24] : memref<640xi32, #tpu.memory_space<vmem>> -> memref<40xi32, #tpu.memory_space<vmem>>
      %dma_start3A_26 = tpu.memref_slice %arg3[%add3A_9] : memref<800000xi32, #tpu.memory_space<hbm>> -> memref<40xi32, #tpu.memory_space<hbm>>
      %dma_start3A_27 = arith.constant 0 : i32
      %dma_start3A_28 = tpu.memref_slice %arg5[%dma_start3A_27] : memref<640xi32, #tpu.memory_space<vmem>> -> memref<40xi32, #tpu.memory_space<vmem>>
      %dma_start3A_29 = tpu.memref_slice %arg3[%add3A_9] : memref<800000xi32, #tpu.memory_space<hbm>> -> memref<40xi32, #tpu.memory_space<hbm>>
      tpu.enqueue_dma source(%dma_start3A_29 : memref<40xi32, #tpu.memory_space<hbm>>) target(%dma_start3A_28 : memref<40xi32, #tpu.memory_space<vmem>>) target_semaphore(%run_scoped3A : memref<!tpu.dma_semaphore, #tpu.memory_space<semaphore_mem>>)
      %dma_wait3A_30 = arith.constant 0 : i32
      %dma_wait3A_31 = tpu.memref_slice %arg5[%dma_wait3A_30] : memref<640xi32, #tpu.memory_space<vmem>> -> memref<40xi32, #tpu.memory_space<vmem>>
      %dma_wait3A_32 = tpu.memref_slice %arg3[%add3A_9] : memref<800000xi32, #tpu.memory_space<hbm>> -> memref<40xi32, #tpu.memory_space<hbm>>
      %dma_wait3A_33 = arith.constant 0 : i32
      %dma_wait3A_34 = tpu.memref_slice %arg5[%dma_wait3A_33] : memref<640xi32, #tpu.memory_space<vmem>> -> memref<40xi32, #tpu.memory_space<vmem>>
      %dma_wait3A_35 = tpu.memref_slice %arg3[%add3A_9] : memref<800000xi32, #tpu.memory_space<hbm>> -> memref<40xi32, #tpu.memory_space<hbm>>
      tpu.wait_dma2 semaphore(%run_scoped3A : memref<!tpu.dma_semaphore, #tpu.memory_space<semaphore_mem>>) src(%dma_wait3A_35 : memref<40xi32, #tpu.memory_space<hbm>>) dst(%dma_wait3A_34 : memref<40xi32, #tpu.memory_space<vmem>>)
      tpu.yield
    }) : () -> ()
    %dma_start3A = arith.constant 0 : i32
    %dma_start3A_10 = arith.constant 0 : i32
    %dma_start3A_11 = tpu.memref_slice %arg6[%dma_start3A, %dma_start3A_10] : memref<640x64xf32, #tpu.memory_space<vmem>> -> memref<40x64xf32, #tpu.memory_space<vmem>>
    %dma_start3A_12 = arith.constant 0 : i32
    %dma_start3A_13 = tpu.memref_slice %arg5[%dma_start3A_12] : memref<640xi32, #tpu.memory_space<vmem>> -> memref<40xi32, #tpu.memory_space<vmem>>
    %dma_start3A_14 = arith.constant 0 : i32
    %dma_start3A_15 = arith.constant 0 : i32
    %dma_start3A_16 = tpu.memref_slice %arg2[%dma_start3A_14, %dma_start3A_15] : memref<50000x64xf32, #tpu.memory_space<hbm>> -> memref<50000x64xf32, #tpu.memory_space<hbm>>
    tpu.enqueue_indirect_dma source(%dma_start3A_16 : memref<50000x64xf32, #tpu.memory_space<hbm>>) target(%dma_start3A_11 : memref<40x64xf32, #tpu.memory_space<vmem>>) offsets(%dma_start3A_13 : memref<40xi32, #tpu.memory_space<vmem>>) semaphore(%arg7 : memref<!tpu.dma_semaphore, #tpu.memory_space<semaphore_mem>>)
    %dma_wait3A = arith.constant 0 : i32
    %dma_wait3A_17 = arith.constant 0 : i32
    %dma_wait3A_18 = tpu.memref_slice %arg6[%dma_wait3A, %dma_wait3A_17] : memref<640x64xf32, #tpu.memory_space<vmem>> -> memref<40x64xf32, #tpu.memory_space<vmem>>
    %dma_wait3A_19 = arith.constant 0 : i32
    %dma_wait3A_20 = tpu.memref_slice %arg5[%dma_wait3A_19] : memref<640xi32, #tpu.memory_space<vmem>> -> memref<40xi32, #tpu.memory_space<vmem>>
    %dma_wait3A_21 = arith.constant 0 : i32
    %dma_wait3A_22 = arith.constant 0 : i32
    %dma_wait3A_23 = tpu.memref_slice %arg2[%dma_wait3A_21, %dma_wait3A_22] : memref<50000x64xf32, #tpu.memory_space<hbm>> -> memref<50000x64xf32, #tpu.memory_space<hbm>>
    tpu.wait_indirect_dma semaphore(%arg7 : memref<!tpu.dma_semaphore, #tpu.memory_space<semaphore_mem>>) src(%dma_wait3A_23 : memref<50000x64xf32, #tpu.memory_space<hbm>>) dst(%dma_wait3A_18 : memref<40x64xf32, #tpu.memory_space<vmem>>)
    "tpu.region"() ({
      %run_scoped3A = tpu.sem_alloc : memref<!tpu.dma_semaphore, #tpu.memory_space<semaphore_mem>>
      %dma_start3A_24 = arith.constant 0 : i32
      %dma_start3A_25 = arith.constant 0 : i32
      %dma_start3A_26 = tpu.memref_slice %arg6[%dma_start3A_24, %dma_start3A_25] : memref<640x64xf32, #tpu.memory_space<vmem>> -> memref<40x64xf32, #tpu.memory_space<vmem>>
      %dma_start3A_27 = arith.constant 0 : i32
      %dma_start3A_28 = tpu.memref_slice %arg4[%add3A_9, %dma_start3A_27] : memref<800000x64xf32, #tpu.memory_space<hbm>> -> memref<40x64xf32, #tpu.memory_space<hbm>>
      %dma_start3A_29 = arith.constant 0 : i32
      %dma_start3A_30 = tpu.memref_slice %arg4[%add3A_9, %dma_start3A_29] : memref<800000x64xf32, #tpu.memory_space<hbm>> -> memref<40x64xf32, #tpu.memory_space<hbm>>
      %dma_start3A_31 = arith.constant 0 : i32
      %dma_start3A_32 = arith.constant 0 : i32
      %dma_start3A_33 = tpu.memref_slice %arg6[%dma_start3A_31, %dma_start3A_32] : memref<640x64xf32, #tpu.memory_space<vmem>> -> memref<40x64xf32, #tpu.memory_space<vmem>>
      tpu.enqueue_dma source(%dma_start3A_33 : memref<40x64xf32, #tpu.memory_space<vmem>>) target(%dma_start3A_30 : memref<40x64xf32, #tpu.memory_space<hbm>>) target_semaphore(%run_scoped3A : memref<!tpu.dma_semaphore, #tpu.memory_space<semaphore_mem>>)
      %dma_wait3A_34 = arith.constant 0 : i32
      %dma_wait3A_35 = arith.constant 0 : i32
      %dma_wait3A_36 = tpu.memref_slice %arg6[%dma_wait3A_34, %dma_wait3A_35] : memref<640x64xf32, #tpu.memory_space<vmem>> -> memref<40x64xf32, #tpu.memory_space<vmem>>
      %dma_wait3A_37 = arith.constant 0 : i32
      %dma_wait3A_38 = tpu.memref_slice %arg4[%add3A_9, %dma_wait3A_37] : memref<800000x64xf32, #tpu.memory_space<hbm>> -> memref<40x64xf32, #tpu.memory_space<hbm>>
      %dma_wait3A_39 = arith.constant 0 : i32
      %dma_wait3A_40 = tpu.memref_slice %arg4[%add3A_9, %dma_wait3A_39] : memref<800000x64xf32, #tpu.memory_space<hbm>> -> memref<40x64xf32, #tpu.memory_space<hbm>>
      %dma_wait3A_41 = arith.constant 0 : i32
      %dma_wait3A_42 = arith.constant 0 : i32
      %dma_wait3A_43 = tpu.memref_slice %arg6[%dma_wait3A_41, %dma_wait3A_42] : memref<640x64xf32, #tpu.memory_space<vmem>> -> memref<40x64xf32, #tpu.memory_space<vmem>>
      tpu.wait_dma2 semaphore(%run_scoped3A : memref<!tpu.dma_semaphore, #tpu.memory_space<semaphore_mem>>) src(%dma_wait3A_43 : memref<40x64xf32, #tpu.memory_space<vmem>>) dst(%dma_wait3A_40 : memref<40x64xf32, #tpu.memory_space<hbm>>)
      tpu.yield
    }) : () -> ()
    return
  }
}

#map = affine_map<(d0, d1) -> (0, 0)>
#map1 = affine_map<(d0, d1) -> (0)>
module attributes {stable_mosaic.version = 14 : i64} {
  func.func @_scatter_k(%arg0: i32, %arg1: i32, %arg2: memref<800000x72xf32, #tpu.memory_space<hbm>>, %arg3: memref<800000xi32, #tpu.memory_space<hbm>>, %arg4: memref<224x72xf32, #tpu.memory_space<hbm>>, %arg5: memref<50048x72xf32, #tpu.memory_space<hbm>>, %arg6: memref<25024x72xf32, #tpu.memory_space<vmem_shared>>, %arg7: memref<2x112xi32, #tpu.memory_space<vmem>>, %arg8: memref<224xi32, #tpu.memory_space<vmem>>, %arg9: memref<224x72xf32, #tpu.memory_space<vmem>>, %arg10: memref<1x48xi32, #tpu.memory_space<vmem>>, %arg11: memref<!tpu.dma_semaphore, #tpu.memory_space<semaphore_mem>>) attributes {dimension_semantics = [#tpu.dimension_semantics<core_parallel>, #tpu.dimension_semantics<subcore_parallel>], iteration_bounds = array<i64: 2, 16>, scalar_prefetch = 0 : i64, scratch_operands = 6 : i64, tpu.core_type = #tpu.core_type<sc_vector_subcore>, window_params = [{transform_indices = #map}, {transform_indices = #map1}, {transform_indices = #map}, {transform_indices = #map}]} {
    %mul3A = arith.constant 25000 : i32
    %mul3A_0 = arith.muli %arg0, %mul3A : i32
    "tpu.region"() ({
      %run_scoped3A_87 = tpu.sem_alloc : memref<!tpu.dma_semaphore, #tpu.memory_space<semaphore_mem>>
      tpu.enqueue_dma source(%arg4 : memref<224x72xf32, #tpu.memory_space<hbm>>) target(%arg9 : memref<224x72xf32, #tpu.memory_space<vmem>>) target_semaphore(%run_scoped3A_87 : memref<!tpu.dma_semaphore, #tpu.memory_space<semaphore_mem>>)
      tpu.wait_dma2 semaphore(%run_scoped3A_87 : memref<!tpu.dma_semaphore, #tpu.memory_space<semaphore_mem>>) src(%arg4 : memref<224x72xf32, #tpu.memory_space<hbm>>) dst(%arg9 : memref<224x72xf32, #tpu.memory_space<vmem>>)
      tpu.yield
    }) : () -> ()
    %mul3A_1 = arith.constant 1564 : i32
    %mul3A_2 = arith.muli %arg1, %mul3A_1 : i32
    %scan3A = arith.constant 0 : i32
    %scan3A_3 = arith.constant 0 : i32
    %scan3A_4 = arith.constant 6 : i32
    %scan3A_5 = arith.addi %scan3A_3, %scan3A_4 : i32
    %scan3A_6 = arith.constant 1 : i32
    scf.for %scan3A_87 = %scan3A_3 to %scan3A_5 step %scan3A_6  : i32 {
      %mul3A_88 = arith.constant 224 : i32
      %mul3A_89 = arith.muli %scan3A_87, %mul3A_88 : i32
      %add3A_90 = arith.addi %mul3A_2, %mul3A_89 : i32
      "tpu.region"() ({
        %run_scoped3A_91 = tpu.sem_alloc : memref<!tpu.dma_semaphore, #tpu.memory_space<semaphore_mem>>
        %dma_start3A = arith.constant 0 : i32
        %dma_start3A_92 = tpu.memref_slice %arg6[%add3A_90, %dma_start3A] : memref<25024x72xf32, #tpu.memory_space<vmem_shared>> -> memref<224x72xf32, #tpu.memory_space<vmem_shared>>
        %dma_start3A_93 = arith.constant 0 : i32
        %dma_start3A_94 = tpu.memref_slice %arg6[%add3A_90, %dma_start3A_93] : memref<25024x72xf32, #tpu.memory_space<vmem_shared>> -> memref<224x72xf32, #tpu.memory_space<vmem_shared>>
        tpu.enqueue_dma source(%arg9 : memref<224x72xf32, #tpu.memory_space<vmem>>) target(%dma_start3A_94 : memref<224x72xf32, #tpu.memory_space<vmem_shared>>) target_semaphore(%run_scoped3A_91 : memref<!tpu.dma_semaphore, #tpu.memory_space<semaphore_mem>>)
        %dma_wait3A = arith.constant 0 : i32
        %dma_wait3A_95 = tpu.memref_slice %arg6[%add3A_90, %dma_wait3A] : memref<25024x72xf32, #tpu.memory_space<vmem_shared>> -> memref<224x72xf32, #tpu.memory_space<vmem_shared>>
        %dma_wait3A_96 = arith.constant 0 : i32
        %dma_wait3A_97 = tpu.memref_slice %arg6[%add3A_90, %dma_wait3A_96] : memref<25024x72xf32, #tpu.memory_space<vmem_shared>> -> memref<224x72xf32, #tpu.memory_space<vmem_shared>>
        tpu.wait_dma2 semaphore(%run_scoped3A_91 : memref<!tpu.dma_semaphore, #tpu.memory_space<semaphore_mem>>) src(%arg9 : memref<224x72xf32, #tpu.memory_space<vmem>>) dst(%dma_wait3A_97 : memref<224x72xf32, #tpu.memory_space<vmem_shared>>)
        tpu.yield
      }) : () -> ()
    }
    %scan3A_7 = arith.constant 6 : i32
    %add3A = arith.constant 1344 : i32
    %add3A_8 = arith.addi %mul3A_2, %add3A : i32
    "tpu.region"() ({
      %run_scoped3A_87 = tpu.sem_alloc : memref<!tpu.dma_semaphore, #tpu.memory_space<semaphore_mem>>
      %dma_start3A = arith.constant 0 : i32
      %dma_start3A_88 = arith.constant 0 : i32
      %dma_start3A_89 = tpu.memref_slice %arg9[%dma_start3A, %dma_start3A_88] : memref<224x72xf32, #tpu.memory_space<vmem>> -> memref<220x72xf32, #tpu.memory_space<vmem>>
      %dma_start3A_90 = arith.constant 0 : i32
      %dma_start3A_91 = tpu.memref_slice %arg6[%add3A_8, %dma_start3A_90] : memref<25024x72xf32, #tpu.memory_space<vmem_shared>> -> memref<220x72xf32, #tpu.memory_space<vmem_shared>>
      %dma_start3A_92 = arith.constant 0 : i32
      %dma_start3A_93 = tpu.memref_slice %arg6[%add3A_8, %dma_start3A_92] : memref<25024x72xf32, #tpu.memory_space<vmem_shared>> -> memref<220x72xf32, #tpu.memory_space<vmem_shared>>
      %dma_start3A_94 = arith.constant 0 : i32
      %dma_start3A_95 = arith.constant 0 : i32
      %dma_start3A_96 = tpu.memref_slice %arg9[%dma_start3A_94, %dma_start3A_95] : memref<224x72xf32, #tpu.memory_space<vmem>> -> memref<220x72xf32, #tpu.memory_space<vmem>>
      tpu.enqueue_dma source(%dma_start3A_96 : memref<220x72xf32, #tpu.memory_space<vmem>>) target(%dma_start3A_93 : memref<220x72xf32, #tpu.memory_space<vmem_shared>>) target_semaphore(%run_scoped3A_87 : memref<!tpu.dma_semaphore, #tpu.memory_space<semaphore_mem>>)
      %dma_wait3A = arith.constant 0 : i32
      %dma_wait3A_97 = arith.constant 0 : i32
      %dma_wait3A_98 = tpu.memref_slice %arg9[%dma_wait3A, %dma_wait3A_97] : memref<224x72xf32, #tpu.memory_space<vmem>> -> memref<220x72xf32, #tpu.memory_space<vmem>>
      %dma_wait3A_99 = arith.constant 0 : i32
      %dma_wait3A_100 = tpu.memref_slice %arg6[%add3A_8, %dma_wait3A_99] : memref<25024x72xf32, #tpu.memory_space<vmem_shared>> -> memref<220x72xf32, #tpu.memory_space<vmem_shared>>
      %dma_wait3A_101 = arith.constant 0 : i32
      %dma_wait3A_102 = tpu.memref_slice %arg6[%add3A_8, %dma_wait3A_101] : memref<25024x72xf32, #tpu.memory_space<vmem_shared>> -> memref<220x72xf32, #tpu.memory_space<vmem_shared>>
      %dma_wait3A_103 = arith.constant 0 : i32
      %dma_wait3A_104 = arith.constant 0 : i32
      %dma_wait3A_105 = tpu.memref_slice %arg9[%dma_wait3A_103, %dma_wait3A_104] : memref<224x72xf32, #tpu.memory_space<vmem>> -> memref<220x72xf32, #tpu.memory_space<vmem>>
      tpu.wait_dma2 semaphore(%run_scoped3A_87 : memref<!tpu.dma_semaphore, #tpu.memory_space<semaphore_mem>>) src(%dma_wait3A_105 : memref<220x72xf32, #tpu.memory_space<vmem>>) dst(%dma_wait3A_102 : memref<220x72xf32, #tpu.memory_space<vmem_shared>>)
      tpu.yield
    }) : () -> ()
    %barrier3A = arith.constant 0 : index
    tpu.barrier barrier_id(%barrier3A)
    %scan3A_9 = arith.constant 0 : i32
    %scan3A_10 = arith.constant 0 : i32
    %scan3A_11 = arith.constant 223 : i32
    %scan3A_12 = arith.addi %scan3A_10, %scan3A_11 : i32
    %scan3A_13 = arith.constant 1 : i32
    scf.for %scan3A_87 = %scan3A_10 to %scan3A_12 step %scan3A_13  : i32 {
      %mul3A_88 = arith.constant 50000 : i32
      %mul3A_89 = arith.muli %arg1, %mul3A_88 : i32
      %mul3A_90 = arith.constant 224 : i32
      %mul3A_91 = arith.muli %scan3A_87, %mul3A_90 : i32
      %add3A_92 = arith.addi %mul3A_89, %mul3A_91 : i32
      "tpu.region"() ({
        %run_scoped3A_395 = tpu.sem_alloc : memref<!tpu.dma_semaphore, #tpu.memory_space<semaphore_mem>>
        %dma_start3A_396 = tpu.memref_slice %arg3[%add3A_92] : memref<800000xi32, #tpu.memory_space<hbm>> -> memref<224xi32, #tpu.memory_space<hbm>>
        %dma_start3A_397 = tpu.memref_slice %arg3[%add3A_92] : memref<800000xi32, #tpu.memory_space<hbm>> -> memref<224xi32, #tpu.memory_space<hbm>>
        tpu.enqueue_dma source(%dma_start3A_397 : memref<224xi32, #tpu.memory_space<hbm>>) target(%arg8 : memref<224xi32, #tpu.memory_space<vmem>>) target_semaphore(%run_scoped3A_395 : memref<!tpu.dma_semaphore, #tpu.memory_space<semaphore_mem>>)
        %dma_wait3A_398 = tpu.memref_slice %arg3[%add3A_92] : memref<800000xi32, #tpu.memory_space<hbm>> -> memref<224xi32, #tpu.memory_space<hbm>>
        %dma_wait3A_399 = tpu.memref_slice %arg3[%add3A_92] : memref<800000xi32, #tpu.memory_space<hbm>> -> memref<224xi32, #tpu.memory_space<hbm>>
        tpu.wait_dma2 semaphore(%run_scoped3A_395 : memref<!tpu.dma_semaphore, #tpu.memory_space<semaphore_mem>>) src(%dma_wait3A_399 : memref<224xi32, #tpu.memory_space<hbm>>) dst(%arg8 : memref<224xi32, #tpu.memory_space<vmem>>)
        tpu.yield
      }) : () -> ()
      %dma_start3A = arith.constant 0 : i32
      %dma_start3A_93 = tpu.memref_slice %arg2[%add3A_92, %dma_start3A] : memref<800000x72xf32, #tpu.memory_space<hbm>> -> memref<224x72xf32, #tpu.memory_space<hbm>>
      %dma_start3A_94 = arith.constant 0 : i32
      %dma_start3A_95 = tpu.memref_slice %arg2[%add3A_92, %dma_start3A_94] : memref<800000x72xf32, #tpu.memory_space<hbm>> -> memref<224x72xf32, #tpu.memory_space<hbm>>
      tpu.enqueue_dma source(%dma_start3A_95 : memref<224x72xf32, #tpu.memory_space<hbm>>) target(%arg9 : memref<224x72xf32, #tpu.memory_space<vmem>>) target_semaphore(%arg11 : memref<!tpu.dma_semaphore, #tpu.memory_space<semaphore_mem>>)
      %get3A_96 = arith.constant 0 : index
      %get3A_97 = tpu.vector_load %arg8[%get3A_96] {strides = array<i32>} : memref<224xi32, #tpu.memory_space<vmem>>, vector<16xi32>,
      %get3A_98 = vector.shape_cast %get3A_97 : vector<16xi32> to vector<16xi32>
      %sub3A_99 = vector.broadcast %mul3A_0 : i32 to vector<16xi32>
      %sub3A_100 = arith.subi %get3A_98, %sub3A_99 : vector<16xi32>
      %ge3A_101 = arith.constant 0 : i32
      %ge3A_102 = vector.broadcast %ge3A_101 : i32 to vector<16xi32>
      %ge3A_103 = arith.cmpi sge, %sub3A_100, %ge3A_102 : vector<16xi32>
      %lt3A_104 = arith.constant 25000 : i32
      %lt3A_105 = vector.broadcast %lt3A_104 : i32 to vector<16xi32>
      %lt3A_106 = arith.cmpi slt, %sub3A_100, %lt3A_105 : vector<16xi32>
      %and3A_107 = arith.andi %ge3A_103, %lt3A_106 : vector<16xi1>
      %jit3A_108 = arith.constant 25000 : i32
      %broadcast_in_dim3A_109 = vector.broadcast %jit3A_108 : i32 to vector<16xi32>
      %select_n3A_110 = arith.select %and3A_107, %sub3A_100, %broadcast_in_dim3A_109 : vector<16xi1>, vector<16xi32>
      %swap3A_111 = arith.constant 0 : i32
      %swap3A_112 = arith.index_cast %swap3A_111 : i32 to index
      %swap3A_113 = arith.constant 0 : index
      %swap3A_114 = tpu.vector_load %arg7[%swap3A_112, %swap3A_113] {strides = array<i32>} : memref<2x112xi32, #tpu.memory_space<vmem>>, vector<1x16xi32>,
      %swap3A_115 = vector.shape_cast %swap3A_114 : vector<1x16xi32> to vector<16xi32>
      %swap3A_116 = vector.shape_cast %select_n3A_110 : vector<16xi32> to vector<1x16xi32>
      tpu.vector_store %arg7[%swap3A_112, %swap3A_113], %swap3A_116 {strides = array<i32>} : memref<2x112xi32, #tpu.memory_space<vmem>>, vector<1x16xi32>,
      %get3A_117 = arith.constant 16 : index
      %get3A_118 = tpu.vector_load %arg8[%get3A_117] {strides = array<i32>} : memref<224xi32, #tpu.memory_space<vmem>>, vector<16xi32>,
      %get3A_119 = vector.shape_cast %get3A_118 : vector<16xi32> to vector<16xi32>
      %sub3A_120 = vector.broadcast %mul3A_0 : i32 to vector<16xi32>
      %sub3A_121 = arith.subi %get3A_119, %sub3A_120 : vector<16xi32>
      %ge3A_122 = arith.constant 0 : i32
      %ge3A_123 = vector.broadcast %ge3A_122 : i32 to vector<16xi32>
      %ge3A_124 = arith.cmpi sge, %sub3A_121, %ge3A_123 : vector<16xi32>
      %lt3A_125 = arith.constant 25000 : i32
      %lt3A_126 = vector.broadcast %lt3A_125 : i32 to vector<16xi32>
      %lt3A_127 = arith.cmpi slt, %sub3A_121, %lt3A_126 : vector<16xi32>
      %and3A_128 = arith.andi %ge3A_124, %lt3A_127 : vector<16xi1>
      %jit3A_129 = arith.constant 25000 : i32
      %broadcast_in_dim3A_130 = vector.broadcast %jit3A_129 : i32 to vector<16xi32>
      %select_n3A_131 = arith.select %and3A_128, %sub3A_121, %broadcast_in_dim3A_130 : vector<16xi1>, vector<16xi32>
      %swap3A_132 = arith.constant 0 : i32
      %swap3A_133 = arith.index_cast %swap3A_132 : i32 to index
      %swap3A_134 = arith.constant 16 : index
      %swap3A_135 = tpu.vector_load %arg7[%swap3A_133, %swap3A_134] {strides = array<i32>} : memref<2x112xi32, #tpu.memory_space<vmem>>, vector<1x16xi32>,
      %swap3A_136 = vector.shape_cast %swap3A_135 : vector<1x16xi32> to vector<16xi32>
      %swap3A_137 = vector.shape_cast %select_n3A_131 : vector<16xi32> to vector<1x16xi32>
      tpu.vector_store %arg7[%swap3A_133, %swap3A_134], %swap3A_137 {strides = array<i32>} : memref<2x112xi32, #tpu.memory_space<vmem>>, vector<1x16xi32>,
      %get3A_138 = arith.constant 32 : index
      %get3A_139 = tpu.vector_load %arg8[%get3A_138] {strides = array<i32>} : memref<224xi32, #tpu.memory_space<vmem>>, vector<16xi32>,
      %get3A_140 = vector.shape_cast %get3A_139 : vector<16xi32> to vector<16xi32>
      %sub3A_141 = vector.broadcast %mul3A_0 : i32 to vector<16xi32>
      %sub3A_142 = arith.subi %get3A_140, %sub3A_141 : vector<16xi32>
      %ge3A_143 = arith.constant 0 : i32
      %ge3A_144 = vector.broadcast %ge3A_143 : i32 to vector<16xi32>
      %ge3A_145 = arith.cmpi sge, %sub3A_142, %ge3A_144 : vector<16xi32>
      %lt3A_146 = arith.constant 25000 : i32
      %lt3A_147 = vector.broadcast %lt3A_146 : i32 to vector<16xi32>
      %lt3A_148 = arith.cmpi slt, %sub3A_142, %lt3A_147 : vector<16xi32>
      %and3A_149 = arith.andi %ge3A_145, %lt3A_148 : vector<16xi1>
      %jit3A_150 = arith.constant 25000 : i32
      %broadcast_in_dim3A_151 = vector.broadcast %jit3A_150 : i32 to vector<16xi32>
      %select_n3A_152 = arith.select %and3A_149, %sub3A_142, %broadcast_in_dim3A_151 : vector<16xi1>, vector<16xi32>
      %swap3A_153 = arith.constant 0 : i32
      %swap3A_154 = arith.index_cast %swap3A_153 : i32 to index
      %swap3A_155 = arith.constant 32 : index
      %swap3A_156 = tpu.vector_load %arg7[%swap3A_154, %swap3A_155] {strides = array<i32>} : memref<2x112xi32, #tpu.memory_space<vmem>>, vector<1x16xi32>,
      %swap3A_157 = vector.shape_cast %swap3A_156 : vector<1x16xi32> to vector<16xi32>
      %swap3A_158 = vector.shape_cast %select_n3A_152 : vector<16xi32> to vector<1x16xi32>
      tpu.vector_store %arg7[%swap3A_154, %swap3A_155], %swap3A_158 {strides = array<i32>} : memref<2x112xi32, #tpu.memory_space<vmem>>, vector<1x16xi32>,
      %get3A_159 = arith.constant 48 : index
      %get3A_160 = tpu.vector_load %arg8[%get3A_159] {strides = array<i32>} : memref<224xi32, #tpu.memory_space<vmem>>, vector<16xi32>,
      %get3A_161 = vector.shape_cast %get3A_160 : vector<16xi32> to vector<16xi32>
      %sub3A_162 = vector.broadcast %mul3A_0 : i32 to vector<16xi32>
      %sub3A_163 = arith.subi %get3A_161, %sub3A_162 : vector<16xi32>
      %ge3A_164 = arith.constant 0 : i32
      %ge3A_165 = vector.broadcast %ge3A_164 : i32 to vector<16xi32>
      %ge3A_166 = arith.cmpi sge, %sub3A_163, %ge3A_165 : vector<16xi32>
      %lt3A_167 = arith.constant 25000 : i32
      %lt3A_168 = vector.broadcast %lt3A_167 : i32 to vector<16xi32>
      %lt3A_169 = arith.cmpi slt, %sub3A_163, %lt3A_168 : vector<16xi32>
      %and3A_170 = arith.andi %ge3A_166, %lt3A_169 : vector<16xi1>
      %jit3A_171 = arith.constant 25000 : i32
      %broadcast_in_dim3A_172 = vector.broadcast %jit3A_171 : i32 to vector<16xi32>
      %select_n3A_173 = arith.select %and3A_170, %sub3A_163, %broadcast_in_dim3A_172 : vector<16xi1>, vector<16xi32>
      %swap3A_174 = arith.constant 0 : i32
      %swap3A_175 = arith.index_cast %swap3A_174 : i32 to index
      %swap3A_176 = arith.constant 48 : index
      %swap3A_177 = tpu.vector_load %arg7[%swap3A_175, %swap3A_176] {strides = array<i32>} : memref<2x112xi32, #tpu.memory_space<vmem>>, vector<1x16xi32>,
      %swap3A_178 = vector.shape_cast %swap3A_177 : vector<1x16xi32> to vector<16xi32>
      %swap3A_179 = vector.shape_cast %select_n3A_173 : vector<16xi32> to vector<1x16xi32>
      tpu.vector_store %arg7[%swap3A_175, %swap3A_176], %swap3A_179 {strides = array<i32>} : memref<2x112xi32, #tpu.memory_space<vmem>>, vector<1x16xi32>,
      %get3A_180 = arith.constant 64 : index
      %get3A_181 = tpu.vector_load %arg8[%get3A_180] {strides = array<i32>} : memref<224xi32, #tpu.memory_space<vmem>>, vector<16xi32>,
      %get3A_182 = vector.shape_cast %get3A_181 : vector<16xi32> to vector<16xi32>
      %sub3A_183 = vector.broadcast %mul3A_0 : i32 to vector<16xi32>
      %sub3A_184 = arith.subi %get3A_182, %sub3A_183 : vector<16xi32>
      %ge3A_185 = arith.constant 0 : i32
      %ge3A_186 = vector.broadcast %ge3A_185 : i32 to vector<16xi32>
      %ge3A_187 = arith.cmpi sge, %sub3A_184, %ge3A_186 : vector<16xi32>
      %lt3A_188 = arith.constant 25000 : i32
      %lt3A_189 = vector.broadcast %lt3A_188 : i32 to vector<16xi32>
      %lt3A_190 = arith.cmpi slt, %sub3A_184, %lt3A_189 : vector<16xi32>
      %and3A_191 = arith.andi %ge3A_187, %lt3A_190 : vector<16xi1>
      %jit3A_192 = arith.constant 25000 : i32
      %broadcast_in_dim3A_193 = vector.broadcast %jit3A_192 : i32 to vector<16xi32>
      %select_n3A_194 = arith.select %and3A_191, %sub3A_184, %broadcast_in_dim3A_193 : vector<16xi1>, vector<16xi32>
      %swap3A_195 = arith.constant 0 : i32
      %swap3A_196 = arith.index_cast %swap3A_195 : i32 to index
      %swap3A_197 = arith.constant 64 : index
      %swap3A_198 = tpu.vector_load %arg7[%swap3A_196, %swap3A_197] {strides = array<i32>} : memref<2x112xi32, #tpu.memory_space<vmem>>, vector<1x16xi32>,
      %swap3A_199 = vector.shape_cast %swap3A_198 : vector<1x16xi32> to vector<16xi32>
      %swap3A_200 = vector.shape_cast %select_n3A_194 : vector<16xi32> to vector<1x16xi32>
      tpu.vector_store %arg7[%swap3A_196, %swap3A_197], %swap3A_200 {strides = array<i32>} : memref<2x112xi32, #tpu.memory_space<vmem>>, vector<1x16xi32>,
      %get3A_201 = arith.constant 80 : index
      %get3A_202 = tpu.vector_load %arg8[%get3A_201] {strides = array<i32>} : memref<224xi32, #tpu.memory_space<vmem>>, vector<16xi32>,
      %get3A_203 = vector.shape_cast %get3A_202 : vector<16xi32> to vector<16xi32>
      %sub3A_204 = vector.broadcast %mul3A_0 : i32 to vector<16xi32>
      %sub3A_205 = arith.subi %get3A_203, %sub3A_204 : vector<16xi32>
      %ge3A_206 = arith.constant 0 : i32
      %ge3A_207 = vector.broadcast %ge3A_206 : i32 to vector<16xi32>
      %ge3A_208 = arith.cmpi sge, %sub3A_205, %ge3A_207 : vector<16xi32>
      %lt3A_209 = arith.constant 25000 : i32
      %lt3A_210 = vector.broadcast %lt3A_209 : i32 to vector<16xi32>
      %lt3A_211 = arith.cmpi slt, %sub3A_205, %lt3A_210 : vector<16xi32>
      %and3A_212 = arith.andi %ge3A_208, %lt3A_211 : vector<16xi1>
      %jit3A_213 = arith.constant 25000 : i32
      %broadcast_in_dim3A_214 = vector.broadcast %jit3A_213 : i32 to vector<16xi32>
      %select_n3A_215 = arith.select %and3A_212, %sub3A_205, %broadcast_in_dim3A_214 : vector<16xi1>, vector<16xi32>
      %swap3A_216 = arith.constant 0 : i32
      %swap3A_217 = arith.index_cast %swap3A_216 : i32 to index
      %swap3A_218 = arith.constant 80 : index
      %swap3A_219 = tpu.vector_load %arg7[%swap3A_217, %swap3A_218] {strides = array<i32>} : memref<2x112xi32, #tpu.memory_space<vmem>>, vector<1x16xi32>,
      %swap3A_220 = vector.shape_cast %swap3A_219 : vector<1x16xi32> to vector<16xi32>
      %swap3A_221 = vector.shape_cast %select_n3A_215 : vector<16xi32> to vector<1x16xi32>
      tpu.vector_store %arg7[%swap3A_217, %swap3A_218], %swap3A_221 {strides = array<i32>} : memref<2x112xi32, #tpu.memory_space<vmem>>, vector<1x16xi32>,
      %get3A_222 = arith.constant 96 : index
      %get3A_223 = tpu.vector_load %arg8[%get3A_222] {strides = array<i32>} : memref<224xi32, #tpu.memory_space<vmem>>, vector<16xi32>,
      %get3A_224 = vector.shape_cast %get3A_223 : vector<16xi32> to vector<16xi32>
      %sub3A_225 = vector.broadcast %mul3A_0 : i32 to vector<16xi32>
      %sub3A_226 = arith.subi %get3A_224, %sub3A_225 : vector<16xi32>
      %ge3A_227 = arith.constant 0 : i32
      %ge3A_228 = vector.broadcast %ge3A_227 : i32 to vector<16xi32>
      %ge3A_229 = arith.cmpi sge, %sub3A_226, %ge3A_228 : vector<16xi32>
      %lt3A_230 = arith.constant 25000 : i32
      %lt3A_231 = vector.broadcast %lt3A_230 : i32 to vector<16xi32>
      %lt3A_232 = arith.cmpi slt, %sub3A_226, %lt3A_231 : vector<16xi32>
      %and3A_233 = arith.andi %ge3A_229, %lt3A_232 : vector<16xi1>
      %jit3A_234 = arith.constant 25000 : i32
      %broadcast_in_dim3A_235 = vector.broadcast %jit3A_234 : i32 to vector<16xi32>
      %select_n3A_236 = arith.select %and3A_233, %sub3A_226, %broadcast_in_dim3A_235 : vector<16xi1>, vector<16xi32>
      %swap3A_237 = arith.constant 0 : i32
      %swap3A_238 = arith.index_cast %swap3A_237 : i32 to index
      %swap3A_239 = arith.constant 96 : index
      %swap3A_240 = tpu.vector_load %arg7[%swap3A_238, %swap3A_239] {strides = array<i32>} : memref<2x112xi32, #tpu.memory_space<vmem>>, vector<1x16xi32>,
      %swap3A_241 = vector.shape_cast %swap3A_240 : vector<1x16xi32> to vector<16xi32>
      %swap3A_242 = vector.shape_cast %select_n3A_236 : vector<16xi32> to vector<1x16xi32>
      tpu.vector_store %arg7[%swap3A_238, %swap3A_239], %swap3A_242 {strides = array<i32>} : memref<2x112xi32, #tpu.memory_space<vmem>>, vector<1x16xi32>,
      %get3A_243 = arith.constant 112 : index
      %get3A_244 = tpu.vector_load %arg8[%get3A_243] {strides = array<i32>} : memref<224xi32, #tpu.memory_space<vmem>>, vector<16xi32>,
      %get3A_245 = vector.shape_cast %get3A_244 : vector<16xi32> to vector<16xi32>
      %sub3A_246 = vector.broadcast %mul3A_0 : i32 to vector<16xi32>
      %sub3A_247 = arith.subi %get3A_245, %sub3A_246 : vector<16xi32>
      %ge3A_248 = arith.constant 0 : i32
      %ge3A_249 = vector.broadcast %ge3A_248 : i32 to vector<16xi32>
      %ge3A_250 = arith.cmpi sge, %sub3A_247, %ge3A_249 : vector<16xi32>
      %lt3A_251 = arith.constant 25000 : i32
      %lt3A_252 = vector.broadcast %lt3A_251 : i32 to vector<16xi32>
      %lt3A_253 = arith.cmpi slt, %sub3A_247, %lt3A_252 : vector<16xi32>
      %and3A_254 = arith.andi %ge3A_250, %lt3A_253 : vector<16xi1>
      %jit3A_255 = arith.constant 25000 : i32
      %broadcast_in_dim3A_256 = vector.broadcast %jit3A_255 : i32 to vector<16xi32>
      %select_n3A_257 = arith.select %and3A_254, %sub3A_247, %broadcast_in_dim3A_256 : vector<16xi1>, vector<16xi32>
      %swap3A_258 = arith.constant 1 : i32
      %swap3A_259 = arith.index_cast %swap3A_258 : i32 to index
      %swap3A_260 = arith.constant 0 : index
      %swap3A_261 = tpu.vector_load %arg7[%swap3A_259, %swap3A_260] {strides = array<i32>} : memref<2x112xi32, #tpu.memory_space<vmem>>, vector<1x16xi32>,
      %swap3A_262 = vector.shape_cast %swap3A_261 : vector<1x16xi32> to vector<16xi32>
      %swap3A_263 = vector.shape_cast %select_n3A_257 : vector<16xi32> to vector<1x16xi32>
      tpu.vector_store %arg7[%swap3A_259, %swap3A_260], %swap3A_263 {strides = array<i32>} : memref<2x112xi32, #tpu.memory_space<vmem>>, vector<1x16xi32>,
      %get3A_264 = arith.constant 128 : index
      %get3A_265 = tpu.vector_load %arg8[%get3A_264] {strides = array<i32>} : memref<224xi32, #tpu.memory_space<vmem>>, vector<16xi32>,
      %get3A_266 = vector.shape_cast %get3A_265 : vector<16xi32> to vector<16xi32>
      %sub3A_267 = vector.broadcast %mul3A_0 : i32 to vector<16xi32>
      %sub3A_268 = arith.subi %get3A_266, %sub3A_267 : vector<16xi32>
      %ge3A_269 = arith.constant 0 : i32
      %ge3A_270 = vector.broadcast %ge3A_269 : i32 to vector<16xi32>
      %ge3A_271 = arith.cmpi sge, %sub3A_268, %ge3A_270 : vector<16xi32>
      %lt3A_272 = arith.constant 25000 : i32
      %lt3A_273 = vector.broadcast %lt3A_272 : i32 to vector<16xi32>
      %lt3A_274 = arith.cmpi slt, %sub3A_268, %lt3A_273 : vector<16xi32>
      %and3A_275 = arith.andi %ge3A_271, %lt3A_274 : vector<16xi1>
      %jit3A_276 = arith.constant 25000 : i32
      %broadcast_in_dim3A_277 = vector.broadcast %jit3A_276 : i32 to vector<16xi32>
      %select_n3A_278 = arith.select %and3A_275, %sub3A_268, %broadcast_in_dim3A_277 : vector<16xi1>, vector<16xi32>
      %swap3A_279 = arith.constant 1 : i32
      %swap3A_280 = arith.index_cast %swap3A_279 : i32 to index
      %swap3A_281 = arith.constant 16 : index
      %swap3A_282 = tpu.vector_load %arg7[%swap3A_280, %swap3A_281] {strides = array<i32>} : memref<2x112xi32, #tpu.memory_space<vmem>>, vector<1x16xi32>,
      %swap3A_283 = vector.shape_cast %swap3A_282 : vector<1x16xi32> to vector<16xi32>
      %swap3A_284 = vector.shape_cast %select_n3A_278 : vector<16xi32> to vector<1x16xi32>
      tpu.vector_store %arg7[%swap3A_280, %swap3A_281], %swap3A_284 {strides = array<i32>} : memref<2x112xi32, #tpu.memory_space<vmem>>, vector<1x16xi32>,
      %get3A_285 = arith.constant 144 : index
      %get3A_286 = tpu.vector_load %arg8[%get3A_285] {strides = array<i32>} : memref<224xi32, #tpu.memory_space<vmem>>, vector<16xi32>,
      %get3A_287 = vector.shape_cast %get3A_286 : vector<16xi32> to vector<16xi32>
      %sub3A_288 = vector.broadcast %mul3A_0 : i32 to vector<16xi32>
      %sub3A_289 = arith.subi %get3A_287, %sub3A_288 : vector<16xi32>
      %ge3A_290 = arith.constant 0 : i32
      %ge3A_291 = vector.broadcast %ge3A_290 : i32 to vector<16xi32>
      %ge3A_292 = arith.cmpi sge, %sub3A_289, %ge3A_291 : vector<16xi32>
      %lt3A_293 = arith.constant 25000 : i32
      %lt3A_294 = vector.broadcast %lt3A_293 : i32 to vector<16xi32>
      %lt3A_295 = arith.cmpi slt, %sub3A_289, %lt3A_294 : vector<16xi32>
      %and3A_296 = arith.andi %ge3A_292, %lt3A_295 : vector<16xi1>
      %jit3A_297 = arith.constant 25000 : i32
      %broadcast_in_dim3A_298 = vector.broadcast %jit3A_297 : i32 to vector<16xi32>
      %select_n3A_299 = arith.select %and3A_296, %sub3A_289, %broadcast_in_dim3A_298 : vector<16xi1>, vector<16xi32>
      %swap3A_300 = arith.constant 1 : i32
      %swap3A_301 = arith.index_cast %swap3A_300 : i32 to index
      %swap3A_302 = arith.constant 32 : index
      %swap3A_303 = tpu.vector_load %arg7[%swap3A_301, %swap3A_302] {strides = array<i32>} : memref<2x112xi32, #tpu.memory_space<vmem>>, vector<1x16xi32>,
      %swap3A_304 = vector.shape_cast %swap3A_303 : vector<1x16xi32> to vector<16xi32>
      %swap3A_305 = vector.shape_cast %select_n3A_299 : vector<16xi32> to vector<1x16xi32>
      tpu.vector_store %arg7[%swap3A_301, %swap3A_302], %swap3A_305 {strides = array<i32>} : memref<2x112xi32, #tpu.memory_space<vmem>>, vector<1x16xi32>,
      %get3A_306 = arith.constant 160 : index
      %get3A_307 = tpu.vector_load %arg8[%get3A_306] {strides = array<i32>} : memref<224xi32, #tpu.memory_space<vmem>>, vector<16xi32>,
      %get3A_308 = vector.shape_cast %get3A_307 : vector<16xi32> to vector<16xi32>
      %sub3A_309 = vector.broadcast %mul3A_0 : i32 to vector<16xi32>
      %sub3A_310 = arith.subi %get3A_308, %sub3A_309 : vector<16xi32>
      %ge3A_311 = arith.constant 0 : i32
      %ge3A_312 = vector.broadcast %ge3A_311 : i32 to vector<16xi32>
      %ge3A_313 = arith.cmpi sge, %sub3A_310, %ge3A_312 : vector<16xi32>
      %lt3A_314 = arith.constant 25000 : i32
      %lt3A_315 = vector.broadcast %lt3A_314 : i32 to vector<16xi32>
      %lt3A_316 = arith.cmpi slt, %sub3A_310, %lt3A_315 : vector<16xi32>
      %and3A_317 = arith.andi %ge3A_313, %lt3A_316 : vector<16xi1>
      %jit3A_318 = arith.constant 25000 : i32
      %broadcast_in_dim3A_319 = vector.broadcast %jit3A_318 : i32 to vector<16xi32>
      %select_n3A_320 = arith.select %and3A_317, %sub3A_310, %broadcast_in_dim3A_319 : vector<16xi1>, vector<16xi32>
      %swap3A_321 = arith.constant 1 : i32
      %swap3A_322 = arith.index_cast %swap3A_321 : i32 to index
      %swap3A_323 = arith.constant 48 : index
      %swap3A_324 = tpu.vector_load %arg7[%swap3A_322, %swap3A_323] {strides = array<i32>} : memref<2x112xi32, #tpu.memory_space<vmem>>, vector<1x16xi32>,
      %swap3A_325 = vector.shape_cast %swap3A_324 : vector<1x16xi32> to vector<16xi32>
      %swap3A_326 = vector.shape_cast %select_n3A_320 : vector<16xi32> to vector<1x16xi32>
      tpu.vector_store %arg7[%swap3A_322, %swap3A_323], %swap3A_326 {strides = array<i32>} : memref<2x112xi32, #tpu.memory_space<vmem>>, vector<1x16xi32>,
      %get3A_327 = arith.constant 176 : index
      %get3A_328 = tpu.vector_load %arg8[%get3A_327] {strides = array<i32>} : memref<224xi32, #tpu.memory_space<vmem>>, vector<16xi32>,
      %get3A_329 = vector.shape_cast %get3A_328 : vector<16xi32> to vector<16xi32>
      %sub3A_330 = vector.broadcast %mul3A_0 : i32 to vector<16xi32>
      %sub3A_331 = arith.subi %get3A_329, %sub3A_330 : vector<16xi32>
      %ge3A_332 = arith.constant 0 : i32
      %ge3A_333 = vector.broadcast %ge3A_332 : i32 to vector<16xi32>
      %ge3A_334 = arith.cmpi sge, %sub3A_331, %ge3A_333 : vector<16xi32>
      %lt3A_335 = arith.constant 25000 : i32
      %lt3A_336 = vector.broadcast %lt3A_335 : i32 to vector<16xi32>
      %lt3A_337 = arith.cmpi slt, %sub3A_331, %lt3A_336 : vector<16xi32>
      %and3A_338 = arith.andi %ge3A_334, %lt3A_337 : vector<16xi1>
      %jit3A_339 = arith.constant 25000 : i32
      %broadcast_in_dim3A_340 = vector.broadcast %jit3A_339 : i32 to vector<16xi32>
      %select_n3A_341 = arith.select %and3A_338, %sub3A_331, %broadcast_in_dim3A_340 : vector<16xi1>, vector<16xi32>
      %swap3A_342 = arith.constant 1 : i32
      %swap3A_343 = arith.index_cast %swap3A_342 : i32 to index
      %swap3A_344 = arith.constant 64 : index
      %swap3A_345 = tpu.vector_load %arg7[%swap3A_343, %swap3A_344] {strides = array<i32>} : memref<2x112xi32, #tpu.memory_space<vmem>>, vector<1x16xi32>,
      %swap3A_346 = vector.shape_cast %swap3A_345 : vector<1x16xi32> to vector<16xi32>
      %swap3A_347 = vector.shape_cast %select_n3A_341 : vector<16xi32> to vector<1x16xi32>
      tpu.vector_store %arg7[%swap3A_343, %swap3A_344], %swap3A_347 {strides = array<i32>} : memref<2x112xi32, #tpu.memory_space<vmem>>, vector<1x16xi32>,
      %get3A_348 = arith.constant 192 : index
      %get3A_349 = tpu.vector_load %arg8[%get3A_348] {strides = array<i32>} : memref<224xi32, #tpu.memory_space<vmem>>, vector<16xi32>,
      %get3A_350 = vector.shape_cast %get3A_349 : vector<16xi32> to vector<16xi32>
      %sub3A_351 = vector.broadcast %mul3A_0 : i32 to vector<16xi32>
      %sub3A_352 = arith.subi %get3A_350, %sub3A_351 : vector<16xi32>
      %ge3A_353 = arith.constant 0 : i32
      %ge3A_354 = vector.broadcast %ge3A_353 : i32 to vector<16xi32>
      %ge3A_355 = arith.cmpi sge, %sub3A_352, %ge3A_354 : vector<16xi32>
      %lt3A_356 = arith.constant 25000 : i32
      %lt3A_357 = vector.broadcast %lt3A_356 : i32 to vector<16xi32>
      %lt3A_358 = arith.cmpi slt, %sub3A_352, %lt3A_357 : vector<16xi32>
      %and3A_359 = arith.andi %ge3A_355, %lt3A_358 : vector<16xi1>
      %jit3A_360 = arith.constant 25000 : i32
      %broadcast_in_dim3A_361 = vector.broadcast %jit3A_360 : i32 to vector<16xi32>
      %select_n3A_362 = arith.select %and3A_359, %sub3A_352, %broadcast_in_dim3A_361 : vector<16xi1>, vector<16xi32>
      %swap3A_363 = arith.constant 1 : i32
      %swap3A_364 = arith.index_cast %swap3A_363 : i32 to index
      %swap3A_365 = arith.constant 80 : index
      %swap3A_366 = tpu.vector_load %arg7[%swap3A_364, %swap3A_365] {strides = array<i32>} : memref<2x112xi32, #tpu.memory_space<vmem>>, vector<1x16xi32>,
      %swap3A_367 = vector.shape_cast %swap3A_366 : vector<1x16xi32> to vector<16xi32>
      %swap3A_368 = vector.shape_cast %select_n3A_362 : vector<16xi32> to vector<1x16xi32>
      tpu.vector_store %arg7[%swap3A_364, %swap3A_365], %swap3A_368 {strides = array<i32>} : memref<2x112xi32, #tpu.memory_space<vmem>>, vector<1x16xi32>,
      %get3A_369 = arith.constant 208 : index
      %get3A_370 = tpu.vector_load %arg8[%get3A_369] {strides = array<i32>} : memref<224xi32, #tpu.memory_space<vmem>>, vector<16xi32>,
      %get3A_371 = vector.shape_cast %get3A_370 : vector<16xi32> to vector<16xi32>
      %sub3A_372 = vector.broadcast %mul3A_0 : i32 to vector<16xi32>
      %sub3A_373 = arith.subi %get3A_371, %sub3A_372 : vector<16xi32>
      %ge3A_374 = arith.constant 0 : i32
      %ge3A_375 = vector.broadcast %ge3A_374 : i32 to vector<16xi32>
      %ge3A_376 = arith.cmpi sge, %sub3A_373, %ge3A_375 : vector<16xi32>
      %lt3A_377 = arith.constant 25000 : i32
      %lt3A_378 = vector.broadcast %lt3A_377 : i32 to vector<16xi32>
      %lt3A_379 = arith.cmpi slt, %sub3A_373, %lt3A_378 : vector<16xi32>
      %and3A_380 = arith.andi %ge3A_376, %lt3A_379 : vector<16xi1>
      %jit3A_381 = arith.constant 25000 : i32
      %broadcast_in_dim3A_382 = vector.broadcast %jit3A_381 : i32 to vector<16xi32>
      %select_n3A_383 = arith.select %and3A_380, %sub3A_373, %broadcast_in_dim3A_382 : vector<16xi1>, vector<16xi32>
      %swap3A_384 = arith.constant 1 : i32
      %swap3A_385 = arith.index_cast %swap3A_384 : i32 to index
      %swap3A_386 = arith.constant 96 : index
      %swap3A_387 = tpu.vector_load %arg7[%swap3A_385, %swap3A_386] {strides = array<i32>} : memref<2x112xi32, #tpu.memory_space<vmem>>, vector<1x16xi32>,
      %swap3A_388 = vector.shape_cast %swap3A_387 : vector<1x16xi32> to vector<16xi32>
      %swap3A_389 = vector.shape_cast %select_n3A_383 : vector<16xi32> to vector<1x16xi32>
      tpu.vector_store %arg7[%swap3A_385, %swap3A_386], %swap3A_389 {strides = array<i32>} : memref<2x112xi32, #tpu.memory_space<vmem>>, vector<1x16xi32>,
      %dma_wait3A = arith.constant 0 : i32
      %dma_wait3A_390 = tpu.memref_slice %arg2[%add3A_92, %dma_wait3A] : memref<800000x72xf32, #tpu.memory_space<hbm>> -> memref<224x72xf32, #tpu.memory_space<hbm>>
      %dma_wait3A_391 = arith.constant 0 : i32
      %dma_wait3A_392 = tpu.memref_slice %arg2[%add3A_92, %dma_wait3A_391] : memref<800000x72xf32, #tpu.memory_space<hbm>> -> memref<224x72xf32, #tpu.memory_space<hbm>>
      tpu.wait_dma2 semaphore(%arg11 : memref<!tpu.dma_semaphore, #tpu.memory_space<semaphore_mem>>) src(%dma_wait3A_392 : memref<224x72xf32, #tpu.memory_space<hbm>>) dst(%arg9 : memref<224x72xf32, #tpu.memory_space<vmem>>)
      %run_scoped3A_393 = arith.constant 0 : i32
      "tpu.region"() ({
        %run_scoped3A_395 = tpu.sem_alloc : memref<!tpu.dma_semaphore, #tpu.memory_space<semaphore_mem>>
        %dma_start3A_396 = arith.constant 0 : i32
        %dma_start3A_397 = arith.constant 0 : i32
        %dma_start3A_398 = tpu.memref_slice %arg9[%dma_start3A_396, %dma_start3A_397] : memref<224x72xf32, #tpu.memory_space<vmem>> -> memref<112x72xf32, #tpu.memory_space<vmem>>
        %dma_start3A_399 = arith.constant 0 : i32
        %dma_start3A_400 = tpu.memref_slice %arg7[%run_scoped3A_393, %dma_start3A_399] : memref<2x112xi32, #tpu.memory_space<vmem>> -> memref<1x112xi32, #tpu.memory_space<vmem>>
        %dma_start3A_401 = tpu.memref_squeeze %dma_start3A_400 : memref<1x112xi32, #tpu.memory_space<vmem>> -> memref<112xi32, #tpu.memory_space<vmem>>
        %dma_start3A_402 = arith.constant 0 : i32
        %dma_start3A_403 = arith.constant 0 : i32
        %dma_start3A_404 = tpu.memref_slice %arg6[%dma_start3A_402, %dma_start3A_403] : memref<25024x72xf32, #tpu.memory_space<vmem_shared>> -> memref<25024x72xf32, #tpu.memory_space<vmem_shared>>
        tpu.enqueue_indirect_dma source(%dma_start3A_398 : memref<112x72xf32, #tpu.memory_space<vmem>>) target(%dma_start3A_404 : memref<25024x72xf32, #tpu.memory_space<vmem_shared>>) offsets(%dma_start3A_401 : memref<112xi32, #tpu.memory_space<vmem>>) semaphore(%run_scoped3A_395 : memref<!tpu.dma_semaphore, #tpu.memory_space<semaphore_mem>>) {add = true}
        %dma_wait3A_405 = arith.constant 0 : i32
        %dma_wait3A_406 = arith.constant 0 : i32
        %dma_wait3A_407 = tpu.memref_slice %arg9[%dma_wait3A_405, %dma_wait3A_406] : memref<224x72xf32, #tpu.memory_space<vmem>> -> memref<112x72xf32, #tpu.memory_space<vmem>>
        %dma_wait3A_408 = arith.constant 0 : i32
        %dma_wait3A_409 = tpu.memref_slice %arg7[%run_scoped3A_393, %dma_wait3A_408] : memref<2x112xi32, #tpu.memory_space<vmem>> -> memref<1x112xi32, #tpu.memory_space<vmem>>
        %dma_wait3A_410 = tpu.memref_squeeze %dma_wait3A_409 : memref<1x112xi32, #tpu.memory_space<vmem>> -> memref<112xi32, #tpu.memory_space<vmem>>
        %dma_wait3A_411 = arith.constant 0 : i32
        %dma_wait3A_412 = arith.constant 0 : i32
        %dma_wait3A_413 = tpu.memref_slice %arg6[%dma_wait3A_411, %dma_wait3A_412] : memref<25024x72xf32, #tpu.memory_space<vmem_shared>> -> memref<25024x72xf32, #tpu.memory_space<vmem_shared>>
        tpu.wait_indirect_dma semaphore(%run_scoped3A_395 : memref<!tpu.dma_semaphore, #tpu.memory_space<semaphore_mem>>) src(%dma_wait3A_407 : memref<112x72xf32, #tpu.memory_space<vmem>>) dst(%dma_wait3A_413 : memref<25024x72xf32, #tpu.memory_space<vmem_shared>>)
        tpu.yield
      }) : () -> ()
      %run_scoped3A_394 = arith.constant 1 : i32
      "tpu.region"() ({
        %run_scoped3A_395 = tpu.sem_alloc : memref<!tpu.dma_semaphore, #tpu.memory_space<semaphore_mem>>
        %dma_start3A_396 = arith.constant 112 : i32
        %dma_start3A_397 = arith.constant 0 : i32
        %dma_start3A_398 = tpu.memref_slice %arg9[%dma_start3A_396, %dma_start3A_397] : memref<224x72xf32, #tpu.memory_space<vmem>> -> memref<112x72xf32, #tpu.memory_space<vmem>>
        %dma_start3A_399 = arith.constant 0 : i32
        %dma_start3A_400 = tpu.memref_slice %arg7[%run_scoped3A_394, %dma_start3A_399] : memref<2x112xi32, #tpu.memory_space<vmem>> -> memref<1x112xi32, #tpu.memory_space<vmem>>
        %dma_start3A_401 = tpu.memref_squeeze %dma_start3A_400 : memref<1x112xi32, #tpu.memory_space<vmem>> -> memref<112xi32, #tpu.memory_space<vmem>>
        %dma_start3A_402 = arith.constant 0 : i32
        %dma_start3A_403 = arith.constant 0 : i32
        %dma_start3A_404 = tpu.memref_slice %arg6[%dma_start3A_402, %dma_start3A_403] : memref<25024x72xf32, #tpu.memory_space<vmem_shared>> -> memref<25024x72xf32, #tpu.memory_space<vmem_shared>>
        tpu.enqueue_indirect_dma source(%dma_start3A_398 : memref<112x72xf32, #tpu.memory_space<vmem>>) target(%dma_start3A_404 : memref<25024x72xf32, #tpu.memory_space<vmem_shared>>) offsets(%dma_start3A_401 : memref<112xi32, #tpu.memory_space<vmem>>) semaphore(%run_scoped3A_395 : memref<!tpu.dma_semaphore, #tpu.memory_space<semaphore_mem>>) {add = true}
        %dma_wait3A_405 = arith.constant 112 : i32
        %dma_wait3A_406 = arith.constant 0 : i32
        %dma_wait3A_407 = tpu.memref_slice %arg9[%dma_wait3A_405, %dma_wait3A_406] : memref<224x72xf32, #tpu.memory_space<vmem>> -> memref<112x72xf32, #tpu.memory_space<vmem>>
        %dma_wait3A_408 = arith.constant 0 : i32
        %dma_wait3A_409 = tpu.memref_slice %arg7[%run_scoped3A_394, %dma_wait3A_408] : memref<2x112xi32, #tpu.memory_space<vmem>> -> memref<1x112xi32, #tpu.memory_space<vmem>>
        %dma_wait3A_410 = tpu.memref_squeeze %dma_wait3A_409 : memref<1x112xi32, #tpu.memory_space<vmem>> -> memref<112xi32, #tpu.memory_space<vmem>>
        %dma_wait3A_411 = arith.constant 0 : i32
        %dma_wait3A_412 = arith.constant 0 : i32
        %dma_wait3A_413 = tpu.memref_slice %arg6[%dma_wait3A_411, %dma_wait3A_412] : memref<25024x72xf32, #tpu.memory_space<vmem_shared>> -> memref<25024x72xf32, #tpu.memory_space<vmem_shared>>
        tpu.wait_indirect_dma semaphore(%run_scoped3A_395 : memref<!tpu.dma_semaphore, #tpu.memory_space<semaphore_mem>>) src(%dma_wait3A_407 : memref<112x72xf32, #tpu.memory_space<vmem>>) dst(%dma_wait3A_413 : memref<25024x72xf32, #tpu.memory_space<vmem_shared>>)
        tpu.yield
      }) : () -> ()
    }
    %scan3A_14 = arith.constant 223 : i32
    %mul3A_15 = arith.constant 50000 : i32
    %mul3A_16 = arith.muli %arg1, %mul3A_15 : i32
    %add3A_17 = arith.constant 49952 : i32
    %add3A_18 = arith.addi %mul3A_16, %add3A_17 : i32
    "tpu.region"() ({
      %run_scoped3A_87 = tpu.sem_alloc : memref<!tpu.dma_semaphore, #tpu.memory_space<semaphore_mem>>
      %dma_start3A = arith.constant 0 : i32
      %dma_start3A_88 = tpu.memref_slice %arg8[%dma_start3A] : memref<224xi32, #tpu.memory_space<vmem>> -> memref<48xi32, #tpu.memory_space<vmem>>
      %dma_start3A_89 = tpu.memref_slice %arg3[%add3A_18] : memref<800000xi32, #tpu.memory_space<hbm>> -> memref<48xi32, #tpu.memory_space<hbm>>
      %dma_start3A_90 = arith.constant 0 : i32
      %dma_start3A_91 = tpu.memref_slice %arg8[%dma_start3A_90] : memref<224xi32, #tpu.memory_space<vmem>> -> memref<48xi32, #tpu.memory_space<vmem>>
      %dma_start3A_92 = tpu.memref_slice %arg3[%add3A_18] : memref<800000xi32, #tpu.memory_space<hbm>> -> memref<48xi32, #tpu.memory_space<hbm>>
      tpu.enqueue_dma source(%dma_start3A_92 : memref<48xi32, #tpu.memory_space<hbm>>) target(%dma_start3A_91 : memref<48xi32, #tpu.memory_space<vmem>>) target_semaphore(%run_scoped3A_87 : memref<!tpu.dma_semaphore, #tpu.memory_space<semaphore_mem>>)
      %dma_wait3A = arith.constant 0 : i32
      %dma_wait3A_93 = tpu.memref_slice %arg8[%dma_wait3A] : memref<224xi32, #tpu.memory_space<vmem>> -> memref<48xi32, #tpu.memory_space<vmem>>
      %dma_wait3A_94 = tpu.memref_slice %arg3[%add3A_18] : memref<800000xi32, #tpu.memory_space<hbm>> -> memref<48xi32, #tpu.memory_space<hbm>>
      %dma_wait3A_95 = arith.constant 0 : i32
      %dma_wait3A_96 = tpu.memref_slice %arg8[%dma_wait3A_95] : memref<224xi32, #tpu.memory_space<vmem>> -> memref<48xi32, #tpu.memory_space<vmem>>
      %dma_wait3A_97 = tpu.memref_slice %arg3[%add3A_18] : memref<800000xi32, #tpu.memory_space<hbm>> -> memref<48xi32, #tpu.memory_space<hbm>>
      tpu.wait_dma2 semaphore(%run_scoped3A_87 : memref<!tpu.dma_semaphore, #tpu.memory_space<semaphore_mem>>) src(%dma_wait3A_97 : memref<48xi32, #tpu.memory_space<hbm>>) dst(%dma_wait3A_96 : memref<48xi32, #tpu.memory_space<vmem>>)
      tpu.yield
    }) : () -> ()
    %get3A = arith.constant 0 : index
    %get3A_19 = tpu.vector_load %arg8[%get3A] {strides = array<i32>} : memref<224xi32, #tpu.memory_space<vmem>>, vector<16xi32>,
    %get3A_20 = vector.shape_cast %get3A_19 : vector<16xi32> to vector<16xi32>
    %sub3A = vector.broadcast %mul3A_0 : i32 to vector<16xi32>
    %sub3A_21 = arith.subi %get3A_20, %sub3A : vector<16xi32>
    %ge3A = arith.constant 0 : i32
    %ge3A_22 = vector.broadcast %ge3A : i32 to vector<16xi32>
    %ge3A_23 = arith.cmpi sge, %sub3A_21, %ge3A_22 : vector<16xi32>
    %lt3A = arith.constant 25000 : i32
    %lt3A_24 = vector.broadcast %lt3A : i32 to vector<16xi32>
    %lt3A_25 = arith.cmpi slt, %sub3A_21, %lt3A_24 : vector<16xi32>
    %and3A = arith.andi %ge3A_23, %lt3A_25 : vector<16xi1>
    %jit3A = arith.constant 25000 : i32
    %broadcast_in_dim3A = vector.broadcast %jit3A : i32 to vector<16xi32>
    %select_n3A = arith.select %and3A, %sub3A_21, %broadcast_in_dim3A : vector<16xi1>, vector<16xi32>
    %swap3A = arith.constant 0 : i32
    %swap3A_26 = arith.index_cast %swap3A : i32 to index
    %swap3A_27 = arith.constant 0 : index
    %swap3A_28 = tpu.vector_load %arg10[%swap3A_26, %swap3A_27] {strides = array<i32>} : memref<1x48xi32, #tpu.memory_space<vmem>>, vector<1x16xi32>,
    %swap3A_29 = vector.shape_cast %swap3A_28 : vector<1x16xi32> to vector<16xi32>
    %swap3A_30 = vector.shape_cast %select_n3A : vector<16xi32> to vector<1x16xi32>
    tpu.vector_store %arg10[%swap3A_26, %swap3A_27], %swap3A_30 {strides = array<i32>} : memref<1x48xi32, #tpu.memory_space<vmem>>, vector<1x16xi32>,
    %get3A_31 = arith.constant 16 : index
    %get3A_32 = tpu.vector_load %arg8[%get3A_31] {strides = array<i32>} : memref<224xi32, #tpu.memory_space<vmem>>, vector<16xi32>,
    %get3A_33 = vector.shape_cast %get3A_32 : vector<16xi32> to vector<16xi32>
    %sub3A_34 = vector.broadcast %mul3A_0 : i32 to vector<16xi32>
    %sub3A_35 = arith.subi %get3A_33, %sub3A_34 : vector<16xi32>
    %ge3A_36 = arith.constant 0 : i32
    %ge3A_37 = vector.broadcast %ge3A_36 : i32 to vector<16xi32>
    %ge3A_38 = arith.cmpi sge, %sub3A_35, %ge3A_37 : vector<16xi32>
    %lt3A_39 = arith.constant 25000 : i32
    %lt3A_40 = vector.broadcast %lt3A_39 : i32 to vector<16xi32>
    %lt3A_41 = arith.cmpi slt, %sub3A_35, %lt3A_40 : vector<16xi32>
    %and3A_42 = arith.andi %ge3A_38, %lt3A_41 : vector<16xi1>
    %jit3A_43 = arith.constant 25000 : i32
    %broadcast_in_dim3A_44 = vector.broadcast %jit3A_43 : i32 to vector<16xi32>
    %select_n3A_45 = arith.select %and3A_42, %sub3A_35, %broadcast_in_dim3A_44 : vector<16xi1>, vector<16xi32>
    %swap3A_46 = arith.constant 0 : i32
    %swap3A_47 = arith.index_cast %swap3A_46 : i32 to index
    %swap3A_48 = arith.constant 16 : index
    %swap3A_49 = tpu.vector_load %arg10[%swap3A_47, %swap3A_48] {strides = array<i32>} : memref<1x48xi32, #tpu.memory_space<vmem>>, vector<1x16xi32>,
    %swap3A_50 = vector.shape_cast %swap3A_49 : vector<1x16xi32> to vector<16xi32>
    %swap3A_51 = vector.shape_cast %select_n3A_45 : vector<16xi32> to vector<1x16xi32>
    tpu.vector_store %arg10[%swap3A_47, %swap3A_48], %swap3A_51 {strides = array<i32>} : memref<1x48xi32, #tpu.memory_space<vmem>>, vector<1x16xi32>,
    %get3A_52 = arith.constant 32 : index
    %get3A_53 = tpu.vector_load %arg8[%get3A_52] {strides = array<i32>} : memref<224xi32, #tpu.memory_space<vmem>>, vector<16xi32>,
    %get3A_54 = vector.shape_cast %get3A_53 : vector<16xi32> to vector<16xi32>
    %sub3A_55 = vector.broadcast %mul3A_0 : i32 to vector<16xi32>
    %sub3A_56 = arith.subi %get3A_54, %sub3A_55 : vector<16xi32>
    %ge3A_57 = arith.constant 0 : i32
    %ge3A_58 = vector.broadcast %ge3A_57 : i32 to vector<16xi32>
    %ge3A_59 = arith.cmpi sge, %sub3A_56, %ge3A_58 : vector<16xi32>
    %lt3A_60 = arith.constant 25000 : i32
    %lt3A_61 = vector.broadcast %lt3A_60 : i32 to vector<16xi32>
    %lt3A_62 = arith.cmpi slt, %sub3A_56, %lt3A_61 : vector<16xi32>
    %and3A_63 = arith.andi %ge3A_59, %lt3A_62 : vector<16xi1>
    %jit3A_64 = arith.constant 25000 : i32
    %broadcast_in_dim3A_65 = vector.broadcast %jit3A_64 : i32 to vector<16xi32>
    %select_n3A_66 = arith.select %and3A_63, %sub3A_56, %broadcast_in_dim3A_65 : vector<16xi1>, vector<16xi32>
    %swap3A_67 = arith.constant 0 : i32
    %swap3A_68 = arith.index_cast %swap3A_67 : i32 to index
    %swap3A_69 = arith.constant 32 : index
    %swap3A_70 = tpu.vector_load %arg10[%swap3A_68, %swap3A_69] {strides = array<i32>} : memref<1x48xi32, #tpu.memory_space<vmem>>, vector<1x16xi32>,
    %swap3A_71 = vector.shape_cast %swap3A_70 : vector<1x16xi32> to vector<16xi32>
    %swap3A_72 = vector.shape_cast %select_n3A_66 : vector<16xi32> to vector<1x16xi32>
    tpu.vector_store %arg10[%swap3A_68, %swap3A_69], %swap3A_72 {strides = array<i32>} : memref<1x48xi32, #tpu.memory_space<vmem>>, vector<1x16xi32>,
    "tpu.region"() ({
      %run_scoped3A_87 = tpu.sem_alloc : memref<!tpu.dma_semaphore, #tpu.memory_space<semaphore_mem>>
      %dma_start3A = arith.constant 0 : i32
      %dma_start3A_88 = arith.constant 0 : i32
      %dma_start3A_89 = tpu.memref_slice %arg9[%dma_start3A, %dma_start3A_88] : memref<224x72xf32, #tpu.memory_space<vmem>> -> memref<48x72xf32, #tpu.memory_space<vmem>>
      %dma_start3A_90 = arith.constant 0 : i32
      %dma_start3A_91 = tpu.memref_slice %arg2[%add3A_18, %dma_start3A_90] : memref<800000x72xf32, #tpu.memory_space<hbm>> -> memref<48x72xf32, #tpu.memory_space<hbm>>
      %dma_start3A_92 = arith.constant 0 : i32
      %dma_start3A_93 = arith.constant 0 : i32
      %dma_start3A_94 = tpu.memref_slice %arg9[%dma_start3A_92, %dma_start3A_93] : memref<224x72xf32, #tpu.memory_space<vmem>> -> memref<48x72xf32, #tpu.memory_space<vmem>>
      %dma_start3A_95 = arith.constant 0 : i32
      %dma_start3A_96 = tpu.memref_slice %arg2[%add3A_18, %dma_start3A_95] : memref<800000x72xf32, #tpu.memory_space<hbm>> -> memref<48x72xf32, #tpu.memory_space<hbm>>
      tpu.enqueue_dma source(%dma_start3A_96 : memref<48x72xf32, #tpu.memory_space<hbm>>) target(%dma_start3A_94 : memref<48x72xf32, #tpu.memory_space<vmem>>) target_semaphore(%run_scoped3A_87 : memref<!tpu.dma_semaphore, #tpu.memory_space<semaphore_mem>>)
      %dma_wait3A = arith.constant 0 : i32
      %dma_wait3A_97 = arith.constant 0 : i32
      %dma_wait3A_98 = tpu.memref_slice %arg9[%dma_wait3A, %dma_wait3A_97] : memref<224x72xf32, #tpu.memory_space<vmem>> -> memref<48x72xf32, #tpu.memory_space<vmem>>
      %dma_wait3A_99 = arith.constant 0 : i32
      %dma_wait3A_100 = tpu.memref_slice %arg2[%add3A_18, %dma_wait3A_99] : memref<800000x72xf32, #tpu.memory_space<hbm>> -> memref<48x72xf32, #tpu.memory_space<hbm>>
      %dma_wait3A_101 = arith.constant 0 : i32
      %dma_wait3A_102 = arith.constant 0 : i32
      %dma_wait3A_103 = tpu.memref_slice %arg9[%dma_wait3A_101, %dma_wait3A_102] : memref<224x72xf32, #tpu.memory_space<vmem>> -> memref<48x72xf32, #tpu.memory_space<vmem>>
      %dma_wait3A_104 = arith.constant 0 : i32
      %dma_wait3A_105 = tpu.memref_slice %arg2[%add3A_18, %dma_wait3A_104] : memref<800000x72xf32, #tpu.memory_space<hbm>> -> memref<48x72xf32, #tpu.memory_space<hbm>>
      tpu.wait_dma2 semaphore(%run_scoped3A_87 : memref<!tpu.dma_semaphore, #tpu.memory_space<semaphore_mem>>) src(%dma_wait3A_105 : memref<48x72xf32, #tpu.memory_space<hbm>>) dst(%dma_wait3A_103 : memref<48x72xf32, #tpu.memory_space<vmem>>)
      tpu.yield
    }) : () -> ()
    %run_scoped3A = arith.constant 0 : i32
    "tpu.region"() ({
      %run_scoped3A_87 = tpu.sem_alloc : memref<!tpu.dma_semaphore, #tpu.memory_space<semaphore_mem>>
      %dma_start3A = arith.constant 0 : i32
      %dma_start3A_88 = arith.constant 0 : i32
      %dma_start3A_89 = tpu.memref_slice %arg9[%dma_start3A, %dma_start3A_88] : memref<224x72xf32, #tpu.memory_space<vmem>> -> memref<48x72xf32, #tpu.memory_space<vmem>>
      %dma_start3A_90 = arith.constant 0 : i32
      %dma_start3A_91 = tpu.memref_slice %arg10[%run_scoped3A, %dma_start3A_90] : memref<1x48xi32, #tpu.memory_space<vmem>> -> memref<1x48xi32, #tpu.memory_space<vmem>>
      %dma_start3A_92 = tpu.memref_squeeze %dma_start3A_91 : memref<1x48xi32, #tpu.memory_space<vmem>> -> memref<48xi32, #tpu.memory_space<vmem>>
      %dma_start3A_93 = arith.constant 0 : i32
      %dma_start3A_94 = arith.constant 0 : i32
      %dma_start3A_95 = tpu.memref_slice %arg6[%dma_start3A_93, %dma_start3A_94] : memref<25024x72xf32, #tpu.memory_space<vmem_shared>> -> memref<25024x72xf32, #tpu.memory_space<vmem_shared>>
      tpu.enqueue_indirect_dma source(%dma_start3A_89 : memref<48x72xf32, #tpu.memory_space<vmem>>) target(%dma_start3A_95 : memref<25024x72xf32, #tpu.memory_space<vmem_shared>>) offsets(%dma_start3A_92 : memref<48xi32, #tpu.memory_space<vmem>>) semaphore(%run_scoped3A_87 : memref<!tpu.dma_semaphore, #tpu.memory_space<semaphore_mem>>) {add = true}
      %dma_wait3A = arith.constant 0 : i32
      %dma_wait3A_96 = arith.constant 0 : i32
      %dma_wait3A_97 = tpu.memref_slice %arg9[%dma_wait3A, %dma_wait3A_96] : memref<224x72xf32, #tpu.memory_space<vmem>> -> memref<48x72xf32, #tpu.memory_space<vmem>>
      %dma_wait3A_98 = arith.constant 0 : i32
      %dma_wait3A_99 = tpu.memref_slice %arg10[%run_scoped3A, %dma_wait3A_98] : memref<1x48xi32, #tpu.memory_space<vmem>> -> memref<1x48xi32, #tpu.memory_space<vmem>>
      %dma_wait3A_100 = tpu.memref_squeeze %dma_wait3A_99 : memref<1x48xi32, #tpu.memory_space<vmem>> -> memref<48xi32, #tpu.memory_space<vmem>>
      %dma_wait3A_101 = arith.constant 0 : i32
      %dma_wait3A_102 = arith.constant 0 : i32
      %dma_wait3A_103 = tpu.memref_slice %arg6[%dma_wait3A_101, %dma_wait3A_102] : memref<25024x72xf32, #tpu.memory_space<vmem_shared>> -> memref<25024x72xf32, #tpu.memory_space<vmem_shared>>
      tpu.wait_indirect_dma semaphore(%run_scoped3A_87 : memref<!tpu.dma_semaphore, #tpu.memory_space<semaphore_mem>>) src(%dma_wait3A_97 : memref<48x72xf32, #tpu.memory_space<vmem>>) dst(%dma_wait3A_103 : memref<25024x72xf32, #tpu.memory_space<vmem_shared>>)
      tpu.yield
    }) : () -> ()
    %barrier3A_73 = arith.constant 0 : index
    tpu.barrier barrier_id(%barrier3A_73)
    %mul3A_74 = arith.constant 25024 : i32
    %mul3A_75 = arith.muli %arg0, %mul3A_74 : i32
    %add3A_76 = arith.addi %mul3A_75, %mul3A_2 : i32
    %scan3A_77 = arith.constant 0 : i32
    %scan3A_78 = arith.constant 0 : i32
    %scan3A_79 = arith.constant 6 : i32
    %scan3A_80 = arith.addi %scan3A_78, %scan3A_79 : i32
    %scan3A_81 = arith.constant 1 : i32
    scf.for %scan3A_87 = %scan3A_78 to %scan3A_80 step %scan3A_81  : i32 {
      %mul3A_88 = arith.constant 224 : i32
      %mul3A_89 = arith.muli %scan3A_87, %mul3A_88 : i32
      %add3A_90 = arith.addi %mul3A_2, %mul3A_89 : i32
      %mul3A_91 = arith.constant 224 : i32
      %mul3A_92 = arith.muli %scan3A_87, %mul3A_91 : i32
      %add3A_93 = arith.addi %add3A_76, %mul3A_92 : i32
      "tpu.region"() ({
        %run_scoped3A_94 = tpu.sem_alloc : memref<!tpu.dma_semaphore, #tpu.memory_space<semaphore_mem>>
        %dma_start3A = arith.constant 0 : i32
        %dma_start3A_95 = tpu.memref_slice %arg5[%add3A_93, %dma_start3A] : memref<50048x72xf32, #tpu.memory_space<hbm>> -> memref<224x72xf32, #tpu.memory_space<hbm>>
        %dma_start3A_96 = arith.constant 0 : i32
        %dma_start3A_97 = tpu.memref_slice %arg6[%add3A_90, %dma_start3A_96] : memref<25024x72xf32, #tpu.memory_space<vmem_shared>> -> memref<224x72xf32, #tpu.memory_space<vmem_shared>>
        tpu.enqueue_dma source(%dma_start3A_97 : memref<224x72xf32, #tpu.memory_space<vmem_shared>>) target(%dma_start3A_95 : memref<224x72xf32, #tpu.memory_space<hbm>>) target_semaphore(%run_scoped3A_94 : memref<!tpu.dma_semaphore, #tpu.memory_space<semaphore_mem>>)
        %dma_wait3A = arith.constant 0 : i32
        %dma_wait3A_98 = tpu.memref_slice %arg5[%add3A_93, %dma_wait3A] : memref<50048x72xf32, #tpu.memory_space<hbm>> -> memref<224x72xf32, #tpu.memory_space<hbm>>
        %dma_wait3A_99 = arith.constant 0 : i32
        %dma_wait3A_100 = tpu.memref_slice %arg6[%add3A_90, %dma_wait3A_99] : memref<25024x72xf32, #tpu.memory_space<vmem_shared>> -> memref<224x72xf32, #tpu.memory_space<vmem_shared>>
        tpu.wait_dma2 semaphore(%run_scoped3A_94 : memref<!tpu.dma_semaphore, #tpu.memory_space<semaphore_mem>>) src(%dma_wait3A_100 : memref<224x72xf32, #tpu.memory_space<vmem_shared>>) dst(%dma_wait3A_98 : memref<224x72xf32, #tpu.memory_space<hbm>>)
        tpu.yield
      }) : () -> ()
    }
    %scan3A_82 = arith.constant 6 : i32
    %add3A_83 = arith.constant 1344 : i32
    %add3A_84 = arith.addi %mul3A_2, %add3A_83 : i32
    %add3A_85 = arith.constant 1344 : i32
    %add3A_86 = arith.addi %add3A_76, %add3A_85 : i32
    "tpu.region"() ({
      %run_scoped3A_87 = tpu.sem_alloc : memref<!tpu.dma_semaphore, #tpu.memory_space<semaphore_mem>>
      %dma_start3A = arith.constant 0 : i32
      %dma_start3A_88 = tpu.memref_slice %arg5[%add3A_86, %dma_start3A] : memref<50048x72xf32, #tpu.memory_space<hbm>> -> memref<220x72xf32, #tpu.memory_space<hbm>>
      %dma_start3A_89 = arith.constant 0 : i32
      %dma_start3A_90 = tpu.memref_slice %arg6[%add3A_84, %dma_start3A_89] : memref<25024x72xf32, #tpu.memory_space<vmem_shared>> -> memref<220x72xf32, #tpu.memory_space<vmem_shared>>
      tpu.enqueue_dma source(%dma_start3A_90 : memref<220x72xf32, #tpu.memory_space<vmem_shared>>) target(%dma_start3A_88 : memref<220x72xf32, #tpu.memory_space<hbm>>) target_semaphore(%run_scoped3A_87 : memref<!tpu.dma_semaphore, #tpu.memory_space<semaphore_mem>>)
      %dma_wait3A = arith.constant 0 : i32
      %dma_wait3A_91 = tpu.memref_slice %arg5[%add3A_86, %dma_wait3A] : memref<50048x72xf32, #tpu.memory_space<hbm>> -> memref<220x72xf32, #tpu.memory_space<hbm>>
      %dma_wait3A_92 = arith.constant 0 : i32
      %dma_wait3A_93 = tpu.memref_slice %arg6[%add3A_84, %dma_wait3A_92] : memref<25024x72xf32, #tpu.memory_space<vmem_shared>> -> memref<220x72xf32, #tpu.memory_space<vmem_shared>>
      tpu.wait_dma2 semaphore(%run_scoped3A_87 : memref<!tpu.dma_semaphore, #tpu.memory_space<semaphore_mem>>) src(%dma_wait3A_93 : memref<220x72xf32, #tpu.memory_space<vmem_shared>>) dst(%dma_wait3A_91 : memref<220x72xf32, #tpu.memory_space<hbm>>)
      tpu.yield
    }) : () -> ()
    return
  }
}

module attributes {stable_mosaic.version = 14 : i64} {
  func.func @_msg_body(%arg0: i32, %arg1: memref<3200x64xf32, #tpu.memory_space<vmem>>, %arg2: memref<3200x1xf32, #tpu.memory_space<vmem>>, %arg3: memref<3200x1xf32, #tpu.memory_space<vmem>>, %arg4: memref<3x64x64xf32, #tpu.memory_space<vmem>>, %arg5: memref<3x64xf32, #tpu.memory_space<vmem>>, %arg6: memref<72x32xf32, #tpu.memory_space<vmem>>, %arg7: memref<32x64xf32, #tpu.memory_space<vmem>>, %arg8: memref<1x64xf32, #tpu.memory_space<vmem>>, %arg9: memref<3200x72xf32, #tpu.memory_space<vmem>>) attributes {dimension_semantics = [#tpu.dimension_semantics<arbitrary>], iteration_bounds = array<i64: 250>, scalar_prefetch = 0 : i64, scratch_operands = 0 : i64, tpu.core_type = #tpu.core_type<tc>, window_params = [{transform_indices = @transform_0, window_bounds = array<i64: 3200, 64>}, {transform_indices = @transform_1, window_bounds = array<i64: 3200, 1>}, {transform_indices = @transform_2, window_bounds = array<i64: 3200, 1>}, {pipeline_mode = #tpu.pipeline_mode<synchronous>, transform_indices = @transform_3, window_bounds = array<i64: 3, 64, 64>}, {pipeline_mode = #tpu.pipeline_mode<synchronous>, transform_indices = @transform_4, window_bounds = array<i64: 3, 64>}, {pipeline_mode = #tpu.pipeline_mode<synchronous>, transform_indices = @transform_5, window_bounds = array<i64: 72, 32>}, {pipeline_mode = #tpu.pipeline_mode<synchronous>, transform_indices = @transform_6, window_bounds = array<i64: 32, 64>}, {pipeline_mode = #tpu.pipeline_mode<synchronous>, transform_indices = @transform_7, window_bounds = array<i64: 1, 64>}, {transform_indices = @transform_8, window_bounds = array<i64: 3200, 72>}]} {
    %get3A = arith.constant 0 : index
    %get3A_0 = arith.constant 0 : index
    %get3A_1 = vector.load %arg1[%get3A, %get3A_0] : memref<3200x64xf32, #tpu.memory_space<vmem>>, vector<3200x64xf32>
    %get3A_2 = arith.constant 0 : index
    %get3A_3 = arith.constant 0 : index
    %get3A_4 = vector.load %arg2[%get3A_2, %get3A_3] : memref<3200x1xf32, #tpu.memory_space<vmem>>, vector<3200x1xf32>
    %get3A_5 = arith.constant 0 : index
    %get3A_6 = arith.constant 0 : index
    %get3A_7 = vector.load %arg3[%get3A_5, %get3A_6] : memref<3200x1xf32, #tpu.memory_space<vmem>>, vector<3200x1xf32>
    %get3A_8 = arith.constant 0 : index
    %get3A_9 = arith.constant 0 : index
    %get3A_10 = vector.load %arg6[%get3A_8, %get3A_9] : memref<72x32xf32, #tpu.memory_space<vmem>>, vector<72x32xf32>
    %get3A_11 = arith.constant 0 : index
    %get3A_12 = arith.constant 0 : index
    %get3A_13 = vector.load %arg7[%get3A_11, %get3A_12] : memref<32x64xf32, #tpu.memory_space<vmem>>, vector<32x64xf32>
    %dot_general3A = arith.constant dense<0.000000e+00> : vector<72x64xf32>
    %dot_general3A_14 = tpu.matmul %get3A_10, %get3A_13, %dot_general3A {dimension_numbers = #tpu.dot_dimension_numbers<[1], [0], [0], [1], [0, 0, 1, 1], [], []>, transpose_lhs_hint = false} : vector<72x32xf32>, vector<32x64xf32>, vector<72x64xf32> -> vector<72x64xf32>
    %get3A_15 = arith.constant 0 : index
    %get3A_16 = arith.constant 0 : index
    %get3A_17 = vector.load %arg8[%get3A_15, %get3A_16] : memref<1x64xf32, #tpu.memory_space<vmem>>, vector<1x64xf32>
    %add3A = vector.broadcast %get3A_17 : vector<1x64xf32> to vector<72x64xf32>
    %add3A_18 = arith.addf %dot_general3A_14, %add3A : vector<72x64xf32>
    %logistic3A = arith.negf %add3A_18 : vector<72x64xf32>
    %logistic3A_19 = math.exp %logistic3A : vector<72x64xf32>
    %logistic3A_20 = arith.constant 1.000000e+00 : f32
    %logistic3A_21 = vector.broadcast %logistic3A_20 : f32 to vector<72x64xf32>
    %logistic3A_22 = arith.addf %logistic3A_21, %logistic3A_19 : vector<72x64xf32>
    %logistic3A_23 = arith.divf %logistic3A_21, %logistic3A_22 : vector<72x64xf32>
    %mul3A = arith.constant 2.000000e+00 : f32
    %mul3A_24 = vector.broadcast %mul3A : f32 to vector<72x64xf32>
    %mul3A_25 = arith.mulf %mul3A_24, %logistic3A_23 : vector<72x64xf32>
    %iota3A = tpu.iota {dimensions = array<i32: 1>} : vector<1x72xi32>
    %convert_element_type3A = arith.sitofp %iota3A : vector<1x72xi32> to vector<1x72xf32>
    %eq3A = vector.broadcast %get3A_4 : vector<3200x1xf32> to vector<3200x72xf32>
    %eq3A_26 = vector.broadcast %convert_element_type3A : vector<1x72xf32> to vector<3200x72xf32>
    %eq3A_27 = arith.cmpf oeq, %eq3A, %eq3A_26 : vector<3200x72xf32>
    %convert_element_type3A_28 = arith.extui %eq3A_27 : vector<3200x72xi1> to vector<3200x72xi32>
    %convert_element_type3A_29 = arith.sitofp %convert_element_type3A_28 : vector<3200x72xi32> to vector<3200x72xf32>
    %dot_general3A_30 = arith.constant dense<0.000000e+00> : vector<3200x64xf32>
    %dot_general3A_31 = tpu.matmul %convert_element_type3A_29, %mul3A_25, %dot_general3A_30 {dimension_numbers = #tpu.dot_dimension_numbers<[1], [0], [0], [1], [0, 0, 1, 1], [], []>, transpose_lhs_hint = false} : vector<3200x72xf32>, vector<72x64xf32>, vector<3200x64xf32> -> vector<3200x64xf32>
    %mul3A_32 = arith.mulf %get3A_1, %dot_general3A_31 : vector<3200x64xf32>
    %get3A_33 = arith.constant 0 : index
    %get3A_34 = arith.constant 0 : index
    %get3A_35 = vector.load %arg5[%get3A_33, %get3A_34] : memref<3x64xf32, #tpu.memory_space<vmem>>, vector<3x64xf32>
    %broadcast_in_dim3A = arith.constant 0.000000e+00 : f32
    %broadcast_in_dim3A_36 = vector.broadcast %broadcast_in_dim3A : f32 to vector<3200x64xf32>
    %eq3A_37 = arith.constant 0.000000e+00 : f32
    %eq3A_38 = vector.broadcast %eq3A_37 : f32 to vector<3200x1xf32>
    %eq3A_39 = arith.cmpf oeq, %get3A_7, %eq3A_38 : vector<3200x1xf32>
    %convert_element_type3A_40 = arith.extui %eq3A_39 : vector<3200x1xi1> to vector<3200x1xi32>
    %convert_element_type3A_41 = arith.sitofp %convert_element_type3A_40 : vector<3200x1xi32> to vector<3200x1xf32>
    %get3A_42 = arith.constant 0 : index
    %get3A_43 = arith.constant 0 : index
    %get3A_44 = arith.constant 0 : index
    %get3A_45 = vector.load %arg4[%get3A_42, %get3A_43, %get3A_44] : memref<3x64x64xf32, #tpu.memory_space<vmem>>, vector<1x64x64xf32>
    %get3A_46 = vector.shape_cast %get3A_45 : vector<1x64x64xf32> to vector<64x64xf32>
    %dot_general3A_47 = arith.constant dense<0.000000e+00> : vector<3200x64xf32>
    %dot_general3A_48 = tpu.matmul %mul3A_32, %get3A_46, %dot_general3A_47 {dimension_numbers = #tpu.dot_dimension_numbers<[1], [0], [0], [1], [0, 0, 1, 1], [], []>, transpose_lhs_hint = false} : vector<3200x64xf32>, vector<64x64xf32>, vector<3200x64xf32> -> vector<3200x64xf32>
    %slice3A = vector.extract_strided_slice %get3A_35 {offsets = [0, 0], sizes = [1, 64], strides = [1, 1]} : vector<3x64xf32> to vector<1x64xf32>
    %squeeze3A = vector.shape_cast %slice3A : vector<1x64xf32> to vector<64xf32>
    %broadcast_in_dim3A_49 = vector.shape_cast %squeeze3A : vector<64xf32> to vector<1x64xf32>
    %add3A_50 = vector.broadcast %broadcast_in_dim3A_49 : vector<1x64xf32> to vector<3200x64xf32>
    %add3A_51 = arith.addf %dot_general3A_48, %add3A_50 : vector<3200x64xf32>
    %mul3A_52 = vector.broadcast %convert_element_type3A_41 : vector<3200x1xf32> to vector<3200x64xf32>
    %mul3A_53 = arith.mulf %mul3A_52, %add3A_51 : vector<3200x64xf32>
    %add3A_54 = arith.addf %broadcast_in_dim3A_36, %mul3A_53 : vector<3200x64xf32>
    %eq3A_55 = arith.constant 1.000000e+00 : f32
    %eq3A_56 = vector.broadcast %eq3A_55 : f32 to vector<3200x1xf32>
    %eq3A_57 = arith.cmpf oeq, %get3A_7, %eq3A_56 : vector<3200x1xf32>
    %convert_element_type3A_58 = arith.extui %eq3A_57 : vector<3200x1xi1> to vector<3200x1xi32>
    %convert_element_type3A_59 = arith.sitofp %convert_element_type3A_58 : vector<3200x1xi32> to vector<3200x1xf32>
    %get3A_60 = arith.constant 1 : index
    %get3A_61 = arith.constant 0 : index
    %get3A_62 = arith.constant 0 : index
    %get3A_63 = vector.load %arg4[%get3A_60, %get3A_61, %get3A_62] : memref<3x64x64xf32, #tpu.memory_space<vmem>>, vector<1x64x64xf32>
    %get3A_64 = vector.shape_cast %get3A_63 : vector<1x64x64xf32> to vector<64x64xf32>
    %dot_general3A_65 = arith.constant dense<0.000000e+00> : vector<3200x64xf32>
    %dot_general3A_66 = tpu.matmul %mul3A_32, %get3A_64, %dot_general3A_65 {dimension_numbers = #tpu.dot_dimension_numbers<[1], [0], [0], [1], [0, 0, 1, 1], [], []>, transpose_lhs_hint = false} : vector<3200x64xf32>, vector<64x64xf32>, vector<3200x64xf32> -> vector<3200x64xf32>
    %slice3A_67 = vector.extract_strided_slice %get3A_35 {offsets = [1, 0], sizes = [1, 64], strides = [1, 1]} : vector<3x64xf32> to vector<1x64xf32>
    %squeeze3A_68 = vector.shape_cast %slice3A_67 : vector<1x64xf32> to vector<64xf32>
    %broadcast_in_dim3A_69 = vector.shape_cast %squeeze3A_68 : vector<64xf32> to vector<1x64xf32>
    %add3A_70 = vector.broadcast %broadcast_in_dim3A_69 : vector<1x64xf32> to vector<3200x64xf32>
    %add3A_71 = arith.addf %dot_general3A_66, %add3A_70 : vector<3200x64xf32>
    %mul3A_72 = vector.broadcast %convert_element_type3A_59 : vector<3200x1xf32> to vector<3200x64xf32>
    %mul3A_73 = arith.mulf %mul3A_72, %add3A_71 : vector<3200x64xf32>
    %add3A_74 = arith.addf %add3A_54, %mul3A_73 : vector<3200x64xf32>
    %eq3A_75 = arith.constant 2.000000e+00 : f32
    %eq3A_76 = vector.broadcast %eq3A_75 : f32 to vector<3200x1xf32>
    %eq3A_77 = arith.cmpf oeq, %get3A_7, %eq3A_76 : vector<3200x1xf32>
    %convert_element_type3A_78 = arith.extui %eq3A_77 : vector<3200x1xi1> to vector<3200x1xi32>
    %convert_element_type3A_79 = arith.sitofp %convert_element_type3A_78 : vector<3200x1xi32> to vector<3200x1xf32>
    %get3A_80 = arith.constant 2 : index
    %get3A_81 = arith.constant 0 : index
    %get3A_82 = arith.constant 0 : index
    %get3A_83 = vector.load %arg4[%get3A_80, %get3A_81, %get3A_82] : memref<3x64x64xf32, #tpu.memory_space<vmem>>, vector<1x64x64xf32>
    %get3A_84 = vector.shape_cast %get3A_83 : vector<1x64x64xf32> to vector<64x64xf32>
    %dot_general3A_85 = arith.constant dense<0.000000e+00> : vector<3200x64xf32>
    %dot_general3A_86 = tpu.matmul %mul3A_32, %get3A_84, %dot_general3A_85 {dimension_numbers = #tpu.dot_dimension_numbers<[1], [0], [0], [1], [0, 0, 1, 1], [], []>, transpose_lhs_hint = false} : vector<3200x64xf32>, vector<64x64xf32>, vector<3200x64xf32> -> vector<3200x64xf32>
    %slice3A_87 = vector.extract_strided_slice %get3A_35 {offsets = [2, 0], sizes = [1, 64], strides = [1, 1]} : vector<3x64xf32> to vector<1x64xf32>
    %squeeze3A_88 = vector.shape_cast %slice3A_87 : vector<1x64xf32> to vector<64xf32>
    %broadcast_in_dim3A_89 = vector.shape_cast %squeeze3A_88 : vector<64xf32> to vector<1x64xf32>
    %add3A_90 = vector.broadcast %broadcast_in_dim3A_89 : vector<1x64xf32> to vector<3200x64xf32>
    %add3A_91 = arith.addf %dot_general3A_86, %add3A_90 : vector<3200x64xf32>
    %mul3A_92 = vector.broadcast %convert_element_type3A_79 : vector<3200x1xf32> to vector<3200x64xf32>
    %mul3A_93 = arith.mulf %mul3A_92, %add3A_91 : vector<3200x64xf32>
    %add3A_94 = arith.addf %add3A_74, %mul3A_93 : vector<3200x64xf32>
    %swap3A = arith.constant 0 : index
    %swap3A_95 = arith.constant 0 : index
    %swap3A_96 = vector.load %arg9[%swap3A, %swap3A_95] : memref<3200x72xf32, #tpu.memory_space<vmem>>, vector<3200x64xf32>
    tpu.vector_store %arg9[%swap3A, %swap3A_95], %add3A_94 {strides = array<i32>} : memref<3200x72xf32, #tpu.memory_space<vmem>>, vector<3200x64xf32>,
    %broadcast_in_dim3A_97 = arith.constant 1.000000e+00 : f32
    %broadcast_in_dim3A_98 = vector.broadcast %broadcast_in_dim3A_97 : f32 to vector<3200x1xf32>
    %swap3A_99 = arith.constant 0 : index
    %swap3A_100 = arith.constant 64 : index
    %swap3A_101 = vector.load %arg9[%swap3A_99, %swap3A_100] : memref<3200x72xf32, #tpu.memory_space<vmem>>, vector<3200x1xf32>
    tpu.vector_store %arg9[%swap3A_99, %swap3A_100], %broadcast_in_dim3A_98 {strides = array<i32>} : memref<3200x72xf32, #tpu.memory_space<vmem>>, vector<3200x1xf32>,
    %broadcast_in_dim3A_102 = arith.constant 0.000000e+00 : f32
    %broadcast_in_dim3A_103 = vector.broadcast %broadcast_in_dim3A_102 : f32 to vector<3200x7xf32>
    %swap3A_104 = arith.constant 0 : index
    %swap3A_105 = arith.constant 65 : index
    %swap3A_106 = vector.load %arg9[%swap3A_104, %swap3A_105] : memref<3200x72xf32, #tpu.memory_space<vmem>>, vector<3200x7xf32>
    tpu.vector_store %arg9[%swap3A_104, %swap3A_105], %broadcast_in_dim3A_103 {strides = array<i32>} : memref<3200x72xf32, #tpu.memory_space<vmem>>, vector<3200x7xf32>,
    return
  }
  func.func @transform_0(%arg0: i32) -> (i32, i32) {
    %c0_i32 = arith.constant 0 : i32
    %c0_i32_0 = arith.constant 0 : i32
    return %arg0, %c0_i32 : i32, i32
  }
  func.func @transform_1(%arg0: i32) -> (i32, i32) {
    %c0_i32 = arith.constant 0 : i32
    %c0_i32_0 = arith.constant 0 : i32
    return %arg0, %c0_i32 : i32, i32
  }
  func.func @transform_2(%arg0: i32) -> (i32, i32) {
    %c0_i32 = arith.constant 0 : i32
    %c0_i32_0 = arith.constant 0 : i32
    return %arg0, %c0_i32 : i32, i32
  }
  func.func @transform_3(%arg0: i32) -> (i32, i32, i32) {
    %c0_i32 = arith.constant 0 : i32
    %c0_i32_0 = arith.constant 0 : i32
    %c0_i32_1 = arith.constant 0 : i32
    %c0_i32_2 = arith.constant 0 : i32
    return %c0_i32, %c0_i32_0, %c0_i32_1 : i32, i32, i32
  }
  func.func @transform_4(%arg0: i32) -> (i32, i32) {
    %c0_i32 = arith.constant 0 : i32
    %c0_i32_0 = arith.constant 0 : i32
    %c0_i32_1 = arith.constant 0 : i32
    return %c0_i32, %c0_i32_0 : i32, i32
  }
  func.func @transform_5(%arg0: i32) -> (i32, i32) {
    %c0_i32 = arith.constant 0 : i32
    %c0_i32_0 = arith.constant 0 : i32
    %c0_i32_1 = arith.constant 0 : i32
    return %c0_i32, %c0_i32_0 : i32, i32
  }
  func.func @transform_6(%arg0: i32) -> (i32, i32) {
    %c0_i32 = arith.constant 0 : i32
    %c0_i32_0 = arith.constant 0 : i32
    %c0_i32_1 = arith.constant 0 : i32
    return %c0_i32, %c0_i32_0 : i32, i32
  }
  func.func @transform_7(%arg0: i32) -> (i32, i32) {
    %c0_i32 = arith.constant 0 : i32
    %c0_i32_0 = arith.constant 0 : i32
    %c0_i32_1 = arith.constant 0 : i32
    return %c0_i32, %c0_i32_0 : i32, i32
  }
  func.func @transform_8(%arg0: i32) -> (i32, i32) {
    %c0_i32 = arith.constant 0 : i32
    %c0_i32_0 = arith.constant 0 : i32
    return %arg0, %c0_i32 : i32, i32
  }
}

module attributes {stable_mosaic.version = 14 : i64} {
  func.func @_gru_body(%arg0: i32, %arg1: memref<2000x64xf32, #tpu.memory_space<vmem>>, %arg2: memref<2000x1xf32, #tpu.memory_space<vmem>>, %arg3: memref<2000x64xf32, #tpu.memory_space<vmem>>, %arg4: memref<64x192xf32, #tpu.memory_space<vmem>>, %arg5: memref<64x192xf32, #tpu.memory_space<vmem>>, %arg6: memref<1x192xf32, #tpu.memory_space<vmem>>, %arg7: memref<1x192xf32, #tpu.memory_space<vmem>>, %arg8: memref<2000x64xf32, #tpu.memory_space<vmem>>) attributes {dimension_semantics = [#tpu.dimension_semantics<arbitrary>], iteration_bounds = array<i64: 25>, scalar_prefetch = 0 : i64, scratch_operands = 0 : i64, tpu.core_type = #tpu.core_type<tc>, window_params = [{transform_indices = @transform_0, window_bounds = array<i64: 2000, 64>}, {transform_indices = @transform_1, window_bounds = array<i64: 2000, 1>}, {transform_indices = @transform_2, window_bounds = array<i64: 2000, 64>}, {pipeline_mode = #tpu.pipeline_mode<synchronous>, transform_indices = @transform_3, window_bounds = array<i64: 64, 192>}, {pipeline_mode = #tpu.pipeline_mode<synchronous>, transform_indices = @transform_4, window_bounds = array<i64: 64, 192>}, {pipeline_mode = #tpu.pipeline_mode<synchronous>, transform_indices = @transform_5, window_bounds = array<i64: 1, 192>}, {pipeline_mode = #tpu.pipeline_mode<synchronous>, transform_indices = @transform_6, window_bounds = array<i64: 1, 192>}, {transform_indices = @transform_7, window_bounds = array<i64: 2000, 64>}]} {
    %get3A = arith.constant 0 : index
    %get3A_0 = arith.constant 0 : index
    %get3A_1 = vector.load %arg2[%get3A, %get3A_0] : memref<2000x1xf32, #tpu.memory_space<vmem>>, vector<2000x1xf32>
    %max3A = arith.constant 1.000000e+00 : f32
    %max3A_2 = vector.broadcast %max3A : f32 to vector<2000x1xf32>
    %max3A_3 = arith.maximumf %get3A_1, %max3A_2 : vector<2000x1xf32>
    %get3A_4 = arith.constant 0 : index
    %get3A_5 = arith.constant 0 : index
    %get3A_6 = vector.load %arg1[%get3A_4, %get3A_5] : memref<2000x64xf32, #tpu.memory_space<vmem>>, vector<2000x64xf32>
    %div3A = vector.broadcast %max3A_3 : vector<2000x1xf32> to vector<2000x64xf32>
    %div3A_7 = arith.divf %get3A_6, %div3A : vector<2000x64xf32>
    %get3A_8 = arith.constant 0 : index
    %get3A_9 = arith.constant 0 : index
    %get3A_10 = vector.load %arg3[%get3A_8, %get3A_9] : memref<2000x64xf32, #tpu.memory_space<vmem>>, vector<2000x64xf32>
    %get3A_11 = arith.constant 0 : index
    %get3A_12 = arith.constant 0 : index
    %get3A_13 = vector.load %arg4[%get3A_11, %get3A_12] : memref<64x192xf32, #tpu.memory_space<vmem>>, vector<64x192xf32>
    %dot_general3A = arith.constant dense<0.000000e+00> : vector<2000x192xf32>
    %dot_general3A_14 = tpu.matmul %div3A_7, %get3A_13, %dot_general3A {dimension_numbers = #tpu.dot_dimension_numbers<[1], [0], [0], [1], [0, 0, 1, 1], [], []>, transpose_lhs_hint = false} : vector<2000x64xf32>, vector<64x192xf32>, vector<2000x192xf32> -> vector<2000x192xf32>
    %get3A_15 = arith.constant 0 : index
    %get3A_16 = arith.constant 0 : index
    %get3A_17 = vector.load %arg6[%get3A_15, %get3A_16] : memref<1x192xf32, #tpu.memory_space<vmem>>, vector<1x192xf32>
    %add3A = vector.broadcast %get3A_17 : vector<1x192xf32> to vector<2000x192xf32>
    %add3A_18 = arith.addf %dot_general3A_14, %add3A : vector<2000x192xf32>
    %get3A_19 = arith.constant 0 : index
    %get3A_20 = arith.constant 0 : index
    %get3A_21 = vector.load %arg5[%get3A_19, %get3A_20] : memref<64x192xf32, #tpu.memory_space<vmem>>, vector<64x192xf32>
    %dot_general3A_22 = arith.constant dense<0.000000e+00> : vector<2000x192xf32>
    %dot_general3A_23 = tpu.matmul %get3A_10, %get3A_21, %dot_general3A_22 {dimension_numbers = #tpu.dot_dimension_numbers<[1], [0], [0], [1], [0, 0, 1, 1], [], []>, transpose_lhs_hint = false} : vector<2000x64xf32>, vector<64x192xf32>, vector<2000x192xf32> -> vector<2000x192xf32>
    %get3A_24 = arith.constant 0 : index
    %get3A_25 = arith.constant 0 : index
    %get3A_26 = vector.load %arg7[%get3A_24, %get3A_25] : memref<1x192xf32, #tpu.memory_space<vmem>>, vector<1x192xf32>
    %add3A_27 = vector.broadcast %get3A_26 : vector<1x192xf32> to vector<2000x192xf32>
    %add3A_28 = arith.addf %dot_general3A_23, %add3A_27 : vector<2000x192xf32>
    %slice3A = vector.extract_strided_slice %add3A_18 {offsets = [0, 0], sizes = [2000, 64], strides = [1, 1]} : vector<2000x192xf32> to vector<2000x64xf32>
    %slice3A_29 = vector.extract_strided_slice %add3A_28 {offsets = [0, 0], sizes = [2000, 64], strides = [1, 1]} : vector<2000x192xf32> to vector<2000x64xf32>
    %add3A_30 = arith.addf %slice3A, %slice3A_29 : vector<2000x64xf32>
    %logistic3A = arith.negf %add3A_30 : vector<2000x64xf32>
    %logistic3A_31 = math.exp %logistic3A : vector<2000x64xf32>
    %logistic3A_32 = arith.constant 1.000000e+00 : f32
    %logistic3A_33 = vector.broadcast %logistic3A_32 : f32 to vector<2000x64xf32>
    %logistic3A_34 = arith.addf %logistic3A_33, %logistic3A_31 : vector<2000x64xf32>
    %logistic3A_35 = arith.divf %logistic3A_33, %logistic3A_34 : vector<2000x64xf32>
    %slice3A_36 = vector.extract_strided_slice %add3A_18 {offsets = [0, 64], sizes = [2000, 64], strides = [1, 1]} : vector<2000x192xf32> to vector<2000x64xf32>
    %slice3A_37 = vector.extract_strided_slice %add3A_28 {offsets = [0, 64], sizes = [2000, 64], strides = [1, 1]} : vector<2000x192xf32> to vector<2000x64xf32>
    %add3A_38 = arith.addf %slice3A_36, %slice3A_37 : vector<2000x64xf32>
    %logistic3A_39 = arith.negf %add3A_38 : vector<2000x64xf32>
    %logistic3A_40 = math.exp %logistic3A_39 : vector<2000x64xf32>
    %logistic3A_41 = arith.constant 1.000000e+00 : f32
    %logistic3A_42 = vector.broadcast %logistic3A_41 : f32 to vector<2000x64xf32>
    %logistic3A_43 = arith.addf %logistic3A_42, %logistic3A_40 : vector<2000x64xf32>
    %logistic3A_44 = arith.divf %logistic3A_42, %logistic3A_43 : vector<2000x64xf32>
    %slice3A_45 = vector.extract_strided_slice %add3A_18 {offsets = [0, 128], sizes = [2000, 64], strides = [1, 1]} : vector<2000x192xf32> to vector<2000x64xf32>
    %slice3A_46 = vector.extract_strided_slice %add3A_28 {offsets = [0, 128], sizes = [2000, 64], strides = [1, 1]} : vector<2000x192xf32> to vector<2000x64xf32>
    %mul3A = arith.mulf %logistic3A_35, %slice3A_46 : vector<2000x64xf32>
    %add3A_47 = arith.addf %slice3A_45, %mul3A : vector<2000x64xf32>
    %tanh3A = math.tanh %add3A_47 : vector<2000x64xf32>
    %sub3A = arith.constant 1.000000e+00 : f32
    %sub3A_48 = vector.broadcast %sub3A : f32 to vector<2000x64xf32>
    %sub3A_49 = arith.subf %sub3A_48, %logistic3A_44 : vector<2000x64xf32>
    %mul3A_50 = arith.mulf %sub3A_49, %tanh3A : vector<2000x64xf32>
    %mul3A_51 = arith.mulf %logistic3A_44, %get3A_10 : vector<2000x64xf32>
    %add3A_52 = arith.addf %mul3A_50, %mul3A_51 : vector<2000x64xf32>
    %swap3A = arith.constant 0 : index
    %swap3A_53 = arith.constant 0 : index
    %swap3A_54 = vector.load %arg8[%swap3A, %swap3A_53] : memref<2000x64xf32, #tpu.memory_space<vmem>>, vector<2000x64xf32>
    tpu.vector_store %arg8[%swap3A, %swap3A_53], %add3A_52 {strides = array<i32>} : memref<2000x64xf32, #tpu.memory_space<vmem>>, vector<2000x64xf32>,
    return
  }
  func.func @transform_0(%arg0: i32) -> (i32, i32) {
    %c0_i32 = arith.constant 0 : i32
    %c0_i32_0 = arith.constant 0 : i32
    return %arg0, %c0_i32 : i32, i32
  }
  func.func @transform_1(%arg0: i32) -> (i32, i32) {
    %c0_i32 = arith.constant 0 : i32
    %c0_i32_0 = arith.constant 0 : i32
    return %arg0, %c0_i32 : i32, i32
  }
  func.func @transform_2(%arg0: i32) -> (i32, i32) {
    %c0_i32 = arith.constant 0 : i32
    %c0_i32_0 = arith.constant 0 : i32
    return %arg0, %c0_i32 : i32, i32
  }
  func.func @transform_3(%arg0: i32) -> (i32, i32) {
    %c0_i32 = arith.constant 0 : i32
    %c0_i32_0 = arith.constant 0 : i32
    %c0_i32_1 = arith.constant 0 : i32
    return %c0_i32, %c0_i32_0 : i32, i32
  }
  func.func @transform_4(%arg0: i32) -> (i32, i32) {
    %c0_i32 = arith.constant 0 : i32
    %c0_i32_0 = arith.constant 0 : i32
    %c0_i32_1 = arith.constant 0 : i32
    return %c0_i32, %c0_i32_0 : i32, i32
  }
  func.func @transform_5(%arg0: i32) -> (i32, i32) {
    %c0_i32 = arith.constant 0 : i32
    %c0_i32_0 = arith.constant 0 : i32
    %c0_i32_1 = arith.constant 0 : i32
    return %c0_i32, %c0_i32_0 : i32, i32
  }
  func.func @transform_6(%arg0: i32) -> (i32, i32) {
    %c0_i32 = arith.constant 0 : i32
    %c0_i32_0 = arith.constant 0 : i32
    %c0_i32_1 = arith.constant 0 : i32
    return %c0_i32, %c0_i32_0 : i32, i32
  }
  func.func @transform_7(%arg0: i32) -> (i32, i32) {
    %c0_i32 = arith.constant 0 : i32
    %c0_i32_0 = arith.constant 0 : i32
    return %arg0, %c0_i32 : i32, i32
  }
}

module attributes {stable_mosaic.version = 14 : i64} {
  func.func @_readout_body(%arg0: i32, %arg1: memref<2000x64xf32, #tpu.memory_space<vmem>>, %arg2: memref<2000x64xf32, #tpu.memory_space<vmem>>, %arg3: memref<128x64xf32, #tpu.memory_space<vmem>>, %arg4: memref<1x64xf32, #tpu.memory_space<vmem>>, %arg5: memref<64x1xf32, #tpu.memory_space<vmem>>, %arg6: memref<1x1xf32, #tpu.memory_space<vmem>>, %arg7: memref<2000x1xf32, #tpu.memory_space<vmem>>) attributes {dimension_semantics = [#tpu.dimension_semantics<arbitrary>], iteration_bounds = array<i64: 25>, scalar_prefetch = 0 : i64, scratch_operands = 0 : i64, tpu.core_type = #tpu.core_type<tc>, window_params = [{transform_indices = @transform_0, window_bounds = array<i64: 2000, 64>}, {transform_indices = @transform_1, window_bounds = array<i64: 2000, 64>}, {pipeline_mode = #tpu.pipeline_mode<synchronous>, transform_indices = @transform_2, window_bounds = array<i64: 128, 64>}, {pipeline_mode = #tpu.pipeline_mode<synchronous>, transform_indices = @transform_3, window_bounds = array<i64: 1, 64>}, {pipeline_mode = #tpu.pipeline_mode<synchronous>, transform_indices = @transform_4, window_bounds = array<i64: 64, 1>}, {pipeline_mode = #tpu.pipeline_mode<synchronous>, transform_indices = @transform_5, window_bounds = array<i64: 1, 1>}, {transform_indices = @transform_6, window_bounds = array<i64: 2000, 1>}]} {
    %get3A = arith.constant 0 : index
    %get3A_0 = arith.constant 0 : index
    %get3A_1 = vector.load %arg1[%get3A, %get3A_0] : memref<2000x64xf32, #tpu.memory_space<vmem>>, vector<2000x64xf32>
    %get3A_2 = arith.constant 0 : index
    %get3A_3 = arith.constant 0 : index
    %get3A_4 = vector.load %arg2[%get3A_2, %get3A_3] : memref<2000x64xf32, #tpu.memory_space<vmem>>, vector<2000x64xf32>
    %concatenate3A = tpu.concatenate %get3A_1, %get3A_4 in 1 : vector<2000x64xf32>, vector<2000x64xf32> -> vector<2000x128xf32>
    %get3A_5 = arith.constant 0 : index
    %get3A_6 = arith.constant 0 : index
    %get3A_7 = vector.load %arg3[%get3A_5, %get3A_6] : memref<128x64xf32, #tpu.memory_space<vmem>>, vector<128x64xf32>
    %dot_general3A = arith.constant dense<0.000000e+00> : vector<2000x64xf32>
    %dot_general3A_8 = tpu.matmul %concatenate3A, %get3A_7, %dot_general3A {dimension_numbers = #tpu.dot_dimension_numbers<[1], [0], [0], [1], [0, 0, 1, 1], [], []>, transpose_lhs_hint = false} : vector<2000x128xf32>, vector<128x64xf32>, vector<2000x64xf32> -> vector<2000x64xf32>
    %get3A_9 = arith.constant 0 : index
    %get3A_10 = arith.constant 0 : index
    %get3A_11 = vector.load %arg4[%get3A_9, %get3A_10] : memref<1x64xf32, #tpu.memory_space<vmem>>, vector<1x64xf32>
    %add3A = vector.broadcast %get3A_11 : vector<1x64xf32> to vector<2000x64xf32>
    %add3A_12 = arith.addf %dot_general3A_8, %add3A : vector<2000x64xf32>
    %max3A = arith.constant 0.000000e+00 : f32
    %max3A_13 = vector.broadcast %max3A : f32 to vector<2000x64xf32>
    %max3A_14 = arith.maximumf %add3A_12, %max3A_13 : vector<2000x64xf32>
    %get3A_15 = arith.constant 0 : index
    %get3A_16 = arith.constant 0 : index
    %get3A_17 = vector.load %arg5[%get3A_15, %get3A_16] : memref<64x1xf32, #tpu.memory_space<vmem>>, vector<64x1xf32>
    %dot_general3A_18 = arith.constant dense<0.000000e+00> : vector<2000x1xf32>
    %dot_general3A_19 = tpu.matmul %max3A_14, %get3A_17, %dot_general3A_18 {dimension_numbers = #tpu.dot_dimension_numbers<[1], [0], [0], [1], [0, 0, 1, 1], [], []>, transpose_lhs_hint = false} : vector<2000x64xf32>, vector<64x1xf32>, vector<2000x1xf32> -> vector<2000x1xf32>
    %get3A_20 = arith.constant 0 : index
    %get3A_21 = arith.constant 0 : index
    %get3A_22 = vector.load %arg6[%get3A_20, %get3A_21] : memref<1x1xf32, #tpu.memory_space<vmem>>, vector<1x1xf32>
    %add3A_23 = vector.broadcast %get3A_22 : vector<1x1xf32> to vector<2000x1xf32>
    %add3A_24 = arith.addf %dot_general3A_19, %add3A_23 : vector<2000x1xf32>
    %swap3A = arith.constant 0 : index
    %swap3A_25 = arith.constant 0 : index
    %swap3A_26 = vector.load %arg7[%swap3A, %swap3A_25] : memref<2000x1xf32, #tpu.memory_space<vmem>>, vector<2000x1xf32>
    tpu.vector_store %arg7[%swap3A, %swap3A_25], %add3A_24 {strides = array<i32>} : memref<2000x1xf32, #tpu.memory_space<vmem>>, vector<2000x1xf32>,
    return
  }
  func.func @transform_0(%arg0: i32) -> (i32, i32) {
    %c0_i32 = arith.constant 0 : i32
    %c0_i32_0 = arith.constant 0 : i32
    return %arg0, %c0_i32 : i32, i32
  }
  func.func @transform_1(%arg0: i32) -> (i32, i32) {
    %c0_i32 = arith.constant 0 : i32
    %c0_i32_0 = arith.constant 0 : i32
    return %arg0, %c0_i32 : i32, i32
  }
  func.func @transform_2(%arg0: i32) -> (i32, i32) {
    %c0_i32 = arith.constant 0 : i32
    %c0_i32_0 = arith.constant 0 : i32
    %c0_i32_1 = arith.constant 0 : i32
    return %c0_i32, %c0_i32_0 : i32, i32
  }
  func.func @transform_3(%arg0: i32) -> (i32, i32) {
    %c0_i32 = arith.constant 0 : i32
    %c0_i32_0 = arith.constant 0 : i32
    %c0_i32_1 = arith.constant 0 : i32
    return %c0_i32, %c0_i32_0 : i32, i32
  }
  func.func @transform_4(%arg0: i32) -> (i32, i32) {
    %c0_i32 = arith.constant 0 : i32
    %c0_i32_0 = arith.constant 0 : i32
    %c0_i32_1 = arith.constant 0 : i32
    return %c0_i32, %c0_i32_0 : i32, i32
  }
  func.func @transform_5(%arg0: i32) -> (i32, i32) {
    %c0_i32 = arith.constant 0 : i32
    %c0_i32_0 = arith.constant 0 : i32
    %c0_i32_1 = arith.constant 0 : i32
    return %c0_i32, %c0_i32_0 : i32, i32
  }
  func.func @transform_6(%arg0: i32) -> (i32, i32) {
    %c0_i32 = arith.constant 0 : i32
    %c0_i32_0 = arith.constant 0 : i32
    return %arg0, %c0_i32 : i32, i32
  }
}

</mosaic_0001>

<sc_bundles>
// kernel: kernel.12.cloned.1.call-start
scs
__scs_entry_jumppad:
0x0: {  	(pc) =	sbr.rel $0x88, $3  }
0x1: {  	(tag) =	ssettag $0x0;
	lr =	simm.s32 $0x1  }
0x2: {  	[smem:$0x3F8E] =	sst lr;
	_ =	strace $0xD0000000  }
0x3: {  	_ = 	snop  }
0x4: {  	_ = 	snop  }
0x5: {  	_ = 	snop  }
0x6: {  	_ = 	snop  }
0x7: {  	_ = 	snop  }
__scs_overlays_trampoline_lowered:
0x8: {  	[smem:$0x3F9D] =	sst s0  }
0x9: {  	[smem:$0x3F9E] =	sst s1  }
0xa: {  	[smem:$0x3F9F] =	sst s2  }
0xb: {  	[smem:$0x3FA0] =	sst s3  }
0xc: {  	[smem:$0x3FA1] =	sst s4  }
0xd: {  	[smem:$0x3FA2] =	sst s5  }
0xe: {  	[smem:$0x3FA3] =	sst s6  }
0xf: {  	[smem:$0x3FA4] =	sst s7  }
0x10: {  	[smem:$0x3FA5] =	sst s8  }
0x11: {  	[smem:$0x3FA6] =	sst s9;
	s0 =	simm.s32 @!p0 $0x0  }
0x12: {  	s1 =	sld [smem:$0x3F8C];
	s0 =	simm.s32 @p0 $0x1  }
0x13: {  	[smem:$0x3FA7] =	sst s0;
	s0 =	simm.s32 @!p1 $0x0  }
0x14: {  	s2 =	sld [smem:$0x3F8B];
	s0 =	simm.s32 @p1 $0x1  }
0x15: {  	[smem:$0x3FA8] =	sst s0;
	s0 =	simm.s32 @!p2 $0x0  }
0x16: {  	s3 =	sld [smem:$0x3FDB];
	s0 =	simm.s32 @p2 $0x1  }
0x17: {  	s4 =	simm.s32 $0x1BF5;
	[smem:$0x3FAA] =	sst s0  }
0x18: {  	s0 =	sld [smem:$0x3F8D];
	_ =	swait.ge [sflag:s4], $0x0  }
0x19: {  	s7 =	sld [smem:$0x3F8E]  }
0x1a: {  	s8 =	sadd.s32 $0xFFFFE003, lr  }
0x1b: {  	s9 =	sadd.s32 $0xFFFFFEF7, lr;
	s5 =	simm.s32 $0xFFFFFFFF;
	p2 =	slt.u32 s8, $0xFFFFF086  }
0x1c: {  	p1 =	slt.u32 s9, $0xF7A;
	s5 =	simm.s32 @!p2 $0x0  }
0x1d: {  	s5 =	simm.s32 @p1 $0x1;
	p0 =	seq.s32 s7, s2  }
0x1e: {  	s7 =	smul.u32 @!p0 $0xF7A, s2;
	p2 =	seq.s32 @!p0 s5, $0x0  }
0x1f: {  	s9 =	smul.u32 $0xF7A, s1;
	s8 =	simm.s32 @!p0 $0x1BF5;
	p2 =	por !p2, p0  }
0x20: {  	[sflag:s8] =	ssyncset.s32 @!p0 $0xFFFFF086;
	s6 =	sadd.s32 @!p0 s3, s7;
	s7 =	simm.s32 @!p0 $0x108  }
0x21: {  	s3 =	sadd.s32 s3, s9;
	s6 =	sadd.s32 @!p0 $0x88, s6;
	s7 =	simm.s32 @p2 $0x1082  }
0x22: {  	[simem:s7], [sflag:s8] =	dma.local @!p0 [hbm:s6], $0xF7A  }
0x23: {  	s9 =	sor.u32 $0xD0000000, s2;
	s6 =	simm.s32 $0x108;
	_ =	swait.ge @!p0 [sflag:s8], $0x0  }
0x24: {  	s3 =	sadd.s32 $0x88, s3;
	s6 =	simm.s32 @!p1 $0x1082;
	[sflag:s4] =	ssyncset.s32 $0xFFFFF086  }
0x25: {  	[simem:s6], [sflag:s4] =	dma.local [hbm:s3], $0xF7A  }
0x26: {  	[smem:$0x3F8E] =	sst s1;
	(tag) =	ssettag s2;
	_ =	strace s9  }
0x27: {  	s1 =	sld [smem:$0x3F9E]  }
0x28: {  	s2 =	sld [smem:$0x3F9F]  }
0x29: {  	s4 =	sld [smem:$0x3FA1]  }
0x2a: {  	p0 =	seq.s32 s5, $0x0;
	s5 =	sld [smem:$0x3FA2]  }
0x2b: {  	s6 =	sld [smem:$0x3FA3]  }
0x2c: {  	s7 =	sld [smem:$0x3FA4]  }
0x2d: {  	s3 =	simm.s32 $0x108;
	s8 =	sld [smem:$0x3FA5]  }
0x2e: {  	s3 =	simm.s32 @!p0 $0x1082;
	s9 =	sld [smem:$0x3FA6]  }
0x2f: {  	lr =	sadd.s32 s0, s3;
	s0 =	sld [smem:$0x3F9D]  }
0x30: {  	s3 =	sld [smem:$0x3FA0]  }
0x31: {  	[smem:$0x3FA9] =	sst s10  }
0x32: {  	s10 =	sld [smem:$0x3FA7];
	_ =	sdelay $0x3  }
0x33: {  	p0 =	seq.s32 s10, $0x1;
	s10 =	sld [smem:$0x3FA9];
	_ =	sdelay $0x3  }
0x34: {  	[smem:$0x3FA9] =	sst s10  }
0x35: {  	s10 =	sld [smem:$0x3FA8];
	_ =	sdelay $0x3  }
0x36: {  	p1 =	seq.s32 s10, $0x1;
	s10 =	sld [smem:$0x3FA9];
	_ =	sdelay $0x3  }
0x37: {  	[smem:$0x3FA9] =	sst s10  }
0x38: {  	s10 =	sld [smem:$0x3FAA]  }
0x39: {  	_ = 	snop;
	(pc) =	sbr.ind lr, $3  }
0x3a: {  	_ = 	snop  }
0x3b: {  	_ = 	snop  }
0x3c: {  	p2 =	seq.s32 s10, $0x1;
	s10 =	sld [smem:$0x3FA9]  }
0x3d: {  	_ =	shalt  }
0x3e: {  	_ =	shalt  }
0x3f: {  	_ =	shalt  }
0x40: {  	_ =	shalt  }
0x41: {  	_ =	shalt  }
0x42: {  	_ =	shalt  }
0x43: {  	_ =	shalt  }
0x44: {  	_ =	shalt  }
0x45: {  	_ =	shalt  }
0x46: {  	_ =	shalt  }
0x47: {  	_ =	shalt  }
0x48: {  	_ =	shalt  }
0x49: {  	_ =	shalt  }
0x4a: {  	_ =	shalt  }
0x4b: {  	_ =	shalt  }
0x4c: {  	_ =	shalt  }
0x4d: {  	_ =	shalt  }
0x4e: {  	_ =	shalt  }
0x4f: {  	_ =	shalt  }
0x50: {  	_ =	shalt  }
0x51: {  	_ =	shalt  }
0x52: {  	_ =	shalt  }
0x53: {  	_ =	shalt  }
0x54: {  	_ =	shalt  }
0x55: {  	_ =	shalt  }
0x56: {  	_ =	shalt  }
0x57: {  	_ =	shalt  }
0x58: {  	_ =	shalt  }
0x59: {  	_ =	shalt  }
0x5a: {  	_ =	shalt  }
0x5b: {  	_ =	shalt  }
0x5c: {  	_ =	shalt  }
0x5d: {  	_ =	shalt  }
0x5e: {  	_ =	shalt  }
0x5f: {  	_ =	shalt  }
0x60: {  	_ =	shalt  }
0x61: {  	_ =	shalt  }
0x62: {  	_ =	shalt  }
0x63: {  	_ =	shalt  }
0x64: {  	_ =	shalt  }
0x65: {  	_ =	shalt  }
0x66: {  	_ =	shalt  }
0x67: {  	_ =	shalt  }
0x68: {  	_ =	shalt  }
0x69: {  	_ =	shalt  }
0x6a: {  	_ =	shalt  }
0x6b: {  	_ =	shalt  }
0x6c: {  	_ =	shalt  }
0x6d: {  	_ =	shalt  }
0x6e: {  	_ =	shalt  }
0x6f: {  	_ =	shalt  }
0x70: {  	_ =	shalt  }
0x71: {  	_ =	shalt  }
0x72: {  	_ =	shalt  }
0x73: {  	_ =	shalt  }
0x74: {  	_ =	shalt  }
0x75: {  	_ =	shalt  }
0x76: {  	_ =	shalt  }
0x77: {  	_ =	shalt  }
0x78: {  	_ =	shalt  }
0x79: {  	_ =	shalt  }
0x7a: {  	_ =	shalt  }
0x7b: {  	_ =	shalt  }
0x7c: {  	_ =	shalt  }
0x7d: {  	_ =	shalt  }
0x7e: {  	_ =	shalt  }
0x7f: {  	_ =	shalt  }
0x80: {  	_ =	shalt  }
0x81: {  	_ =	shalt  }
0x82: {  	_ =	shalt  }
0x83: {  	_ =	shalt  }
0x84: {  	_ =	shalt  }
0x85: {  	_ =	shalt  }
0x86: {  	_ =	shalt  }
0x87: {  	_ =	shalt  }
.Lfunc_end0:
.L_simem_size_0:
called_computation_lowered:
.L_overlay_start_0:
0x88: {  	s2 =	sld [smem:$0x3FD9]  }
0x89: {  	s3 =	sld [smem:$0x3FFE];
	_ =	sdelay $0x1  }
0x8a: {  	s1 =	srdreg.scid  }
0x8b: {  	s0 =	sand.u32 $0x1, s1  }
0x8c: {  	s16 =	sshll.u32 s0, $0xA;
	s2 =	sadd.s32 s3, s2  }
0x8d: {  	s2 =	sadd.s32 s2, s16  }
0x8e: {  	[smem:$0x3FB5] =	sst s2  }
0x8f: {  	_ = 	snop  }
0x90: {  	(tm) =	ssettm $0x1  }
0x91: {  	s17 =	sld [smem:$0x3FFB];
	_ =	sdelay $0x3  }
0x92: {  	_ =	strace s17  }
0x93: {  	s2 =	sld [smem:$0x3FFC];
	_ =	sdelay $0x3  }
0x94: {  	_ =	strace s2  }
0x95: {  	s2 =	sld [smem:$0x3FFD];
	_ =	sdelay $0x3  }
0x96: {  	_ =	strace s2  }
0x97: {  	_ =	strace $0x8FFFFFFF  }
0x98: {  	s18 =	sld [smem:$0x3FDB];
	_ =	sdelay $0x1  }
0x99: {  	s19 =	simm.s32 $_scs_section_size  }
0x9a: {  	s4 =	simm.s32 $_size__tile_overlayer_lowered;
	s5 =	simm.s32 $_tile_overlayer_lowered  }
0x9b: {  	s22 =	simm.s32 $0x1BFF;
	s21 =	sshll.u32 s5, $0x1;
	s2 =	sadd.s32 s19, s18  }
0x9c: {  	s6 =	simm.s32 $0x0;
	s20 =	sshll.u32 s4, $0x1;
	s4 =	sadd.s32 s21, s2  }
0x9d: {  	[timem:s6], [sflag:s22] =	dma.local [hbm:s4], s20  }
0x9e: {  	_ =	swait.ge [sflag:s22], s20  }
0x9f: {  	s3 =	ssub.s32 $0x0, s20;
	[sflag:s22] =	ssyncset.done $0x0  }
0xa0: {  	[sflag:s22] =	ssyncadd.s32 s3;
	_ =	sdelay $0x1  }
0xa1: {  	s23 =	simm.s32 $0x1B8B  }
0xa2: {  	_ =	swait.ge [sflag:s23], $0x1  }
0xa3: {  	[sflag:s23] =	ssyncset.done $0x0  }
0xa4: {  	s25 =	simm.s32 $0x1B8E;
	s24 =	sld [smem:$0x3FFE];
	[sflag:s23] =	ssyncadd.s32 $0xFFFFFFFF  }
0xa5: {  	s26 =	simm.s32 $execute0_lowered;
	[smem:$0x3FD2] =	sst s25  }
0xa6: {  	s4 =	sshll.u32 s26, $0x1;
	_ =	strace $0x80000046;
	[dreg:$0x1] =	wrdreg $0xFFFFFFFF  }
0xa7: {  	s28 =	simm.s32 $_size_execute0_lowered;
	s2 =	sadd.s32 s2, s4;
	[dreg:$0x0] =	wrdreg $0x0  }
0xa8: {  	s4 =	sshll.u32 s28, $0x1;
	[dreg:$0x2] =	wrdreg s2  }
0xa9: {  	[dreg:$0x3] =	wrdreg s4  }
0xaa: {  	[dreg:$0x4] =	wrdreg $0xC0  }
0xab: {  	_ =	task [dreg:s6], $0x5FFFF  }
0xac: {  	[dreg:$0x1] =	wrdreg $0xFFFFFFFF  }
0xad: {  	[dreg:$0x0] =	wrdreg $0x60  }
0xae: {  	[dreg:$0x2] =	wrdreg s24  }
0xaf: {  	[dreg:$0x3] =	wrdreg $0x9  }
0xb0: {  	_ =	task.clear_ibuf [dreg:s6], $0x4FFFF;
	_ =	strace $0x90000046  }
0xb1: {  	s29 =	simm.s32 $0x9;
	_ =	strace $0x80000048  }
0xb2: {  	_ =	swait.ge [sflag:s29], $0x1  }
0xb3: {  	[sflag:s29] =	ssyncadd.s32 $0xFFFFFFFF  }
0xb4: {  	_ =	strace $0x90000048  }
0xb5: {  	_ =	sfence  }
0xb6: {  	s30 =	sld [smem:$0x0];
	_ =	sdelay $0x2  }
0xb7: {  	s31 =	sshll.u32 s1, $0xD;
	s1 =	sshrl.u32 s1, $0x2  }
0xb8: {  	s3 =	sand.u32 $0x4000, s31;
	s1 =	sadd.s32 s1, s30  }
0xb9: {  	s0 =	sor.u32 s3, s0;
	s1 =	sshll.u32 s1, $0x11  }
0xba: {  	s0 =	sor.u32 s1, s0  }
0xbb: {  	s0 =	sadd.s32 $0x8F2B, s0  }
0xbc: {  	[sflag:s0] =	ssyncadd.remote.s32 $0x1  }
0xbd: {  	_ =	sfence.sel $0xFFFF  }
0xbe: {  	[dreg:$0x0] =	wrdreg $0xFFFFFFFF;
	(pc) =	sbr.abs _section_cstart, $3  }
0xbf: {  	[dreg:$0x1] =	wrdreg $0xFFFFFFFF  }
0xc0: {  	_ =	task.clear_ibuf [dreg:s6], $0x2FFFF;
	_ =	strace $0x9FFFFFFF  }
0xc1: {  	(tm) =	ssettm $0x7FFFFFFF  }
tec
execute0_lowered:
.L_overlay_start_1:
0x0: {  	(tag) =	ssettag $0x1  }
0x1: {  	s4 =	rddreg [dreg:$0x0]  }
0x2: {  	s0 =	rddreg [dreg:$0x1];
	s3 =	srdreg.scid  }
0x3: {  	s1 =	stileid.u32;
	s2 =	simm.s32 $0x0;
	s10 =	simm.s32 $0x1CE0  }
0x4: {  	s11 =	simm.s32 $0x1;
	s12 =	simm.s32 $0x0;
	s6 =	smul.u32 $0xC40, s1  }
0x5: {  	s5 =	sand.u32 $0x1, s3;
	[smem:$0x7FF] =	sst s2;
	s8 =	smul.u32 $0x6200, s1  }
0x6: {  	s3 =	sadd.s32 $0x5A00, s4;
	s7 =	smul.u32 $0x620, s5;
	s30 =	ssub.s32 $0x2, s5  }
0x7: {  	_ =	strace $0x80000047;
	s5 =	smul.u32 $0x3100, s5;
	s9 =	sshrl.u32 s30, $0x1  }
0x8: {  	s8 =	sadd.s32 s8, s4;
	s6 =	sadd.s32 s7, s6;
	s31 =	ssub.s32 s30, s9  }
0x9: {  	s5 =	sadd.s32 s5, s8;
	s7 =	simm.s32 $0x2;
	s6 =	sshrl.u32 s6, $0x3  }
0xa: {  	s8 =	simm.s32 $0x70;
	s9 =	simm.s32 $0xE0;
	s6 =	sadd.s32 s6, s4  }
0xb: {  	s5 =	sadd.s32 $0x17400, s5;
	s4 =	smax.u32 s31, $0x1;
	s6 =	sadd.s32 $0x15A00, s6  }
.LBB2_1:
0xc: {  	s13 =	sadd.s32 $0x0, s6  }
0xd: {  	[tilespmem:s2], [sflag:$0x2] =	stream.linear.gather [hbm4b:s13+s2], $0xE0, $0x38;
	[tilespmem:$0x38E0] =	vst v63  }
0xe: {  	_ =	swait.ge [sflag:s7], $0xE0  }
0xf: {  	[sflag:s7] =	ssyncset.done $0x0  }
0x10: {  	[sflag:s7] =	ssyncadd.s32 $0xFFFFFF20  }
0x11: {  	[tilespmem:s9], [sflag:$0x1] =	stream.indirect.gather [hbm4b:s3+s8], $0x40, s2, s8, $0xb8;
	[tilespmem:$0x38E0] =	vst v63  }
0x12: {  	_ = 	snop  }
0x13: {  	[tilespmem:s10], [sflag:$0x1] =	stream.indirect.gather [hbm4b:s3+s8], $0x40, s8, s8, $0xb8;
	[tilespmem:$0x38E0] =	vst v63  }
0x14: {  	_ =	swait.ge [sflag:s11], $0x1C00  }
0x15: {  	[sflag:s11] =	ssyncset.done $0x0  }
0x16: {  	[sflag:s11] =	ssyncadd.s32 $0xFFFFE400  }
0x17: {  	_ =	swait.ge [sflag:s11], $0x1C00  }
0x18: {  	[sflag:s11] =	ssyncset.done $0x0  }
0x19: {  	[sflag:s11] =	ssyncadd.s32 $0xFFFFE400  }
0x1a: {  	[hbm4b:s5+s2] =	stream.linear.scatter [tilespmem:s9], [sflag:$0x2], $0x3800, $0x38;
	[tilespmem:$0x38E0] =	vst v63  }
0x1b: {  	s14 =	simm.s32 $0x1C;
	_ =	swait.ge [sflag:s7], $0x3800  }
0x1c: {  	s15 =	simm.s32 $0x38;
	s13 =	sadd.s32 $0x700, s5;
	[sflag:s7] =	ssyncset.done $0x0  }
.LBB2_2:
0x1d: {  	s16 =	sadd.s32 s14, s6  }
0x1e: {  	[sflag:s7] =	ssyncadd.s32 $0xFFFFC800;
	s14 =	smov.u32 s15;
	s17 =	sadd.s32 $0x1C, s15  }
0x1f: {  	[tilespmem:s2], [sflag:$0x2] =	stream.linear.gather [hbm4b:s16+s2], $0xE0, $0x38;
	[tilespmem:$0x38E0] =	vst v63  }
0x20: {  	p0 =	sne.s32 s15, $0xA8;
	_ =	swait.ge [sflag:s7], $0xE0  }
0x21: {  	[sflag:s7] =	ssyncset.done $0x0  }
0x22: {  	[sflag:s7] =	ssyncadd.s32 $0xFFFFFF20  }
0x23: {  	[tilespmem:s9], [sflag:$0x1] =	stream.indirect.gather [hbm4b:s3+s8], $0x40, s2, s8, $0xb8;
	[tilespmem:$0x38E0] =	vst v63  }
0x24: {  	_ = 	snop  }
0x25: {  	[tilespmem:s10], [sflag:$0x1] =	stream.indirect.gather [hbm4b:s3+s8], $0x40, s8, s8, $0xb8;
	[tilespmem:$0x38E0] =	vst v63  }
0x26: {  	_ =	swait.ge [sflag:s11], $0x1C00  }
0x27: {  	[sflag:s11] =	ssyncset.done $0x0  }
0x28: {  	[sflag:s11] =	ssyncadd.s32 $0xFFFFE400  }
0x29: {  	_ =	swait.ge [sflag:s11], $0x1C00  }
.Ltmp0:
0x2a: {  	[sflag:s11] =	ssyncset.done $0x0;
	(pc) =	sbr.rel @p0 .LBB2_2-.Ltmp0, $4  }
0x2b: {  	[sflag:s11] =	ssyncadd.s32 $0xFFFFE400  }
0x2c: {  	[hbm4b:s13+s2] =	stream.linear.scatter [tilespmem:s9], [sflag:$0x2], $0x3800, $0x38;
	[tilespmem:$0x38E0] =	vst v63  }
0x2d: {  	_ =	swait.ge [sflag:s7], $0x3800  }
0x2e: {  	s15 =	smov.u32 s17;
	s13 =	sadd.s32 $0x700, s13;
	[sflag:s7] =	ssyncset.done $0x0  }
0x2f: {  	s14 =	sadd.s32 s14, s6;
	[sflag:s7] =	ssyncadd.s32 $0xFFFFC800  }
0x30: {  	[tilespmem:s2], [sflag:$0x2] =	stream.linear.gather [hbm4b:s14+s2], $0xE0, $0x38;
	[tilespmem:$0x38E0] =	vst v63  }
0x31: {  	_ =	swait.ge [sflag:s7], $0xE0  }
0x32: {  	[sflag:s7] =	ssyncset.done $0x0  }
0x33: {  	[sflag:s7] =	ssyncadd.s32 $0xFFFFFF20  }
0x34: {  	[tilespmem:s9], [sflag:$0x1] =	stream.indirect.gather [hbm4b:s3+s8], $0x40, s2, s8, $0xb8;
	[tilespmem:$0x38E0] =	vst v63  }
0x35: {  	_ = 	snop  }
0x36: {  	[tilespmem:s10], [sflag:$0x1] =	stream.indirect.gather [hbm4b:s3+s8], $0x40, s8, s8, $0xb8;
	[tilespmem:$0x38E0] =	vst v63  }
0x37: {  	_ =	swait.ge [sflag:s11], $0x1C00  }
0x38: {  	[sflag:s11] =	ssyncset.done $0x0  }
0x39: {  	[sflag:s11] =	ssyncadd.s32 $0xFFFFE400  }
0x3a: {  	s12 =	sadd.s32 $0x1, s12;
	_ =	swait.ge [sflag:s11], $0x1C00  }
0x3b: {  	p0 =	sne.s32 s12, s4;
	[sflag:s11] =	ssyncset.done $0x0  }
.Ltmp1:
0x3c: {  	[sflag:s11] =	ssyncadd.s32 $0xFFFFE400;
	(pc) =	sbr.rel @p0 .LBB2_1-.Ltmp1, $4  }
0x3d: {  	[hbm4b:s13+s2] =	stream.linear.scatter [tilespmem:s9], [sflag:$0x2], $0x3800, $0x38;
	[tilespmem:$0x38E0] =	vst v63  }
0x3e: {  	_ =	swait.ge [sflag:s7], $0x3800  }
0x3f: {  	[sflag:s7] =	ssyncset.done $0x0  }
0x40: {  	[sflag:s7] =	ssyncadd.s32 $0xFFFFC800  }
0x41: {  	_ =	sfence.sel $0x180000  }
0x42: {  	[bflag:$0x0] =	sbarrier.arrive $0xFFFF  }
0x43: {  	p0 =	sne.s32 s1, $0x0;
	_ =	strace $0x90000047  }
0x44: {  	s0 =	sadd.s32 @!p0 $0x100000, s0;
	[bflag:$0x2] =	sbarrier.arrive $0xFFFF  }
0x45: {  	[sflag:s0] =	ssyncadd.tile.s32 @!p0 $0x1;
	_ =	shalt  }
.Lfunc_end2:
_tile_overlayer_lowered:
.L_overlay_start_2:
0x46: {  	(tag) =	ssettag $0x2  }
0x47: {  	s0 =	rddreg [dreg:$0x0];
	s2 =	stileid.u32  }
0x48: {  	s1 =	rddreg [dreg:$0x1];
	p0 =	sne.s32 s2, $0x0  }
0x49: {  	s3 =	rddreg [dreg:$0x2];
	[bflag:$0x3] =	sbarrier.arrive $0xFFFF;
	s2 =	simm.s32 @!p0 $0x1C02  }
0x4a: {  	[timem:s3], [sflag:s2] =	dma.local @!p0 [hbm:s0], s1  }
0x4b: {  	s0 =	simm.s32 @!p0 $0x2  }
0x4c: {  	_ =	swait.ge @!p0 [sflag:s0], s1  }
0x4d: {  	s1 =	ssub.s32 @!p0 $0x0, s1;
	[sflag:s0] =	ssyncset.done @!p0 $0x0  }
0x4e: {  	[sflag:s0] =	ssyncadd.s32 @!p0 s1  }
0x4f: {  	[bflag:$0x3] =	sbarrier.arrive $0xFFFF  }
0x50: {  	_ =	shalt  }

// kernel: kernel.15.cloned.1.call-start
scs
__scs_entry_jumppad:
0x0: {  	(pc) =	sbr.rel $0x88, $3  }
0x1: {  	(tag) =	ssettag $0x0;
	lr =	simm.s32 $0x1  }
0x2: {  	[smem:$0x3F8E] =	sst lr;
	_ =	strace $0xD0000000  }
0x3: {  	_ = 	snop  }
0x4: {  	_ = 	snop  }
0x5: {  	_ = 	snop  }
0x6: {  	_ = 	snop  }
0x7: {  	_ = 	snop  }
__scs_overlays_trampoline_lowered:
0x8: {  	[smem:$0x3F9D] =	sst s0  }
0x9: {  	[smem:$0x3F9E] =	sst s1  }
0xa: {  	[smem:$0x3F9F] =	sst s2  }
0xb: {  	[smem:$0x3FA0] =	sst s3  }
0xc: {  	[smem:$0x3FA1] =	sst s4  }
0xd: {  	[smem:$0x3FA2] =	sst s5  }
0xe: {  	[smem:$0x3FA3] =	sst s6  }
0xf: {  	[smem:$0x3FA4] =	sst s7  }
0x10: {  	[smem:$0x3FA5] =	sst s8  }
0x11: {  	[smem:$0x3FA6] =	sst s9;
	s0 =	simm.s32 @!p0 $0x0  }
0x12: {  	s1 =	sld [smem:$0x3F8C];
	s0 =	simm.s32 @p0 $0x1  }
0x13: {  	[smem:$0x3FA7] =	sst s0;
	s0 =	simm.s32 @!p1 $0x0  }
0x14: {  	s2 =	sld [smem:$0x3F8B];
	s0 =	simm.s32 @p1 $0x1  }
0x15: {  	[smem:$0x3FA8] =	sst s0;
	s0 =	simm.s32 @!p2 $0x0  }
0x16: {  	s3 =	sld [smem:$0x3FDB];
	s0 =	simm.s32 @p2 $0x1  }
0x17: {  	s4 =	simm.s32 $0x1BF5;
	[smem:$0x3FAA] =	sst s0  }
0x18: {  	s0 =	sld [smem:$0x3F8D];
	_ =	swait.ge [sflag:s4], $0x0  }
0x19: {  	s7 =	sld [smem:$0x3F8E]  }
0x1a: {  	s8 =	sadd.s32 $0xFFFFE003, lr  }
0x1b: {  	s9 =	sadd.s32 $0xFFFFFEF7, lr;
	s5 =	simm.s32 $0xFFFFFFFF;
	p2 =	slt.u32 s8, $0xFFFFF086  }
0x1c: {  	p1 =	slt.u32 s9, $0xF7A;
	s5 =	simm.s32 @!p2 $0x0  }
0x1d: {  	s5 =	simm.s32 @p1 $0x1;
	p0 =	seq.s32 s7, s2  }
0x1e: {  	s7 =	smul.u32 @!p0 $0xF7A, s2;
	p2 =	seq.s32 @!p0 s5, $0x0  }
0x1f: {  	s9 =	smul.u32 $0xF7A, s1;
	s8 =	simm.s32 @!p0 $0x1BF5;
	p2 =	por !p2, p0  }
0x20: {  	[sflag:s8] =	ssyncset.s32 @!p0 $0xFFFFF086;
	s6 =	sadd.s32 @!p0 s3, s7;
	s7 =	simm.s32 @!p0 $0x108  }
0x21: {  	s3 =	sadd.s32 s3, s9;
	s6 =	sadd.s32 @!p0 $0x88, s6;
	s7 =	simm.s32 @p2 $0x1082  }
0x22: {  	[simem:s7], [sflag:s8] =	dma.local @!p0 [hbm:s6], $0xF7A  }
0x23: {  	s9 =	sor.u32 $0xD0000000, s2;
	s6 =	simm.s32 $0x108;
	_ =	swait.ge @!p0 [sflag:s8], $0x0  }
0x24: {  	s3 =	sadd.s32 $0x88, s3;
	s6 =	simm.s32 @!p1 $0x1082;
	[sflag:s4] =	ssyncset.s32 $0xFFFFF086  }
0x25: {  	[simem:s6], [sflag:s4] =	dma.local [hbm:s3], $0xF7A  }
0x26: {  	[smem:$0x3F8E] =	sst s1;
	(tag) =	ssettag s2;
	_ =	strace s9  }
0x27: {  	s1 =	sld [smem:$0x3F9E]  }
0x28: {  	s2 =	sld [smem:$0x3F9F]  }
0x29: {  	s4 =	sld [smem:$0x3FA1]  }
0x2a: {  	p0 =	seq.s32 s5, $0x0;
	s5 =	sld [smem:$0x3FA2]  }
0x2b: {  	s6 =	sld [smem:$0x3FA3]  }
0x2c: {  	s7 =	sld [smem:$0x3FA4]  }
0x2d: {  	s3 =	simm.s32 $0x108;
	s8 =	sld [smem:$0x3FA5]  }
0x2e: {  	s3 =	simm.s32 @!p0 $0x1082;
	s9 =	sld [smem:$0x3FA6]  }
0x2f: {  	lr =	sadd.s32 s0, s3;
	s0 =	sld [smem:$0x3F9D]  }
0x30: {  	s3 =	sld [smem:$0x3FA0]  }
0x31: {  	[smem:$0x3FA9] =	sst s10  }
0x32: {  	s10 =	sld [smem:$0x3FA7];
	_ =	sdelay $0x3  }
0x33: {  	p0 =	seq.s32 s10, $0x1;
	s10 =	sld [smem:$0x3FA9];
	_ =	sdelay $0x3  }
0x34: {  	[smem:$0x3FA9] =	sst s10  }
0x35: {  	s10 =	sld [smem:$0x3FA8];
	_ =	sdelay $0x3  }
0x36: {  	p1 =	seq.s32 s10, $0x1;
	s10 =	sld [smem:$0x3FA9];
	_ =	sdelay $0x3  }
0x37: {  	[smem:$0x3FA9] =	sst s10  }
0x38: {  	s10 =	sld [smem:$0x3FAA]  }
0x39: {  	_ = 	snop;
	(pc) =	sbr.ind lr, $3  }
0x3a: {  	_ = 	snop  }
0x3b: {  	_ = 	snop  }
0x3c: {  	p2 =	seq.s32 s10, $0x1;
	s10 =	sld [smem:$0x3FA9]  }
0x3d: {  	_ =	shalt  }
0x3e: {  	_ =	shalt  }
0x3f: {  	_ =	shalt  }
0x40: {  	_ =	shalt  }
0x41: {  	_ =	shalt  }
0x42: {  	_ =	shalt  }
0x43: {  	_ =	shalt  }
0x44: {  	_ =	shalt  }
0x45: {  	_ =	shalt  }
0x46: {  	_ =	shalt  }
0x47: {  	_ =	shalt  }
0x48: {  	_ =	shalt  }
0x49: {  	_ =	shalt  }
0x4a: {  	_ =	shalt  }
0x4b: {  	_ =	shalt  }
0x4c: {  	_ =	shalt  }
0x4d: {  	_ =	shalt  }
0x4e: {  	_ =	shalt  }
0x4f: {  	_ =	shalt  }
0x50: {  	_ =	shalt  }
0x51: {  	_ =	shalt  }
0x52: {  	_ =	shalt  }
0x53: {  	_ =	shalt  }
0x54: {  	_ =	shalt  }
0x55: {  	_ =	shalt  }
0x56: {  	_ =	shalt  }
0x57: {  	_ =	shalt  }
0x58: {  	_ =	shalt  }
0x59: {  	_ =	shalt  }
0x5a: {  	_ =	shalt  }
0x5b: {  	_ =	shalt  }
0x5c: {  	_ =	shalt  }
0x5d: {  	_ =	shalt  }
0x5e: {  	_ =	shalt  }
0x5f: {  	_ =	shalt  }
0x60: {  	_ =	shalt  }
0x61: {  	_ =	shalt  }
0x62: {  	_ =	shalt  }
0x63: {  	_ =	shalt  }
0x64: {  	_ =	shalt  }
0x65: {  	_ =	shalt  }
0x66: {  	_ =	shalt  }
0x67: {  	_ =	shalt  }
0x68: {  	_ =	shalt  }
0x69: {  	_ =	shalt  }
0x6a: {  	_ =	shalt  }
0x6b: {  	_ =	shalt  }
0x6c: {  	_ =	shalt  }
0x6d: {  	_ =	shalt  }
0x6e: {  	_ =	shalt  }
0x6f: {  	_ =	shalt  }
0x70: {  	_ =	shalt  }
0x71: {  	_ =	shalt  }
0x72: {  	_ =	shalt  }
0x73: {  	_ =	shalt  }
0x74: {  	_ =	shalt  }
0x75: {  	_ =	shalt  }
0x76: {  	_ =	shalt  }
0x77: {  	_ =	shalt  }
0x78: {  	_ =	shalt  }
0x79: {  	_ =	shalt  }
0x7a: {  	_ =	shalt  }
0x7b: {  	_ =	shalt  }
0x7c: {  	_ =	shalt  }
0x7d: {  	_ =	shalt  }
0x7e: {  	_ =	shalt  }
0x7f: {  	_ =	shalt  }
0x80: {  	_ =	shalt  }
0x81: {  	_ =	shalt  }
0x82: {  	_ =	shalt  }
0x83: {  	_ =	shalt  }
0x84: {  	_ =	shalt  }
0x85: {  	_ =	shalt  }
0x86: {  	_ =	shalt  }
0x87: {  	_ =	shalt  }
.Lfunc_end0:
.L_simem_size_0:
called_computation.1_lowered:
.L_overlay_start_0:
0x88: {  	s2 =	sld [smem:$0x3FD9]  }
0x89: {  	s3 =	sld [smem:$0x3FFE];
	_ =	sdelay $0x1  }
0x8a: {  	s1 =	srdreg.scid  }
0x8b: {  	s0 =	sand.u32 $0x1, s1  }
0x8c: {  	s16 =	sshll.u32 s0, $0xA;
	s2 =	sadd.s32 s3, s2  }
0x8d: {  	s2 =	sadd.s32 s2, s16  }
0x8e: {  	[smem:$0x3FB5] =	sst s2  }
0x8f: {  	_ = 	snop  }
0x90: {  	(tm) =	ssettm $0x1  }
0x91: {  	s17 =	sld [smem:$0x3FFB];
	_ =	sdelay $0x3  }
0x92: {  	_ =	strace s17  }
0x93: {  	s2 =	sld [smem:$0x3FFC];
	_ =	sdelay $0x3  }
0x94: {  	_ =	strace s2  }
0x95: {  	s2 =	sld [smem:$0x3FFD];
	_ =	sdelay $0x3  }
0x96: {  	_ =	strace s2  }
0x97: {  	_ =	strace $0x8FFFFFFF  }
0x98: {  	s18 =	sld [smem:$0x3FDB];
	_ =	sdelay $0x1  }
0x99: {  	s19 =	simm.s32 $_scs_section_size  }
0x9a: {  	s4 =	simm.s32 $_size__tile_overlayer_lowered;
	s5 =	simm.s32 $_tile_overlayer_lowered  }
0x9b: {  	s22 =	simm.s32 $0x1BFF;
	s21 =	sshll.u32 s5, $0x1;
	s2 =	sadd.s32 s19, s18  }
0x9c: {  	s6 =	simm.s32 $0x0;
	s20 =	sshll.u32 s4, $0x1;
	s4 =	sadd.s32 s21, s2  }
0x9d: {  	[timem:s6], [sflag:s22] =	dma.local [hbm:s4], s20  }
0x9e: {  	_ =	swait.ge [sflag:s22], s20  }
0x9f: {  	s3 =	ssub.s32 $0x0, s20;
	[sflag:s22] =	ssyncset.done $0x0  }
0xa0: {  	[sflag:s22] =	ssyncadd.s32 s3;
	_ =	sdelay $0x1  }
0xa1: {  	s23 =	simm.s32 $0x1B8B  }
0xa2: {  	_ =	swait.ge [sflag:s23], $0x1  }
0xa3: {  	[sflag:s23] =	ssyncset.done $0x0  }
0xa4: {  	s25 =	simm.s32 $0x1B8E;
	s24 =	sld [smem:$0x3FFE];
	[sflag:s23] =	ssyncadd.s32 $0xFFFFFFFF  }
0xa5: {  	s26 =	simm.s32 $execute0_lowered;
	[smem:$0x3FD2] =	sst s25  }
0xa6: {  	s4 =	sshll.u32 s26, $0x1;
	_ =	strace $0x80000049;
	[dreg:$0x1] =	wrdreg $0xFFFFFFFF  }
0xa7: {  	s28 =	simm.s32 $_size_execute0_lowered;
	s2 =	sadd.s32 s2, s4;
	[dreg:$0x0] =	wrdreg $0x0  }
0xa8: {  	s4 =	sshll.u32 s28, $0x1;
	[dreg:$0x2] =	wrdreg s2  }
0xa9: {  	[dreg:$0x3] =	wrdreg s4  }
0xaa: {  	[dreg:$0x4] =	wrdreg $0xC0  }
0xab: {  	_ =	task [dreg:s6], $0x5FFFF  }
0xac: {  	[dreg:$0x1] =	wrdreg $0xFFFFFFFF  }
0xad: {  	[dreg:$0x0] =	wrdreg $0x60  }
0xae: {  	[dreg:$0x2] =	wrdreg s24  }
0xaf: {  	[dreg:$0x3] =	wrdreg $0x9  }
0xb0: {  	_ =	task.clear_ibuf [dreg:s6], $0x4FFFF;
	_ =	strace $0x90000049  }
0xb1: {  	s29 =	simm.s32 $0x9;
	_ =	strace $0x8000004B  }
0xb2: {  	_ =	swait.ge [sflag:s29], $0x1  }
0xb3: {  	[sflag:s29] =	ssyncadd.s32 $0xFFFFFFFF  }
0xb4: {  	_ =	strace $0x9000004B  }
0xb5: {  	_ =	sfence  }
0xb6: {  	s30 =	sld [smem:$0x0];
	_ =	sdelay $0x2  }
0xb7: {  	s31 =	sshll.u32 s1, $0xD;
	s1 =	sshrl.u32 s1, $0x2  }
0xb8: {  	s3 =	sand.u32 $0x4000, s31;
	s1 =	sadd.s32 s1, s30  }
0xb9: {  	s0 =	sor.u32 s3, s0;
	s1 =	sshll.u32 s1, $0x11  }
0xba: {  	s0 =	sor.u32 s1, s0  }
0xbb: {  	s0 =	sadd.s32 $0x8F2B, s0  }
0xbc: {  	[sflag:s0] =	ssyncadd.remote.s32 $0x1  }
0xbd: {  	_ =	sfence.sel $0xFFFF  }
0xbe: {  	[dreg:$0x0] =	wrdreg $0xFFFFFFFF;
	(pc) =	sbr.abs _section_cstart, $3  }
0xbf: {  	[dreg:$0x1] =	wrdreg $0xFFFFFFFF  }
0xc0: {  	_ =	task.clear_ibuf [dreg:s6], $0x2FFFF;
	_ =	strace $0x9FFFFFFF  }
0xc1: {  	(tm) =	ssettm $0x7FFFFFFF  }
tec
execute0_lowered:
.L_overlay_start_1:
0x0: {  	(tag) =	ssettag $0x1  }
0x1: {  	s0 =	srdreg.scid  }
0x2: {  	s10 =	stileid.u32;
	s4 =	rddreg [dreg:$0x0];
	s2 =	simm.s32 $0x0  }
0x3: {  	s16 =	simm.s32 $0xC80;
	s17 =	simm.s32 $0x50;
	s19 =	simm.s32 $0x1680  }
0x4: {  	s21 =	simm.s32 $0x78;
	s22 =	simm.s32 $0x2080;
	s23 =	simm.s32 $0xA0  }
0x5: {  	s24 =	simm.s32 $0x2A80;
	s25 =	simm.s32 $0xC8;
	s26 =	simm.s32 $0x3480  }
0x6: {  	s11 =	simm.s32 $0xF0;
	s12 =	simm.s32 $0x3E80;
	[smem:$0x7FF] =	sst s2  }
0x7: {  	s13 =	simm.s32 $0x118;
	_ =	strace $0x8000004A;
	[dreg:$0x3] =	wrdreg s16  }
0x8: {  	s28 =	simm.s32 $0x230;
	s29 =	simm.s32 $0x8E80;
	[dreg:$0x4] =	wrdreg s17  }
0x9: {  	s30 =	simm.s32 $0x258;
	s31 =	simm.s32 $0x9880;
	[dreg:$0x5] =	wrdreg s19  }
0xa: {  	s0 =	sand.u32 $0x1, s0;
	s1 =	sshll.u32 s10, $0x1;
	[dreg:$0x6] =	wrdreg s21  }
0xb: {  	s5 =	smul.u32 $0xC350, s10;
	s3 =	sadd.s32 $0xC9000, s4;
	[dreg:$0x7] =	wrdreg s22  }
0xc: {  	s7 =	sadd.s32 $0x13CA00, s4;
	s4 =	sadd.s32 $0x16DA00, s4;
	[dreg:$0x8] =	wrdreg s23  }
0xd: {  	s20 =	smul.u32 $0x61A80, s10;
	s10 =	simm.s32 $0x280;
	[dreg:$0x9] =	wrdreg s24  }
0xe: {  	s1 =	sor.u32 s0, s1;
	s6 =	smul.u32 $0x61A8, s0;
	[dreg:$0xa] =	wrdreg s25  }
0xf: {  	s8 =	ssub.s32 $0x2, s0;
	s0 =	smul.u32 $0x30D40, s0;
	[dreg:$0xb] =	wrdreg s26  }
0x10: {  	s16 =	simm.s32 $0x5280;
	s17 =	simm.s32 $0x168;
	s19 =	simm.s32 $0x190  }
0x11: {  	s21 =	simm.s32 $0x1B8;
	s22 =	simm.s32 $0x7080;
	s23 =	simm.s32 $0x1E0  }
0x12: {  	s24 =	simm.s32 $0x7A80;
	s25 =	simm.s32 $0x208;
	s26 =	simm.s32 $0x8480  }
0x13: {  	s1 =	smul.u32 $0x61A8, s1;
	s14 =	sshrl.u32 s8, $0x1;
	s5 =	sadd.s32 s6, s5  }
0x14: {  	s6 =	ssub.s32 s8, s14;
	s8 =	simm.s32 $0x2;
	s14 =	simm.s32 $0x4880  }
0x15: {  	s1 =	sadd.s32 $0x6180, s1;
	s5 =	sshrl.u32 s5, $0x3;
	s18 =	smax.u32 s6, $0x1  }
0x16: {  	s9 =	sshrl.u32 s1, $0x3;
	s5 =	sadd.s32 s5, s7;
	s1 =	sshll.u32 s1, $0x3  }
0x17: {  	[dreg:$0xe] =	wrdreg s18;
	s18 =	simm.s32 $0x5C80;
	s15 =	sadd.s32 s7, s9  }
0x18: {  	[dreg:$0x2] =	wrdreg s5;
	s1 =	sadd.s32 s4, s1;
	s4 =	sadd.s32 s20, s4  }
0x19: {  	s9 =	simm.s32 $0x28;
	s20 =	simm.s32 $0x6680;
	[dreg:$0xc] =	wrdreg s15  }
0x1a: {  	[dreg:$0xd] =	wrdreg s1;
	s0 =	sadd.s32 s0, s4;
	s15 =	simm.s32 $0x140  }
0x1b: {  	s1 =	simm.s32 $0x1;
	s4 =	simm.s32 $0x0;
	[dreg:$0xf] =	wrdreg s0  }
.LBB2_1:
0x1c: {  	s7 =	rddreg [dreg:$0x2]  }
0x1d: {  	[dreg:$0x10] =	wrdreg s4;
	s4 =	sadd.s32 $0x0, s7  }
0x1e: {  	[tilespmem:s2], [sflag:$0x2] =	stream.linear.gather [hbm4b:s4+s2], $0x280, $0x38;
	[tilespmem:$0xA280] =	vst v63  }
0x1f: {  	_ =	swait.ge [sflag:s8], $0x280  }
0x20: {  	s4 =	rddreg [dreg:$0x4]  }
0x21: {  	[sflag:s8] =	ssyncset.done $0x0;
	s5 =	rddreg [dreg:$0x3]  }
0x22: {  	s7 =	rddreg [dreg:$0x5];
	[sflag:s8] =	ssyncadd.s32 $0xFFFFFD80  }
0x23: {  	[tilespmem:s10], [sflag:$0x1] =	stream.indirect.gather [hbm4b:s3+s9], $0x40, s2, s9, $0xb8;
	[tilespmem:$0xA280] =	vst v63  }
0x24: {  	s6 =	rddreg [dreg:$0x7]  }
0x25: {  	[tilespmem:s5], [sflag:$0x1] =	stream.indirect.gather [hbm4b:s3+s9], $0x40, s9, s9, $0xb8;
	[tilespmem:$0xA280] =	vst v63  }
0x26: {  	s0 =	rddreg [dreg:$0x6]  }
0x27: {  	[tilespmem:s7], [sflag:$0x1] =	stream.indirect.gather [hbm4b:s3+s9], $0x40, s4, s9, $0xb8;
	[tilespmem:$0xA280] =	vst v63  }
0x28: {  	s4 =	rddreg [dreg:$0x9]  }
0x29: {  	s7 =	rddreg [dreg:$0x8]  }
0x2a: {  	[tilespmem:s6], [sflag:$0x1] =	stream.indirect.gather [hbm4b:s3+s9], $0x40, s0, s9, $0xb8;
	[tilespmem:$0xA280] =	vst v63  }
0x2b: {  	s6 =	rddreg [dreg:$0xb]  }
0x2c: {  	[tilespmem:s4], [sflag:$0x1] =	stream.indirect.gather [hbm4b:s3+s9], $0x40, s7, s9, $0xb8;
	[tilespmem:$0xA280] =	vst v63  }
0x2d: {  	s0 =	rddreg [dreg:$0xa]  }
0x2e: {  	[tilespmem:s6], [sflag:$0x1] =	stream.indirect.gather [hbm4b:s3+s9], $0x40, s0, s9, $0xb8;
	[tilespmem:$0xA280] =	vst v63  }
0x2f: {  	_ = 	snop  }
0x30: {  	[tilespmem:s12], [sflag:$0x1] =	stream.indirect.gather [hbm4b:s3+s9], $0x40, s11, s9, $0xb8;
	[tilespmem:$0xA280] =	vst v63  }
0x31: {  	_ = 	snop  }
0x32: {  	[tilespmem:s14], [sflag:$0x1] =	stream.indirect.gather [hbm4b:s3+s9], $0x40, s13, s9, $0xb8;
	[tilespmem:$0xA280] =	vst v63  }
0x33: {  	_ = 	snop  }
0x34: {  	[tilespmem:s16], [sflag:$0x1] =	stream.indirect.gather [hbm4b:s3+s9], $0x40, s15, s9, $0xb8;
	[tilespmem:$0xA280] =	vst v63  }
0x35: {  	_ = 	snop  }
0x36: {  	[tilespmem:s18], [sflag:$0x1] =	stream.indirect.gather [hbm4b:s3+s9], $0x40, s17, s9, $0xb8;
	[tilespmem:$0xA280] =	vst v63  }
0x37: {  	_ = 	snop  }
0x38: {  	[tilespmem:s20], [sflag:$0x1] =	stream.indirect.gather [hbm4b:s3+s9], $0x40, s19, s9, $0xb8;
	[tilespmem:$0xA280] =	vst v63  }
0x39: {  	_ = 	snop  }
0x3a: {  	[tilespmem:s22], [sflag:$0x1] =	stream.indirect.gather [hbm4b:s3+s9], $0x40, s21, s9, $0xb8;
	[tilespmem:$0xA280] =	vst v63  }
0x3b: {  	_ = 	snop  }
0x3c: {  	[tilespmem:s24], [sflag:$0x1] =	stream.indirect.gather [hbm4b:s3+s9], $0x40, s23, s9, $0xb8;
	[tilespmem:$0xA280] =	vst v63  }
0x3d: {  	_ = 	snop  }
0x3e: {  	[tilespmem:s26], [sflag:$0x1] =	stream.indirect.gather [hbm4b:s3+s9], $0x40, s25, s9, $0xb8;
	[tilespmem:$0xA280] =	vst v63  }
0x3f: {  	_ = 	snop  }
0x40: {  	[tilespmem:s29], [sflag:$0x1] =	stream.indirect.gather [hbm4b:s3+s9], $0x40, s28, s9, $0xb8;
	[tilespmem:$0xA280] =	vst v63  }
0x41: {  	_ = 	snop  }
0x42: {  	[tilespmem:s31], [sflag:$0x1] =	stream.indirect.gather [hbm4b:s3+s9], $0x40, s30, s9, $0xb8;
	[tilespmem:$0xA280] =	vst v63  }
0x43: {  	_ =	swait.ge [sflag:s1], $0xA00  }
0x44: {  	[sflag:s1] =	ssyncset.done $0x0  }
0x45: {  	[sflag:s1] =	ssyncadd.s32 $0xFFFFF600  }
0x46: {  	_ =	swait.ge [sflag:s1], $0xA00  }
0x47: {  	[sflag:s1] =	ssyncset.done $0x0  }
0x48: {  	[sflag:s1] =	ssyncadd.s32 $0xFFFFF600  }
0x49: {  	_ =	swait.ge [sflag:s1], $0xA00  }
0x4a: {  	[sflag:s1] =	ssyncset.done $0x0  }
0x4b: {  	[sflag:s1] =	ssyncadd.s32 $0xFFFFF600  }
0x4c: {  	_ =	swait.ge [sflag:s1], $0xA00  }
0x4d: {  	[sflag:s1] =	ssyncset.done $0x0  }
0x4e: {  	[sflag:s1] =	ssyncadd.s32 $0xFFFFF600  }
0x4f: {  	_ =	swait.ge [sflag:s1], $0xA00  }
0x50: {  	[sflag:s1] =	ssyncset.done $0x0  }
0x51: {  	[sflag:s1] =	ssyncadd.s32 $0xFFFFF600  }
0x52: {  	_ =	swait.ge [sflag:s1], $0xA00  }
0x53: {  	[sflag:s1] =	ssyncset.done $0x0  }
0x54: {  	[sflag:s1] =	ssyncadd.s32 $0xFFFFF600  }
0x55: {  	_ =	swait.ge [sflag:s1], $0xA00  }
0x56: {  	[sflag:s1] =	ssyncset.done $0x0  }
0x57: {  	[sflag:s1] =	ssyncadd.s32 $0xFFFFF600  }
0x58: {  	_ =	swait.ge [sflag:s1], $0xA00  }
0x59: {  	[sflag:s1] =	ssyncset.done $0x0  }
0x5a: {  	[sflag:s1] =	ssyncadd.s32 $0xFFFFF600  }
0x5b: {  	_ =	swait.ge [sflag:s1], $0xA00  }
0x5c: {  	[sflag:s1] =	ssyncset.done $0x0  }
0x5d: {  	[sflag:s1] =	ssyncadd.s32 $0xFFFFF600  }
0x5e: {  	_ =	swait.ge [sflag:s1], $0xA00  }
0x5f: {  	[sflag:s1] =	ssyncset.done $0x0  }
0x60: {  	[sflag:s1] =	ssyncadd.s32 $0xFFFFF600  }
0x61: {  	_ =	swait.ge [sflag:s1], $0xA00  }
0x62: {  	[sflag:s1] =	ssyncset.done $0x0  }
0x63: {  	[sflag:s1] =	ssyncadd.s32 $0xFFFFF600  }
0x64: {  	_ =	swait.ge [sflag:s1], $0xA00  }
0x65: {  	[sflag:s1] =	ssyncset.done $0x0  }
0x66: {  	[sflag:s1] =	ssyncadd.s32 $0xFFFFF600  }
0x67: {  	_ =	swait.ge [sflag:s1], $0xA00  }
0x68: {  	[sflag:s1] =	ssyncset.done $0x0  }
0x69: {  	[sflag:s1] =	ssyncadd.s32 $0xFFFFF600  }
0x6a: {  	_ =	swait.ge [sflag:s1], $0xA00  }
0x6b: {  	[sflag:s1] =	ssyncset.done $0x0  }
0x6c: {  	[sflag:s1] =	ssyncadd.s32 $0xFFFFF600  }
0x6d: {  	_ =	swait.ge [sflag:s1], $0xA00  }
0x6e: {  	[sflag:s1] =	ssyncset.done $0x0  }
0x6f: {  	[sflag:s1] =	ssyncadd.s32 $0xFFFFF600  }
0x70: {  	_ =	swait.ge [sflag:s1], $0xA00  }
0x71: {  	[sflag:s1] =	ssyncset.done $0x0;
	s7 =	rddreg [dreg:$0xf]  }
0x72: {  	s4 =	simm.s32 $0x50;
	[sflag:s1] =	ssyncadd.s32 $0xFFFFF600;
	s5 =	sadd.s32 $0x1400, s7  }
.LBB2_2:
0x73: {  	[hbm4b:s7+s2] =	stream.linear.scatter [tilespmem:s10], [sflag:$0x2], $0xA000, $0x38;
	[tilespmem:$0xA280] =	vst v63  }
0x74: {  	_ =	swait.ge [sflag:s8], $0xA000  }
0x75: {  	s6 =	smov.u32 s4;
	s0 =	rddreg [dreg:$0x2];
	[sflag:s8] =	ssyncset.done $0x0  }
0x76: {  	[sflag:s8] =	ssyncadd.s32 $0xFFFF6000;
	s0 =	sadd.s32 s6, s0  }
0x77: {  	[tilespmem:s2], [sflag:$0x2] =	stream.linear.gather [hbm4b:s0+s2], $0x280, $0x38;
	[tilespmem:$0xA280] =	vst v63  }
0x78: {  	_ =	swait.ge [sflag:s8], $0x280  }
0x79: {  	s0 =	rddreg [dreg:$0xb]  }
0x7a: {  	s6 =	rddreg [dreg:$0x9]  }
0x7b: {  	[sflag:s8] =	ssyncset.done $0x0;
	s11 =	rddreg [dreg:$0x4]  }
0x7c: {  	s12 =	rddreg [dreg:$0x3];
	[sflag:s8] =	ssyncadd.s32 $0xFFFFFD80  }
0x7d: {  	[tilespmem:s10], [sflag:$0x1] =	stream.indirect.gather [hbm4b:s3+s9], $0x40, s2, s9, $0xb8;
	[tilespmem:$0xA280] =	vst v63  }
0x7e: {  	s13 =	rddreg [dreg:$0x5]  }
0x7f: {  	[tilespmem:s12], [sflag:$0x1] =	stream.indirect.gather [hbm4b:s3+s9], $0x40, s9, s9, $0xb8;
	[tilespmem:$0xA280] =	vst v63  }
0x80: {  	s14 =	rddreg [dreg:$0x7]  }
0x81: {  	[tilespmem:s13], [sflag:$0x1] =	stream.indirect.gather [hbm4b:s3+s9], $0x40, s11, s9, $0xb8;
	[tilespmem:$0xA280] =	vst v63  }
0x82: {  	s12 =	rddreg [dreg:$0x6]  }
0x83: {  	[tilespmem:s14], [sflag:$0x1] =	stream.indirect.gather [hbm4b:s3+s9], $0x40, s12, s9, $0xb8;
	[tilespmem:$0xA280] =	vst v63  }
0x84: {  	s11 =	rddreg [dreg:$0x8]  }
0x85: {  	[tilespmem:s6], [sflag:$0x1] =	stream.indirect.gather [hbm4b:s3+s9], $0x40, s11, s9, $0xb8;
	[tilespmem:$0xA280] =	vst v63  }
0x86: {  	s12 =	rddreg [dreg:$0xa]  }
0x87: {  	[tilespmem:s0], [sflag:$0x1] =	stream.indirect.gather [hbm4b:s3+s9], $0x40, s12, s9, $0xb8;
	[tilespmem:$0xA280] =	vst v63  }
0x88: {  	s11 =	simm.s32 $0xF0;
	s12 =	simm.s32 $0x3E80  }
0x89: {  	[tilespmem:s12], [sflag:$0x1] =	stream.indirect.gather [hbm4b:s3+s9], $0x40, s11, s9, $0xb8;
	[tilespmem:$0xA280] =	vst v63  }
0x8a: {  	s13 =	simm.s32 $0x118;
	s14 =	simm.s32 $0x4880  }
0x8b: {  	[tilespmem:s14], [sflag:$0x1] =	stream.indirect.gather [hbm4b:s3+s9], $0x40, s13, s9, $0xb8;
	[tilespmem:$0xA280] =	vst v63  }
0x8c: {  	_ = 	snop  }
0x8d: {  	[tilespmem:s16], [sflag:$0x1] =	stream.indirect.gather [hbm4b:s3+s9], $0x40, s15, s9, $0xb8;
	[tilespmem:$0xA280] =	vst v63  }
0x8e: {  	_ = 	snop  }
0x8f: {  	[tilespmem:s18], [sflag:$0x1] =	stream.indirect.gather [hbm4b:s3+s9], $0x40, s17, s9, $0xb8;
	[tilespmem:$0xA280] =	vst v63  }
0x90: {  	_ = 	snop  }
0x91: {  	[tilespmem:s20], [sflag:$0x1] =	stream.indirect.gather [hbm4b:s3+s9], $0x40, s19, s9, $0xb8;
	[tilespmem:$0xA280] =	vst v63  }
0x92: {  	_ = 	snop  }
0x93: {  	[tilespmem:s22], [sflag:$0x1] =	stream.indirect.gather [hbm4b:s3+s9], $0x40, s21, s9, $0xb8;
	[tilespmem:$0xA280] =	vst v63  }
0x94: {  	_ = 	snop  }
0x95: {  	[tilespmem:s24], [sflag:$0x1] =	stream.indirect.gather [hbm4b:s3+s9], $0x40, s23, s9, $0xb8;
	[tilespmem:$0xA280] =	vst v63  }
0x96: {  	_ = 	snop  }
0x97: {  	[tilespmem:s26], [sflag:$0x1] =	stream.indirect.gather [hbm4b:s3+s9], $0x40, s25, s9, $0xb8;
	[tilespmem:$0xA280] =	vst v63  }
0x98: {  	_ = 	snop  }
0x99: {  	[tilespmem:s29], [sflag:$0x1] =	stream.indirect.gather [hbm4b:s3+s9], $0x40, s28, s9, $0xb8;
	[tilespmem:$0xA280] =	vst v63  }
0x9a: {  	_ = 	snop  }
0x9b: {  	[tilespmem:s31], [sflag:$0x1] =	stream.indirect.gather [hbm4b:s3+s9], $0x40, s30, s9, $0xb8;
	[tilespmem:$0xA280] =	vst v63  }
0x9c: {  	_ =	swait.ge [sflag:s1], $0xA00  }
0x9d: {  	[sflag:s1] =	ssyncset.done $0x0  }
0x9e: {  	[sflag:s1] =	ssyncadd.s32 $0xFFFFF600  }
0x9f: {  	_ =	swait.ge [sflag:s1], $0xA00  }
0xa0: {  	[sflag:s1] =	ssyncset.done $0x0  }
0xa1: {  	[sflag:s1] =	ssyncadd.s32 $0xFFFFF600  }
0xa2: {  	_ =	swait.ge [sflag:s1], $0xA00  }
0xa3: {  	[sflag:s1] =	ssyncset.done $0x0  }
0xa4: {  	[sflag:s1] =	ssyncadd.s32 $0xFFFFF600  }
0xa5: {  	_ =	swait.ge [sflag:s1], $0xA00  }
0xa6: {  	[sflag:s1] =	ssyncset.done $0x0  }
0xa7: {  	[sflag:s1] =	ssyncadd.s32 $0xFFFFF600  }
0xa8: {  	_ =	swait.ge [sflag:s1], $0xA00  }
0xa9: {  	[sflag:s1] =	ssyncset.done $0x0  }
0xaa: {  	[sflag:s1] =	ssyncadd.s32 $0xFFFFF600  }
0xab: {  	_ =	swait.ge [sflag:s1], $0xA00  }
0xac: {  	[sflag:s1] =	ssyncset.done $0x0  }
0xad: {  	[sflag:s1] =	ssyncadd.s32 $0xFFFFF600  }
0xae: {  	_ =	swait.ge [sflag:s1], $0xA00  }
0xaf: {  	[sflag:s1] =	ssyncset.done $0x0  }
0xb0: {  	[sflag:s1] =	ssyncadd.s32 $0xFFFFF600  }
0xb1: {  	_ =	swait.ge [sflag:s1], $0xA00  }
0xb2: {  	[sflag:s1] =	ssyncset.done $0x0  }
0xb3: {  	[sflag:s1] =	ssyncadd.s32 $0xFFFFF600  }
0xb4: {  	_ =	swait.ge [sflag:s1], $0xA00  }
0xb5: {  	[sflag:s1] =	ssyncset.done $0x0  }
0xb6: {  	[sflag:s1] =	ssyncadd.s32 $0xFFFFF600  }
0xb7: {  	_ =	swait.ge [sflag:s1], $0xA00  }
0xb8: {  	[sflag:s1] =	ssyncset.done $0x0  }
0xb9: {  	[sflag:s1] =	ssyncadd.s32 $0xFFFFF600  }
0xba: {  	_ =	swait.ge [sflag:s1], $0xA00  }
0xbb: {  	[sflag:s1] =	ssyncset.done $0x0  }
0xbc: {  	[sflag:s1] =	ssyncadd.s32 $0xFFFFF600  }
0xbd: {  	_ =	swait.ge [sflag:s1], $0xA00  }
0xbe: {  	[sflag:s1] =	ssyncset.done $0x0  }
0xbf: {  	[sflag:s1] =	ssyncadd.s32 $0xFFFFF600  }
0xc0: {  	_ =	swait.ge [sflag:s1], $0xA00  }
0xc1: {  	[sflag:s1] =	ssyncset.done $0x0  }
0xc2: {  	[sflag:s1] =	ssyncadd.s32 $0xFFFFF600  }
0xc3: {  	_ =	swait.ge [sflag:s1], $0xA00  }
0xc4: {  	[sflag:s1] =	ssyncset.done $0x0  }
0xc5: {  	[sflag:s1] =	ssyncadd.s32 $0xFFFFF600  }
0xc6: {  	p0 =	sne.s32 s4, $0xBE0;
	_ =	swait.ge [sflag:s1], $0xA00  }
.Ltmp0:
0xc7: {  	[sflag:s1] =	ssyncset.done $0x0;
	(pc) =	sbr.rel @p0 .LBB2_2-.Ltmp0, $4  }
0xc8: {  	[sflag:s1] =	ssyncadd.s32 $0xFFFFF600  }
0xc9: {  	_ =	swait.ge [sflag:s1], $0xA00  }
0xca: {  	s7 =	smov.u32 s5;
	[sflag:s1] =	ssyncset.done $0x0  }
0xcb: {  	s4 =	sadd.s32 $0x50, s4;
	s5 =	sadd.s32 $0x1400, s5;
	[sflag:s1] =	ssyncadd.s32 $0xFFFFF600  }
0xcc: {  	[hbm4b:s7+s2] =	stream.linear.scatter [tilespmem:s10], [sflag:$0x2], $0xA000, $0x38;
	[tilespmem:$0xA280] =	vst v63  }
0xcd: {  	_ =	swait.ge [sflag:s8], $0xA000  }
0xce: {  	[sflag:s8] =	ssyncset.done $0x0  }
0xcf: {  	s0 =	rddreg [dreg:$0xc];
	[sflag:s8] =	ssyncadd.s32 $0xFFFF6000  }
0xd0: {  	[tilespmem:s2], [sflag:$0x2] =	stream.linear.gather [hbm4b:s0+s2], $0x28, $0x38;
	[tilespmem:$0xA280] =	vst v63  }
0xd1: {  	_ =	swait.ge [sflag:s8], $0x28  }
0xd2: {  	[sflag:s8] =	ssyncset.done $0x0  }
0xd3: {  	[sflag:s8] =	ssyncadd.s32 $0xFFFFFFD8  }
0xd4: {  	[tilespmem:s10], [sflag:$0x1] =	stream.indirect.gather [hbm4b:s3+s9], $0x40, s2, s9, $0xb8;
	[tilespmem:$0xA280] =	vst v63  }
0xd5: {  	_ =	swait.ge [sflag:s1], $0xA00  }
0xd6: {  	[sflag:s1] =	ssyncset.done $0x0  }
0xd7: {  	s6 =	rddreg [dreg:$0xd];
	[sflag:s1] =	ssyncadd.s32 $0xFFFFF600  }
0xd8: {  	[hbm4b:s6+s2] =	stream.linear.scatter [tilespmem:s10], [sflag:$0x2], $0xA00, $0x38;
	[tilespmem:$0xA280] =	vst v63  }
0xd9: {  	_ =	swait.ge [sflag:s8], $0xA00  }
0xda: {  	s4 =	rddreg [dreg:$0x10]  }
0xdb: {  	s7 =	rddreg [dreg:$0xe];
	s4 =	sadd.s32 $0x1, s4  }
0xdc: {  	p0 =	sne.s32 s4, s7  }
.Ltmp1:
0xdd: {  	_ = 	snop;
	(pc) =	sbr.rel @p0 .LBB2_1-.Ltmp1, $3  }
0xde: {  	_ =	sdelay $0x1  }
0xdf: {  	[sflag:s8] =	ssyncset.done $0x0  }
0xe0: {  	[sflag:s8] =	ssyncadd.s32 $0xFFFFF600  }
0xe1: {  	_ =	sfence.sel $0x180000  }
0xe2: {  	[bflag:$0x0] =	sbarrier.arrive $0xFFFF  }
0xe3: {  	_ =	strace $0x9000004A  }
0xe4: {  	s0 =	stileid.u32;
	[bflag:$0x2] =	sbarrier.arrive $0xFFFF  }
0xe5: {  	p0 =	sne.s32 s0, $0x0;
	s0 =	rddreg [dreg:$0x1]  }
0xe6: {  	s0 =	sadd.s32 @!p0 $0x100000, s0  }
0xe7: {  	[sflag:s0] =	ssyncadd.tile.s32 @!p0 $0x1;
	_ =	shalt  }
.Lfunc_end2:
_tile_overlayer_lowered:
.L_overlay_start_2:
0xe8: {  	(tag) =	ssettag $0x2  }
0xe9: {  	s0 =	rddreg [dreg:$0x0];
	s2 =	stileid.u32  }
0xea: {  	s1 =	rddreg [dreg:$0x1];
	p0 =	sne.s32 s2, $0x0  }
0xeb: {  	s3 =	rddreg [dreg:$0x2];
	[bflag:$0x3] =	sbarrier.arrive $0xFFFF;
	s2 =	simm.s32 @!p0 $0x1C02  }
0xec: {  	[timem:s3], [sflag:s2] =	dma.local @!p0 [hbm:s0], s1  }
0xed: {  	s0 =	simm.s32 @!p0 $0x2  }
0xee: {  	_ =	swait.ge @!p0 [sflag:s0], s1  }
0xef: {  	s1 =	ssub.s32 @!p0 $0x0, s1;
	[sflag:s0] =	ssyncset.done @!p0 $0x0  }
0xf0: {  	[sflag:s0] =	ssyncadd.s32 @!p0 s1  }
0xf1: {  	[bflag:$0x3] =	sbarrier.arrive $0xFFFF  }
0xf2: {  	_ =	shalt  }

// kernel: kernel.18.cloned.1.call-start
scs
__scs_entry_jumppad:
0x0: {  	(pc) =	sbr.rel $0x88, $3  }
0x1: {  	(tag) =	ssettag $0x0;
	lr =	simm.s32 $0x1  }
0x2: {  	[smem:$0x3F8E] =	sst lr;
	_ =	strace $0xD0000000  }
0x3: {  	_ = 	snop  }
0x4: {  	_ = 	snop  }
0x5: {  	_ = 	snop  }
0x6: {  	_ = 	snop  }
0x7: {  	_ = 	snop  }
__scs_overlays_trampoline_lowered:
0x8: {  	[smem:$0x3F9D] =	sst s0  }
0x9: {  	[smem:$0x3F9E] =	sst s1  }
0xa: {  	[smem:$0x3F9F] =	sst s2  }
0xb: {  	[smem:$0x3FA0] =	sst s3  }
0xc: {  	[smem:$0x3FA1] =	sst s4  }
0xd: {  	[smem:$0x3FA2] =	sst s5  }
0xe: {  	[smem:$0x3FA3] =	sst s6  }
0xf: {  	[smem:$0x3FA4] =	sst s7  }
0x10: {  	[smem:$0x3FA5] =	sst s8  }
0x11: {  	[smem:$0x3FA6] =	sst s9;
	s0 =	simm.s32 @!p0 $0x0  }
0x12: {  	s1 =	sld [smem:$0x3F8C];
	s0 =	simm.s32 @p0 $0x1  }
0x13: {  	[smem:$0x3FA7] =	sst s0;
	s0 =	simm.s32 @!p1 $0x0  }
0x14: {  	s2 =	sld [smem:$0x3F8B];
	s0 =	simm.s32 @p1 $0x1  }
0x15: {  	[smem:$0x3FA8] =	sst s0;
	s0 =	simm.s32 @!p2 $0x0  }
0x16: {  	s3 =	sld [smem:$0x3FDB];
	s0 =	simm.s32 @p2 $0x1  }
0x17: {  	s4 =	simm.s32 $0x1BF5;
	[smem:$0x3FAA] =	sst s0  }
0x18: {  	s0 =	sld [smem:$0x3F8D];
	_ =	swait.ge [sflag:s4], $0x0  }
0x19: {  	s7 =	sld [smem:$0x3F8E]  }
0x1a: {  	s8 =	sadd.s32 $0xFFFFE003, lr  }
0x1b: {  	s9 =	sadd.s32 $0xFFFFFEF7, lr;
	s5 =	simm.s32 $0xFFFFFFFF;
	p2 =	slt.u32 s8, $0xFFFFF086  }
0x1c: {  	p1 =	slt.u32 s9, $0xF7A;
	s5 =	simm.s32 @!p2 $0x0  }
0x1d: {  	s5 =	simm.s32 @p1 $0x1;
	p0 =	seq.s32 s7, s2  }
0x1e: {  	s7 =	smul.u32 @!p0 $0xF7A, s2;
	p2 =	seq.s32 @!p0 s5, $0x0  }
0x1f: {  	s9 =	smul.u32 $0xF7A, s1;
	s8 =	simm.s32 @!p0 $0x1BF5;
	p2 =	por !p2, p0  }
0x20: {  	[sflag:s8] =	ssyncset.s32 @!p0 $0xFFFFF086;
	s6 =	sadd.s32 @!p0 s3, s7;
	s7 =	simm.s32 @!p0 $0x108  }
0x21: {  	s3 =	sadd.s32 s3, s9;
	s6 =	sadd.s32 @!p0 $0x88, s6;
	s7 =	simm.s32 @p2 $0x1082  }
0x22: {  	[simem:s7], [sflag:s8] =	dma.local @!p0 [hbm:s6], $0xF7A  }
0x23: {  	s9 =	sor.u32 $0xD0000000, s2;
	s6 =	simm.s32 $0x108;
	_ =	swait.ge @!p0 [sflag:s8], $0x0  }
0x24: {  	s3 =	sadd.s32 $0x88, s3;
	s6 =	simm.s32 @!p1 $0x1082;
	[sflag:s4] =	ssyncset.s32 $0xFFFFF086  }
0x25: {  	[simem:s6], [sflag:s4] =	dma.local [hbm:s3], $0xF7A  }
0x26: {  	[smem:$0x3F8E] =	sst s1;
	(tag) =	ssettag s2;
	_ =	strace s9  }
0x27: {  	s1 =	sld [smem:$0x3F9E]  }
0x28: {  	s2 =	sld [smem:$0x3F9F]  }
0x29: {  	s4 =	sld [smem:$0x3FA1]  }
0x2a: {  	p0 =	seq.s32 s5, $0x0;
	s5 =	sld [smem:$0x3FA2]  }
0x2b: {  	s6 =	sld [smem:$0x3FA3]  }
0x2c: {  	s7 =	sld [smem:$0x3FA4]  }
0x2d: {  	s3 =	simm.s32 $0x108;
	s8 =	sld [smem:$0x3FA5]  }
0x2e: {  	s3 =	simm.s32 @!p0 $0x1082;
	s9 =	sld [smem:$0x3FA6]  }
0x2f: {  	lr =	sadd.s32 s0, s3;
	s0 =	sld [smem:$0x3F9D]  }
0x30: {  	s3 =	sld [smem:$0x3FA0]  }
0x31: {  	[smem:$0x3FA9] =	sst s10  }
0x32: {  	s10 =	sld [smem:$0x3FA7];
	_ =	sdelay $0x3  }
0x33: {  	p0 =	seq.s32 s10, $0x1;
	s10 =	sld [smem:$0x3FA9];
	_ =	sdelay $0x3  }
0x34: {  	[smem:$0x3FA9] =	sst s10  }
0x35: {  	s10 =	sld [smem:$0x3FA8];
	_ =	sdelay $0x3  }
0x36: {  	p1 =	seq.s32 s10, $0x1;
	s10 =	sld [smem:$0x3FA9];
	_ =	sdelay $0x3  }
0x37: {  	[smem:$0x3FA9] =	sst s10  }
0x38: {  	s10 =	sld [smem:$0x3FAA]  }
0x39: {  	_ = 	snop;
	(pc) =	sbr.ind lr, $3  }
0x3a: {  	_ = 	snop  }
0x3b: {  	_ = 	snop  }
0x3c: {  	p2 =	seq.s32 s10, $0x1;
	s10 =	sld [smem:$0x3FA9]  }
0x3d: {  	_ =	shalt  }
0x3e: {  	_ =	shalt  }
0x3f: {  	_ =	shalt  }
0x40: {  	_ =	shalt  }
0x41: {  	_ =	shalt  }
0x42: {  	_ =	shalt  }
0x43: {  	_ =	shalt  }
0x44: {  	_ =	shalt  }
0x45: {  	_ =	shalt  }
0x46: {  	_ =	shalt  }
0x47: {  	_ =	shalt  }
0x48: {  	_ =	shalt  }
0x49: {  	_ =	shalt  }
0x4a: {  	_ =	shalt  }
0x4b: {  	_ =	shalt  }
0x4c: {  	_ =	shalt  }
0x4d: {  	_ =	shalt  }
0x4e: {  	_ =	shalt  }
0x4f: {  	_ =	shalt  }
0x50: {  	_ =	shalt  }
0x51: {  	_ =	shalt  }
0x52: {  	_ =	shalt  }
0x53: {  	_ =	shalt  }
0x54: {  	_ =	shalt  }
0x55: {  	_ =	shalt  }
0x56: {  	_ =	shalt  }
0x57: {  	_ =	shalt  }
0x58: {  	_ =	shalt  }
0x59: {  	_ =	shalt  }
0x5a: {  	_ =	shalt  }
0x5b: {  	_ =	shalt  }
0x5c: {  	_ =	shalt  }
0x5d: {  	_ =	shalt  }
0x5e: {  	_ =	shalt  }
0x5f: {  	_ =	shalt  }
0x60: {  	_ =	shalt  }
0x61: {  	_ =	shalt  }
0x62: {  	_ =	shalt  }
0x63: {  	_ =	shalt  }
0x64: {  	_ =	shalt  }
0x65: {  	_ =	shalt  }
0x66: {  	_ =	shalt  }
0x67: {  	_ =	shalt  }
0x68: {  	_ =	shalt  }
0x69: {  	_ =	shalt  }
0x6a: {  	_ =	shalt  }
0x6b: {  	_ =	shalt  }
0x6c: {  	_ =	shalt  }
0x6d: {  	_ =	shalt  }
0x6e: {  	_ =	shalt  }
0x6f: {  	_ =	shalt  }
0x70: {  	_ =	shalt  }
0x71: {  	_ =	shalt  }
0x72: {  	_ =	shalt  }
0x73: {  	_ =	shalt  }
0x74: {  	_ =	shalt  }
0x75: {  	_ =	shalt  }
0x76: {  	_ =	shalt  }
0x77: {  	_ =	shalt  }
0x78: {  	_ =	shalt  }
0x79: {  	_ =	shalt  }
0x7a: {  	_ =	shalt  }
0x7b: {  	_ =	shalt  }
0x7c: {  	_ =	shalt  }
0x7d: {  	_ =	shalt  }
0x7e: {  	_ =	shalt  }
0x7f: {  	_ =	shalt  }
0x80: {  	_ =	shalt  }
0x81: {  	_ =	shalt  }
0x82: {  	_ =	shalt  }
0x83: {  	_ =	shalt  }
0x84: {  	_ =	shalt  }
0x85: {  	_ =	shalt  }
0x86: {  	_ =	shalt  }
0x87: {  	_ =	shalt  }
.Lfunc_end0:
.L_simem_size_0:
called_computation.2_lowered:
.L_overlay_start_0:
0x88: {  	s2 =	sld [smem:$0x3FD9]  }
0x89: {  	s3 =	sld [smem:$0x3FFE];
	_ =	sdelay $0x1  }
0x8a: {  	s1 =	srdreg.scid  }
0x8b: {  	s0 =	sand.u32 $0x1, s1  }
0x8c: {  	s17 =	sshll.u32 s0, $0xA;
	s2 =	sadd.s32 s3, s2  }
0x8d: {  	s2 =	sadd.s32 s2, s17  }
0x8e: {  	[smem:$0x3FB5] =	sst s2  }
0x8f: {  	_ = 	snop  }
0x90: {  	s2 =	sld [smem:$0x3FD0];
	(tm) =	ssettm $0x1  }
0x91: {  	s18 =	sld [smem:$0x3FFB];
	_ =	sdelay $0x3  }
0x92: {  	_ =	strace s18  }
0x93: {  	s3 =	sld [smem:$0x3FFC];
	_ =	sdelay $0x3  }
0x94: {  	_ =	strace s3  }
0x95: {  	s3 =	sld [smem:$0x3FFD];
	_ =	sdelay $0x3  }
0x96: {  	_ =	strace s3  }
0x97: {  	_ =	strace $0x8FFFFFFF  }
0x98: {  	s19 =	sld [smem:$0x3FDB];
	_ =	sdelay $0x1  }
0x99: {  	s4 =	simm.s32 $_scs_section_size  }
0x9a: {  	s5 =	simm.s32 $_size__tile_overlayer_lowered;
	s6 =	simm.s32 $_tile_overlayer_lowered  }
0x9b: {  	s22 =	simm.s32 $0x1BFF;
	s21 =	sshll.u32 s6, $0x1;
	s3 =	sadd.s32 s4, s19  }
0x9c: {  	s7 =	simm.s32 $0x0;
	s20 =	sshll.u32 s5, $0x1;
	s5 =	sadd.s32 s21, s3  }
0x9d: {  	[timem:s7], [sflag:s22] =	dma.local [hbm:s5], s20  }
0x9e: {  	_ =	swait.ge [sflag:s22], s20  }
0x9f: {  	s4 =	ssub.s32 $0x0, s20;
	[sflag:s22] =	ssyncset.done $0x0  }
0xa0: {  	[sflag:s22] =	ssyncadd.s32 s4;
	_ =	sdelay $0x1  }
0xa1: {  	s23 =	simm.s32 $0x1B8B  }
0xa2: {  	_ =	swait.ge [sflag:s23], $0x1  }
0xa3: {  	[sflag:s23] =	ssyncset.done $0x0  }
0xa4: {  	s25 =	simm.s32 $0x1B8E;
	s24 =	sld [smem:$0x3FFE];
	[sflag:s23] =	ssyncadd.s32 $0xFFFFFFFF  }
0xa5: {  	s26 =	simm.s32 $execute0_lowered;
	[smem:$0x3FD2] =	sst s25  }
0xa6: {  	s5 =	sshll.u32 s26, $0x1;
	_ =	strace $0x8000004C;
	[dreg:$0x1] =	wrdreg $0xFFFFFFFF  }
0xa7: {  	s28 =	simm.s32 $_size_execute0_lowered;
	s3 =	sadd.s32 s3, s5;
	[dreg:$0x0] =	wrdreg $0x0  }
0xa8: {  	s5 =	sshll.u32 s28, $0x1;
	[dreg:$0x2] =	wrdreg s3  }
0xa9: {  	[dreg:$0x3] =	wrdreg s5  }
0xaa: {  	[dreg:$0x4] =	wrdreg $0xC0  }
0xab: {  	_ =	task [dreg:s7], $0x5FFFF  }
0xac: {  	[dreg:$0x1] =	wrdreg $0xFFFFFFFF  }
0xad: {  	[dreg:$0x0] =	wrdreg $0x60  }
0xae: {  	[dreg:$0x2] =	wrdreg s24  }
0xaf: {  	[dreg:$0x3] =	wrdreg s2  }
0xb0: {  	[dreg:$0x4] =	wrdreg $0x0  }
0xb1: {  	[dreg:$0x5] =	wrdreg $0x9  }
0xb2: {  	_ =	task.clear_ibuf [dreg:s7], $0x6FFFF;
	_ =	strace $0x9000004C  }
0xb3: {  	s29 =	simm.s32 $0x9;
	_ =	strace $0x8000004E  }
0xb4: {  	_ =	swait.ge [sflag:s29], $0x1  }
0xb5: {  	[sflag:s29] =	ssyncadd.s32 $0xFFFFFFFF  }
0xb6: {  	_ =	strace $0x9000004E  }
0xb7: {  	_ =	sfence  }
0xb8: {  	s30 =	sld [smem:$0x0];
	_ =	sdelay $0x2  }
0xb9: {  	s31 =	sshll.u32 s1, $0xD;
	s1 =	sshrl.u32 s1, $0x2  }
0xba: {  	s3 =	sand.u32 $0x4000, s31;
	s1 =	sadd.s32 s1, s30  }
0xbb: {  	s0 =	sor.u32 s3, s0;
	s1 =	sshll.u32 s1, $0x11  }
0xbc: {  	s0 =	sor.u32 s1, s0  }
0xbd: {  	s0 =	sadd.s32 $0x8F2B, s0  }
0xbe: {  	[sflag:s0] =	ssyncadd.remote.s32 $0x1  }
0xbf: {  	_ =	sfence.sel $0xFFFF  }
0xc0: {  	[dreg:$0x0] =	wrdreg $0xFFFFFFFF;
	(pc) =	sbr.abs _section_cstart, $3  }
0xc1: {  	[dreg:$0x1] =	wrdreg $0xFFFFFFFF  }
0xc2: {  	_ =	task.clear_ibuf [dreg:s7], $0x2FFFF;
	_ =	strace $0x9FFFFFFF  }
0xc3: {  	(tm) =	ssettm $0x7FFFFFFF  }
tec
execute0_lowered:
.L_overlay_start_1:
0x0: {  	(tag) =	ssettag $0x1  }
0x1: {  	s0 =	rddreg [dreg:$0x0]  }
0x2: {  	s2 =	rddreg [dreg:$0x2];
	s4 =	simm.s32 $0x0  }
0x3: {  	s1 =	srdreg.scid;
	s20 =	stileid.u32;
	s28 =	simm.s32 $0x1  }
0x4: {  	s29 =	simm.s32 $0x70;
	s30 =	simm.s32 $0x1B7E0;
	s5 =	smul.u32 $0x61C, s20  }
0x5: {  	s31 =	simm.s32 $0x1B850;
	s3 =	sadd.s32 $0x1FF2200, s0;
	s8 =	smul.u32 $0x6DF80, s20  }
0x6: {  	[smem:$0x7FF] =	sst s4;
	s21 =	sadd.s32 $0x155200, s0;
	s10 =	smul.u32 $0xC350, s20  }
0x7: {  	s1 =	sand.u32 $0x1, s1;
	s0 =	sadd.s32 $0x16DA00, s0;
	s26 =	smul.u32 $0x6DDD0, s20  }
0x8: {  	_ =	strace $0x8000004D;
	s6 =	smul.u32 $0x61C0, s1;
	s7 =	ssub.s32 $0x2, s1  }
0x9: {  	s1 =	smul.u32 $0x61A8, s1;
	s9 =	sshrl.u32 s7, $0x1;
	s23 =	sadd.s32 $0xC320, s10  }
0xa: {  	s19 =	sshrl.u32 s8, $0x2;
	s11 =	sadd.s32 s5, s6;
	s10 =	smul.u32 $0x9, s23  }
0xb: {  	s7 =	ssub.s32 s7, s9;
	s9 =	sshrl.u32 s23, $0x3;
	s23 =	smul.u32 $0x186A, s20  }
0xc: {  	s5 =	sadd.s32 s19, s2;
	v0 =	vmov s1;
	s1 =	simm.s32 $0x0;
	s22 =	smul.u32 $0x48, s11  }
0xd: {  	s6 =	sadd.s32 $0x17A00, s5;
	s11 =	smul.u32 $0x9, s11;
	s24 =	sadd.s32 s21, s9  }
0xe: {  	s13 =	sadd.s32 $0x7E00, s5;
	s14 =	sadd.s32 $0xBD00, s5;
	s15 =	sadd.s32 $0xFC00, s5  }
0xf: {  	s16 =	sadd.s32 $0x13B00, s5;
	[dreg:$0x4] =	wrdreg s24;
	s25 =	sadd.s32 s3, s10  }
0x10: {  	s23 =	sadd.s32 s23, s21;
	s24 =	simm.s32 $0x1B9A0;
	s8 =	sshrl.u32 s22, $0x3  }
0x11: {  	[dreg:$0x5] =	wrdreg s25;
	s10 =	sadd.s32 s0, s11;
	s11 =	smax.u32 s7, $0x1  }
0x12: {  	s7 =	sadd.s32 s26, s3;
	s25 =	simm.s32 $0x2;
	s26 =	simm.s32 $0x1B8C0  }
0x13: {  	s12 =	sadd.s32 s0, s8;
	s17 =	sadd.s32 $0x7E0, s10;
	s18 =	sadd.s32 $0xFC0, s10  }
0x14: {  	s19 =	sadd.s32 $0x17A0, s10;
	s20 =	sadd.s32 $0x1F80, s10;
	s22 =	sadd.s32 $0x2760, s10  }
0x15: {  	s0 =	simm.s32 $0x1D920;
	s9 =	sadd.s32 $0x2F40, s12;
	s12 =	sadd.s32 $0x3F00, s5  }
.LBB2_1:
0x16: {  	s3 =	rddreg [dreg:$0x1]  }
0x17: {  	[tilespmem:s24], [sflag:$0x2] =	stream.linear.gather [hbm4b:s3+s4], $0x3F00, $0x38;
	[tilespmem:$0x1F8D0] =	vst v63  }
0x18: {  	_ =	swait.ge [sflag:s25], $0x3F00  }
0x19: {  	[sflag:s25] =	ssyncset.done $0x0  }
0x1a: {  	[sflag:s25] =	ssyncadd.s32 $0xFFFFC100  }
0x1b: {  	[spmem:s5] =	stream.linear.scatter [tilespmem:s24], [sflag:$0x2], $0x3F00, $0x38;
	[tilespmem:$0x1F8D0] =	vst v63  }
0x1c: {  	_ =	swait.ge [sflag:s25], $0x3F00  }
0x1d: {  	[sflag:s25] =	ssyncset.done $0x0  }
0x1e: {  	[sflag:s25] =	ssyncadd.s32 $0xFFFFC100  }
0x1f: {  	[spmem:s12] =	stream.linear.scatter [tilespmem:s24], [sflag:$0x2], $0x3F00, $0x38;
	[tilespmem:$0x1F8D0] =	vst v63  }
0x20: {  	_ =	swait.ge [sflag:s25], $0x3F00  }
0x21: {  	[sflag:s25] =	ssyncset.done $0x0  }
0x22: {  	[sflag:s25] =	ssyncadd.s32 $0xFFFFC100  }
0x23: {  	[spmem:s13] =	stream.linear.scatter [tilespmem:s24], [sflag:$0x2], $0x3F00, $0x38;
	[tilespmem:$0x1F8D0] =	vst v63  }
0x24: {  	_ =	swait.ge [sflag:s25], $0x3F00  }
0x25: {  	[sflag:s25] =	ssyncset.done $0x0  }
0x26: {  	[sflag:s25] =	ssyncadd.s32 $0xFFFFC100  }
0x27: {  	[spmem:s14] =	stream.linear.scatter [tilespmem:s24], [sflag:$0x2], $0x3F00, $0x38;
	[tilespmem:$0x1F8D0] =	vst v63  }
0x28: {  	_ =	swait.ge [sflag:s25], $0x3F00  }
0x29: {  	[sflag:s25] =	ssyncset.done $0x0  }
0x2a: {  	[sflag:s25] =	ssyncadd.s32 $0xFFFFC100  }
0x2b: {  	[spmem:s15] =	stream.linear.scatter [tilespmem:s24], [sflag:$0x2], $0x3F00, $0x38;
	[tilespmem:$0x1F8D0] =	vst v63  }
0x2c: {  	_ =	swait.ge [sflag:s25], $0x3F00  }
0x2d: {  	[sflag:s25] =	ssyncset.done $0x0  }
0x2e: {  	[sflag:s25] =	ssyncadd.s32 $0xFFFFC100  }
0x2f: {  	[spmem:s16] =	stream.linear.scatter [tilespmem:s24], [sflag:$0x2], $0x3F00, $0x38;
	[tilespmem:$0x1F8D0] =	vst v63  }
0x30: {  	_ =	swait.ge [sflag:s25], $0x3F00  }
0x31: {  	[sflag:s25] =	ssyncset.done $0x0  }
0x32: {  	[sflag:s25] =	ssyncadd.s32 $0xFFFFC100  }
0x33: {  	[spmem:s6] =	stream.linear.scatter [tilespmem:s24], [sflag:$0x2], $0x3DE0, $0x38;
	[tilespmem:$0x1F8D0] =	vst v63  }
0x34: {  	_ =	swait.ge [sflag:s25], $0x3DE0  }
0x35: {  	[sflag:s25] =	ssyncset.done $0x0  }
0x36: {  	[sflag:s25] =	ssyncadd.s32 $0xFFFFC220  }
0x37: {  	s21 =	sadd.s32 $0x0, s23;
	[bflag:$0x0] =	sbarrier.arrive $0xFFFF  }
0x38: {  	[tilespmem:s26], [sflag:$0x2] =	stream.linear.gather [hbm4b:s21+s4], $0xE0, $0x38;
	[tilespmem:$0x1F8D0] =	vst v63  }
0x39: {  	_ =	swait.ge [sflag:s25], $0xE0  }
0x3a: {  	[sflag:s25] =	ssyncset.done $0x0  }
0x3b: {  	[sflag:s25] =	ssyncadd.s32 $0xFFFFFF20  }
0x3c: {  	[tilespmem:s24], [sflag:$0x1] =	stream.linear.gather [hbm4b:s7+s4], $0x3F00, $0x38;
	[tilespmem:$0x1F8D0] =	vst v63  }
0x3d: {  	v1 =	vld [tilespmem:$0x1B990]  }
0x3e: {  	v2 =	vld [tilespmem:$0x1B970]  }
0x3f: {  	v3 =	vld [tilespmem:$0x1B930]  }
0x40: {  	v4 =	vld [tilespmem:$0x1B960]  }
0x41: {  	v5 =	vld [tilespmem:$0x1B950]  }
0x42: {  	v6 =	vld [tilespmem:$0x1B940]  }
0x43: {  	v7 =	vld [tilespmem:$0x1B920];
	v1 =	vsub.s32 v1, v0  }
0x44: {  	v2 =	vsub.s32 v2, v0;
	v1 =	vmin.u32 v1, $0x61A8  }
0x45: {  	v3 =	vsub.s32 v3, v0;
	v2 =	vmin.u32 v2, $0x61A8;
	[tilespmem:$0x1B8B0] =	vst v1;
	v1 =	vld [tilespmem:$0x1B900]  }
0x46: {  	v8 =	vld [tilespmem:$0x1B910];
	v4 =	vsub.s32 v4, v0;
	v3 =	vmin.u32 v3, $0x61A8;
	[tilespmem:$0x1B890] =	vst v2  }
0x47: {  	v6 =	vsub.s32 v6, v0;
	v4 =	vmin.u32 v4, $0x61A8;
	v2 =	vld [tilespmem:$0x1B8F0];
	[tilespmem:$0x1B850] =	vst v3  }
0x48: {  	v7 =	vsub.s32 v7, v0;
	v6 =	vmin.u32 v6, $0x61A8;
	v3 =	vsub.s32 v5, v0;
	v5 =	vld [tilespmem:$0x1B8E0];
	[tilespmem:$0x1B880] =	vst v4  }
0x49: {  	v7 =	vmin.u32 v7, $0x61A8;
	v4 =	vld [tilespmem:$0x1B8D0];
	[tilespmem:$0x1B860] =	vst v6  }
0x4a: {  	v63 =	vld [tilespmem:$0x1B980];
	[tilespmem:$0x1B840] =	vst v7;
	v3 =	vmin.u32 v3, $0x61A8;
	v1 =	vsub.s32 v1, v0  }
0x4b: {  	[tilespmem:$0x1B870] =	vst v3;
	v3 =	vsub.s32 v8, v0;
	v1 =	vmin.u32 v1, $0x61A8  }
0x4c: {  	v3 =	vmin.u32 v3, $0x61A8;
	v2 =	vsub.s32 v2, v0;
	[tilespmem:$0x1B820] =	vst v1;
	v1 =	vld [tilespmem:$0x1B8C0]  }
0x4d: {  	[tilespmem:$0x1B830] =	vst v3;
	v3 =	vsub.s32 v5, v0;
	v2 =	vmin.u32 v2, $0x61A8  }
0x4e: {  	v4 =	vsub.s32 v4, v0;
	v5 =	vmin.u32 v3, $0x61A8;
	[tilespmem:$0x1B810] =	vst v2  }
0x4f: {  	s3 =	simm.s32 $0x1C;
	s21 =	smov.u32 s7;
	v3 =	vmin.u32 v4, $0x61A8;
	[tilespmem:$0x1B800] =	vst v5;
	v2 =	vsub.s32 v63, v0  }
.LBB2_2:
0x50: {  	p0 =	sne.s32 s3, $0x1848  }
0x51: {  	v1 =	vsub.s32 v1, v0;
	[tilespmem:$0x1B7F0] =	vst v3;
	s21 =	sadd.s32 $0x7E0, s21;
	s8 =	smov.u32 s3;
	s3 =	sadd.s32 $0x1C, s3  }
0x52: {  	v2 =	vmin.u32 v2, $0x61A8;
	v1 =	vmin.u32 v1, $0x61A8  }
0x53: {  	[tilespmem:$0x1B7E0] =	vst v1  }
0x54: {  	[tilespmem:$0x1B8A0] =	vst v2  }
0x55: {  	_ =	swait.ge [sflag:s28], $0x3F00  }
0x56: {  	[sflag:s28] =	ssyncset.done $0x0  }
0x57: {  	[sflag:s28] =	ssyncadd.s32 $0xFFFFC100  }
0x58: {  	[spmem:s2] =	stream.indirect.scatter.add.f32 [tilespmem:s24], [sflag:$0x2], $0x48, s30, s29, $0xb8;
	[tilespmem:$0x1F8D0] =	vst v63  }
0x59: {  	_ =	swait.ge [sflag:s25], $0x1F80  }
0x5a: {  	[sflag:s25] =	ssyncset.done $0x0  }
0x5b: {  	[sflag:s25] =	ssyncadd.s32 $0xFFFFE080  }
0x5c: {  	[spmem:s2] =	stream.indirect.scatter.add.f32 [tilespmem:s0], [sflag:$0x2], $0x48, s31, s29, $0xb8;
	[tilespmem:$0x1F8D0] =	vst v63  }
0x5d: {  	_ =	swait.ge [sflag:s25], $0x1F80  }
0x5e: {  	[sflag:s25] =	ssyncset.done $0x0  }
0x5f: {  	s8 =	sadd.s32 s8, s23;
	[sflag:s25] =	ssyncadd.s32 $0xFFFFE080  }
0x60: {  	[tilespmem:s26], [sflag:$0x2] =	stream.linear.gather [hbm4b:s8+s4], $0xE0, $0x38;
	[tilespmem:$0x1F8D0] =	vst v63  }
0x61: {  	_ =	swait.ge [sflag:s25], $0xE0  }
0x62: {  	[sflag:s25] =	ssyncset.done $0x0  }
0x63: {  	[sflag:s25] =	ssyncadd.s32 $0xFFFFFF20  }
0x64: {  	[tilespmem:s24], [sflag:$0x1] =	stream.linear.gather [hbm4b:s21+s4], $0x3F00, $0x38;
	[tilespmem:$0x1F8D0] =	vst v63  }
0x65: {  	v1 =	vld [tilespmem:$0x1B990]  }
0x66: {  	v2 =	vld [tilespmem:$0x1B970]  }
0x67: {  	v3 =	vld [tilespmem:$0x1B930]  }
0x68: {  	v4 =	vld [tilespmem:$0x1B960]  }
0x69: {  	v5 =	vld [tilespmem:$0x1B950]  }
0x6a: {  	v6 =	vld [tilespmem:$0x1B940];
	v1 =	vsub.s32 v1, v0  }
0x6b: {  	v7 =	vld [tilespmem:$0x1B920];
	v2 =	vsub.s32 v2, v0;
	v1 =	vmin.u32 v1, $0x61A8  }
0x6c: {  	v8 =	vld [tilespmem:$0x1B910];
	v3 =	vsub.s32 v3, v0;
	v2 =	vmin.u32 v2, $0x61A8;
	[tilespmem:$0x1B8B0] =	vst v1  }
0x6d: {  	v9 =	vld [tilespmem:$0x1B900];
	v1 =	vmin.u32 v3, $0x61A8;
	v3 =	vsub.s32 v4, v0;
	[tilespmem:$0x1B890] =	vst v2  }
0x6e: {  	v2 =	vld [tilespmem:$0x1B8F0];
	[tilespmem:$0x1B850] =	vst v1;
	v1 =	vsub.s32 v5, v0;
	v3 =	vmin.u32 v3, $0x61A8  }
0x6f: {  	v4 =	vld [tilespmem:$0x1B8E0];
	v5 =	vsub.s32 v6, v0;
	v1 =	vmin.u32 v1, $0x61A8;
	[tilespmem:$0x1B880] =	vst v3  }
0x70: {  	v3 =	vld [tilespmem:$0x1B8D0];
	v6 =	vsub.s32 v7, v0;
	v5 =	vmin.u32 v5, $0x61A8;
	[tilespmem:$0x1B870] =	vst v1  }
0x71: {  	v7 =	vsub.s32 v8, v0;
	v6 =	vmin.u32 v6, $0x61A8;
	[tilespmem:$0x1B860] =	vst v5;
	v5 =	vld [tilespmem:$0x1B980]  }
.Ltmp0:
0x72: {  	v1 =	vld [tilespmem:$0x1B8C0];
	v8 =	vsub.s32 v9, v0;
	v7 =	vmin.u32 v7, $0x61A8;
	[tilespmem:$0x1B840] =	vst v6;
	(pc) =	sbr.rel @p0 .LBB2_2-.Ltmp0, $4  }
0x73: {  	v2 =	vsub.s32 v2, v0;
	v6 =	vmin.u32 v8, $0x61A8;
	[tilespmem:$0x1B830] =	vst v7  }
0x74: {  	v4 =	vsub.s32 v4, v0;
	v2 =	vmin.u32 v2, $0x61A8;
	[tilespmem:$0x1B820] =	vst v6  }
0x75: {  	v3 =	vsub.s32 v3, v0;
	v4 =	vmin.u32 v4, $0x61A8;
	[tilespmem:$0x1B810] =	vst v2  }
0x76: {  	v3 =	vmin.u32 v3, $0x61A8;
	[tilespmem:$0x1B800] =	vst v4;
	v2 =	vsub.s32 v5, v0  }
0x77: {  	v1 =	vsub.s32 v1, v0;
	[tilespmem:$0x1B7F0] =	vst v3;
	v2 =	vmin.u32 v2, $0x61A8  }
0x78: {  	v1 =	vmin.u32 v1, $0x61A8;
	[tilespmem:$0x1B8A0] =	vst v2  }
0x79: {  	[tilespmem:$0x1B7E0] =	vst v1  }
0x7a: {  	_ =	swait.ge [sflag:s28], $0x3F00  }
0x7b: {  	[sflag:s28] =	ssyncset.done $0x0  }
0x7c: {  	[sflag:s28] =	ssyncadd.s32 $0xFFFFC100  }
0x7d: {  	[spmem:s2] =	stream.indirect.scatter.add.f32 [tilespmem:s24], [sflag:$0x2], $0x48, s30, s29, $0xb8;
	[tilespmem:$0x1F8D0] =	vst v63  }
0x7e: {  	_ =	swait.ge [sflag:s25], $0x1F80  }
0x7f: {  	[sflag:s25] =	ssyncset.done $0x0  }
0x80: {  	[sflag:s25] =	ssyncadd.s32 $0xFFFFE080  }
0x81: {  	[spmem:s2] =	stream.indirect.scatter.add.f32 [tilespmem:s0], [sflag:$0x2], $0x48, s31, s29, $0xb8;
	[tilespmem:$0x1F8D0] =	vst v63  }
0x82: {  	_ =	swait.ge [sflag:s25], $0x1F80  }
0x83: {  	[sflag:s25] =	ssyncset.done $0x0  }
0x84: {  	s3 =	rddreg [dreg:$0x4];
	[sflag:s25] =	ssyncadd.s32 $0xFFFFE080  }
0x85: {  	[tilespmem:s26], [sflag:$0x2] =	stream.linear.gather [hbm4b:s3+s4], $0x30, $0x38;
	[tilespmem:$0x1F8D0] =	vst v63  }
0x86: {  	_ =	swait.ge [sflag:s25], $0x30  }
0x87: {  	[sflag:s25] =	ssyncset.done $0x0  }
0x88: {  	[sflag:s25] =	ssyncadd.s32 $0xFFFFFFD0  }
0x89: {  	v1 =	vld [tilespmem:$0x1B8C0]  }
0x8a: {  	v2 =	vld [tilespmem:$0x1B8D0]  }
0x8b: {  	v3 =	vld [tilespmem:$0x1B8E0];
	_ =	sdelay $0x2  }
0x8c: {  	v1 =	vsub.s32 v1, v0  }
0x8d: {  	v2 =	vsub.s32 v2, v0;
	v1 =	vmin.u32 v1, $0x61A8  }
0x8e: {  	[tilespmem:$0x1F8A0] =	vst v1;
	v1 =	vmin.u32 v2, $0x61A8;
	v2 =	vsub.s32 v3, v0  }
0x8f: {  	[tilespmem:$0x1F8B0] =	vst v1;
	v1 =	vmin.u32 v2, $0x61A8  }
0x90: {  	s8 =	rddreg [dreg:$0x5];
	[tilespmem:$0x1F8C0] =	vst v1  }
0x91: {  	[tilespmem:s24], [sflag:$0x2] =	stream.linear.gather [hbm4b:s8+s4], $0xD80, $0x38;
	[tilespmem:$0x1F8D0] =	vst v63  }
0x92: {  	_ =	swait.ge [sflag:s25], $0xD80  }
0x93: {  	[sflag:s25] =	ssyncset.done $0x0  }
0x94: {  	s21 =	simm.s32 $0x30;
	s8 =	simm.s32 $0x1F8A0;
	[sflag:s25] =	ssyncadd.s32 $0xFFFFF280  }
0x95: {  	[spmem:s2] =	stream.indirect.scatter.add.f32 [tilespmem:s24], [sflag:$0x2], $0x48, s8, s21, $0xb8;
	[tilespmem:$0x1F8D0] =	vst v63  }
0x96: {  	_ =	swait.ge [sflag:s25], $0xD80  }
0x97: {  	s8 =	stileid.u32;
	[sflag:s25] =	ssyncset.done $0x0  }
0x98: {  	s3 =	sshll.u32 s8, $0x6;
	[sflag:s25] =	ssyncadd.s32 $0xFFFFF280  }
0x99: {  	s21 =	sshrl.u32 s5, $0x3;
	s3 =	sor.u32 $0x1C02, s3;
	[bflag:$0x0] =	sbarrier.arrive $0xFFFF  }
0x9a: {  	[hbm:s10], [sflag:s3] =	dma.local [spmem:s21], $0x7E0  }
0x9b: {  	_ =	swait.ge [sflag:s25], $0x7E0  }
0x9c: {  	[sflag:s25] =	ssyncset.done $0x0  }
0x9d: {  	s21 =	sshrl.u32 s12, $0x3;
	[sflag:s25] =	ssyncadd.s32 $0xFFFFF820  }
0x9e: {  	[hbm:s17], [sflag:s3] =	dma.local [spmem:s21], $0x7E0  }
0x9f: {  	_ =	swait.ge [sflag:s25], $0x7E0  }
0xa0: {  	[sflag:s25] =	ssyncset.done $0x0  }
0xa1: {  	s21 =	sshrl.u32 s13, $0x3;
	[sflag:s25] =	ssyncadd.s32 $0xFFFFF820  }
0xa2: {  	[hbm:s18], [sflag:s3] =	dma.local [spmem:s21], $0x7E0  }
0xa3: {  	_ =	swait.ge [sflag:s25], $0x7E0  }
0xa4: {  	[sflag:s25] =	ssyncset.done $0x0  }
0xa5: {  	s21 =	sshrl.u32 s14, $0x3;
	[sflag:s25] =	ssyncadd.s32 $0xFFFFF820  }
0xa6: {  	[hbm:s19], [sflag:s3] =	dma.local [spmem:s21], $0x7E0  }
0xa7: {  	_ =	swait.ge [sflag:s25], $0x7E0  }
0xa8: {  	[sflag:s25] =	ssyncset.done $0x0  }
0xa9: {  	s21 =	sshrl.u32 s15, $0x3;
	[sflag:s25] =	ssyncadd.s32 $0xFFFFF820  }
0xaa: {  	[hbm:s20], [sflag:s3] =	dma.local [spmem:s21], $0x7E0  }
0xab: {  	_ =	swait.ge [sflag:s25], $0x7E0  }
0xac: {  	[sflag:s25] =	ssyncset.done $0x0  }
0xad: {  	s21 =	sshrl.u32 s16, $0x3;
	[sflag:s25] =	ssyncadd.s32 $0xFFFFF820  }
0xae: {  	[hbm:s22], [sflag:s3] =	dma.local [spmem:s21], $0x7E0  }
0xaf: {  	s1 =	sadd.s32 $0x1, s1;
	_ =	swait.ge [sflag:s25], $0x7E0  }
0xb0: {  	p0 =	sne.s32 s1, s11;
	[sflag:s25] =	ssyncset.done $0x0  }
.Ltmp1:
0xb1: {  	s21 =	sshrl.u32 s6, $0x3;
	[sflag:s25] =	ssyncadd.s32 $0xFFFFF820;
	(pc) =	sbr.rel @p0 .LBB2_1-.Ltmp1, $4  }
0xb2: {  	[hbm:s9], [sflag:s3] =	dma.local [spmem:s21], $0x7BC  }
0xb3: {  	_ =	swait.ge [sflag:s25], $0x7BC  }
0xb4: {  	[sflag:s25] =	ssyncset.done $0x0  }
0xb5: {  	[sflag:s25] =	ssyncadd.s32 $0xFFFFF844  }
0xb6: {  	_ =	sfence.sel $0x180000  }
0xb7: {  	[bflag:$0x0] =	sbarrier.arrive $0xFFFF  }
0xb8: {  	_ =	strace $0x9000004D  }
0xb9: {  	s0 =	stileid.u32;
	[bflag:$0x2] =	sbarrier.arrive $0xFFFF  }
0xba: {  	p0 =	sne.s32 s0, $0x0;
	s0 =	rddreg [dreg:$0x3]  }
0xbb: {  	s0 =	sadd.s32 @!p0 $0x100000, s0  }
0xbc: {  	[sflag:s0] =	ssyncadd.tile.s32 @!p0 $0x1;
	_ =	shalt  }
.Lfunc_end2:
_tile_overlayer_lowered:
.L_overlay_start_2:
0xbd: {  	(tag) =	ssettag $0x2  }
0xbe: {  	s0 =	rddreg [dreg:$0x0];
	s2 =	stileid.u32  }
0xbf: {  	s1 =	rddreg [dreg:$0x1];
	p0 =	sne.s32 s2, $0x0  }
0xc0: {  	s3 =	rddreg [dreg:$0x2];
	[bflag:$0x3] =	sbarrier.arrive $0xFFFF;
	s2 =	simm.s32 @!p0 $0x1C02  }
0xc1: {  	[timem:s3], [sflag:s2] =	dma.local @!p0 [hbm:s0], s1  }
0xc2: {  	s0 =	simm.s32 @!p0 $0x2  }
0xc3: {  	_ =	swait.ge @!p0 [sflag:s0], s1  }
0xc4: {  	s1 =	ssub.s32 @!p0 $0x0, s1;
	[sflag:s0] =	ssyncset.done @!p0 $0x0  }
0xc5: {  	[sflag:s0] =	ssyncadd.s32 @!p0 s1  }
0xc6: {  	[bflag:$0x3] =	sbarrier.arrive $0xFFFF  }
0xc7: {  	_ =	shalt  }

// kernel: kernel.21.cloned.1.call-start
scs
__scs_entry_jumppad:
0x0: {  	(pc) =	sbr.rel $0x88, $3  }
0x1: {  	(tag) =	ssettag $0x0;
	lr =	simm.s32 $0x1  }
0x2: {  	[smem:$0x3F8E] =	sst lr;
	_ =	strace $0xD0000000  }
0x3: {  	_ = 	snop  }
0x4: {  	_ = 	snop  }
0x5: {  	_ = 	snop  }
0x6: {  	_ = 	snop  }
0x7: {  	_ = 	snop  }
__scs_overlays_trampoline_lowered:
0x8: {  	[smem:$0x3F9D] =	sst s0  }
0x9: {  	[smem:$0x3F9E] =	sst s1  }
0xa: {  	[smem:$0x3F9F] =	sst s2  }
0xb: {  	[smem:$0x3FA0] =	sst s3  }
0xc: {  	[smem:$0x3FA1] =	sst s4  }
0xd: {  	[smem:$0x3FA2] =	sst s5  }
0xe: {  	[smem:$0x3FA3] =	sst s6  }
0xf: {  	[smem:$0x3FA4] =	sst s7  }
0x10: {  	[smem:$0x3FA5] =	sst s8  }
0x11: {  	[smem:$0x3FA6] =	sst s9;
	s0 =	simm.s32 @!p0 $0x0  }
0x12: {  	s1 =	sld [smem:$0x3F8C];
	s0 =	simm.s32 @p0 $0x1  }
0x13: {  	[smem:$0x3FA7] =	sst s0;
	s0 =	simm.s32 @!p1 $0x0  }
0x14: {  	s2 =	sld [smem:$0x3F8B];
	s0 =	simm.s32 @p1 $0x1  }
0x15: {  	[smem:$0x3FA8] =	sst s0;
	s0 =	simm.s32 @!p2 $0x0  }
0x16: {  	s3 =	sld [smem:$0x3FDB];
	s0 =	simm.s32 @p2 $0x1  }
0x17: {  	s4 =	simm.s32 $0x1BF5;
	[smem:$0x3FAA] =	sst s0  }
0x18: {  	s0 =	sld [smem:$0x3F8D];
	_ =	swait.ge [sflag:s4], $0x0  }
0x19: {  	s7 =	sld [smem:$0x3F8E]  }
0x1a: {  	s8 =	sadd.s32 $0xFFFFE003, lr  }
0x1b: {  	s9 =	sadd.s32 $0xFFFFFEF7, lr;
	s5 =	simm.s32 $0xFFFFFFFF;
	p2 =	slt.u32 s8, $0xFFFFF086  }
0x1c: {  	p1 =	slt.u32 s9, $0xF7A;
	s5 =	simm.s32 @!p2 $0x0  }
0x1d: {  	s5 =	simm.s32 @p1 $0x1;
	p0 =	seq.s32 s7, s2  }
0x1e: {  	s7 =	smul.u32 @!p0 $0xF7A, s2;
	p2 =	seq.s32 @!p0 s5, $0x0  }
0x1f: {  	s9 =	smul.u32 $0xF7A, s1;
	s8 =	simm.s32 @!p0 $0x1BF5;
	p2 =	por !p2, p0  }
0x20: {  	[sflag:s8] =	ssyncset.s32 @!p0 $0xFFFFF086;
	s6 =	sadd.s32 @!p0 s3, s7;
	s7 =	simm.s32 @!p0 $0x108  }
0x21: {  	s3 =	sadd.s32 s3, s9;
	s6 =	sadd.s32 @!p0 $0x88, s6;
	s7 =	simm.s32 @p2 $0x1082  }
0x22: {  	[simem:s7], [sflag:s8] =	dma.local @!p0 [hbm:s6], $0xF7A  }
0x23: {  	s9 =	sor.u32 $0xD0000000, s2;
	s6 =	simm.s32 $0x108;
	_ =	swait.ge @!p0 [sflag:s8], $0x0  }
0x24: {  	s3 =	sadd.s32 $0x88, s3;
	s6 =	simm.s32 @!p1 $0x1082;
	[sflag:s4] =	ssyncset.s32 $0xFFFFF086  }
0x25: {  	[simem:s6], [sflag:s4] =	dma.local [hbm:s3], $0xF7A  }
0x26: {  	[smem:$0x3F8E] =	sst s1;
	(tag) =	ssettag s2;
	_ =	strace s9  }
0x27: {  	s1 =	sld [smem:$0x3F9E]  }
0x28: {  	s2 =	sld [smem:$0x3F9F]  }
0x29: {  	s4 =	sld [smem:$0x3FA1]  }
0x2a: {  	p0 =	seq.s32 s5, $0x0;
	s5 =	sld [smem:$0x3FA2]  }
0x2b: {  	s6 =	sld [smem:$0x3FA3]  }
0x2c: {  	s7 =	sld [smem:$0x3FA4]  }
0x2d: {  	s3 =	simm.s32 $0x108;
	s8 =	sld [smem:$0x3FA5]  }
0x2e: {  	s3 =	simm.s32 @!p0 $0x1082;
	s9 =	sld [smem:$0x3FA6]  }
0x2f: {  	lr =	sadd.s32 s0, s3;
	s0 =	sld [smem:$0x3F9D]  }
0x30: {  	s3 =	sld [smem:$0x3FA0]  }
0x31: {  	[smem:$0x3FA9] =	sst s10  }
0x32: {  	s10 =	sld [smem:$0x3FA7];
	_ =	sdelay $0x3  }
0x33: {  	p0 =	seq.s32 s10, $0x1;
	s10 =	sld [smem:$0x3FA9];
	_ =	sdelay $0x3  }
0x34: {  	[smem:$0x3FA9] =	sst s10  }
0x35: {  	s10 =	sld [smem:$0x3FA8];
	_ =	sdelay $0x3  }
0x36: {  	p1 =	seq.s32 s10, $0x1;
	s10 =	sld [smem:$0x3FA9];
	_ =	sdelay $0x3  }
0x37: {  	[smem:$0x3FA9] =	sst s10  }
0x38: {  	s10 =	sld [smem:$0x3FAA]  }
0x39: {  	_ = 	snop;
	(pc) =	sbr.ind lr, $3  }
0x3a: {  	_ = 	snop  }
0x3b: {  	_ = 	snop  }
0x3c: {  	p2 =	seq.s32 s10, $0x1;
	s10 =	sld [smem:$0x3FA9]  }
0x3d: {  	_ =	shalt  }
0x3e: {  	_ =	shalt  }
0x3f: {  	_ =	shalt  }
0x40: {  	_ =	shalt  }
0x41: {  	_ =	shalt  }
0x42: {  	_ =	shalt  }
0x43: {  	_ =	shalt  }
0x44: {  	_ =	shalt  }
0x45: {  	_ =	shalt  }
0x46: {  	_ =	shalt  }
0x47: {  	_ =	shalt  }
0x48: {  	_ =	shalt  }
0x49: {  	_ =	shalt  }
0x4a: {  	_ =	shalt  }
0x4b: {  	_ =	shalt  }
0x4c: {  	_ =	shalt  }
0x4d: {  	_ =	shalt  }
0x4e: {  	_ =	shalt  }
0x4f: {  	_ =	shalt  }
0x50: {  	_ =	shalt  }
0x51: {  	_ =	shalt  }
0x52: {  	_ =	shalt  }
0x53: {  	_ =	shalt  }
0x54: {  	_ =	shalt  }
0x55: {  	_ =	shalt  }
0x56: {  	_ =	shalt  }
0x57: {  	_ =	shalt  }
0x58: {  	_ =	shalt  }
0x59: {  	_ =	shalt  }
0x5a: {  	_ =	shalt  }
0x5b: {  	_ =	shalt  }
0x5c: {  	_ =	shalt  }
0x5d: {  	_ =	shalt  }
0x5e: {  	_ =	shalt  }
0x5f: {  	_ =	shalt  }
0x60: {  	_ =	shalt  }
0x61: {  	_ =	shalt  }
0x62: {  	_ =	shalt  }
0x63: {  	_ =	shalt  }
0x64: {  	_ =	shalt  }
0x65: {  	_ =	shalt  }
0x66: {  	_ =	shalt  }
0x67: {  	_ =	shalt  }
0x68: {  	_ =	shalt  }
0x69: {  	_ =	shalt  }
0x6a: {  	_ =	shalt  }
0x6b: {  	_ =	shalt  }
0x6c: {  	_ =	shalt  }
0x6d: {  	_ =	shalt  }
0x6e: {  	_ =	shalt  }
0x6f: {  	_ =	shalt  }
0x70: {  	_ =	shalt  }
0x71: {  	_ =	shalt  }
0x72: {  	_ =	shalt  }
0x73: {  	_ =	shalt  }
0x74: {  	_ =	shalt  }
0x75: {  	_ =	shalt  }
0x76: {  	_ =	shalt  }
0x77: {  	_ =	shalt  }
0x78: {  	_ =	shalt  }
0x79: {  	_ =	shalt  }
0x7a: {  	_ =	shalt  }
0x7b: {  	_ =	shalt  }
0x7c: {  	_ =	shalt  }
0x7d: {  	_ =	shalt  }
0x7e: {  	_ =	shalt  }
0x7f: {  	_ =	shalt  }
0x80: {  	_ =	shalt  }
0x81: {  	_ =	shalt  }
0x82: {  	_ =	shalt  }
0x83: {  	_ =	shalt  }
0x84: {  	_ =	shalt  }
0x85: {  	_ =	shalt  }
0x86: {  	_ =	shalt  }
0x87: {  	_ =	shalt  }
.Lfunc_end0:
.L_simem_size_0:
called_computation.3_lowered:
.L_overlay_start_0:
0x88: {  	s2 =	sld [smem:$0x3FD9]  }
0x89: {  	s3 =	sld [smem:$0x3FFE];
	_ =	sdelay $0x1  }
0x8a: {  	s1 =	srdreg.scid  }
0x8b: {  	s0 =	sand.u32 $0x1, s1  }
0x8c: {  	s16 =	sshll.u32 s0, $0xA;
	s2 =	sadd.s32 s3, s2  }
0x8d: {  	s2 =	sadd.s32 s2, s16  }
0x8e: {  	[smem:$0x3FB5] =	sst s2  }
0x8f: {  	_ = 	snop  }
0x90: {  	(tm) =	ssettm $0x1  }
0x91: {  	s17 =	sld [smem:$0x3FFB];
	_ =	sdelay $0x3  }
0x92: {  	_ =	strace s17  }
0x93: {  	s2 =	sld [smem:$0x3FFC];
	_ =	sdelay $0x3  }
0x94: {  	_ =	strace s2  }
0x95: {  	s2 =	sld [smem:$0x3FFD];
	_ =	sdelay $0x3  }
0x96: {  	_ =	strace s2  }
0x97: {  	_ =	strace $0x8FFFFFFF  }
0x98: {  	s18 =	sld [smem:$0x3FDB];
	_ =	sdelay $0x1  }
0x99: {  	s19 =	simm.s32 $_scs_section_size  }
0x9a: {  	s4 =	simm.s32 $_size__tile_overlayer_lowered;
	s5 =	simm.s32 $_tile_overlayer_lowered  }
0x9b: {  	s22 =	simm.s32 $0x1BFF;
	s21 =	sshll.u32 s5, $0x1;
	s2 =	sadd.s32 s19, s18  }
0x9c: {  	s6 =	simm.s32 $0x0;
	s20 =	sshll.u32 s4, $0x1;
	s4 =	sadd.s32 s21, s2  }
0x9d: {  	[timem:s6], [sflag:s22] =	dma.local [hbm:s4], s20  }
0x9e: {  	_ =	swait.ge [sflag:s22], s20  }
0x9f: {  	s3 =	ssub.s32 $0x0, s20;
	[sflag:s22] =	ssyncset.done $0x0  }
0xa0: {  	[sflag:s22] =	ssyncadd.s32 s3;
	_ =	sdelay $0x1  }
0xa1: {  	s23 =	simm.s32 $0x1B8B  }
0xa2: {  	_ =	swait.ge [sflag:s23], $0x1  }
0xa3: {  	[sflag:s23] =	ssyncset.done $0x0  }
0xa4: {  	s25 =	simm.s32 $0x1B8E;
	s24 =	sld [smem:$0x3FFE];
	[sflag:s23] =	ssyncadd.s32 $0xFFFFFFFF  }
0xa5: {  	s26 =	simm.s32 $execute0_lowered;
	[smem:$0x3FD2] =	sst s25  }
0xa6: {  	s4 =	sshll.u32 s26, $0x1;
	_ =	strace $0x8000004F;
	[dreg:$0x1] =	wrdreg $0xFFFFFFFF  }
0xa7: {  	s28 =	simm.s32 $_size_execute0_lowered;
	s2 =	sadd.s32 s2, s4;
	[dreg:$0x0] =	wrdreg $0x0  }
0xa8: {  	s4 =	sshll.u32 s28, $0x1;
	[dreg:$0x2] =	wrdreg s2  }
0xa9: {  	[dreg:$0x3] =	wrdreg s4  }
0xaa: {  	[dreg:$0x4] =	wrdreg $0xC0  }
0xab: {  	_ =	task [dreg:s6], $0x5FFFF  }
0xac: {  	[dreg:$0x1] =	wrdreg $0xFFFFFFFF  }
0xad: {  	[dreg:$0x0] =	wrdreg $0x60  }
0xae: {  	[dreg:$0x2] =	wrdreg s24  }
0xaf: {  	[dreg:$0x3] =	wrdreg $0x9  }
0xb0: {  	_ =	task.clear_ibuf [dreg:s6], $0x4FFFF;
	_ =	strace $0x9000004F  }
0xb1: {  	s29 =	simm.s32 $0x9;
	_ =	strace $0x80000051  }
0xb2: {  	_ =	swait.ge [sflag:s29], $0x1  }
0xb3: {  	[sflag:s29] =	ssyncadd.s32 $0xFFFFFFFF  }
0xb4: {  	_ =	strace $0x90000051  }
0xb5: {  	_ =	sfence  }
0xb6: {  	s30 =	sld [smem:$0x0];
	_ =	sdelay $0x2  }
0xb7: {  	s31 =	sshll.u32 s1, $0xD;
	s1 =	sshrl.u32 s1, $0x2  }
0xb8: {  	s3 =	sand.u32 $0x4000, s31;
	s1 =	sadd.s32 s1, s30  }
0xb9: {  	s0 =	sor.u32 s3, s0;
	s1 =	sshll.u32 s1, $0x11  }
0xba: {  	s0 =	sor.u32 s1, s0  }
0xbb: {  	s0 =	sadd.s32 $0x8F2B, s0  }
0xbc: {  	[sflag:s0] =	ssyncadd.remote.s32 $0x1  }
0xbd: {  	_ =	sfence.sel $0xFFFF  }
0xbe: {  	[dreg:$0x0] =	wrdreg $0xFFFFFFFF;
	(pc) =	sbr.abs _section_cstart, $3  }
0xbf: {  	[dreg:$0x1] =	wrdreg $0xFFFFFFFF  }
0xc0: {  	_ =	task.clear_ibuf [dreg:s6], $0x2FFFF;
	_ =	strace $0x9FFFFFFF  }
0xc1: {  	(tm) =	ssettm $0x7FFFFFFF  }
tec
execute0_lowered:
.L_overlay_start_1:
0x0: {  	(tag) =	ssettag $0x1  }
0x1: {  	s0 =	srdreg.scid  }
0x2: {  	s10 =	stileid.u32;
	s4 =	rddreg [dreg:$0x0];
	s2 =	simm.s32 $0x0  }
0x3: {  	s16 =	simm.s32 $0xC80;
	s17 =	simm.s32 $0x50;
	s19 =	simm.s32 $0x1680  }
0x4: {  	s21 =	simm.s32 $0x78;
	s22 =	simm.s32 $0x2080;
	s23 =	simm.s32 $0xA0  }
0x5: {  	s24 =	simm.s32 $0x2A80;
	s25 =	simm.s32 $0xC8;
	s26 =	simm.s32 $0x3480  }
0x6: {  	s11 =	simm.s32 $0xF0;
	s12 =	simm.s32 $0x3E80;
	[smem:$0x7FF] =	sst s2  }
0x7: {  	s13 =	simm.s32 $0x118;
	_ =	strace $0x80000050;
	[dreg:$0x3] =	wrdreg s16  }
0x8: {  	s28 =	simm.s32 $0x230;
	s29 =	simm.s32 $0x8E80;
	[dreg:$0x4] =	wrdreg s17  }
0x9: {  	s30 =	simm.s32 $0x258;
	s31 =	simm.s32 $0x9880;
	[dreg:$0x5] =	wrdreg s19  }
0xa: {  	s0 =	sand.u32 $0x1, s0;
	s1 =	sshll.u32 s10, $0x1;
	[dreg:$0x6] =	wrdreg s21  }
0xb: {  	s5 =	smul.u32 $0xC350, s10;
	s3 =	sadd.s32 $0xC9000, s4;
	[dreg:$0x7] =	wrdreg s22  }
0xc: {  	s7 =	sadd.s32 $0x13CA00, s4;
	s4 =	sadd.s32 $0x1FF2200, s4;
	[dreg:$0x8] =	wrdreg s23  }
0xd: {  	s20 =	smul.u32 $0x61A80, s10;
	s10 =	simm.s32 $0x280;
	[dreg:$0x9] =	wrdreg s24  }
0xe: {  	s1 =	sor.u32 s0, s1;
	s6 =	smul.u32 $0x61A8, s0;
	[dreg:$0xa] =	wrdreg s25  }
0xf: {  	s8 =	ssub.s32 $0x2, s0;
	s0 =	smul.u32 $0x30D40, s0;
	[dreg:$0xb] =	wrdreg s26  }
0x10: {  	s16 =	simm.s32 $0x5280;
	s17 =	simm.s32 $0x168;
	s19 =	simm.s32 $0x190  }
0x11: {  	s21 =	simm.s32 $0x1B8;
	s22 =	simm.s32 $0x7080;
	s23 =	simm.s32 $0x1E0  }
0x12: {  	s24 =	simm.s32 $0x7A80;
	s25 =	simm.s32 $0x208;
	s26 =	simm.s32 $0x8480  }
0x13: {  	s1 =	smul.u32 $0x61A8, s1;
	s14 =	sshrl.u32 s8, $0x1;
	s5 =	sadd.s32 s6, s5  }
0x14: {  	s6 =	ssub.s32 s8, s14;
	s8 =	simm.s32 $0x2;
	s14 =	simm.s32 $0x4880  }
0x15: {  	s1 =	sadd.s32 $0x6180, s1;
	s5 =	sshrl.u32 s5, $0x3;
	s18 =	smax.u32 s6, $0x1  }
0x16: {  	s9 =	sshrl.u32 s1, $0x3;
	s5 =	sadd.s32 s5, s7;
	s1 =	sshll.u32 s1, $0x3  }
0x17: {  	[dreg:$0xe] =	wrdreg s18;
	s18 =	simm.s32 $0x5C80;
	s15 =	sadd.s32 s7, s9  }
0x18: {  	[dreg:$0x2] =	wrdreg s5;
	s1 =	sadd.s32 s4, s1;
	s4 =	sadd.s32 s20, s4  }
0x19: {  	s9 =	simm.s32 $0x28;
	s20 =	simm.s32 $0x6680;
	[dreg:$0xc] =	wrdreg s15  }
0x1a: {  	[dreg:$0xd] =	wrdreg s1;
	s0 =	sadd.s32 s0, s4;
	s15 =	simm.s32 $0x140  }
0x1b: {  	s1 =	simm.s32 $0x1;
	s4 =	simm.s32 $0x0;
	[dreg:$0xf] =	wrdreg s0  }
.LBB2_1:
0x1c: {  	s7 =	rddreg [dreg:$0x2]  }
0x1d: {  	[dreg:$0x10] =	wrdreg s4;
	s4 =	sadd.s32 $0x0, s7  }
0x1e: {  	[tilespmem:s2], [sflag:$0x2] =	stream.linear.gather [hbm4b:s4+s2], $0x280, $0x38;
	[tilespmem:$0xA280] =	vst v63  }
0x1f: {  	_ =	swait.ge [sflag:s8], $0x280  }
0x20: {  	s4 =	rddreg [dreg:$0x4]  }
0x21: {  	[sflag:s8] =	ssyncset.done $0x0;
	s5 =	rddreg [dreg:$0x3]  }
0x22: {  	s7 =	rddreg [dreg:$0x5];
	[sflag:s8] =	ssyncadd.s32 $0xFFFFFD80  }
0x23: {  	[tilespmem:s10], [sflag:$0x1] =	stream.indirect.gather [hbm4b:s3+s9], $0x40, s2, s9, $0xb8;
	[tilespmem:$0xA280] =	vst v63  }
0x24: {  	s6 =	rddreg [dreg:$0x7]  }
0x25: {  	[tilespmem:s5], [sflag:$0x1] =	stream.indirect.gather [hbm4b:s3+s9], $0x40, s9, s9, $0xb8;
	[tilespmem:$0xA280] =	vst v63  }
0x26: {  	s0 =	rddreg [dreg:$0x6]  }
0x27: {  	[tilespmem:s7], [sflag:$0x1] =	stream.indirect.gather [hbm4b:s3+s9], $0x40, s4, s9, $0xb8;
	[tilespmem:$0xA280] =	vst v63  }
0x28: {  	s4 =	rddreg [dreg:$0x9]  }
0x29: {  	s7 =	rddreg [dreg:$0x8]  }
0x2a: {  	[tilespmem:s6], [sflag:$0x1] =	stream.indirect.gather [hbm4b:s3+s9], $0x40, s0, s9, $0xb8;
	[tilespmem:$0xA280] =	vst v63  }
0x2b: {  	s6 =	rddreg [dreg:$0xb]  }
0x2c: {  	[tilespmem:s4], [sflag:$0x1] =	stream.indirect.gather [hbm4b:s3+s9], $0x40, s7, s9, $0xb8;
	[tilespmem:$0xA280] =	vst v63  }
0x2d: {  	s0 =	rddreg [dreg:$0xa]  }
0x2e: {  	[tilespmem:s6], [sflag:$0x1] =	stream.indirect.gather [hbm4b:s3+s9], $0x40, s0, s9, $0xb8;
	[tilespmem:$0xA280] =	vst v63  }
0x2f: {  	_ = 	snop  }
0x30: {  	[tilespmem:s12], [sflag:$0x1] =	stream.indirect.gather [hbm4b:s3+s9], $0x40, s11, s9, $0xb8;
	[tilespmem:$0xA280] =	vst v63  }
0x31: {  	_ = 	snop  }
0x32: {  	[tilespmem:s14], [sflag:$0x1] =	stream.indirect.gather [hbm4b:s3+s9], $0x40, s13, s9, $0xb8;
	[tilespmem:$0xA280] =	vst v63  }
0x33: {  	_ = 	snop  }
0x34: {  	[tilespmem:s16], [sflag:$0x1] =	stream.indirect.gather [hbm4b:s3+s9], $0x40, s15, s9, $0xb8;
	[tilespmem:$0xA280] =	vst v63  }
0x35: {  	_ = 	snop  }
0x36: {  	[tilespmem:s18], [sflag:$0x1] =	stream.indirect.gather [hbm4b:s3+s9], $0x40, s17, s9, $0xb8;
	[tilespmem:$0xA280] =	vst v63  }
0x37: {  	_ = 	snop  }
0x38: {  	[tilespmem:s20], [sflag:$0x1] =	stream.indirect.gather [hbm4b:s3+s9], $0x40, s19, s9, $0xb8;
	[tilespmem:$0xA280] =	vst v63  }
0x39: {  	_ = 	snop  }
0x3a: {  	[tilespmem:s22], [sflag:$0x1] =	stream.indirect.gather [hbm4b:s3+s9], $0x40, s21, s9, $0xb8;
	[tilespmem:$0xA280] =	vst v63  }
0x3b: {  	_ = 	snop  }
0x3c: {  	[tilespmem:s24], [sflag:$0x1] =	stream.indirect.gather [hbm4b:s3+s9], $0x40, s23, s9, $0xb8;
	[tilespmem:$0xA280] =	vst v63  }
0x3d: {  	_ = 	snop  }
0x3e: {  	[tilespmem:s26], [sflag:$0x1] =	stream.indirect.gather [hbm4b:s3+s9], $0x40, s25, s9, $0xb8;
	[tilespmem:$0xA280] =	vst v63  }
0x3f: {  	_ = 	snop  }
0x40: {  	[tilespmem:s29], [sflag:$0x1] =	stream.indirect.gather [hbm4b:s3+s9], $0x40, s28, s9, $0xb8;
	[tilespmem:$0xA280] =	vst v63  }
0x41: {  	_ = 	snop  }
0x42: {  	[tilespmem:s31], [sflag:$0x1] =	stream.indirect.gather [hbm4b:s3+s9], $0x40, s30, s9, $0xb8;
	[tilespmem:$0xA280] =	vst v63  }
0x43: {  	_ =	swait.ge [sflag:s1], $0xA00  }
0x44: {  	[sflag:s1] =	ssyncset.done $0x0  }
0x45: {  	[sflag:s1] =	ssyncadd.s32 $0xFFFFF600  }
0x46: {  	_ =	swait.ge [sflag:s1], $0xA00  }
0x47: {  	[sflag:s1] =	ssyncset.done $0x0  }
0x48: {  	[sflag:s1] =	ssyncadd.s32 $0xFFFFF600  }
0x49: {  	_ =	swait.ge [sflag:s1], $0xA00  }
0x4a: {  	[sflag:s1] =	ssyncset.done $0x0  }
0x4b: {  	[sflag:s1] =	ssyncadd.s32 $0xFFFFF600  }
0x4c: {  	_ =	swait.ge [sflag:s1], $0xA00  }
0x4d: {  	[sflag:s1] =	ssyncset.done $0x0  }
0x4e: {  	[sflag:s1] =	ssyncadd.s32 $0xFFFFF600  }
0x4f: {  	_ =	swait.ge [sflag:s1], $0xA00  }
0x50: {  	[sflag:s1] =	ssyncset.done $0x0  }
0x51: {  	[sflag:s1] =	ssyncadd.s32 $0xFFFFF600  }
0x52: {  	_ =	swait.ge [sflag:s1], $0xA00  }
0x53: {  	[sflag:s1] =	ssyncset.done $0x0  }
0x54: {  	[sflag:s1] =	ssyncadd.s32 $0xFFFFF600  }
0x55: {  	_ =	swait.ge [sflag:s1], $0xA00  }
0x56: {  	[sflag:s1] =	ssyncset.done $0x0  }
0x57: {  	[sflag:s1] =	ssyncadd.s32 $0xFFFFF600  }
0x58: {  	_ =	swait.ge [sflag:s1], $0xA00  }
0x59: {  	[sflag:s1] =	ssyncset.done $0x0  }
0x5a: {  	[sflag:s1] =	ssyncadd.s32 $0xFFFFF600  }
0x5b: {  	_ =	swait.ge [sflag:s1], $0xA00  }
0x5c: {  	[sflag:s1] =	ssyncset.done $0x0  }
0x5d: {  	[sflag:s1] =	ssyncadd.s32 $0xFFFFF600  }
0x5e: {  	_ =	swait.ge [sflag:s1], $0xA00  }
0x5f: {  	[sflag:s1] =	ssyncset.done $0x0  }
0x60: {  	[sflag:s1] =	ssyncadd.s32 $0xFFFFF600  }
0x61: {  	_ =	swait.ge [sflag:s1], $0xA00  }
0x62: {  	[sflag:s1] =	ssyncset.done $0x0  }
0x63: {  	[sflag:s1] =	ssyncadd.s32 $0xFFFFF600  }
0x64: {  	_ =	swait.ge [sflag:s1], $0xA00  }
0x65: {  	[sflag:s1] =	ssyncset.done $0x0  }
0x66: {  	[sflag:s1] =	ssyncadd.s32 $0xFFFFF600  }
0x67: {  	_ =	swait.ge [sflag:s1], $0xA00  }
0x68: {  	[sflag:s1] =	ssyncset.done $0x0  }
0x69: {  	[sflag:s1] =	ssyncadd.s32 $0xFFFFF600  }
0x6a: {  	_ =	swait.ge [sflag:s1], $0xA00  }
0x6b: {  	[sflag:s1] =	ssyncset.done $0x0  }
0x6c: {  	[sflag:s1] =	ssyncadd.s32 $0xFFFFF600  }
0x6d: {  	_ =	swait.ge [sflag:s1], $0xA00  }
0x6e: {  	[sflag:s1] =	ssyncset.done $0x0  }
0x6f: {  	[sflag:s1] =	ssyncadd.s32 $0xFFFFF600  }
0x70: {  	_ =	swait.ge [sflag:s1], $0xA00  }
0x71: {  	[sflag:s1] =	ssyncset.done $0x0;
	s7 =	rddreg [dreg:$0xf]  }
0x72: {  	s4 =	simm.s32 $0x50;
	[sflag:s1] =	ssyncadd.s32 $0xFFFFF600;
	s5 =	sadd.s32 $0x1400, s7  }
.LBB2_2:
0x73: {  	[hbm4b:s7+s2] =	stream.linear.scatter [tilespmem:s10], [sflag:$0x2], $0xA000, $0x38;
	[tilespmem:$0xA280] =	vst v63  }
0x74: {  	_ =	swait.ge [sflag:s8], $0xA000  }
0x75: {  	s6 =	smov.u32 s4;
	s0 =	rddreg [dreg:$0x2];
	[sflag:s8] =	ssyncset.done $0x0  }
0x76: {  	[sflag:s8] =	ssyncadd.s32 $0xFFFF6000;
	s0 =	sadd.s32 s6, s0  }
0x77: {  	[tilespmem:s2], [sflag:$0x2] =	stream.linear.gather [hbm4b:s0+s2], $0x280, $0x38;
	[tilespmem:$0xA280] =	vst v63  }
0x78: {  	_ =	swait.ge [sflag:s8], $0x280  }
0x79: {  	s0 =	rddreg [dreg:$0xb]  }
0x7a: {  	s6 =	rddreg [dreg:$0x9]  }
0x7b: {  	[sflag:s8] =	ssyncset.done $0x0;
	s11 =	rddreg [dreg:$0x4]  }
0x7c: {  	s12 =	rddreg [dreg:$0x3];
	[sflag:s8] =	ssyncadd.s32 $0xFFFFFD80  }
0x7d: {  	[tilespmem:s10], [sflag:$0x1] =	stream.indirect.gather [hbm4b:s3+s9], $0x40, s2, s9, $0xb8;
	[tilespmem:$0xA280] =	vst v63  }
0x7e: {  	s13 =	rddreg [dreg:$0x5]  }
0x7f: {  	[tilespmem:s12], [sflag:$0x1] =	stream.indirect.gather [hbm4b:s3+s9], $0x40, s9, s9, $0xb8;
	[tilespmem:$0xA280] =	vst v63  }
0x80: {  	s14 =	rddreg [dreg:$0x7]  }
0x81: {  	[tilespmem:s13], [sflag:$0x1] =	stream.indirect.gather [hbm4b:s3+s9], $0x40, s11, s9, $0xb8;
	[tilespmem:$0xA280] =	vst v63  }
0x82: {  	s12 =	rddreg [dreg:$0x6]  }
0x83: {  	[tilespmem:s14], [sflag:$0x1] =	stream.indirect.gather [hbm4b:s3+s9], $0x40, s12, s9, $0xb8;
	[tilespmem:$0xA280] =	vst v63  }
0x84: {  	s11 =	rddreg [dreg:$0x8]  }
0x85: {  	[tilespmem:s6], [sflag:$0x1] =	stream.indirect.gather [hbm4b:s3+s9], $0x40, s11, s9, $0xb8;
	[tilespmem:$0xA280] =	vst v63  }
0x86: {  	s12 =	rddreg [dreg:$0xa]  }
0x87: {  	[tilespmem:s0], [sflag:$0x1] =	stream.indirect.gather [hbm4b:s3+s9], $0x40, s12, s9, $0xb8;
	[tilespmem:$0xA280] =	vst v63  }
0x88: {  	s11 =	simm.s32 $0xF0;
	s12 =	simm.s32 $0x3E80  }
0x89: {  	[tilespmem:s12], [sflag:$0x1] =	stream.indirect.gather [hbm4b:s3+s9], $0x40, s11, s9, $0xb8;
	[tilespmem:$0xA280] =	vst v63  }
0x8a: {  	s13 =	simm.s32 $0x118;
	s14 =	simm.s32 $0x4880  }
0x8b: {  	[tilespmem:s14], [sflag:$0x1] =	stream.indirect.gather [hbm4b:s3+s9], $0x40, s13, s9, $0xb8;
	[tilespmem:$0xA280] =	vst v63  }
0x8c: {  	_ = 	snop  }
0x8d: {  	[tilespmem:s16], [sflag:$0x1] =	stream.indirect.gather [hbm4b:s3+s9], $0x40, s15, s9, $0xb8;
	[tilespmem:$0xA280] =	vst v63  }
0x8e: {  	_ = 	snop  }
0x8f: {  	[tilespmem:s18], [sflag:$0x1] =	stream.indirect.gather [hbm4b:s3+s9], $0x40, s17, s9, $0xb8;
	[tilespmem:$0xA280] =	vst v63  }
0x90: {  	_ = 	snop  }
0x91: {  	[tilespmem:s20], [sflag:$0x1] =	stream.indirect.gather [hbm4b:s3+s9], $0x40, s19, s9, $0xb8;
	[tilespmem:$0xA280] =	vst v63  }
0x92: {  	_ = 	snop  }
0x93: {  	[tilespmem:s22], [sflag:$0x1] =	stream.indirect.gather [hbm4b:s3+s9], $0x40, s21, s9, $0xb8;
	[tilespmem:$0xA280] =	vst v63  }
0x94: {  	_ = 	snop  }
0x95: {  	[tilespmem:s24], [sflag:$0x1] =	stream.indirect.gather [hbm4b:s3+s9], $0x40, s23, s9, $0xb8;
	[tilespmem:$0xA280] =	vst v63  }
0x96: {  	_ = 	snop  }
0x97: {  	[tilespmem:s26], [sflag:$0x1] =	stream.indirect.gather [hbm4b:s3+s9], $0x40, s25, s9, $0xb8;
	[tilespmem:$0xA280] =	vst v63  }
0x98: {  	_ = 	snop  }
0x99: {  	[tilespmem:s29], [sflag:$0x1] =	stream.indirect.gather [hbm4b:s3+s9], $0x40, s28, s9, $0xb8;
	[tilespmem:$0xA280] =	vst v63  }
0x9a: {  	_ = 	snop  }
0x9b: {  	[tilespmem:s31], [sflag:$0x1] =	stream.indirect.gather [hbm4b:s3+s9], $0x40, s30, s9, $0xb8;
	[tilespmem:$0xA280] =	vst v63  }
0x9c: {  	_ =	swait.ge [sflag:s1], $0xA00  }
0x9d: {  	[sflag:s1] =	ssyncset.done $0x0  }
0x9e: {  	[sflag:s1] =	ssyncadd.s32 $0xFFFFF600  }
0x9f: {  	_ =	swait.ge [sflag:s1], $0xA00  }
0xa0: {  	[sflag:s1] =	ssyncset.done $0x0  }
0xa1: {  	[sflag:s1] =	ssyncadd.s32 $0xFFFFF600  }
0xa2: {  	_ =	swait.ge [sflag:s1], $0xA00  }
0xa3: {  	[sflag:s1] =	ssyncset.done $0x0  }
0xa4: {  	[sflag:s1] =	ssyncadd.s32 $0xFFFFF600  }
0xa5: {  	_ =	swait.ge [sflag:s1], $0xA00  }
0xa6: {  	[sflag:s1] =	ssyncset.done $0x0  }
0xa7: {  	[sflag:s1] =	ssyncadd.s32 $0xFFFFF600  }
0xa8: {  	_ =	swait.ge [sflag:s1], $0xA00  }
0xa9: {  	[sflag:s1] =	ssyncset.done $0x0  }
0xaa: {  	[sflag:s1] =	ssyncadd.s32 $0xFFFFF600  }
0xab: {  	_ =	swait.ge [sflag:s1], $0xA00  }
0xac: {  	[sflag:s1] =	ssyncset.done $0x0  }
0xad: {  	[sflag:s1] =	ssyncadd.s32 $0xFFFFF600  }
0xae: {  	_ =	swait.ge [sflag:s1], $0xA00  }
0xaf: {  	[sflag:s1] =	ssyncset.done $0x0  }
0xb0: {  	[sflag:s1] =	ssyncadd.s32 $0xFFFFF600  }
0xb1: {  	_ =	swait.ge [sflag:s1], $0xA00  }
0xb2: {  	[sflag:s1] =	ssyncset.done $0x0  }
0xb3: {  	[sflag:s1] =	ssyncadd.s32 $0xFFFFF600  }
0xb4: {  	_ =	swait.ge [sflag:s1], $0xA00  }
0xb5: {  	[sflag:s1] =	ssyncset.done $0x0  }
0xb6: {  	[sflag:s1] =	ssyncadd.s32 $0xFFFFF600  }
0xb7: {  	_ =	swait.ge [sflag:s1], $0xA00  }
0xb8: {  	[sflag:s1] =	ssyncset.done $0x0  }
0xb9: {  	[sflag:s1] =	ssyncadd.s32 $0xFFFFF600  }
0xba: {  	_ =	swait.ge [sflag:s1], $0xA00  }
0xbb: {  	[sflag:s1] =	ssyncset.done $0x0  }
0xbc: {  	[sflag:s1] =	ssyncadd.s32 $0xFFFFF600  }
0xbd: {  	_ =	swait.ge [sflag:s1], $0xA00  }
0xbe: {  	[sflag:s1] =	ssyncset.done $0x0  }
0xbf: {  	[sflag:s1] =	ssyncadd.s32 $0xFFFFF600  }
0xc0: {  	_ =	swait.ge [sflag:s1], $0xA00  }
0xc1: {  	[sflag:s1] =	ssyncset.done $0x0  }
0xc2: {  	[sflag:s1] =	ssyncadd.s32 $0xFFFFF600  }
0xc3: {  	_ =	swait.ge [sflag:s1], $0xA00  }
0xc4: {  	[sflag:s1] =	ssyncset.done $0x0  }
0xc5: {  	[sflag:s1] =	ssyncadd.s32 $0xFFFFF600  }
0xc6: {  	p0 =	sne.s32 s4, $0xBE0;
	_ =	swait.ge [sflag:s1], $0xA00  }
.Ltmp0:
0xc7: {  	[sflag:s1] =	ssyncset.done $0x0;
	(pc) =	sbr.rel @p0 .LBB2_2-.Ltmp0, $4  }
0xc8: {  	[sflag:s1] =	ssyncadd.s32 $0xFFFFF600  }
0xc9: {  	_ =	swait.ge [sflag:s1], $0xA00  }
0xca: {  	s7 =	smov.u32 s5;
	[sflag:s1] =	ssyncset.done $0x0  }
0xcb: {  	s4 =	sadd.s32 $0x50, s4;
	s5 =	sadd.s32 $0x1400, s5;
	[sflag:s1] =	ssyncadd.s32 $0xFFFFF600  }
0xcc: {  	[hbm4b:s7+s2] =	stream.linear.scatter [tilespmem:s10], [sflag:$0x2], $0xA000, $0x38;
	[tilespmem:$0xA280] =	vst v63  }
0xcd: {  	_ =	swait.ge [sflag:s8], $0xA000  }
0xce: {  	[sflag:s8] =	ssyncset.done $0x0  }
0xcf: {  	s0 =	rddreg [dreg:$0xc];
	[sflag:s8] =	ssyncadd.s32 $0xFFFF6000  }
0xd0: {  	[tilespmem:s2], [sflag:$0x2] =	stream.linear.gather [hbm4b:s0+s2], $0x28, $0x38;
	[tilespmem:$0xA280] =	vst v63  }
0xd1: {  	_ =	swait.ge [sflag:s8], $0x28  }
0xd2: {  	[sflag:s8] =	ssyncset.done $0x0  }
0xd3: {  	[sflag:s8] =	ssyncadd.s32 $0xFFFFFFD8  }
0xd4: {  	[tilespmem:s10], [sflag:$0x1] =	stream.indirect.gather [hbm4b:s3+s9], $0x40, s2, s9, $0xb8;
	[tilespmem:$0xA280] =	vst v63  }
0xd5: {  	_ =	swait.ge [sflag:s1], $0xA00  }
0xd6: {  	[sflag:s1] =	ssyncset.done $0x0  }
0xd7: {  	s6 =	rddreg [dreg:$0xd];
	[sflag:s1] =	ssyncadd.s32 $0xFFFFF600  }
0xd8: {  	[hbm4b:s6+s2] =	stream.linear.scatter [tilespmem:s10], [sflag:$0x2], $0xA00, $0x38;
	[tilespmem:$0xA280] =	vst v63  }
0xd9: {  	_ =	swait.ge [sflag:s8], $0xA00  }
0xda: {  	s4 =	rddreg [dreg:$0x10]  }
0xdb: {  	s7 =	rddreg [dreg:$0xe];
	s4 =	sadd.s32 $0x1, s4  }
0xdc: {  	p0 =	sne.s32 s4, s7  }
.Ltmp1:
0xdd: {  	_ = 	snop;
	(pc) =	sbr.rel @p0 .LBB2_1-.Ltmp1, $3  }
0xde: {  	_ =	sdelay $0x1  }
0xdf: {  	[sflag:s8] =	ssyncset.done $0x0  }
0xe0: {  	[sflag:s8] =	ssyncadd.s32 $0xFFFFF600  }
0xe1: {  	_ =	sfence.sel $0x180000  }
0xe2: {  	[bflag:$0x0] =	sbarrier.arrive $0xFFFF  }
0xe3: {  	_ =	strace $0x90000050  }
0xe4: {  	s0 =	stileid.u32;
	[bflag:$0x2] =	sbarrier.arrive $0xFFFF  }
0xe5: {  	p0 =	sne.s32 s0, $0x0;
	s0 =	rddreg [dreg:$0x1]  }
0xe6: {  	s0 =	sadd.s32 @!p0 $0x100000, s0  }
0xe7: {  	[sflag:s0] =	ssyncadd.tile.s32 @!p0 $0x1;
	_ =	shalt  }
.Lfunc_end2:
_tile_overlayer_lowered:
.L_overlay_start_2:
0xe8: {  	(tag) =	ssettag $0x2  }
0xe9: {  	s0 =	rddreg [dreg:$0x0];
	s2 =	stileid.u32  }
0xea: {  	s1 =	rddreg [dreg:$0x1];
	p0 =	sne.s32 s2, $0x0  }
0xeb: {  	s3 =	rddreg [dreg:$0x2];
	[bflag:$0x3] =	sbarrier.arrive $0xFFFF;
	s2 =	simm.s32 @!p0 $0x1C02  }
0xec: {  	[timem:s3], [sflag:s2] =	dma.local @!p0 [hbm:s0], s1  }
0xed: {  	s0 =	simm.s32 @!p0 $0x2  }
0xee: {  	_ =	swait.ge @!p0 [sflag:s0], s1  }
0xef: {  	s1 =	ssub.s32 @!p0 $0x0, s1;
	[sflag:s0] =	ssyncset.done @!p0 $0x0  }
0xf0: {  	[sflag:s0] =	ssyncadd.s32 @!p0 s1  }
0xf1: {  	[bflag:$0x3] =	sbarrier.arrive $0xFFFF  }
0xf2: {  	_ =	shalt  }

// kernel: kernel.24.cloned.1.call-start
scs
__scs_entry_jumppad:
0x0: {  	(pc) =	sbr.rel $0x88, $3  }
0x1: {  	(tag) =	ssettag $0x0;
	lr =	simm.s32 $0x1  }
0x2: {  	[smem:$0x3F8E] =	sst lr;
	_ =	strace $0xD0000000  }
0x3: {  	_ = 	snop  }
0x4: {  	_ = 	snop  }
0x5: {  	_ = 	snop  }
0x6: {  	_ = 	snop  }
0x7: {  	_ = 	snop  }
__scs_overlays_trampoline_lowered:
0x8: {  	[smem:$0x3F9D] =	sst s0  }
0x9: {  	[smem:$0x3F9E] =	sst s1  }
0xa: {  	[smem:$0x3F9F] =	sst s2  }
0xb: {  	[smem:$0x3FA0] =	sst s3  }
0xc: {  	[smem:$0x3FA1] =	sst s4  }
0xd: {  	[smem:$0x3FA2] =	sst s5  }
0xe: {  	[smem:$0x3FA3] =	sst s6  }
0xf: {  	[smem:$0x3FA4] =	sst s7  }
0x10: {  	[smem:$0x3FA5] =	sst s8  }
0x11: {  	[smem:$0x3FA6] =	sst s9;
	s0 =	simm.s32 @!p0 $0x0  }
0x12: {  	s1 =	sld [smem:$0x3F8C];
	s0 =	simm.s32 @p0 $0x1  }
0x13: {  	[smem:$0x3FA7] =	sst s0;
	s0 =	simm.s32 @!p1 $0x0  }
0x14: {  	s2 =	sld [smem:$0x3F8B];
	s0 =	simm.s32 @p1 $0x1  }
0x15: {  	[smem:$0x3FA8] =	sst s0;
	s0 =	simm.s32 @!p2 $0x0  }
0x16: {  	s3 =	sld [smem:$0x3FDB];
	s0 =	simm.s32 @p2 $0x1  }
0x17: {  	s4 =	simm.s32 $0x1BF5;
	[smem:$0x3FAA] =	sst s0  }
0x18: {  	s0 =	sld [smem:$0x3F8D];
	_ =	swait.ge [sflag:s4], $0x0  }
0x19: {  	s7 =	sld [smem:$0x3F8E]  }
0x1a: {  	s8 =	sadd.s32 $0xFFFFE003, lr  }
0x1b: {  	s9 =	sadd.s32 $0xFFFFFEF7, lr;
	s5 =	simm.s32 $0xFFFFFFFF;
	p2 =	slt.u32 s8, $0xFFFFF086  }
0x1c: {  	p1 =	slt.u32 s9, $0xF7A;
	s5 =	simm.s32 @!p2 $0x0  }
0x1d: {  	s5 =	simm.s32 @p1 $0x1;
	p0 =	seq.s32 s7, s2  }
0x1e: {  	s7 =	smul.u32 @!p0 $0xF7A, s2;
	p2 =	seq.s32 @!p0 s5, $0x0  }
0x1f: {  	s9 =	smul.u32 $0xF7A, s1;
	s8 =	simm.s32 @!p0 $0x1BF5;
	p2 =	por !p2, p0  }
0x20: {  	[sflag:s8] =	ssyncset.s32 @!p0 $0xFFFFF086;
	s6 =	sadd.s32 @!p0 s3, s7;
	s7 =	simm.s32 @!p0 $0x108  }
0x21: {  	s3 =	sadd.s32 s3, s9;
	s6 =	sadd.s32 @!p0 $0x88, s6;
	s7 =	simm.s32 @p2 $0x1082  }
0x22: {  	[simem:s7], [sflag:s8] =	dma.local @!p0 [hbm:s6], $0xF7A  }
0x23: {  	s9 =	sor.u32 $0xD0000000, s2;
	s6 =	simm.s32 $0x108;
	_ =	swait.ge @!p0 [sflag:s8], $0x0  }
0x24: {  	s3 =	sadd.s32 $0x88, s3;
	s6 =	simm.s32 @!p1 $0x1082;
	[sflag:s4] =	ssyncset.s32 $0xFFFFF086  }
0x25: {  	[simem:s6], [sflag:s4] =	dma.local [hbm:s3], $0xF7A  }
0x26: {  	[smem:$0x3F8E] =	sst s1;
	(tag) =	ssettag s2;
	_ =	strace s9  }
0x27: {  	s1 =	sld [smem:$0x3F9E]  }
0x28: {  	s2 =	sld [smem:$0x3F9F]  }
0x29: {  	s4 =	sld [smem:$0x3FA1]  }
0x2a: {  	p0 =	seq.s32 s5, $0x0;
	s5 =	sld [smem:$0x3FA2]  }
0x2b: {  	s6 =	sld [smem:$0x3FA3]  }
0x2c: {  	s7 =	sld [smem:$0x3FA4]  }
0x2d: {  	s3 =	simm.s32 $0x108;
	s8 =	sld [smem:$0x3FA5]  }
0x2e: {  	s3 =	simm.s32 @!p0 $0x1082;
	s9 =	sld [smem:$0x3FA6]  }
0x2f: {  	lr =	sadd.s32 s0, s3;
	s0 =	sld [smem:$0x3F9D]  }
0x30: {  	s3 =	sld [smem:$0x3FA0]  }
0x31: {  	[smem:$0x3FA9] =	sst s10  }
0x32: {  	s10 =	sld [smem:$0x3FA7];
	_ =	sdelay $0x3  }
0x33: {  	p0 =	seq.s32 s10, $0x1;
	s10 =	sld [smem:$0x3FA9];
	_ =	sdelay $0x3  }
0x34: {  	[smem:$0x3FA9] =	sst s10  }
0x35: {  	s10 =	sld [smem:$0x3FA8];
	_ =	sdelay $0x3  }
0x36: {  	p1 =	seq.s32 s10, $0x1;
	s10 =	sld [smem:$0x3FA9];
	_ =	sdelay $0x3  }
0x37: {  	[smem:$0x3FA9] =	sst s10  }
0x38: {  	s10 =	sld [smem:$0x3FAA]  }
0x39: {  	_ = 	snop;
	(pc) =	sbr.ind lr, $3  }
0x3a: {  	_ = 	snop  }
0x3b: {  	_ = 	snop  }
0x3c: {  	p2 =	seq.s32 s10, $0x1;
	s10 =	sld [smem:$0x3FA9]  }
0x3d: {  	_ =	shalt  }
0x3e: {  	_ =	shalt  }
0x3f: {  	_ =	shalt  }
0x40: {  	_ =	shalt  }
0x41: {  	_ =	shalt  }
0x42: {  	_ =	shalt  }
0x43: {  	_ =	shalt  }
0x44: {  	_ =	shalt  }
0x45: {  	_ =	shalt  }
0x46: {  	_ =	shalt  }
0x47: {  	_ =	shalt  }
0x48: {  	_ =	shalt  }
0x49: {  	_ =	shalt  }
0x4a: {  	_ =	shalt  }
0x4b: {  	_ =	shalt  }
0x4c: {  	_ =	shalt  }
0x4d: {  	_ =	shalt  }
0x4e: {  	_ =	shalt  }
0x4f: {  	_ =	shalt  }
0x50: {  	_ =	shalt  }
0x51: {  	_ =	shalt  }
0x52: {  	_ =	shalt  }
0x53: {  	_ =	shalt  }
0x54: {  	_ =	shalt  }
0x55: {  	_ =	shalt  }
0x56: {  	_ =	shalt  }
0x57: {  	_ =	shalt  }
0x58: {  	_ =	shalt  }
0x59: {  	_ =	shalt  }
0x5a: {  	_ =	shalt  }
0x5b: {  	_ =	shalt  }
0x5c: {  	_ =	shalt  }
0x5d: {  	_ =	shalt  }
0x5e: {  	_ =	shalt  }
0x5f: {  	_ =	shalt  }
0x60: {  	_ =	shalt  }
0x61: {  	_ =	shalt  }
0x62: {  	_ =	shalt  }
0x63: {  	_ =	shalt  }
0x64: {  	_ =	shalt  }
0x65: {  	_ =	shalt  }
0x66: {  	_ =	shalt  }
0x67: {  	_ =	shalt  }
0x68: {  	_ =	shalt  }
0x69: {  	_ =	shalt  }
0x6a: {  	_ =	shalt  }
0x6b: {  	_ =	shalt  }
0x6c: {  	_ =	shalt  }
0x6d: {  	_ =	shalt  }
0x6e: {  	_ =	shalt  }
0x6f: {  	_ =	shalt  }
0x70: {  	_ =	shalt  }
0x71: {  	_ =	shalt  }
0x72: {  	_ =	shalt  }
0x73: {  	_ =	shalt  }
0x74: {  	_ =	shalt  }
0x75: {  	_ =	shalt  }
0x76: {  	_ =	shalt  }
0x77: {  	_ =	shalt  }
0x78: {  	_ =	shalt  }
0x79: {  	_ =	shalt  }
0x7a: {  	_ =	shalt  }
0x7b: {  	_ =	shalt  }
0x7c: {  	_ =	shalt  }
0x7d: {  	_ =	shalt  }
0x7e: {  	_ =	shalt  }
0x7f: {  	_ =	shalt  }
0x80: {  	_ =	shalt  }
0x81: {  	_ =	shalt  }
0x82: {  	_ =	shalt  }
0x83: {  	_ =	shalt  }
0x84: {  	_ =	shalt  }
0x85: {  	_ =	shalt  }
0x86: {  	_ =	shalt  }
0x87: {  	_ =	shalt  }
.Lfunc_end0:
.L_simem_size_0:
called_computation.4_lowered:
.L_overlay_start_0:
0x88: {  	s2 =	sld [smem:$0x3FD9]  }
0x89: {  	s3 =	sld [smem:$0x3FFE];
	_ =	sdelay $0x1  }
0x8a: {  	s1 =	srdreg.scid  }
0x8b: {  	s0 =	sand.u32 $0x1, s1  }
0x8c: {  	s17 =	sshll.u32 s0, $0xA;
	s2 =	sadd.s32 s3, s2  }
0x8d: {  	s2 =	sadd.s32 s2, s17  }
0x8e: {  	[smem:$0x3FB5] =	sst s2  }
0x8f: {  	_ = 	snop  }
0x90: {  	s2 =	sld [smem:$0x3FD0];
	(tm) =	ssettm $0x1  }
0x91: {  	s18 =	sld [smem:$0x3FFB];
	_ =	sdelay $0x3  }
0x92: {  	_ =	strace s18  }
0x93: {  	s3 =	sld [smem:$0x3FFC];
	_ =	sdelay $0x3  }
0x94: {  	_ =	strace s3  }
0x95: {  	s3 =	sld [smem:$0x3FFD];
	_ =	sdelay $0x3  }
0x96: {  	_ =	strace s3  }
0x97: {  	_ =	strace $0x8FFFFFFF  }
0x98: {  	s19 =	sld [smem:$0x3FDB];
	_ =	sdelay $0x1  }
0x99: {  	s4 =	simm.s32 $_scs_section_size  }
0x9a: {  	s5 =	simm.s32 $_size__tile_overlayer_lowered;
	s6 =	simm.s32 $_tile_overlayer_lowered  }
0x9b: {  	s22 =	simm.s32 $0x1BFF;
	s21 =	sshll.u32 s6, $0x1;
	s3 =	sadd.s32 s4, s19  }
0x9c: {  	s7 =	simm.s32 $0x0;
	s20 =	sshll.u32 s5, $0x1;
	s5 =	sadd.s32 s21, s3  }
0x9d: {  	[timem:s7], [sflag:s22] =	dma.local [hbm:s5], s20  }
0x9e: {  	_ =	swait.ge [sflag:s22], s20  }
0x9f: {  	s4 =	ssub.s32 $0x0, s20;
	[sflag:s22] =	ssyncset.done $0x0  }
0xa0: {  	[sflag:s22] =	ssyncadd.s32 s4;
	_ =	sdelay $0x1  }
0xa1: {  	s23 =	simm.s32 $0x1B8B  }
0xa2: {  	_ =	swait.ge [sflag:s23], $0x1  }
0xa3: {  	[sflag:s23] =	ssyncset.done $0x0  }
0xa4: {  	s25 =	simm.s32 $0x1B8E;
	s24 =	sld [smem:$0x3FFE];
	[sflag:s23] =	ssyncadd.s32 $0xFFFFFFFF  }
0xa5: {  	s26 =	simm.s32 $execute0_lowered;
	[smem:$0x3FD2] =	sst s25  }
0xa6: {  	s5 =	sshll.u32 s26, $0x1;
	_ =	strace $0x80000052;
	[dreg:$0x1] =	wrdreg $0xFFFFFFFF  }
0xa7: {  	s28 =	simm.s32 $_size_execute0_lowered;
	s3 =	sadd.s32 s3, s5;
	[dreg:$0x0] =	wrdreg $0x0  }
0xa8: {  	s5 =	sshll.u32 s28, $0x1;
	[dreg:$0x2] =	wrdreg s3  }
0xa9: {  	[dreg:$0x3] =	wrdreg s5  }
0xaa: {  	[dreg:$0x4] =	wrdreg $0xC0  }
0xab: {  	_ =	task [dreg:s7], $0x5FFFF  }
0xac: {  	[dreg:$0x1] =	wrdreg $0xFFFFFFFF  }
0xad: {  	[dreg:$0x0] =	wrdreg $0x60  }
0xae: {  	[dreg:$0x2] =	wrdreg s24  }
0xaf: {  	[dreg:$0x3] =	wrdreg s2  }
0xb0: {  	[dreg:$0x4] =	wrdreg $0x0  }
0xb1: {  	[dreg:$0x5] =	wrdreg $0x9  }
0xb2: {  	_ =	task.clear_ibuf [dreg:s7], $0x6FFFF;
	_ =	strace $0x90000052  }
0xb3: {  	s29 =	simm.s32 $0x9;
	_ =	strace $0x80000054  }
0xb4: {  	_ =	swait.ge [sflag:s29], $0x1  }
0xb5: {  	[sflag:s29] =	ssyncadd.s32 $0xFFFFFFFF  }
0xb6: {  	_ =	strace $0x90000054  }
0xb7: {  	_ =	sfence  }
0xb8: {  	s30 =	sld [smem:$0x0];
	_ =	sdelay $0x2  }
0xb9: {  	s31 =	sshll.u32 s1, $0xD;
	s1 =	sshrl.u32 s1, $0x2  }
0xba: {  	s3 =	sand.u32 $0x4000, s31;
	s1 =	sadd.s32 s1, s30  }
0xbb: {  	s0 =	sor.u32 s3, s0;
	s1 =	sshll.u32 s1, $0x11  }
0xbc: {  	s0 =	sor.u32 s1, s0  }
0xbd: {  	s0 =	sadd.s32 $0x8F2B, s0  }
0xbe: {  	[sflag:s0] =	ssyncadd.remote.s32 $0x1  }
0xbf: {  	_ =	sfence.sel $0xFFFF  }
0xc0: {  	[dreg:$0x0] =	wrdreg $0xFFFFFFFF;
	(pc) =	sbr.abs _section_cstart, $3  }
0xc1: {  	[dreg:$0x1] =	wrdreg $0xFFFFFFFF  }
0xc2: {  	_ =	task.clear_ibuf [dreg:s7], $0x2FFFF;
	_ =	strace $0x9FFFFFFF  }
0xc3: {  	(tm) =	ssettm $0x7FFFFFFF  }
tec
execute0_lowered:
.L_overlay_start_1:
0x0: {  	(tag) =	ssettag $0x1  }
0x1: {  	s0 =	rddreg [dreg:$0x0]  }
0x2: {  	s2 =	rddreg [dreg:$0x2];
	s4 =	simm.s32 $0x0  }
0x3: {  	s1 =	srdreg.scid;
	s20 =	stileid.u32;
	s28 =	simm.s32 $0x1  }
0x4: {  	s29 =	simm.s32 $0x70;
	s30 =	simm.s32 $0x1B7E0;
	s5 =	smul.u32 $0x61C, s20  }
0x5: {  	s31 =	simm.s32 $0x1B850;
	[smem:$0x7FF] =	sst s4;
	s8 =	smul.u32 $0x6DF80, s20  }
0x6: {  	s3 =	sadd.s32 $0x419A00, s0;
	s1 =	sand.u32 $0x1, s1;
	s10 =	smul.u32 $0xC350, s20  }
0x7: {  	s21 =	sadd.s32 $0x155200, s0;
	s0 =	sadd.s32 $0xC9000, s0;
	s26 =	smul.u32 $0x6DDD0, s20  }
0x8: {  	_ =	strace $0x80000053;
	s6 =	smul.u32 $0x61C0, s1;
	s7 =	ssub.s32 $0x2, s1  }
0x9: {  	s1 =	smul.u32 $0x61A8, s1;
	s9 =	sshrl.u32 s7, $0x1;
	s23 =	sadd.s32 $0xC320, s10  }
0xa: {  	s19 =	sshrl.u32 s8, $0x2;
	s11 =	sadd.s32 s5, s6;
	s10 =	smul.u32 $0x9, s23  }
0xb: {  	s7 =	ssub.s32 s7, s9;
	s9 =	sshrl.u32 s23, $0x3;
	s23 =	smul.u32 $0x186A, s20  }
0xc: {  	s5 =	sadd.s32 s19, s2;
	v0 =	vmov s1;
	s1 =	simm.s32 $0x0;
	s22 =	smul.u32 $0x48, s11  }
0xd: {  	s6 =	sadd.s32 $0x17A00, s5;
	s11 =	smul.u32 $0x9, s11;
	s24 =	sadd.s32 s21, s9  }
0xe: {  	s13 =	sadd.s32 $0x7E00, s5;
	s14 =	sadd.s32 $0xBD00, s5;
	s15 =	sadd.s32 $0xFC00, s5  }
0xf: {  	s16 =	sadd.s32 $0x13B00, s5;
	[dreg:$0x4] =	wrdreg s24;
	s25 =	sadd.s32 s3, s10  }
0x10: {  	s23 =	sadd.s32 s23, s21;
	s24 =	simm.s32 $0x1B9A0;
	s8 =	sshrl.u32 s22, $0x3  }
0x11: {  	[dreg:$0x5] =	wrdreg s25;
	s10 =	sadd.s32 s0, s11;
	s11 =	smax.u32 s7, $0x1  }
0x12: {  	s7 =	sadd.s32 s26, s3;
	s25 =	simm.s32 $0x2;
	s26 =	simm.s32 $0x1B8C0  }
0x13: {  	s12 =	sadd.s32 s0, s8;
	s17 =	sadd.s32 $0x7E0, s10;
	s18 =	sadd.s32 $0xFC0, s10  }
0x14: {  	s19 =	sadd.s32 $0x17A0, s10;
	s20 =	sadd.s32 $0x1F80, s10;
	s22 =	sadd.s32 $0x2760, s10  }
0x15: {  	s0 =	simm.s32 $0x1D920;
	s9 =	sadd.s32 $0x2F40, s12;
	s12 =	sadd.s32 $0x3F00, s5  }
.LBB2_1:
0x16: {  	s3 =	rddreg [dreg:$0x1]  }
0x17: {  	[tilespmem:s24], [sflag:$0x2] =	stream.linear.gather [hbm4b:s3+s4], $0x3F00, $0x38;
	[tilespmem:$0x1F8D0] =	vst v63  }
0x18: {  	_ =	swait.ge [sflag:s25], $0x3F00  }
0x19: {  	[sflag:s25] =	ssyncset.done $0x0  }
0x1a: {  	[sflag:s25] =	ssyncadd.s32 $0xFFFFC100  }
0x1b: {  	[spmem:s5] =	stream.linear.scatter [tilespmem:s24], [sflag:$0x2], $0x3F00, $0x38;
	[tilespmem:$0x1F8D0] =	vst v63  }
0x1c: {  	_ =	swait.ge [sflag:s25], $0x3F00  }
0x1d: {  	[sflag:s25] =	ssyncset.done $0x0  }
0x1e: {  	[sflag:s25] =	ssyncadd.s32 $0xFFFFC100  }
0x1f: {  	[spmem:s12] =	stream.linear.scatter [tilespmem:s24], [sflag:$0x2], $0x3F00, $0x38;
	[tilespmem:$0x1F8D0] =	vst v63  }
0x20: {  	_ =	swait.ge [sflag:s25], $0x3F00  }
0x21: {  	[sflag:s25] =	ssyncset.done $0x0  }
0x22: {  	[sflag:s25] =	ssyncadd.s32 $0xFFFFC100  }
0x23: {  	[spmem:s13] =	stream.linear.scatter [tilespmem:s24], [sflag:$0x2], $0x3F00, $0x38;
	[tilespmem:$0x1F8D0] =	vst v63  }
0x24: {  	_ =	swait.ge [sflag:s25], $0x3F00  }
0x25: {  	[sflag:s25] =	ssyncset.done $0x0  }
0x26: {  	[sflag:s25] =	ssyncadd.s32 $0xFFFFC100  }
0x27: {  	[spmem:s14] =	stream.linear.scatter [tilespmem:s24], [sflag:$0x2], $0x3F00, $0x38;
	[tilespmem:$0x1F8D0] =	vst v63  }
0x28: {  	_ =	swait.ge [sflag:s25], $0x3F00  }
0x29: {  	[sflag:s25] =	ssyncset.done $0x0  }
0x2a: {  	[sflag:s25] =	ssyncadd.s32 $0xFFFFC100  }
0x2b: {  	[spmem:s15] =	stream.linear.scatter [tilespmem:s24], [sflag:$0x2], $0x3F00, $0x38;
	[tilespmem:$0x1F8D0] =	vst v63  }
0x2c: {  	_ =	swait.ge [sflag:s25], $0x3F00  }
0x2d: {  	[sflag:s25] =	ssyncset.done $0x0  }
0x2e: {  	[sflag:s25] =	ssyncadd.s32 $0xFFFFC100  }
0x2f: {  	[spmem:s16] =	stream.linear.scatter [tilespmem:s24], [sflag:$0x2], $0x3F00, $0x38;
	[tilespmem:$0x1F8D0] =	vst v63  }
0x30: {  	_ =	swait.ge [sflag:s25], $0x3F00  }
0x31: {  	[sflag:s25] =	ssyncset.done $0x0  }
0x32: {  	[sflag:s25] =	ssyncadd.s32 $0xFFFFC100  }
0x33: {  	[spmem:s6] =	stream.linear.scatter [tilespmem:s24], [sflag:$0x2], $0x3DE0, $0x38;
	[tilespmem:$0x1F8D0] =	vst v63  }
0x34: {  	_ =	swait.ge [sflag:s25], $0x3DE0  }
0x35: {  	[sflag:s25] =	ssyncset.done $0x0  }
0x36: {  	[sflag:s25] =	ssyncadd.s32 $0xFFFFC220  }
0x37: {  	s21 =	sadd.s32 $0x0, s23;
	[bflag:$0x0] =	sbarrier.arrive $0xFFFF  }
0x38: {  	[tilespmem:s26], [sflag:$0x2] =	stream.linear.gather [hbm4b:s21+s4], $0xE0, $0x38;
	[tilespmem:$0x1F8D0] =	vst v63  }
0x39: {  	_ =	swait.ge [sflag:s25], $0xE0  }
0x3a: {  	[sflag:s25] =	ssyncset.done $0x0  }
0x3b: {  	[sflag:s25] =	ssyncadd.s32 $0xFFFFFF20  }
0x3c: {  	[tilespmem:s24], [sflag:$0x1] =	stream.linear.gather [hbm4b:s7+s4], $0x3F00, $0x38;
	[tilespmem:$0x1F8D0] =	vst v63  }
0x3d: {  	v1 =	vld [tilespmem:$0x1B990]  }
0x3e: {  	v2 =	vld [tilespmem:$0x1B970]  }
0x3f: {  	v3 =	vld [tilespmem:$0x1B930]  }
0x40: {  	v4 =	vld [tilespmem:$0x1B960]  }
0x41: {  	v5 =	vld [tilespmem:$0x1B950]  }
0x42: {  	v6 =	vld [tilespmem:$0x1B940]  }
0x43: {  	v7 =	vld [tilespmem:$0x1B920];
	v1 =	vsub.s32 v1, v0  }
0x44: {  	v2 =	vsub.s32 v2, v0;
	v1 =	vmin.u32 v1, $0x61A8  }
0x45: {  	v3 =	vsub.s32 v3, v0;
	v2 =	vmin.u32 v2, $0x61A8;
	[tilespmem:$0x1B8B0] =	vst v1;
	v1 =	vld [tilespmem:$0x1B900]  }
0x46: {  	v8 =	vld [tilespmem:$0x1B910];
	v4 =	vsub.s32 v4, v0;
	v3 =	vmin.u32 v3, $0x61A8;
	[tilespmem:$0x1B890] =	vst v2  }
0x47: {  	v6 =	vsub.s32 v6, v0;
	v4 =	vmin.u32 v4, $0x61A8;
	v2 =	vld [tilespmem:$0x1B8F0];
	[tilespmem:$0x1B850] =	vst v3  }
0x48: {  	v7 =	vsub.s32 v7, v0;
	v6 =	vmin.u32 v6, $0x61A8;
	v3 =	vsub.s32 v5, v0;
	v5 =	vld [tilespmem:$0x1B8E0];
	[tilespmem:$0x1B880] =	vst v4  }
0x49: {  	v7 =	vmin.u32 v7, $0x61A8;
	v4 =	vld [tilespmem:$0x1B8D0];
	[tilespmem:$0x1B860] =	vst v6  }
0x4a: {  	v63 =	vld [tilespmem:$0x1B980];
	[tilespmem:$0x1B840] =	vst v7;
	v3 =	vmin.u32 v3, $0x61A8;
	v1 =	vsub.s32 v1, v0  }
0x4b: {  	[tilespmem:$0x1B870] =	vst v3;
	v3 =	vsub.s32 v8, v0;
	v1 =	vmin.u32 v1, $0x61A8  }
0x4c: {  	v3 =	vmin.u32 v3, $0x61A8;
	v2 =	vsub.s32 v2, v0;
	[tilespmem:$0x1B820] =	vst v1;
	v1 =	vld [tilespmem:$0x1B8C0]  }
0x4d: {  	[tilespmem:$0x1B830] =	vst v3;
	v3 =	vsub.s32 v5, v0;
	v2 =	vmin.u32 v2, $0x61A8  }
0x4e: {  	v4 =	vsub.s32 v4, v0;
	v5 =	vmin.u32 v3, $0x61A8;
	[tilespmem:$0x1B810] =	vst v2  }
0x4f: {  	s3 =	simm.s32 $0x1C;
	s21 =	smov.u32 s7;
	v3 =	vmin.u32 v4, $0x61A8;
	[tilespmem:$0x1B800] =	vst v5;
	v2 =	vsub.s32 v63, v0  }
.LBB2_2:
0x50: {  	p0 =	sne.s32 s3, $0x1848  }
0x51: {  	v1 =	vsub.s32 v1, v0;
	[tilespmem:$0x1B7F0] =	vst v3;
	s21 =	sadd.s32 $0x7E0, s21;
	s8 =	smov.u32 s3;
	s3 =	sadd.s32 $0x1C, s3  }
0x52: {  	v2 =	vmin.u32 v2, $0x61A8;
	v1 =	vmin.u32 v1, $0x61A8  }
0x53: {  	[tilespmem:$0x1B7E0] =	vst v1  }
0x54: {  	[tilespmem:$0x1B8A0] =	vst v2  }
0x55: {  	_ =	swait.ge [sflag:s28], $0x3F00  }
0x56: {  	[sflag:s28] =	ssyncset.done $0x0  }
0x57: {  	[sflag:s28] =	ssyncadd.s32 $0xFFFFC100  }
0x58: {  	[spmem:s2] =	stream.indirect.scatter.add.f32 [tilespmem:s24], [sflag:$0x2], $0x48, s30, s29, $0xb8;
	[tilespmem:$0x1F8D0] =	vst v63  }
0x59: {  	_ =	swait.ge [sflag:s25], $0x1F80  }
0x5a: {  	[sflag:s25] =	ssyncset.done $0x0  }
0x5b: {  	[sflag:s25] =	ssyncadd.s32 $0xFFFFE080  }
0x5c: {  	[spmem:s2] =	stream.indirect.scatter.add.f32 [tilespmem:s0], [sflag:$0x2], $0x48, s31, s29, $0xb8;
	[tilespmem:$0x1F8D0] =	vst v63  }
0x5d: {  	_ =	swait.ge [sflag:s25], $0x1F80  }
0x5e: {  	[sflag:s25] =	ssyncset.done $0x0  }
0x5f: {  	s8 =	sadd.s32 s8, s23;
	[sflag:s25] =	ssyncadd.s32 $0xFFFFE080  }
0x60: {  	[tilespmem:s26], [sflag:$0x2] =	stream.linear.gather [hbm4b:s8+s4], $0xE0, $0x38;
	[tilespmem:$0x1F8D0] =	vst v63  }
0x61: {  	_ =	swait.ge [sflag:s25], $0xE0  }
0x62: {  	[sflag:s25] =	ssyncset.done $0x0  }
0x63: {  	[sflag:s25] =	ssyncadd.s32 $0xFFFFFF20  }
0x64: {  	[tilespmem:s24], [sflag:$0x1] =	stream.linear.gather [hbm4b:s21+s4], $0x3F00, $0x38;
	[tilespmem:$0x1F8D0] =	vst v63  }
0x65: {  	v1 =	vld [tilespmem:$0x1B990]  }
0x66: {  	v2 =	vld [tilespmem:$0x1B970]  }
0x67: {  	v3 =	vld [tilespmem:$0x1B930]  }
0x68: {  	v4 =	vld [tilespmem:$0x1B960]  }
0x69: {  	v5 =	vld [tilespmem:$0x1B950]  }
0x6a: {  	v6 =	vld [tilespmem:$0x1B940];
	v1 =	vsub.s32 v1, v0  }
0x6b: {  	v7 =	vld [tilespmem:$0x1B920];
	v2 =	vsub.s32 v2, v0;
	v1 =	vmin.u32 v1, $0x61A8  }
0x6c: {  	v8 =	vld [tilespmem:$0x1B910];
	v3 =	vsub.s32 v3, v0;
	v2 =	vmin.u32 v2, $0x61A8;
	[tilespmem:$0x1B8B0] =	vst v1  }
0x6d: {  	v9 =	vld [tilespmem:$0x1B900];
	v1 =	vmin.u32 v3, $0x61A8;
	v3 =	vsub.s32 v4, v0;
	[tilespmem:$0x1B890] =	vst v2  }
0x6e: {  	v2 =	vld [tilespmem:$0x1B8F0];
	[tilespmem:$0x1B850] =	vst v1;
	v1 =	vsub.s32 v5, v0;
	v3 =	vmin.u32 v3, $0x61A8  }
0x6f: {  	v4 =	vld [tilespmem:$0x1B8E0];
	v5 =	vsub.s32 v6, v0;
	v1 =	vmin.u32 v1, $0x61A8;
	[tilespmem:$0x1B880] =	vst v3  }
0x70: {  	v3 =	vld [tilespmem:$0x1B8D0];
	v6 =	vsub.s32 v7, v0;
	v5 =	vmin.u32 v5, $0x61A8;
	[tilespmem:$0x1B870] =	vst v1  }
0x71: {  	v7 =	vsub.s32 v8, v0;
	v6 =	vmin.u32 v6, $0x61A8;
	[tilespmem:$0x1B860] =	vst v5;
	v5 =	vld [tilespmem:$0x1B980]  }
.Ltmp0:
0x72: {  	v1 =	vld [tilespmem:$0x1B8C0];
	v8 =	vsub.s32 v9, v0;
	v7 =	vmin.u32 v7, $0x61A8;
	[tilespmem:$0x1B840] =	vst v6;
	(pc) =	sbr.rel @p0 .LBB2_2-.Ltmp0, $4  }
0x73: {  	v2 =	vsub.s32 v2, v0;
	v6 =	vmin.u32 v8, $0x61A8;
	[tilespmem:$0x1B830] =	vst v7  }
0x74: {  	v4 =	vsub.s32 v4, v0;
	v2 =	vmin.u32 v2, $0x61A8;
	[tilespmem:$0x1B820] =	vst v6  }
0x75: {  	v3 =	vsub.s32 v3, v0;
	v4 =	vmin.u32 v4, $0x61A8;
	[tilespmem:$0x1B810] =	vst v2  }
0x76: {  	v3 =	vmin.u32 v3, $0x61A8;
	[tilespmem:$0x1B800] =	vst v4;
	v2 =	vsub.s32 v5, v0  }
0x77: {  	v1 =	vsub.s32 v1, v0;
	[tilespmem:$0x1B7F0] =	vst v3;
	v2 =	vmin.u32 v2, $0x61A8  }
0x78: {  	v1 =	vmin.u32 v1, $0x61A8;
	[tilespmem:$0x1B8A0] =	vst v2  }
0x79: {  	[tilespmem:$0x1B7E0] =	vst v1  }
0x7a: {  	_ =	swait.ge [sflag:s28], $0x3F00  }
0x7b: {  	[sflag:s28] =	ssyncset.done $0x0  }
0x7c: {  	[sflag:s28] =	ssyncadd.s32 $0xFFFFC100  }
0x7d: {  	[spmem:s2] =	stream.indirect.scatter.add.f32 [tilespmem:s24], [sflag:$0x2], $0x48, s30, s29, $0xb8;
	[tilespmem:$0x1F8D0] =	vst v63  }
0x7e: {  	_ =	swait.ge [sflag:s25], $0x1F80  }
0x7f: {  	[sflag:s25] =	ssyncset.done $0x0  }
0x80: {  	[sflag:s25] =	ssyncadd.s32 $0xFFFFE080  }
0x81: {  	[spmem:s2] =	stream.indirect.scatter.add.f32 [tilespmem:s0], [sflag:$0x2], $0x48, s31, s29, $0xb8;
	[tilespmem:$0x1F8D0] =	vst v63  }
0x82: {  	_ =	swait.ge [sflag:s25], $0x1F80  }
0x83: {  	[sflag:s25] =	ssyncset.done $0x0  }
0x84: {  	s3 =	rddreg [dreg:$0x4];
	[sflag:s25] =	ssyncadd.s32 $0xFFFFE080  }
0x85: {  	[tilespmem:s26], [sflag:$0x2] =	stream.linear.gather [hbm4b:s3+s4], $0x30, $0x38;
	[tilespmem:$0x1F8D0] =	vst v63  }
0x86: {  	_ =	swait.ge [sflag:s25], $0x30  }
0x87: {  	[sflag:s25] =	ssyncset.done $0x0  }
0x88: {  	[sflag:s25] =	ssyncadd.s32 $0xFFFFFFD0  }
0x89: {  	v1 =	vld [tilespmem:$0x1B8C0]  }
0x8a: {  	v2 =	vld [tilespmem:$0x1B8D0]  }
0x8b: {  	v3 =	vld [tilespmem:$0x1B8E0];
	_ =	sdelay $0x2  }
0x8c: {  	v1 =	vsub.s32 v1, v0  }
0x8d: {  	v2 =	vsub.s32 v2, v0;
	v1 =	vmin.u32 v1, $0x61A8  }
0x8e: {  	[tilespmem:$0x1F8A0] =	vst v1;
	v1 =	vmin.u32 v2, $0x61A8;
	v2 =	vsub.s32 v3, v0  }
0x8f: {  	[tilespmem:$0x1F8B0] =	vst v1;
	v1 =	vmin.u32 v2, $0x61A8  }
0x90: {  	s8 =	rddreg [dreg:$0x5];
	[tilespmem:$0x1F8C0] =	vst v1  }
0x91: {  	[tilespmem:s24], [sflag:$0x2] =	stream.linear.gather [hbm4b:s8+s4], $0xD80, $0x38;
	[tilespmem:$0x1F8D0] =	vst v63  }
0x92: {  	_ =	swait.ge [sflag:s25], $0xD80  }
0x93: {  	[sflag:s25] =	ssyncset.done $0x0  }
0x94: {  	s21 =	simm.s32 $0x30;
	s8 =	simm.s32 $0x1F8A0;
	[sflag:s25] =	ssyncadd.s32 $0xFFFFF280  }
0x95: {  	[spmem:s2] =	stream.indirect.scatter.add.f32 [tilespmem:s24], [sflag:$0x2], $0x48, s8, s21, $0xb8;
	[tilespmem:$0x1F8D0] =	vst v63  }
0x96: {  	_ =	swait.ge [sflag:s25], $0xD80  }
0x97: {  	s8 =	stileid.u32;
	[sflag:s25] =	ssyncset.done $0x0  }
0x98: {  	s3 =	sshll.u32 s8, $0x6;
	[sflag:s25] =	ssyncadd.s32 $0xFFFFF280  }
0x99: {  	s21 =	sshrl.u32 s5, $0x3;
	s3 =	sor.u32 $0x1C02, s3;
	[bflag:$0x0] =	sbarrier.arrive $0xFFFF  }
0x9a: {  	[hbm:s10], [sflag:s3] =	dma.local [spmem:s21], $0x7E0  }
0x9b: {  	_ =	swait.ge [sflag:s25], $0x7E0  }
0x9c: {  	[sflag:s25] =	ssyncset.done $0x0  }
0x9d: {  	s21 =	sshrl.u32 s12, $0x3;
	[sflag:s25] =	ssyncadd.s32 $0xFFFFF820  }
0x9e: {  	[hbm:s17], [sflag:s3] =	dma.local [spmem:s21], $0x7E0  }
0x9f: {  	_ =	swait.ge [sflag:s25], $0x7E0  }
0xa0: {  	[sflag:s25] =	ssyncset.done $0x0  }
0xa1: {  	s21 =	sshrl.u32 s13, $0x3;
	[sflag:s25] =	ssyncadd.s32 $0xFFFFF820  }
0xa2: {  	[hbm:s18], [sflag:s3] =	dma.local [spmem:s21], $0x7E0  }
0xa3: {  	_ =	swait.ge [sflag:s25], $0x7E0  }
0xa4: {  	[sflag:s25] =	ssyncset.done $0x0  }
0xa5: {  	s21 =	sshrl.u32 s14, $0x3;
	[sflag:s25] =	ssyncadd.s32 $0xFFFFF820  }
0xa6: {  	[hbm:s19], [sflag:s3] =	dma.local [spmem:s21], $0x7E0  }
0xa7: {  	_ =	swait.ge [sflag:s25], $0x7E0  }
0xa8: {  	[sflag:s25] =	ssyncset.done $0x0  }
0xa9: {  	s21 =	sshrl.u32 s15, $0x3;
	[sflag:s25] =	ssyncadd.s32 $0xFFFFF820  }
0xaa: {  	[hbm:s20], [sflag:s3] =	dma.local [spmem:s21], $0x7E0  }
0xab: {  	_ =	swait.ge [sflag:s25], $0x7E0  }
0xac: {  	[sflag:s25] =	ssyncset.done $0x0  }
0xad: {  	s21 =	sshrl.u32 s16, $0x3;
	[sflag:s25] =	ssyncadd.s32 $0xFFFFF820  }
0xae: {  	[hbm:s22], [sflag:s3] =	dma.local [spmem:s21], $0x7E0  }
0xaf: {  	s1 =	sadd.s32 $0x1, s1;
	_ =	swait.ge [sflag:s25], $0x7E0  }
0xb0: {  	p0 =	sne.s32 s1, s11;
	[sflag:s25] =	ssyncset.done $0x0  }
.Ltmp1:
0xb1: {  	s21 =	sshrl.u32 s6, $0x3;
	[sflag:s25] =	ssyncadd.s32 $0xFFFFF820;
	(pc) =	sbr.rel @p0 .LBB2_1-.Ltmp1, $4  }
0xb2: {  	[hbm:s9], [sflag:s3] =	dma.local [spmem:s21], $0x7BC  }
0xb3: {  	_ =	swait.ge [sflag:s25], $0x7BC  }
0xb4: {  	[sflag:s25] =	ssyncset.done $0x0  }
0xb5: {  	[sflag:s25] =	ssyncadd.s32 $0xFFFFF844  }
0xb6: {  	_ =	sfence.sel $0x180000  }
0xb7: {  	[bflag:$0x0] =	sbarrier.arrive $0xFFFF  }
0xb8: {  	_ =	strace $0x90000053  }
0xb9: {  	s0 =	stileid.u32;
	[bflag:$0x2] =	sbarrier.arrive $0xFFFF  }
0xba: {  	p0 =	sne.s32 s0, $0x0;
	s0 =	rddreg [dreg:$0x3]  }
0xbb: {  	s0 =	sadd.s32 @!p0 $0x100000, s0  }
0xbc: {  	[sflag:s0] =	ssyncadd.tile.s32 @!p0 $0x1;
	_ =	shalt  }
.Lfunc_end2:
_tile_overlayer_lowered:
.L_overlay_start_2:
0xbd: {  	(tag) =	ssettag $0x2  }
0xbe: {  	s0 =	rddreg [dreg:$0x0];
	s2 =	stileid.u32  }
0xbf: {  	s1 =	rddreg [dreg:$0x1];
	p0 =	sne.s32 s2, $0x0  }
0xc0: {  	s3 =	rddreg [dreg:$0x2];
	[bflag:$0x3] =	sbarrier.arrive $0xFFFF;
	s2 =	simm.s32 @!p0 $0x1C02  }
0xc1: {  	[timem:s3], [sflag:s2] =	dma.local @!p0 [hbm:s0], s1  }
0xc2: {  	s0 =	simm.s32 @!p0 $0x2  }
0xc3: {  	_ =	swait.ge @!p0 [sflag:s0], s1  }
0xc4: {  	s1 =	ssub.s32 @!p0 $0x0, s1;
	[sflag:s0] =	ssyncset.done @!p0 $0x0  }
0xc5: {  	[sflag:s0] =	ssyncadd.s32 @!p0 s1  }
0xc6: {  	[bflag:$0x3] =	sbarrier.arrive $0xFFFF  }
0xc7: {  	_ =	shalt  }

</sc_bundles>
